<compile_context>
chip_gen: v7x
topology: tpu7x:2x2x1
jax: 0.10.2.dev20260603
libtpu: 0.0.44.dev20260713+nightly
codegen_flags: <defaults>
</compile_context>

<pallas_src>
import functools

import jax
import jax.numpy as jnp
from jax import lax
from jax.experimental import pallas as pl
from jax.experimental.pallas import tpu as pltpu
from jax.experimental.pallas import tpu_sc as plsc

_T = 2048
_D = 1024
_DH = 512
_DS = 2048
_E = 8
_NULL_COPIES = 8
_RHO = 0.5

_BLK = 256
_NB = 24
_DR = _NB * _BLK
_DR_TOT = _DR + _BLK
_TRASH = _DR
_NW = 32
_TPW = _T // _NW
_CH = 32


def _silu(v):
    return v * jax.nn.sigmoid(v)


def _gating_body(x_ref, gw_ref, bias_ref, null_ref, rs1_ref, rs2_ref,
                 rc1_ref, rc2_ref, wc1_ref, wc2_ref, be_ref, nb_ref, aux_ref):
    x = x_ref[...]
    logits = jnp.dot(x, gw_ref[...], preferred_element_type=jnp.float32)
    logits = logits + bias_ref[...]
    n = null_ref[0, 0]
    T, E = logits.shape

    iota = lax.broadcasted_iota(jnp.int32, (T, E), 1)
    v1 = jnp.max(logits, axis=1, keepdims=True)
    e1 = jnp.min(jnp.where(logits == v1, iota, E), axis=1, keepdims=True)
    l2 = jnp.where(iota == e1, -jnp.inf, logits)
    v2 = jnp.max(l2, axis=1, keepdims=True)
    e2 = jnp.min(jnp.where(l2 == v2, iota, E), axis=1, keepdims=True)

    t1_real = v1 >= n
    t2_real = jnp.logical_and(t1_real, v2 >= n)

    w1_both = 1.0 / (1.0 + jnp.exp(v2 - v1))
    w1 = jnp.where(t1_real, jnp.where(t2_real, w1_both, 1.0), 0.0)
    w2 = jnp.where(t2_real, 1.0 - w1_both, 0.0)
    wc1_ref[...] = jnp.broadcast_to(w1, (T, 128))
    wc2_ref[...] = jnp.broadcast_to(w2, (T, 128))

    f32 = jnp.float32
    bf = jnp.bfloat16
    oh1 = jnp.where(jnp.logical_and(iota == e1, t1_real), 1.0, 0.0)
    oh2 = jnp.where(jnp.logical_and(iota == e2, t2_real), 1.0, 0.0)
    hcnt = oh1 + oh2

    r_io = lax.broadcasted_iota(jnp.int32, (T, T), 0)
    c_io = lax.broadcasted_iota(jnp.int32, (T, T), 1)
    lst = jnp.where(r_io > c_io, 1.0, 0.0).astype(bf)
    cpre = jnp.dot(lst, hcnt.astype(bf), preferred_element_type=f32)

    tot = jnp.sum(hcnt, axis=0, keepdims=True)
    padded = jnp.floor((tot + (_BLK - 1)) * (1.0 / _BLK)) * _BLK
    er = lax.broadcasted_iota(jnp.int32, (E, E), 0)
    ec = lax.broadcasted_iota(jnp.int32, (E, E), 1)
    su = jnp.where(er < ec, 1.0, 0.0).astype(bf)
    base = jnp.dot(padded.astype(bf), su, preferred_element_type=f32)

    pos1 = jnp.sum(oh1 * (cpre + base), axis=1, keepdims=True)
    pos2 = jnp.sum(oh2 * (cpre + base), axis=1, keepdims=True)
    p1i = pos1.astype(jnp.int32)
    p2i = pos2.astype(jnp.int32)
    rs1_ref[...] = jnp.where(t1_real, p1i, _TRASH)
    rs2_ref[...] = jnp.where(t2_real, p2i, _TRASH)
    rc1_ref[...] = jnp.where(t1_real, p1i, _DR)
    rc2_ref[...] = jnp.where(t2_real, p2i, _DR)

    ends = base + padded
    jv = (lax.broadcasted_iota(jnp.int32, (_NB + 1, E), 0) * _BLK).astype(f32)
    beq = jnp.sum(jnp.where(jnp.broadcast_to(ends, (_NB + 1, E)) <= jv, 1, 0),
                  axis=1, keepdims=True)
    ev = lax.broadcasted_iota(jnp.int32, (1, E), 1)
    last_e = jnp.max(jnp.where(padded > 0, ev, 0))
    be_ref[...] = jnp.minimum(beq, last_e).reshape(1, _NB + 1)
    nb_ref[0, 0] = (jnp.sum(padded) * (1.0 / _BLK)).astype(jnp.int32)

    p = jnp.exp(logits - v1)
    probs_real = p / jnp.sum(p, axis=1, keepdims=True)
    P_real = jnp.sum(probs_real, axis=0) / T

    counts = jnp.sum(hcnt, axis=0)
    total_real = jnp.maximum(jnp.sum(counts), 1e-6)
    f_real = counts / total_real
    L_bal = E * jnp.sum(f_real * P_real)

    null_slots = jnp.sum(jnp.where(t1_real, 0.0, 1.0) + jnp.where(t2_real, 0.0, 1.0))
    null_rate = null_slots / (T * 2)
    L_null = (null_rate - _RHO) ** 2

    m = jnp.maximum(v1, n)
    s_all = (jnp.sum(jnp.exp(logits - m), axis=1, keepdims=True)
             + _NULL_COPIES * jnp.exp(n - m))
    lse = m + jnp.log(s_all)
    L_z = jnp.sum(lse * lse) / T

    aux_ref[0, 0] = 0.02 * L_bal + 0.001 * L_z + 0.01 * L_null


def _gating(x2d, gate_w, logit_bias, null_logit):
    i32 = jnp.int32
    f32 = jnp.float32
    return pl.pallas_call(
        _gating_body,
        out_shape=(
            jax.ShapeDtypeStruct((_T, 1), i32),
            jax.ShapeDtypeStruct((_T, 1), i32),
            jax.ShapeDtypeStruct((_T, 1), i32),
            jax.ShapeDtypeStruct((_T, 1), i32),
            jax.ShapeDtypeStruct((_T, 128), f32),
            jax.ShapeDtypeStruct((_T, 128), f32),
            jax.ShapeDtypeStruct((1, _NB + 1), i32),
            jax.ShapeDtypeStruct((1, 1), i32),
            jax.ShapeDtypeStruct((1, 1), f32),
        ),
        in_specs=[pl.BlockSpec(memory_space=pltpu.VMEM)] * 4,
        out_specs=(
            pl.BlockSpec(memory_space=pltpu.VMEM),
            pl.BlockSpec(memory_space=pltpu.VMEM),
            pl.BlockSpec(memory_space=pltpu.VMEM),
            pl.BlockSpec(memory_space=pltpu.VMEM),
            pl.BlockSpec(memory_space=pltpu.VMEM),
            pl.BlockSpec(memory_space=pltpu.VMEM),
            pl.BlockSpec(memory_space=pltpu.VMEM),
            pl.BlockSpec(memory_space=pltpu.SMEM),
            pl.BlockSpec(memory_space=pltpu.SMEM),
        ),
    )(x2d, gate_w, logit_bias.reshape(1, _E), null_logit.reshape(1, 1))


def _shared_body(x_ref, gw_ref, uw_ref, dw_ref, out_ref):
    x = x_ref[...].astype(jnp.bfloat16)
    g = jnp.dot(x, gw_ref[...].astype(jnp.bfloat16), preferred_element_type=jnp.float32)
    u = jnp.dot(x, uw_ref[...].astype(jnp.bfloat16), preferred_element_type=jnp.float32)
    h = (_silu(g) * u).astype(jnp.bfloat16)
    out_ref[...] = jnp.dot(h, dw_ref[...].astype(jnp.bfloat16),
                           preferred_element_type=jnp.float32)


def _shared_ffn(x2d, gw, uw, dw, tb=512):
    grid = (_T // tb,)
    return pl.pallas_call(
        _shared_body,
        grid=grid,
        out_shape=jax.ShapeDtypeStruct((_T, _D), jnp.float32),
        in_specs=[
            pl.BlockSpec((tb, _D), lambda t: (t, 0)),
            pl.BlockSpec((_D, _DS), lambda t: (0, 0)),
            pl.BlockSpec((_D, _DS), lambda t: (0, 0)),
            pl.BlockSpec((_DS, _D), lambda t: (0, 0)),
        ],
        out_specs=pl.BlockSpec((tb, _D), lambda t: (t, 0)),
    )(x2d, gw, uw, dw)


def _sc_wid():
    return lax.axis_index("s") * 2 + lax.axis_index("c")


def _scatter_body(x_hbm, w1_hbm, w2_hbm, rs1_hbm, rs2_hbm, xd_hbm, wd_hbm,
                  rows_v, wr1_v, wr2_v, idx1_v, idx2_v, sem):
    wid = _sc_wid()
    base = wid * _TPW
    pltpu.sync_copy(rs1_hbm.at[wid], idx1_v)
    pltpu.sync_copy(rs2_hbm.at[wid], idx2_v)
    for ch in range(_TPW // _CH):
        sl = pl.ds(base + ch * _CH, _CH)
        pltpu.sync_copy(x_hbm.at[sl, :], rows_v)
        pltpu.sync_copy(w1_hbm.at[sl, :], wr1_v)
        pltpu.sync_copy(w2_hbm.at[sl, :], wr2_v)
        cp1 = pltpu.async_copy(rows_v, xd_hbm.at[idx1_v.at[ch]], sem)
        cp2 = pltpu.async_copy(rows_v, xd_hbm.at[idx2_v.at[ch]], sem)
        cp3 = pltpu.async_copy(wr1_v, wd_hbm.at[idx1_v.at[ch]], sem)
        cp4 = pltpu.async_copy(wr2_v, wd_hbm.at[idx2_v.at[ch]], sem)
        cp1.wait()
        cp2.wait()
        cp3.wait()
        cp4.wait()


def _scatter(x2d, w1row, w2row, rs1, rs2):
    mesh = plsc.VectorSubcoreMesh(core_axis_name="c", subcore_axis_name="s")
    return pl.kernel(
        _scatter_body,
        out_type=(
            jax.ShapeDtypeStruct((_DR_TOT, _D), jnp.float32),
            jax.ShapeDtypeStruct((_DR_TOT, 128), jnp.float32),
        ),
        mesh=mesh,
        scratch_types=[
            pltpu.VMEM((_CH, _D), jnp.float32),
            pltpu.VMEM((_CH, 128), jnp.float32),
            pltpu.VMEM((_CH, 128), jnp.float32),
            pltpu.VMEM((_TPW // _CH, _CH), jnp.int32),
            pltpu.VMEM((_TPW // _CH, _CH), jnp.int32),
            pltpu.SemaphoreType.DMA,
        ],
    )(x2d, w1row, w2row, rs1, rs2)


def _experts_body(be_ref, nb_ref, xd_ref, wrow_ref, wg_ref, wu_ref, wd_ref,
                  out_ref):
    b = pl.program_id(0)

    @pl.when(b < nb_ref[0])
    def _():
        xb = xd_ref[...].astype(jnp.bfloat16)
        g = jnp.dot(xb, wg_ref[0].astype(jnp.bfloat16),
                    preferred_element_type=jnp.float32)
        u = jnp.dot(xb, wu_ref[0].astype(jnp.bfloat16),
                    preferred_element_type=jnp.float32)
        w = wrow_ref[:, 0:1]
        h = (_silu(g) * u * w).astype(jnp.bfloat16)
        out_ref[...] = jnp.dot(h, wd_ref[0].astype(jnp.bfloat16),
                               preferred_element_type=jnp.float32)

    @pl.when(b == _NB)
    def _zero_tail():
        out_ref[...] = jnp.zeros((_BLK, _D), jnp.float32)


def _experts(be, nb, xd, wd_rows, W_gate, W_up, W_down):
    grid_spec = pltpu.PrefetchScalarGridSpec(
        num_scalar_prefetch=2,
        grid=(_NB + 1,),
        in_specs=[
            pl.BlockSpec((_BLK, _D), lambda b, be, nb: (b, 0)),
            pl.BlockSpec((_BLK, 128), lambda b, be, nb: (b, 0)),
            pl.BlockSpec((1, _D, _DH), lambda b, be, nb: (be[b], 0, 0)),
            pl.BlockSpec((1, _D, _DH), lambda b, be, nb: (be[b], 0, 0)),
            pl.BlockSpec((1, _DH, _D), lambda b, be, nb: (be[b], 0, 0)),
        ],
        out_specs=pl.BlockSpec((_BLK, _D), lambda b, be, nb: (b, 0)),
    )
    return pl.pallas_call(
        _experts_body,
        grid_spec=grid_spec,
        out_shape=jax.ShapeDtypeStruct((_DR_TOT, _D), jnp.float32),
    )(be, nb, xd, wd_rows, W_gate, W_up, W_down)


def _combine_body(xo_hbm, sh_hbm, rc1_hbm, rc2_hbm, y_hbm,
                  acc_v, g1_v, g2_v, idx1_v, idx2_v, sem):
    wid = _sc_wid()
    base = wid * _TPW
    for ch in range(_TPW // _CH):
        sl = pl.ds(base + ch * _CH, _CH)
        pltpu.sync_copy(sh_hbm.at[sl, :], acc_v)
        pltpu.sync_copy(rc1_hbm.at[wid, ch], idx1_v)
        pltpu.sync_copy(rc2_hbm.at[wid, ch], idx2_v)
        cp1 = pltpu.async_copy(xo_hbm.at[idx1_v], g1_v, sem)
        cp2 = pltpu.async_copy(xo_hbm.at[idx2_v], g2_v, sem)
        cp1.wait()
        cp2.wait()

        def tok_body(i, _):
            for j in range(_D // 16):
                off = j * 16
                a = acc_v[i, pl.ds(off, 16)]
                a = a + g1_v[i, pl.ds(off, 16)] + g2_v[i, pl.ds(off, 16)]
                acc_v[i, pl.ds(off, 16)] = a
            return 0

        lax.fori_loop(0, _CH, tok_body, 0)
        pltpu.sync_copy(acc_v, y_hbm.at[sl, :])


def _combine(xdout, shared_out, rc1, rc2):
    mesh = plsc.VectorSubcoreMesh(core_axis_name="c", subcore_axis_name="s")
    return pl.kernel(
        _combine_body,
        out_type=jax.ShapeDtypeStruct((_T, _D), jnp.float32),
        mesh=mesh,
        scratch_types=[
            pltpu.VMEM((_CH, _D), jnp.float32),
            pltpu.VMEM((_CH, _D), jnp.float32),
            pltpu.VMEM((_CH, _D), jnp.float32),
            pltpu.VMEM((_CH,), jnp.int32),
            pltpu.VMEM((_CH,), jnp.int32),
            pltpu.SemaphoreType.DMA,
        ],
    )(xdout, shared_out, rc1, rc2)


def kernel(x, shared_gate_w, shared_up_w, shared_down_w, gate_w, logit_bias,
           null_logit, W_gate, W_up, W_down):
    Bx, Tx, D = x.shape
    x2d = x.reshape(_T, _D)
    (rs1, rs2, rc1, rc2, w1row, w2row, be2d, nb2d, aux) = _gating(
        x2d, gate_w, logit_bias, null_logit)
    nchunk = _TPW // _CH
    rs1 = rs1.reshape(_NW, nchunk, _CH)
    rs2 = rs2.reshape(_NW, nchunk, _CH)
    rc1 = rc1.reshape(_NW, nchunk, _CH)
    rc2 = rc2.reshape(_NW, nchunk, _CH)
    be = be2d.reshape(_NB + 1)
    nb = nb2d.reshape(1)

    xd, wd_rows = _scatter(x2d, w1row, w2row, rs1, rs2)
    shared_out = _shared_ffn(x2d, shared_gate_w, shared_up_w, shared_down_w)
    xdout = _experts(be, nb, xd, wd_rows, W_gate, W_up, W_down)
    y = _combine(xdout, shared_out, rc1, rc2)
    return y.reshape(Bx, Tx, D), aux[0, 0]

# --- scband reference (transcript-rebuilt; emitter-appended) ---
"""Pipeline reference for scband-mo-effn-25640954757690 (READ-ONLY COPY).

The authoritative reference and input builder live on the scoring server;
editing this copy changes nothing except your own understanding.
"""

import jax, jax.numpy as jnp
import numpy as np
from jax.scipy.special import logsumexp

B, T = 1, 2048
D_MODEL, D_HIDDEN, D_SHARED = 1024, 512, 2048
E, TOP_K = 8, 2
RHO = 0.5
NULL_COPIES = int(E * (1 - RHO) / RHO)

def _silu(v):
    return v * jax.nn.sigmoid(v)

def setup_inputs(seed: int = 0):
    key = jax.random.key(seed)
    ks = jax.random.split(key, 10)
    s = 0.02
    return {
        "x": jax.random.normal(ks[0], (B, T, D_MODEL), dtype=jnp.float32),
        "shared_gate_w": jax.random.normal(ks[1], (D_MODEL, D_SHARED), dtype=jnp.float32) * s,
        "shared_up_w": jax.random.normal(ks[2], (D_MODEL, D_SHARED), dtype=jnp.float32) * s,
        "shared_down_w": jax.random.normal(ks[3], (D_SHARED, D_MODEL), dtype=jnp.float32) * s,
        "gate_w": jax.random.normal(ks[4], (D_MODEL, E), dtype=jnp.float32) * s,
        "logit_bias": jnp.zeros((E,), dtype=jnp.float32),
        "null_logit": jnp.zeros((), dtype=jnp.float32),
        "W_gate": jax.random.normal(ks[5], (E, D_MODEL, D_HIDDEN), dtype=jnp.float32) * s,
        "W_up": jax.random.normal(ks[6], (E, D_MODEL, D_HIDDEN), dtype=jnp.float32) * s,
        "W_down": jax.random.normal(ks[7], (E, D_HIDDEN, D_MODEL), dtype=jnp.float32) * s,
    }

def _forward(x, shared_gate_w, shared_up_w, shared_down_w, gate_w, logit_bias, null_logit, W_gate, W_up, W_down):
    Bx, Tx, D = x.shape
    N = Bx * Tx
    # shared expert (SwiGLU)
    shared_h = _silu(x @ shared_gate_w) * (x @ shared_up_w)
    shared_out = shared_h @ shared_down_w
    # MoE gate with null experts
    real_logits = x @ gate_w + logit_bias
    null_logits = jnp.broadcast_to(null_logit, (Bx, Tx, NULL_COPIES))
    logits = jnp.concatenate([real_logits, null_logits], axis=-1)
    probs = jax.nn.softmax(logits, axis=-1)
    topk_weight, topk_idx = jax.lax.top_k(probs, TOP_K)
    is_null = topk_idx >= E
    real_weights = topk_weight * (~is_null).astype(jnp.float32)
    weight_sum = jnp.maximum(jnp.sum(real_weights, axis=-1, keepdims=True), 1e-6)
    topk_weight = real_weights / weight_sum
    # aux losses
    probs_real = jax.nn.softmax(logits[..., :E], axis=-1)
    P_real = probs_real.mean(axis=(0, 1))
    idx_flat = topk_idx.reshape(-1)
    is_null_flat = idx_flat >= E
    idx_real = jnp.where(is_null_flat, 0, idx_flat)
    counts_real = jnp.bincount(idx_real, length=E).astype(jnp.float32)
    counts_real = counts_real.at[0].add(-is_null_flat.sum().astype(jnp.float32))
    total_real = jnp.maximum(counts_real.sum(), 1e-6)
    f_real = counts_real / total_real
    L_bal = E * jnp.sum(f_real * P_real)
    null_rate = is_null.astype(jnp.float32).mean()
    L_null = (null_rate - RHO) ** 2
    lse = logsumexp(logits, axis=-1)
    L_z = (lse ** 2).mean()
    aux_loss = 0.02 * L_bal + 0.001 * L_z + 0.01 * L_null
    # expert computation: per-expert dense pass with combine weights that are
    # exactly zero for non-selected (and null) slots -> math-identical to
    # gather/scatter token dispatch in the torch batched implementation.
    flat_x = x.reshape(N, D)
    flat_idx = topk_idx.reshape(N, TOP_K)
    flat_w = topk_weight.reshape(N, TOP_K)
    expert_out = jnp.zeros((N, D), dtype=jnp.float32)
    for e in range(E):
        w_e = jnp.sum(flat_w * (flat_idx == e).astype(jnp.float32), axis=-1)
        h = _silu(flat_x @ W_gate[e]) * (flat_x @ W_up[e])
        expert_out = expert_out + w_e[:, None] * (h @ W_down[e])
    y = shared_out + expert_out.reshape(Bx, Tx, D)
    return y, aux_loss

def reference(x, shared_gate_w, shared_up_w, shared_down_w, gate_w, logit_bias, null_logit, W_gate, W_up, W_down):
    return _forward(x, shared_gate_w, shared_up_w, shared_down_w, gate_w, logit_bias, null_logit, W_gate, W_up, W_down)

if __name__ == "__main__":
    import jax
    _d = setup_inputs()
    print(jax.jit(kernel)(*tuple(_d.values())))

</pallas_src>

<mosaic_0001>
#map = affine_map<(d0, d1) -> (0, 0)>
#map1 = affine_map<(d0, d1) -> (0, 0, 0)>
module attributes {stable_mosaic.version = 14 : i64} {
  func.func @_scatter_body(%arg0: i32, %arg1: i32, %arg2: memref<2048x1024xf32, #tpu.memory_space<hbm>>, %arg3: memref<2048x128xf32, #tpu.memory_space<hbm>>, %arg4: memref<2048x128xf32, #tpu.memory_space<hbm>>, %arg5: memref<32x2x32xi32, #tpu.memory_space<hbm>>, %arg6: memref<32x2x32xi32, #tpu.memory_space<hbm>>, %arg7: memref<6400x1024xf32, #tpu.memory_space<hbm>>, %arg8: memref<6400x128xf32, #tpu.memory_space<hbm>>, %arg9: memref<32x1024xf32, #tpu.memory_space<vmem>>, %arg10: memref<32x128xf32, #tpu.memory_space<vmem>>, %arg11: memref<32x128xf32, #tpu.memory_space<vmem>>, %arg12: memref<2x32xi32, #tpu.memory_space<vmem>>, %arg13: memref<2x32xi32, #tpu.memory_space<vmem>>, %arg14: memref<!tpu.dma_semaphore, #tpu.memory_space<semaphore_mem>>) attributes {dimension_semantics = [#tpu.dimension_semantics<core_parallel>, #tpu.dimension_semantics<subcore_parallel>], iteration_bounds = array<i64: 2, 16>, scalar_prefetch = 0 : i64, scratch_operands = 6 : i64, tpu.core_type = #tpu.core_type<sc_vector_subcore>, window_params = [{transform_indices = #map}, {transform_indices = #map}, {transform_indices = #map}, {transform_indices = #map1}, {transform_indices = #map1}, {transform_indices = #map}, {transform_indices = #map}]} {
    %mul3A = arith.constant 2 : i32
    %mul3A_0 = arith.muli %arg1, %mul3A : i32
    %add3A = arith.addi %mul3A_0, %arg0 : i32
    %mul3A_1 = arith.constant 64 : i32
    %mul3A_2 = arith.muli %add3A, %mul3A_1 : i32
    "tpu.region"() ({
      %run_scoped3A = tpu.sem_alloc : memref<!tpu.dma_semaphore, #tpu.memory_space<semaphore_mem>>
      %dma_start3A_117 = arith.constant 0 : i32
      %dma_start3A_118 = arith.constant 0 : i32
      %dma_start3A_119 = tpu.memref_slice %arg5[%add3A, %dma_start3A_117, %dma_start3A_118] : memref<32x2x32xi32, #tpu.memory_space<hbm>> -> memref<1x2x32xi32, #tpu.memory_space<hbm>>
      %dma_start3A_120 = tpu.memref_squeeze %dma_start3A_119 : memref<1x2x32xi32, #tpu.memory_space<hbm>> -> memref<2x32xi32, #tpu.memory_space<hbm>>
      %dma_start3A_121 = arith.constant 0 : i32
      %dma_start3A_122 = arith.constant 0 : i32
      %dma_start3A_123 = tpu.memref_slice %arg5[%add3A, %dma_start3A_121, %dma_start3A_122] : memref<32x2x32xi32, #tpu.memory_space<hbm>> -> memref<1x2x32xi32, #tpu.memory_space<hbm>>
      %dma_start3A_124 = tpu.memref_squeeze %dma_start3A_123 : memref<1x2x32xi32, #tpu.memory_space<hbm>> -> memref<2x32xi32, #tpu.memory_space<hbm>>
      tpu.enqueue_dma source(%dma_start3A_124 : memref<2x32xi32, #tpu.memory_space<hbm>>) target(%arg12 : memref<2x32xi32, #tpu.memory_space<vmem>>) target_semaphore(%run_scoped3A : memref<!tpu.dma_semaphore, #tpu.memory_space<semaphore_mem>>)
      %dma_wait3A_125 = arith.constant 0 : i32
      %dma_wait3A_126 = arith.constant 0 : i32
      %dma_wait3A_127 = tpu.memref_slice %arg5[%add3A, %dma_wait3A_125, %dma_wait3A_126] : memref<32x2x32xi32, #tpu.memory_space<hbm>> -> memref<1x2x32xi32, #tpu.memory_space<hbm>>
      %dma_wait3A_128 = tpu.memref_squeeze %dma_wait3A_127 : memref<1x2x32xi32, #tpu.memory_space<hbm>> -> memref<2x32xi32, #tpu.memory_space<hbm>>
      %dma_wait3A_129 = arith.constant 0 : i32
      %dma_wait3A_130 = arith.constant 0 : i32
      %dma_wait3A_131 = tpu.memref_slice %arg5[%add3A, %dma_wait3A_129, %dma_wait3A_130] : memref<32x2x32xi32, #tpu.memory_space<hbm>> -> memref<1x2x32xi32, #tpu.memory_space<hbm>>
      %dma_wait3A_132 = tpu.memref_squeeze %dma_wait3A_131 : memref<1x2x32xi32, #tpu.memory_space<hbm>> -> memref<2x32xi32, #tpu.memory_space<hbm>>
      tpu.wait_dma2 semaphore(%run_scoped3A : memref<!tpu.dma_semaphore, #tpu.memory_space<semaphore_mem>>) src(%dma_wait3A_132 : memref<2x32xi32, #tpu.memory_space<hbm>>) dst(%arg12 : memref<2x32xi32, #tpu.memory_space<vmem>>)
      tpu.yield
    }) : () -> ()
    "tpu.region"() ({
      %run_scoped3A = tpu.sem_alloc : memref<!tpu.dma_semaphore, #tpu.memory_space<semaphore_mem>>
      %dma_start3A_117 = arith.constant 0 : i32
      %dma_start3A_118 = arith.constant 0 : i32
      %dma_start3A_119 = tpu.memref_slice %arg6[%add3A, %dma_start3A_117, %dma_start3A_118] : memref<32x2x32xi32, #tpu.memory_space<hbm>> -> memref<1x2x32xi32, #tpu.memory_space<hbm>>
      %dma_start3A_120 = tpu.memref_squeeze %dma_start3A_119 : memref<1x2x32xi32, #tpu.memory_space<hbm>> -> memref<2x32xi32, #tpu.memory_space<hbm>>
      %dma_start3A_121 = arith.constant 0 : i32
      %dma_start3A_122 = arith.constant 0 : i32
      %dma_start3A_123 = tpu.memref_slice %arg6[%add3A, %dma_start3A_121, %dma_start3A_122] : memref<32x2x32xi32, #tpu.memory_space<hbm>> -> memref<1x2x32xi32, #tpu.memory_space<hbm>>
      %dma_start3A_124 = tpu.memref_squeeze %dma_start3A_123 : memref<1x2x32xi32, #tpu.memory_space<hbm>> -> memref<2x32xi32, #tpu.memory_space<hbm>>
      tpu.enqueue_dma source(%dma_start3A_124 : memref<2x32xi32, #tpu.memory_space<hbm>>) target(%arg13 : memref<2x32xi32, #tpu.memory_space<vmem>>) target_semaphore(%run_scoped3A : memref<!tpu.dma_semaphore, #tpu.memory_space<semaphore_mem>>)
      %dma_wait3A_125 = arith.constant 0 : i32
      %dma_wait3A_126 = arith.constant 0 : i32
      %dma_wait3A_127 = tpu.memref_slice %arg6[%add3A, %dma_wait3A_125, %dma_wait3A_126] : memref<32x2x32xi32, #tpu.memory_space<hbm>> -> memref<1x2x32xi32, #tpu.memory_space<hbm>>
      %dma_wait3A_128 = tpu.memref_squeeze %dma_wait3A_127 : memref<1x2x32xi32, #tpu.memory_space<hbm>> -> memref<2x32xi32, #tpu.memory_space<hbm>>
      %dma_wait3A_129 = arith.constant 0 : i32
      %dma_wait3A_130 = arith.constant 0 : i32
      %dma_wait3A_131 = tpu.memref_slice %arg6[%add3A, %dma_wait3A_129, %dma_wait3A_130] : memref<32x2x32xi32, #tpu.memory_space<hbm>> -> memref<1x2x32xi32, #tpu.memory_space<hbm>>
      %dma_wait3A_132 = tpu.memref_squeeze %dma_wait3A_131 : memref<1x2x32xi32, #tpu.memory_space<hbm>> -> memref<2x32xi32, #tpu.memory_space<hbm>>
      tpu.wait_dma2 semaphore(%run_scoped3A : memref<!tpu.dma_semaphore, #tpu.memory_space<semaphore_mem>>) src(%dma_wait3A_132 : memref<2x32xi32, #tpu.memory_space<hbm>>) dst(%arg13 : memref<2x32xi32, #tpu.memory_space<vmem>>)
      tpu.yield
    }) : () -> ()
    %add3A_3 = arith.constant 0 : i32
    %add3A_4 = arith.addi %mul3A_2, %add3A_3 : i32
    "tpu.region"() ({
      %run_scoped3A = tpu.sem_alloc : memref<!tpu.dma_semaphore, #tpu.memory_space<semaphore_mem>>
      %dma_start3A_117 = arith.constant 0 : i32
      %dma_start3A_118 = tpu.memref_slice %arg2[%add3A_4, %dma_start3A_117] : memref<2048x1024xf32, #tpu.memory_space<hbm>> -> memref<32x1024xf32, #tpu.memory_space<hbm>>
      %dma_start3A_119 = arith.constant 0 : i32
      %dma_start3A_120 = tpu.memref_slice %arg2[%add3A_4, %dma_start3A_119] : memref<2048x1024xf32, #tpu.memory_space<hbm>> -> memref<32x1024xf32, #tpu.memory_space<hbm>>
      tpu.enqueue_dma source(%dma_start3A_120 : memref<32x1024xf32, #tpu.memory_space<hbm>>) target(%arg9 : memref<32x1024xf32, #tpu.memory_space<vmem>>) target_semaphore(%run_scoped3A : memref<!tpu.dma_semaphore, #tpu.memory_space<semaphore_mem>>)
      %dma_wait3A_121 = arith.constant 0 : i32
      %dma_wait3A_122 = tpu.memref_slice %arg2[%add3A_4, %dma_wait3A_121] : memref<2048x1024xf32, #tpu.memory_space<hbm>> -> memref<32x1024xf32, #tpu.memory_space<hbm>>
      %dma_wait3A_123 = arith.constant 0 : i32
      %dma_wait3A_124 = tpu.memref_slice %arg2[%add3A_4, %dma_wait3A_123] : memref<2048x1024xf32, #tpu.memory_space<hbm>> -> memref<32x1024xf32, #tpu.memory_space<hbm>>
      tpu.wait_dma2 semaphore(%run_scoped3A : memref<!tpu.dma_semaphore, #tpu.memory_space<semaphore_mem>>) src(%dma_wait3A_124 : memref<32x1024xf32, #tpu.memory_space<hbm>>) dst(%arg9 : memref<32x1024xf32, #tpu.memory_space<vmem>>)
      tpu.yield
    }) : () -> ()
    "tpu.region"() ({
      %run_scoped3A = tpu.sem_alloc : memref<!tpu.dma_semaphore, #tpu.memory_space<semaphore_mem>>
      %dma_start3A_117 = arith.constant 0 : i32
      %dma_start3A_118 = tpu.memref_slice %arg3[%add3A_4, %dma_start3A_117] : memref<2048x128xf32, #tpu.memory_space<hbm>> -> memref<32x128xf32, #tpu.memory_space<hbm>>
      %dma_start3A_119 = arith.constant 0 : i32
      %dma_start3A_120 = tpu.memref_slice %arg3[%add3A_4, %dma_start3A_119] : memref<2048x128xf32, #tpu.memory_space<hbm>> -> memref<32x128xf32, #tpu.memory_space<hbm>>
      tpu.enqueue_dma source(%dma_start3A_120 : memref<32x128xf32, #tpu.memory_space<hbm>>) target(%arg10 : memref<32x128xf32, #tpu.memory_space<vmem>>) target_semaphore(%run_scoped3A : memref<!tpu.dma_semaphore, #tpu.memory_space<semaphore_mem>>)
      %dma_wait3A_121 = arith.constant 0 : i32
      %dma_wait3A_122 = tpu.memref_slice %arg3[%add3A_4, %dma_wait3A_121] : memref<2048x128xf32, #tpu.memory_space<hbm>> -> memref<32x128xf32, #tpu.memory_space<hbm>>
      %dma_wait3A_123 = arith.constant 0 : i32
      %dma_wait3A_124 = tpu.memref_slice %arg3[%add3A_4, %dma_wait3A_123] : memref<2048x128xf32, #tpu.memory_space<hbm>> -> memref<32x128xf32, #tpu.memory_space<hbm>>
      tpu.wait_dma2 semaphore(%run_scoped3A : memref<!tpu.dma_semaphore, #tpu.memory_space<semaphore_mem>>) src(%dma_wait3A_124 : memref<32x128xf32, #tpu.memory_space<hbm>>) dst(%arg10 : memref<32x128xf32, #tpu.memory_space<vmem>>)
      tpu.yield
    }) : () -> ()
    "tpu.region"() ({
      %run_scoped3A = tpu.sem_alloc : memref<!tpu.dma_semaphore, #tpu.memory_space<semaphore_mem>>
      %dma_start3A_117 = arith.constant 0 : i32
      %dma_start3A_118 = tpu.memref_slice %arg4[%add3A_4, %dma_start3A_117] : memref<2048x128xf32, #tpu.memory_space<hbm>> -> memref<32x128xf32, #tpu.memory_space<hbm>>
      %dma_start3A_119 = arith.constant 0 : i32
      %dma_start3A_120 = tpu.memref_slice %arg4[%add3A_4, %dma_start3A_119] : memref<2048x128xf32, #tpu.memory_space<hbm>> -> memref<32x128xf32, #tpu.memory_space<hbm>>
      tpu.enqueue_dma source(%dma_start3A_120 : memref<32x128xf32, #tpu.memory_space<hbm>>) target(%arg11 : memref<32x128xf32, #tpu.memory_space<vmem>>) target_semaphore(%run_scoped3A : memref<!tpu.dma_semaphore, #tpu.memory_space<semaphore_mem>>)
      %dma_wait3A_121 = arith.constant 0 : i32
      %dma_wait3A_122 = tpu.memref_slice %arg4[%add3A_4, %dma_wait3A_121] : memref<2048x128xf32, #tpu.memory_space<hbm>> -> memref<32x128xf32, #tpu.memory_space<hbm>>
      %dma_wait3A_123 = arith.constant 0 : i32
      %dma_wait3A_124 = tpu.memref_slice %arg4[%add3A_4, %dma_wait3A_123] : memref<2048x128xf32, #tpu.memory_space<hbm>> -> memref<32x128xf32, #tpu.memory_space<hbm>>
      tpu.wait_dma2 semaphore(%run_scoped3A : memref<!tpu.dma_semaphore, #tpu.memory_space<semaphore_mem>>) src(%dma_wait3A_124 : memref<32x128xf32, #tpu.memory_space<hbm>>) dst(%arg11 : memref<32x128xf32, #tpu.memory_space<vmem>>)
      tpu.yield
    }) : () -> ()
    %dma_start3A = arith.constant 0 : i32
    %dma_start3A_5 = arith.constant 0 : i32
    %dma_start3A_6 = tpu.memref_slice %arg12[%dma_start3A, %dma_start3A_5] : memref<2x32xi32, #tpu.memory_space<vmem>> -> memref<1x32xi32, #tpu.memory_space<vmem>>
    %dma_start3A_7 = tpu.memref_squeeze %dma_start3A_6 : memref<1x32xi32, #tpu.memory_space<vmem>> -> memref<32xi32, #tpu.memory_space<vmem>>
    %dma_start3A_8 = arith.constant 0 : i32
    %dma_start3A_9 = arith.constant 0 : i32
    %dma_start3A_10 = tpu.memref_slice %arg7[%dma_start3A_8, %dma_start3A_9] : memref<6400x1024xf32, #tpu.memory_space<hbm>> -> memref<6400x1024xf32, #tpu.memory_space<hbm>>
    tpu.enqueue_indirect_dma source(%arg9 : memref<32x1024xf32, #tpu.memory_space<vmem>>) target(%dma_start3A_10 : memref<6400x1024xf32, #tpu.memory_space<hbm>>) offsets(%dma_start3A_7 : memref<32xi32, #tpu.memory_space<vmem>>) semaphore(%arg14 : memref<!tpu.dma_semaphore, #tpu.memory_space<semaphore_mem>>)
    %dma_start3A_11 = arith.constant 0 : i32
    %dma_start3A_12 = arith.constant 0 : i32
    %dma_start3A_13 = tpu.memref_slice %arg13[%dma_start3A_11, %dma_start3A_12] : memref<2x32xi32, #tpu.memory_space<vmem>> -> memref<1x32xi32, #tpu.memory_space<vmem>>
    %dma_start3A_14 = tpu.memref_squeeze %dma_start3A_13 : memref<1x32xi32, #tpu.memory_space<vmem>> -> memref<32xi32, #tpu.memory_space<vmem>>
    %dma_start3A_15 = arith.constant 0 : i32
    %dma_start3A_16 = arith.constant 0 : i32
    %dma_start3A_17 = tpu.memref_slice %arg7[%dma_start3A_15, %dma_start3A_16] : memref<6400x1024xf32, #tpu.memory_space<hbm>> -> memref<6400x1024xf32, #tpu.memory_space<hbm>>
    tpu.enqueue_indirect_dma source(%arg9 : memref<32x1024xf32, #tpu.memory_space<vmem>>) target(%dma_start3A_17 : memref<6400x1024xf32, #tpu.memory_space<hbm>>) offsets(%dma_start3A_14 : memref<32xi32, #tpu.memory_space<vmem>>) semaphore(%arg14 : memref<!tpu.dma_semaphore, #tpu.memory_space<semaphore_mem>>)
    %dma_start3A_18 = arith.constant 0 : i32
    %dma_start3A_19 = arith.constant 0 : i32
    %dma_start3A_20 = tpu.memref_slice %arg12[%dma_start3A_18, %dma_start3A_19] : memref<2x32xi32, #tpu.memory_space<vmem>> -> memref<1x32xi32, #tpu.memory_space<vmem>>
    %dma_start3A_21 = tpu.memref_squeeze %dma_start3A_20 : memref<1x32xi32, #tpu.memory_space<vmem>> -> memref<32xi32, #tpu.memory_space<vmem>>
    %dma_start3A_22 = arith.constant 0 : i32
    %dma_start3A_23 = arith.constant 0 : i32
    %dma_start3A_24 = tpu.memref_slice %arg8[%dma_start3A_22, %dma_start3A_23] : memref<6400x128xf32, #tpu.memory_space<hbm>> -> memref<6400x128xf32, #tpu.memory_space<hbm>>
    tpu.enqueue_indirect_dma source(%arg10 : memref<32x128xf32, #tpu.memory_space<vmem>>) target(%dma_start3A_24 : memref<6400x128xf32, #tpu.memory_space<hbm>>) offsets(%dma_start3A_21 : memref<32xi32, #tpu.memory_space<vmem>>) semaphore(%arg14 : memref<!tpu.dma_semaphore, #tpu.memory_space<semaphore_mem>>)
    %dma_start3A_25 = arith.constant 0 : i32
    %dma_start3A_26 = arith.constant 0 : i32
    %dma_start3A_27 = tpu.memref_slice %arg13[%dma_start3A_25, %dma_start3A_26] : memref<2x32xi32, #tpu.memory_space<vmem>> -> memref<1x32xi32, #tpu.memory_space<vmem>>
    %dma_start3A_28 = tpu.memref_squeeze %dma_start3A_27 : memref<1x32xi32, #tpu.memory_space<vmem>> -> memref<32xi32, #tpu.memory_space<vmem>>
    %dma_start3A_29 = arith.constant 0 : i32
    %dma_start3A_30 = arith.constant 0 : i32
    %dma_start3A_31 = tpu.memref_slice %arg8[%dma_start3A_29, %dma_start3A_30] : memref<6400x128xf32, #tpu.memory_space<hbm>> -> memref<6400x128xf32, #tpu.memory_space<hbm>>
    tpu.enqueue_indirect_dma source(%arg11 : memref<32x128xf32, #tpu.memory_space<vmem>>) target(%dma_start3A_31 : memref<6400x128xf32, #tpu.memory_space<hbm>>) offsets(%dma_start3A_28 : memref<32xi32, #tpu.memory_space<vmem>>) semaphore(%arg14 : memref<!tpu.dma_semaphore, #tpu.memory_space<semaphore_mem>>)
    %dma_wait3A = arith.constant 0 : i32
    %dma_wait3A_32 = arith.constant 0 : i32
    %dma_wait3A_33 = tpu.memref_slice %arg12[%dma_wait3A, %dma_wait3A_32] : memref<2x32xi32, #tpu.memory_space<vmem>> -> memref<1x32xi32, #tpu.memory_space<vmem>>
    %dma_wait3A_34 = tpu.memref_squeeze %dma_wait3A_33 : memref<1x32xi32, #tpu.memory_space<vmem>> -> memref<32xi32, #tpu.memory_space<vmem>>
    %dma_wait3A_35 = arith.constant 0 : i32
    %dma_wait3A_36 = arith.constant 0 : i32
    %dma_wait3A_37 = tpu.memref_slice %arg7[%dma_wait3A_35, %dma_wait3A_36] : memref<6400x1024xf32, #tpu.memory_space<hbm>> -> memref<6400x1024xf32, #tpu.memory_space<hbm>>
    tpu.wait_indirect_dma semaphore(%arg14 : memref<!tpu.dma_semaphore, #tpu.memory_space<semaphore_mem>>) src(%arg9 : memref<32x1024xf32, #tpu.memory_space<vmem>>) dst(%dma_wait3A_37 : memref<6400x1024xf32, #tpu.memory_space<hbm>>)
    %dma_wait3A_38 = arith.constant 0 : i32
    %dma_wait3A_39 = arith.constant 0 : i32
    %dma_wait3A_40 = tpu.memref_slice %arg13[%dma_wait3A_38, %dma_wait3A_39] : memref<2x32xi32, #tpu.memory_space<vmem>> -> memref<1x32xi32, #tpu.memory_space<vmem>>
    %dma_wait3A_41 = tpu.memref_squeeze %dma_wait3A_40 : memref<1x32xi32, #tpu.memory_space<vmem>> -> memref<32xi32, #tpu.memory_space<vmem>>
    %dma_wait3A_42 = arith.constant 0 : i32
    %dma_wait3A_43 = arith.constant 0 : i32
    %dma_wait3A_44 = tpu.memref_slice %arg7[%dma_wait3A_42, %dma_wait3A_43] : memref<6400x1024xf32, #tpu.memory_space<hbm>> -> memref<6400x1024xf32, #tpu.memory_space<hbm>>
    tpu.wait_indirect_dma semaphore(%arg14 : memref<!tpu.dma_semaphore, #tpu.memory_space<semaphore_mem>>) src(%arg9 : memref<32x1024xf32, #tpu.memory_space<vmem>>) dst(%dma_wait3A_44 : memref<6400x1024xf32, #tpu.memory_space<hbm>>)
    %dma_wait3A_45 = arith.constant 0 : i32
    %dma_wait3A_46 = arith.constant 0 : i32
    %dma_wait3A_47 = tpu.memref_slice %arg12[%dma_wait3A_45, %dma_wait3A_46] : memref<2x32xi32, #tpu.memory_space<vmem>> -> memref<1x32xi32, #tpu.memory_space<vmem>>
    %dma_wait3A_48 = tpu.memref_squeeze %dma_wait3A_47 : memref<1x32xi32, #tpu.memory_space<vmem>> -> memref<32xi32, #tpu.memory_space<vmem>>
    %dma_wait3A_49 = arith.constant 0 : i32
    %dma_wait3A_50 = arith.constant 0 : i32
    %dma_wait3A_51 = tpu.memref_slice %arg8[%dma_wait3A_49, %dma_wait3A_50] : memref<6400x128xf32, #tpu.memory_space<hbm>> -> memref<6400x128xf32, #tpu.memory_space<hbm>>
    tpu.wait_indirect_dma semaphore(%arg14 : memref<!tpu.dma_semaphore, #tpu.memory_space<semaphore_mem>>) src(%arg10 : memref<32x128xf32, #tpu.memory_space<vmem>>) dst(%dma_wait3A_51 : memref<6400x128xf32, #tpu.memory_space<hbm>>)
    %dma_wait3A_52 = arith.constant 0 : i32
    %dma_wait3A_53 = arith.constant 0 : i32
    %dma_wait3A_54 = tpu.memref_slice %arg13[%dma_wait3A_52, %dma_wait3A_53] : memref<2x32xi32, #tpu.memory_space<vmem>> -> memref<1x32xi32, #tpu.memory_space<vmem>>
    %dma_wait3A_55 = tpu.memref_squeeze %dma_wait3A_54 : memref<1x32xi32, #tpu.memory_space<vmem>> -> memref<32xi32, #tpu.memory_space<vmem>>
    %dma_wait3A_56 = arith.constant 0 : i32
    %dma_wait3A_57 = arith.constant 0 : i32
    %dma_wait3A_58 = tpu.memref_slice %arg8[%dma_wait3A_56, %dma_wait3A_57] : memref<6400x128xf32, #tpu.memory_space<hbm>> -> memref<6400x128xf32, #tpu.memory_space<hbm>>
    tpu.wait_indirect_dma semaphore(%arg14 : memref<!tpu.dma_semaphore, #tpu.memory_space<semaphore_mem>>) src(%arg11 : memref<32x128xf32, #tpu.memory_space<vmem>>) dst(%dma_wait3A_58 : memref<6400x128xf32, #tpu.memory_space<hbm>>)
    %add3A_59 = arith.constant 32 : i32
    %add3A_60 = arith.addi %mul3A_2, %add3A_59 : i32
    "tpu.region"() ({
      %run_scoped3A = tpu.sem_alloc : memref<!tpu.dma_semaphore, #tpu.memory_space<semaphore_mem>>
      %dma_start3A_117 = arith.constant 0 : i32
      %dma_start3A_118 = tpu.memref_slice %arg2[%add3A_60, %dma_start3A_117] : memref<2048x1024xf32, #tpu.memory_space<hbm>> -> memref<32x1024xf32, #tpu.memory_space<hbm>>
      %dma_start3A_119 = arith.constant 0 : i32
      %dma_start3A_120 = tpu.memref_slice %arg2[%add3A_60, %dma_start3A_119] : memref<2048x1024xf32, #tpu.memory_space<hbm>> -> memref<32x1024xf32, #tpu.memory_space<hbm>>
      tpu.enqueue_dma source(%dma_start3A_120 : memref<32x1024xf32, #tpu.memory_space<hbm>>) target(%arg9 : memref<32x1024xf32, #tpu.memory_space<vmem>>) target_semaphore(%run_scoped3A : memref<!tpu.dma_semaphore, #tpu.memory_space<semaphore_mem>>)
      %dma_wait3A_121 = arith.constant 0 : i32
      %dma_wait3A_122 = tpu.memref_slice %arg2[%add3A_60, %dma_wait3A_121] : memref<2048x1024xf32, #tpu.memory_space<hbm>> -> memref<32x1024xf32, #tpu.memory_space<hbm>>
      %dma_wait3A_123 = arith.constant 0 : i32
      %dma_wait3A_124 = tpu.memref_slice %arg2[%add3A_60, %dma_wait3A_123] : memref<2048x1024xf32, #tpu.memory_space<hbm>> -> memref<32x1024xf32, #tpu.memory_space<hbm>>
      tpu.wait_dma2 semaphore(%run_scoped3A : memref<!tpu.dma_semaphore, #tpu.memory_space<semaphore_mem>>) src(%dma_wait3A_124 : memref<32x1024xf32, #tpu.memory_space<hbm>>) dst(%arg9 : memref<32x1024xf32, #tpu.memory_space<vmem>>)
      tpu.yield
    }) : () -> ()
    "tpu.region"() ({
      %run_scoped3A = tpu.sem_alloc : memref<!tpu.dma_semaphore, #tpu.memory_space<semaphore_mem>>
      %dma_start3A_117 = arith.constant 0 : i32
      %dma_start3A_118 = tpu.memref_slice %arg3[%add3A_60, %dma_start3A_117] : memref<2048x128xf32, #tpu.memory_space<hbm>> -> memref<32x128xf32, #tpu.memory_space<hbm>>
      %dma_start3A_119 = arith.constant 0 : i32
      %dma_start3A_120 = tpu.memref_slice %arg3[%add3A_60, %dma_start3A_119] : memref<2048x128xf32, #tpu.memory_space<hbm>> -> memref<32x128xf32, #tpu.memory_space<hbm>>
      tpu.enqueue_dma source(%dma_start3A_120 : memref<32x128xf32, #tpu.memory_space<hbm>>) target(%arg10 : memref<32x128xf32, #tpu.memory_space<vmem>>) target_semaphore(%run_scoped3A : memref<!tpu.dma_semaphore, #tpu.memory_space<semaphore_mem>>)
      %dma_wait3A_121 = arith.constant 0 : i32
      %dma_wait3A_122 = tpu.memref_slice %arg3[%add3A_60, %dma_wait3A_121] : memref<2048x128xf32, #tpu.memory_space<hbm>> -> memref<32x128xf32, #tpu.memory_space<hbm>>
      %dma_wait3A_123 = arith.constant 0 : i32
      %dma_wait3A_124 = tpu.memref_slice %arg3[%add3A_60, %dma_wait3A_123] : memref<2048x128xf32, #tpu.memory_space<hbm>> -> memref<32x128xf32, #tpu.memory_space<hbm>>
      tpu.wait_dma2 semaphore(%run_scoped3A : memref<!tpu.dma_semaphore, #tpu.memory_space<semaphore_mem>>) src(%dma_wait3A_124 : memref<32x128xf32, #tpu.memory_space<hbm>>) dst(%arg10 : memref<32x128xf32, #tpu.memory_space<vmem>>)
      tpu.yield
    }) : () -> ()
    "tpu.region"() ({
      %run_scoped3A = tpu.sem_alloc : memref<!tpu.dma_semaphore, #tpu.memory_space<semaphore_mem>>
      %dma_start3A_117 = arith.constant 0 : i32
      %dma_start3A_118 = tpu.memref_slice %arg4[%add3A_60, %dma_start3A_117] : memref<2048x128xf32, #tpu.memory_space<hbm>> -> memref<32x128xf32, #tpu.memory_space<hbm>>
      %dma_start3A_119 = arith.constant 0 : i32
      %dma_start3A_120 = tpu.memref_slice %arg4[%add3A_60, %dma_start3A_119] : memref<2048x128xf32, #tpu.memory_space<hbm>> -> memref<32x128xf32, #tpu.memory_space<hbm>>
      tpu.enqueue_dma source(%dma_start3A_120 : memref<32x128xf32, #tpu.memory_space<hbm>>) target(%arg11 : memref<32x128xf32, #tpu.memory_space<vmem>>) target_semaphore(%run_scoped3A : memref<!tpu.dma_semaphore, #tpu.memory_space<semaphore_mem>>)
      %dma_wait3A_121 = arith.constant 0 : i32
      %dma_wait3A_122 = tpu.memref_slice %arg4[%add3A_60, %dma_wait3A_121] : memref<2048x128xf32, #tpu.memory_space<hbm>> -> memref<32x128xf32, #tpu.memory_space<hbm>>
      %dma_wait3A_123 = arith.constant 0 : i32
      %dma_wait3A_124 = tpu.memref_slice %arg4[%add3A_60, %dma_wait3A_123] : memref<2048x128xf32, #tpu.memory_space<hbm>> -> memref<32x128xf32, #tpu.memory_space<hbm>>
      tpu.wait_dma2 semaphore(%run_scoped3A : memref<!tpu.dma_semaphore, #tpu.memory_space<semaphore_mem>>) src(%dma_wait3A_124 : memref<32x128xf32, #tpu.memory_space<hbm>>) dst(%arg11 : memref<32x128xf32, #tpu.memory_space<vmem>>)
      tpu.yield
    }) : () -> ()
    %dma_start3A_61 = arith.constant 1 : i32
    %dma_start3A_62 = arith.constant 0 : i32
    %dma_start3A_63 = tpu.memref_slice %arg12[%dma_start3A_61, %dma_start3A_62] : memref<2x32xi32, #tpu.memory_space<vmem>> -> memref<1x32xi32, #tpu.memory_space<vmem>>
    %dma_start3A_64 = tpu.memref_squeeze %dma_start3A_63 : memref<1x32xi32, #tpu.memory_space<vmem>> -> memref<32xi32, #tpu.memory_space<vmem>>
    %dma_start3A_65 = arith.constant 0 : i32
    %dma_start3A_66 = arith.constant 0 : i32
    %dma_start3A_67 = tpu.memref_slice %arg7[%dma_start3A_65, %dma_start3A_66] : memref<6400x1024xf32, #tpu.memory_space<hbm>> -> memref<6400x1024xf32, #tpu.memory_space<hbm>>
    tpu.enqueue_indirect_dma source(%arg9 : memref<32x1024xf32, #tpu.memory_space<vmem>>) target(%dma_start3A_67 : memref<6400x1024xf32, #tpu.memory_space<hbm>>) offsets(%dma_start3A_64 : memref<32xi32, #tpu.memory_space<vmem>>) semaphore(%arg14 : memref<!tpu.dma_semaphore, #tpu.memory_space<semaphore_mem>>)
    %dma_start3A_68 = arith.constant 1 : i32
    %dma_start3A_69 = arith.constant 0 : i32
    %dma_start3A_70 = tpu.memref_slice %arg13[%dma_start3A_68, %dma_start3A_69] : memref<2x32xi32, #tpu.memory_space<vmem>> -> memref<1x32xi32, #tpu.memory_space<vmem>>
    %dma_start3A_71 = tpu.memref_squeeze %dma_start3A_70 : memref<1x32xi32, #tpu.memory_space<vmem>> -> memref<32xi32, #tpu.memory_space<vmem>>
    %dma_start3A_72 = arith.constant 0 : i32
    %dma_start3A_73 = arith.constant 0 : i32
    %dma_start3A_74 = tpu.memref_slice %arg7[%dma_start3A_72, %dma_start3A_73] : memref<6400x1024xf32, #tpu.memory_space<hbm>> -> memref<6400x1024xf32, #tpu.memory_space<hbm>>
    tpu.enqueue_indirect_dma source(%arg9 : memref<32x1024xf32, #tpu.memory_space<vmem>>) target(%dma_start3A_74 : memref<6400x1024xf32, #tpu.memory_space<hbm>>) offsets(%dma_start3A_71 : memref<32xi32, #tpu.memory_space<vmem>>) semaphore(%arg14 : memref<!tpu.dma_semaphore, #tpu.memory_space<semaphore_mem>>)
    %dma_start3A_75 = arith.constant 1 : i32
    %dma_start3A_76 = arith.constant 0 : i32
    %dma_start3A_77 = tpu.memref_slice %arg12[%dma_start3A_75, %dma_start3A_76] : memref<2x32xi32, #tpu.memory_space<vmem>> -> memref<1x32xi32, #tpu.memory_space<vmem>>
    %dma_start3A_78 = tpu.memref_squeeze %dma_start3A_77 : memref<1x32xi32, #tpu.memory_space<vmem>> -> memref<32xi32, #tpu.memory_space<vmem>>
    %dma_start3A_79 = arith.constant 0 : i32
    %dma_start3A_80 = arith.constant 0 : i32
    %dma_start3A_81 = tpu.memref_slice %arg8[%dma_start3A_79, %dma_start3A_80] : memref<6400x128xf32, #tpu.memory_space<hbm>> -> memref<6400x128xf32, #tpu.memory_space<hbm>>
    tpu.enqueue_indirect_dma source(%arg10 : memref<32x128xf32, #tpu.memory_space<vmem>>) target(%dma_start3A_81 : memref<6400x128xf32, #tpu.memory_space<hbm>>) offsets(%dma_start3A_78 : memref<32xi32, #tpu.memory_space<vmem>>) semaphore(%arg14 : memref<!tpu.dma_semaphore, #tpu.memory_space<semaphore_mem>>)
    %dma_start3A_82 = arith.constant 1 : i32
    %dma_start3A_83 = arith.constant 0 : i32
    %dma_start3A_84 = tpu.memref_slice %arg13[%dma_start3A_82, %dma_start3A_83] : memref<2x32xi32, #tpu.memory_space<vmem>> -> memref<1x32xi32, #tpu.memory_space<vmem>>
    %dma_start3A_85 = tpu.memref_squeeze %dma_start3A_84 : memref<1x32xi32, #tpu.memory_space<vmem>> -> memref<32xi32, #tpu.memory_space<vmem>>
    %dma_start3A_86 = arith.constant 0 : i32
    %dma_start3A_87 = arith.constant 0 : i32
    %dma_start3A_88 = tpu.memref_slice %arg8[%dma_start3A_86, %dma_start3A_87] : memref<6400x128xf32, #tpu.memory_space<hbm>> -> memref<6400x128xf32, #tpu.memory_space<hbm>>
    tpu.enqueue_indirect_dma source(%arg11 : memref<32x128xf32, #tpu.memory_space<vmem>>) target(%dma_start3A_88 : memref<6400x128xf32, #tpu.memory_space<hbm>>) offsets(%dma_start3A_85 : memref<32xi32, #tpu.memory_space<vmem>>) semaphore(%arg14 : memref<!tpu.dma_semaphore, #tpu.memory_space<semaphore_mem>>)
    %dma_wait3A_89 = arith.constant 1 : i32
    %dma_wait3A_90 = arith.constant 0 : i32
    %dma_wait3A_91 = tpu.memref_slice %arg12[%dma_wait3A_89, %dma_wait3A_90] : memref<2x32xi32, #tpu.memory_space<vmem>> -> memref<1x32xi32, #tpu.memory_space<vmem>>
    %dma_wait3A_92 = tpu.memref_squeeze %dma_wait3A_91 : memref<1x32xi32, #tpu.memory_space<vmem>> -> memref<32xi32, #tpu.memory_space<vmem>>
    %dma_wait3A_93 = arith.constant 0 : i32
    %dma_wait3A_94 = arith.constant 0 : i32
    %dma_wait3A_95 = tpu.memref_slice %arg7[%dma_wait3A_93, %dma_wait3A_94] : memref<6400x1024xf32, #tpu.memory_space<hbm>> -> memref<6400x1024xf32, #tpu.memory_space<hbm>>
    tpu.wait_indirect_dma semaphore(%arg14 : memref<!tpu.dma_semaphore, #tpu.memory_space<semaphore_mem>>) src(%arg9 : memref<32x1024xf32, #tpu.memory_space<vmem>>) dst(%dma_wait3A_95 : memref<6400x1024xf32, #tpu.memory_space<hbm>>)
    %dma_wait3A_96 = arith.constant 1 : i32
    %dma_wait3A_97 = arith.constant 0 : i32
    %dma_wait3A_98 = tpu.memref_slice %arg13[%dma_wait3A_96, %dma_wait3A_97] : memref<2x32xi32, #tpu.memory_space<vmem>> -> memref<1x32xi32, #tpu.memory_space<vmem>>
    %dma_wait3A_99 = tpu.memref_squeeze %dma_wait3A_98 : memref<1x32xi32, #tpu.memory_space<vmem>> -> memref<32xi32, #tpu.memory_space<vmem>>
    %dma_wait3A_100 = arith.constant 0 : i32
    %dma_wait3A_101 = arith.constant 0 : i32
    %dma_wait3A_102 = tpu.memref_slice %arg7[%dma_wait3A_100, %dma_wait3A_101] : memref<6400x1024xf32, #tpu.memory_space<hbm>> -> memref<6400x1024xf32, #tpu.memory_space<hbm>>
    tpu.wait_indirect_dma semaphore(%arg14 : memref<!tpu.dma_semaphore, #tpu.memory_space<semaphore_mem>>) src(%arg9 : memref<32x1024xf32, #tpu.memory_space<vmem>>) dst(%dma_wait3A_102 : memref<6400x1024xf32, #tpu.memory_space<hbm>>)
    %dma_wait3A_103 = arith.constant 1 : i32
    %dma_wait3A_104 = arith.constant 0 : i32
    %dma_wait3A_105 = tpu.memref_slice %arg12[%dma_wait3A_103, %dma_wait3A_104] : memref<2x32xi32, #tpu.memory_space<vmem>> -> memref<1x32xi32, #tpu.memory_space<vmem>>
    %dma_wait3A_106 = tpu.memref_squeeze %dma_wait3A_105 : memref<1x32xi32, #tpu.memory_space<vmem>> -> memref<32xi32, #tpu.memory_space<vmem>>
    %dma_wait3A_107 = arith.constant 0 : i32
    %dma_wait3A_108 = arith.constant 0 : i32
    %dma_wait3A_109 = tpu.memref_slice %arg8[%dma_wait3A_107, %dma_wait3A_108] : memref<6400x128xf32, #tpu.memory_space<hbm>> -> memref<6400x128xf32, #tpu.memory_space<hbm>>
    tpu.wait_indirect_dma semaphore(%arg14 : memref<!tpu.dma_semaphore, #tpu.memory_space<semaphore_mem>>) src(%arg10 : memref<32x128xf32, #tpu.memory_space<vmem>>) dst(%dma_wait3A_109 : memref<6400x128xf32, #tpu.memory_space<hbm>>)
    %dma_wait3A_110 = arith.constant 1 : i32
    %dma_wait3A_111 = arith.constant 0 : i32
    %dma_wait3A_112 = tpu.memref_slice %arg13[%dma_wait3A_110, %dma_wait3A_111] : memref<2x32xi32, #tpu.memory_space<vmem>> -> memref<1x32xi32, #tpu.memory_space<vmem>>
    %dma_wait3A_113 = tpu.memref_squeeze %dma_wait3A_112 : memref<1x32xi32, #tpu.memory_space<vmem>> -> memref<32xi32, #tpu.memory_space<vmem>>
    %dma_wait3A_114 = arith.constant 0 : i32
    %dma_wait3A_115 = arith.constant 0 : i32
    %dma_wait3A_116 = tpu.memref_slice %arg8[%dma_wait3A_114, %dma_wait3A_115] : memref<6400x128xf32, #tpu.memory_space<hbm>> -> memref<6400x128xf32, #tpu.memory_space<hbm>>
    tpu.wait_indirect_dma semaphore(%arg14 : memref<!tpu.dma_semaphore, #tpu.memory_space<semaphore_mem>>) src(%arg11 : memref<32x128xf32, #tpu.memory_space<vmem>>) dst(%dma_wait3A_116 : memref<6400x128xf32, #tpu.memory_space<hbm>>)
    return
  }
}

#map = affine_map<(d0, d1) -> (0, 0)>
#map1 = affine_map<(d0, d1) -> (0, 0, 0)>
module attributes {stable_mosaic.version = 14 : i64} {
  func.func @_combine_body(%arg0: i32, %arg1: i32, %arg2: memref<6400x1024xf32, #tpu.memory_space<hbm>>, %arg3: memref<2048x1024xf32, #tpu.memory_space<hbm>>, %arg4: memref<32x2x32xi32, #tpu.memory_space<hbm>>, %arg5: memref<32x2x32xi32, #tpu.memory_space<hbm>>, %arg6: memref<2048x1024xf32, #tpu.memory_space<hbm>>, %arg7: memref<32x1024xf32, #tpu.memory_space<vmem>>, %arg8: memref<32x1024xf32, #tpu.memory_space<vmem>>, %arg9: memref<32x1024xf32, #tpu.memory_space<vmem>>, %arg10: memref<32xi32, #tpu.memory_space<vmem>>, %arg11: memref<32xi32, #tpu.memory_space<vmem>>, %arg12: memref<!tpu.dma_semaphore, #tpu.memory_space<semaphore_mem>>) attributes {dimension_semantics = [#tpu.dimension_semantics<core_parallel>, #tpu.dimension_semantics<subcore_parallel>], iteration_bounds = array<i64: 2, 16>, scalar_prefetch = 0 : i64, scratch_operands = 6 : i64, tpu.core_type = #tpu.core_type<sc_vector_subcore>, window_params = [{transform_indices = #map}, {transform_indices = #map}, {transform_indices = #map1}, {transform_indices = #map1}, {transform_indices = #map}]} {
    %mul3A = arith.constant 2 : i32
    %mul3A_0 = arith.muli %arg1, %mul3A : i32
    %add3A = arith.addi %mul3A_0, %arg0 : i32
    %mul3A_1 = arith.constant 64 : i32
    %mul3A_2 = arith.muli %add3A, %mul3A_1 : i32
    %add3A_3 = arith.constant 0 : i32
    %add3A_4 = arith.addi %mul3A_2, %add3A_3 : i32
    "tpu.region"() ({
      %run_scoped3A_45 = tpu.sem_alloc : memref<!tpu.dma_semaphore, #tpu.memory_space<semaphore_mem>>
      %dma_start3A_46 = arith.constant 0 : i32
      %dma_start3A_47 = tpu.memref_slice %arg3[%add3A_4, %dma_start3A_46] : memref<2048x1024xf32, #tpu.memory_space<hbm>> -> memref<32x1024xf32, #tpu.memory_space<hbm>>
      %dma_start3A_48 = arith.constant 0 : i32
      %dma_start3A_49 = tpu.memref_slice %arg3[%add3A_4, %dma_start3A_48] : memref<2048x1024xf32, #tpu.memory_space<hbm>> -> memref<32x1024xf32, #tpu.memory_space<hbm>>
      tpu.enqueue_dma source(%dma_start3A_49 : memref<32x1024xf32, #tpu.memory_space<hbm>>) target(%arg7 : memref<32x1024xf32, #tpu.memory_space<vmem>>) target_semaphore(%run_scoped3A_45 : memref<!tpu.dma_semaphore, #tpu.memory_space<semaphore_mem>>)
      %dma_wait3A_50 = arith.constant 0 : i32
      %dma_wait3A_51 = tpu.memref_slice %arg3[%add3A_4, %dma_wait3A_50] : memref<2048x1024xf32, #tpu.memory_space<hbm>> -> memref<32x1024xf32, #tpu.memory_space<hbm>>
      %dma_wait3A_52 = arith.constant 0 : i32
      %dma_wait3A_53 = tpu.memref_slice %arg3[%add3A_4, %dma_wait3A_52] : memref<2048x1024xf32, #tpu.memory_space<hbm>> -> memref<32x1024xf32, #tpu.memory_space<hbm>>
      tpu.wait_dma2 semaphore(%run_scoped3A_45 : memref<!tpu.dma_semaphore, #tpu.memory_space<semaphore_mem>>) src(%dma_wait3A_53 : memref<32x1024xf32, #tpu.memory_space<hbm>>) dst(%arg7 : memref<32x1024xf32, #tpu.memory_space<vmem>>)
      tpu.yield
    }) : () -> ()
    %run_scoped3A = arith.constant 0 : i32
    "tpu.region"() ({
      %run_scoped3A_45 = tpu.sem_alloc : memref<!tpu.dma_semaphore, #tpu.memory_space<semaphore_mem>>
      %dma_start3A_46 = arith.constant 0 : i32
      %dma_start3A_47 = tpu.memref_slice %arg4[%add3A, %run_scoped3A, %dma_start3A_46] : memref<32x2x32xi32, #tpu.memory_space<hbm>> -> memref<1x1x32xi32, #tpu.memory_space<hbm>>
      %dma_start3A_48 = tpu.memref_squeeze %dma_start3A_47 : memref<1x1x32xi32, #tpu.memory_space<hbm>> -> memref<32xi32, #tpu.memory_space<hbm>>
      %dma_start3A_49 = arith.constant 0 : i32
      %dma_start3A_50 = tpu.memref_slice %arg4[%add3A, %run_scoped3A, %dma_start3A_49] : memref<32x2x32xi32, #tpu.memory_space<hbm>> -> memref<1x1x32xi32, #tpu.memory_space<hbm>>
      %dma_start3A_51 = tpu.memref_squeeze %dma_start3A_50 : memref<1x1x32xi32, #tpu.memory_space<hbm>> -> memref<32xi32, #tpu.memory_space<hbm>>
      tpu.enqueue_dma source(%dma_start3A_51 : memref<32xi32, #tpu.memory_space<hbm>>) target(%arg10 : memref<32xi32, #tpu.memory_space<vmem>>) target_semaphore(%run_scoped3A_45 : memref<!tpu.dma_semaphore, #tpu.memory_space<semaphore_mem>>)
      %dma_wait3A_52 = arith.constant 0 : i32
      %dma_wait3A_53 = tpu.memref_slice %arg4[%add3A, %run_scoped3A, %dma_wait3A_52] : memref<32x2x32xi32, #tpu.memory_space<hbm>> -> memref<1x1x32xi32, #tpu.memory_space<hbm>>
      %dma_wait3A_54 = tpu.memref_squeeze %dma_wait3A_53 : memref<1x1x32xi32, #tpu.memory_space<hbm>> -> memref<32xi32, #tpu.memory_space<hbm>>
      %dma_wait3A_55 = arith.constant 0 : i32
      %dma_wait3A_56 = tpu.memref_slice %arg4[%add3A, %run_scoped3A, %dma_wait3A_55] : memref<32x2x32xi32, #tpu.memory_space<hbm>> -> memref<1x1x32xi32, #tpu.memory_space<hbm>>
      %dma_wait3A_57 = tpu.memref_squeeze %dma_wait3A_56 : memref<1x1x32xi32, #tpu.memory_space<hbm>> -> memref<32xi32, #tpu.memory_space<hbm>>
      tpu.wait_dma2 semaphore(%run_scoped3A_45 : memref<!tpu.dma_semaphore, #tpu.memory_space<semaphore_mem>>) src(%dma_wait3A_57 : memref<32xi32, #tpu.memory_space<hbm>>) dst(%arg10 : memref<32xi32, #tpu.memory_space<vmem>>)
      tpu.yield
    }) : () -> ()
    %run_scoped3A_5 = arith.constant 0 : i32
    "tpu.region"() ({
      %run_scoped3A_45 = tpu.sem_alloc : memref<!tpu.dma_semaphore, #tpu.memory_space<semaphore_mem>>
      %dma_start3A_46 = arith.constant 0 : i32
      %dma_start3A_47 = tpu.memref_slice %arg5[%add3A, %run_scoped3A_5, %dma_start3A_46] : memref<32x2x32xi32, #tpu.memory_space<hbm>> -> memref<1x1x32xi32, #tpu.memory_space<hbm>>
      %dma_start3A_48 = tpu.memref_squeeze %dma_start3A_47 : memref<1x1x32xi32, #tpu.memory_space<hbm>> -> memref<32xi32, #tpu.memory_space<hbm>>
      %dma_start3A_49 = arith.constant 0 : i32
      %dma_start3A_50 = tpu.memref_slice %arg5[%add3A, %run_scoped3A_5, %dma_start3A_49] : memref<32x2x32xi32, #tpu.memory_space<hbm>> -> memref<1x1x32xi32, #tpu.memory_space<hbm>>
      %dma_start3A_51 = tpu.memref_squeeze %dma_start3A_50 : memref<1x1x32xi32, #tpu.memory_space<hbm>> -> memref<32xi32, #tpu.memory_space<hbm>>
      tpu.enqueue_dma source(%dma_start3A_51 : memref<32xi32, #tpu.memory_space<hbm>>) target(%arg11 : memref<32xi32, #tpu.memory_space<vmem>>) target_semaphore(%run_scoped3A_45 : memref<!tpu.dma_semaphore, #tpu.memory_space<semaphore_mem>>)
      %dma_wait3A_52 = arith.constant 0 : i32
      %dma_wait3A_53 = tpu.memref_slice %arg5[%add3A, %run_scoped3A_5, %dma_wait3A_52] : memref<32x2x32xi32, #tpu.memory_space<hbm>> -> memref<1x1x32xi32, #tpu.memory_space<hbm>>
      %dma_wait3A_54 = tpu.memref_squeeze %dma_wait3A_53 : memref<1x1x32xi32, #tpu.memory_space<hbm>> -> memref<32xi32, #tpu.memory_space<hbm>>
      %dma_wait3A_55 = arith.constant 0 : i32
      %dma_wait3A_56 = tpu.memref_slice %arg5[%add3A, %run_scoped3A_5, %dma_wait3A_55] : memref<32x2x32xi32, #tpu.memory_space<hbm>> -> memref<1x1x32xi32, #tpu.memory_space<hbm>>
      %dma_wait3A_57 = tpu.memref_squeeze %dma_wait3A_56 : memref<1x1x32xi32, #tpu.memory_space<hbm>> -> memref<32xi32, #tpu.memory_space<hbm>>
      tpu.wait_dma2 semaphore(%run_scoped3A_45 : memref<!tpu.dma_semaphore, #tpu.memory_space<semaphore_mem>>) src(%dma_wait3A_57 : memref<32xi32, #tpu.memory_space<hbm>>) dst(%arg11 : memref<32xi32, #tpu.memory_space<vmem>>)
      tpu.yield
    }) : () -> ()
    %dma_start3A = arith.constant 0 : i32
    %dma_start3A_6 = arith.constant 0 : i32
    %dma_start3A_7 = tpu.memref_slice %arg2[%dma_start3A, %dma_start3A_6] : memref<6400x1024xf32, #tpu.memory_space<hbm>> -> memref<6400x1024xf32, #tpu.memory_space<hbm>>
    tpu.enqueue_indirect_dma source(%dma_start3A_7 : memref<6400x1024xf32, #tpu.memory_space<hbm>>) target(%arg8 : memref<32x1024xf32, #tpu.memory_space<vmem>>) offsets(%arg10 : memref<32xi32, #tpu.memory_space<vmem>>) semaphore(%arg12 : memref<!tpu.dma_semaphore, #tpu.memory_space<semaphore_mem>>)
    %dma_start3A_8 = arith.constant 0 : i32
    %dma_start3A_9 = arith.constant 0 : i32
    %dma_start3A_10 = tpu.memref_slice %arg2[%dma_start3A_8, %dma_start3A_9] : memref<6400x1024xf32, #tpu.memory_space<hbm>> -> memref<6400x1024xf32, #tpu.memory_space<hbm>>
    tpu.enqueue_indirect_dma source(%dma_start3A_10 : memref<6400x1024xf32, #tpu.memory_space<hbm>>) target(%arg9 : memref<32x1024xf32, #tpu.memory_space<vmem>>) offsets(%arg11 : memref<32xi32, #tpu.memory_space<vmem>>) semaphore(%arg12 : memref<!tpu.dma_semaphore, #tpu.memory_space<semaphore_mem>>)
    %dma_wait3A = arith.constant 0 : i32
    %dma_wait3A_11 = arith.constant 0 : i32
    %dma_wait3A_12 = tpu.memref_slice %arg2[%dma_wait3A, %dma_wait3A_11] : memref<6400x1024xf32, #tpu.memory_space<hbm>> -> memref<6400x1024xf32, #tpu.memory_space<hbm>>
    tpu.wait_indirect_dma semaphore(%arg12 : memref<!tpu.dma_semaphore, #tpu.memory_space<semaphore_mem>>) src(%dma_wait3A_12 : memref<6400x1024xf32, #tpu.memory_space<hbm>>) dst(%arg8 : memref<32x1024xf32, #tpu.memory_space<vmem>>)
    %dma_wait3A_13 = arith.constant 0 : i32
    %dma_wait3A_14 = arith.constant 0 : i32
    %dma_wait3A_15 = tpu.memref_slice %arg2[%dma_wait3A_13, %dma_wait3A_14] : memref<6400x1024xf32, #tpu.memory_space<hbm>> -> memref<6400x1024xf32, #tpu.memory_space<hbm>>
    tpu.wait_indirect_dma semaphore(%arg12 : memref<!tpu.dma_semaphore, #tpu.memory_space<semaphore_mem>>) src(%dma_wait3A_15 : memref<6400x1024xf32, #tpu.memory_space<hbm>>) dst(%arg9 : memref<32x1024xf32, #tpu.memory_space<vmem>>)
    %scan3A = arith.constant 0 : i32
    %scan3A_16 = arith.constant 0 : i32
    %scan3A_17 = arith.constant 32 : i32
    %scan3A_18 = arith.addi %scan3A_16, %scan3A_17 : i32
    %scan3A_19 = arith.constant 1 : i32
    %scan3A_20 = scf.for %scan3A_45 = %scan3A_16 to %scan3A_18 step %scan3A_19 iter_args(%scan3A_46 = %scan3A) -> (i32)  : i32 {
      %get3A = arith.index_cast %scan3A_45 : i32 to index
      %get3A_47 = arith.constant 0 : index
      %get3A_48 = tpu.vector_load %arg7[%get3A, %get3A_47] {strides = array<i32>} : memref<32x1024xf32, #tpu.memory_space<vmem>>, vector<1x16xf32>,
      %get3A_49 = vector.shape_cast %get3A_48 : vector<1x16xf32> to vector<16xf32>
      %get3A_50 = arith.index_cast %scan3A_45 : i32 to index
      %get3A_51 = arith.constant 0 : index
      %get3A_52 = tpu.vector_load %arg8[%get3A_50, %get3A_51] {strides = array<i32>} : memref<32x1024xf32, #tpu.memory_space<vmem>>, vector<1x16xf32>,
      %get3A_53 = vector.shape_cast %get3A_52 : vector<1x16xf32> to vector<16xf32>
      %add3A_54 = arith.addf %get3A_49, %get3A_53 : vector<16xf32>
      %get3A_55 = arith.index_cast %scan3A_45 : i32 to index
      %get3A_56 = arith.constant 0 : index
      %get3A_57 = tpu.vector_load %arg9[%get3A_55, %get3A_56] {strides = array<i32>} : memref<32x1024xf32, #tpu.memory_space<vmem>>, vector<1x16xf32>,
      %get3A_58 = vector.shape_cast %get3A_57 : vector<1x16xf32> to vector<16xf32>
      %add3A_59 = arith.addf %add3A_54, %get3A_58 : vector<16xf32>
      %swap3A = arith.index_cast %scan3A_45 : i32 to index
      %swap3A_60 = arith.constant 0 : index
      %swap3A_61 = tpu.vector_load %arg7[%swap3A, %swap3A_60] {strides = array<i32>} : memref<32x1024xf32, #tpu.memory_space<vmem>>, vector<1x16xf32>,
      %swap3A_62 = vector.shape_cast %swap3A_61 : vector<1x16xf32> to vector<16xf32>
      %swap3A_63 = vector.shape_cast %add3A_59 : vector<16xf32> to vector<1x16xf32>
      tpu.vector_store %arg7[%swap3A, %swap3A_60], %swap3A_63 {strides = array<i32>} : memref<32x1024xf32, #tpu.memory_space<vmem>>, vector<1x16xf32>,
      %get3A_64 = arith.index_cast %scan3A_45 : i32 to index
      %get3A_65 = arith.constant 16 : index
      %get3A_66 = tpu.vector_load %arg7[%get3A_64, %get3A_65] {strides = array<i32>} : memref<32x1024xf32, #tpu.memory_space<vmem>>, vector<1x16xf32>,
      %get3A_67 = vector.shape_cast %get3A_66 : vector<1x16xf32> to vector<16xf32>
      %get3A_68 = arith.index_cast %scan3A_45 : i32 to index
      %get3A_69 = arith.constant 16 : index
      %get3A_70 = tpu.vector_load %arg8[%get3A_68, %get3A_69] {strides = array<i32>} : memref<32x1024xf32, #tpu.memory_space<vmem>>, vector<1x16xf32>,
      %get3A_71 = vector.shape_cast %get3A_70 : vector<1x16xf32> to vector<16xf32>
      %add3A_72 = arith.addf %get3A_67, %get3A_71 : vector<16xf32>
      %get3A_73 = arith.index_cast %scan3A_45 : i32 to index
      %get3A_74 = arith.constant 16 : index
      %get3A_75 = tpu.vector_load %arg9[%get3A_73, %get3A_74] {strides = array<i32>} : memref<32x1024xf32, #tpu.memory_space<vmem>>, vector<1x16xf32>,
      %get3A_76 = vector.shape_cast %get3A_75 : vector<1x16xf32> to vector<16xf32>
      %add3A_77 = arith.addf %add3A_72, %get3A_76 : vector<16xf32>
      %swap3A_78 = arith.index_cast %scan3A_45 : i32 to index
      %swap3A_79 = arith.constant 16 : index
      %swap3A_80 = tpu.vector_load %arg7[%swap3A_78, %swap3A_79] {strides = array<i32>} : memref<32x1024xf32, #tpu.memory_space<vmem>>, vector<1x16xf32>,
      %swap3A_81 = vector.shape_cast %swap3A_80 : vector<1x16xf32> to vector<16xf32>
      %swap3A_82 = vector.shape_cast %add3A_77 : vector<16xf32> to vector<1x16xf32>
      tpu.vector_store %arg7[%swap3A_78, %swap3A_79], %swap3A_82 {strides = array<i32>} : memref<32x1024xf32, #tpu.memory_space<vmem>>, vector<1x16xf32>,
      %get3A_83 = arith.index_cast %scan3A_45 : i32 to index
      %get3A_84 = arith.constant 32 : index
      %get3A_85 = tpu.vector_load %arg7[%get3A_83, %get3A_84] {strides = array<i32>} : memref<32x1024xf32, #tpu.memory_space<vmem>>, vector<1x16xf32>,
      %get3A_86 = vector.shape_cast %get3A_85 : vector<1x16xf32> to vector<16xf32>
      %get3A_87 = arith.index_cast %scan3A_45 : i32 to index
      %get3A_88 = arith.constant 32 : index
      %get3A_89 = tpu.vector_load %arg8[%get3A_87, %get3A_88] {strides = array<i32>} : memref<32x1024xf32, #tpu.memory_space<vmem>>, vector<1x16xf32>,
      %get3A_90 = vector.shape_cast %get3A_89 : vector<1x16xf32> to vector<16xf32>
      %add3A_91 = arith.addf %get3A_86, %get3A_90 : vector<16xf32>
      %get3A_92 = arith.index_cast %scan3A_45 : i32 to index
      %get3A_93 = arith.constant 32 : index
      %get3A_94 = tpu.vector_load %arg9[%get3A_92, %get3A_93] {strides = array<i32>} : memref<32x1024xf32, #tpu.memory_space<vmem>>, vector<1x16xf32>,
      %get3A_95 = vector.shape_cast %get3A_94 : vector<1x16xf32> to vector<16xf32>
      %add3A_96 = arith.addf %add3A_91, %get3A_95 : vector<16xf32>
      %swap3A_97 = arith.index_cast %scan3A_45 : i32 to index
      %swap3A_98 = arith.constant 32 : index
      %swap3A_99 = tpu.vector_load %arg7[%swap3A_97, %swap3A_98] {strides = array<i32>} : memref<32x1024xf32, #tpu.memory_space<vmem>>, vector<1x16xf32>,
      %swap3A_100 = vector.shape_cast %swap3A_99 : vector<1x16xf32> to vector<16xf32>
      %swap3A_101 = vector.shape_cast %add3A_96 : vector<16xf32> to vector<1x16xf32>
      tpu.vector_store %arg7[%swap3A_97, %swap3A_98], %swap3A_101 {strides = array<i32>} : memref<32x1024xf32, #tpu.memory_space<vmem>>, vector<1x16xf32>,
      %get3A_102 = arith.index_cast %scan3A_45 : i32 to index
      %get3A_103 = arith.constant 48 : index
      %get3A_104 = tpu.vector_load %arg7[%get3A_102, %get3A_103] {strides = array<i32>} : memref<32x1024xf32, #tpu.memory_space<vmem>>, vector<1x16xf32>,
      %get3A_105 = vector.shape_cast %get3A_104 : vector<1x16xf32> to vector<16xf32>
      %get3A_106 = arith.index_cast %scan3A_45 : i32 to index
      %get3A_107 = arith.constant 48 : index
      %get3A_108 = tpu.vector_load %arg8[%get3A_106, %get3A_107] {strides = array<i32>} : memref<32x1024xf32, #tpu.memory_space<vmem>>, vector<1x16xf32>,
      %get3A_109 = vector.shape_cast %get3A_108 : vector<1x16xf32> to vector<16xf32>
      %add3A_110 = arith.addf %get3A_105, %get3A_109 : vector<16xf32>
      %get3A_111 = arith.index_cast %scan3A_45 : i32 to index
      %get3A_112 = arith.constant 48 : index
      %get3A_113 = tpu.vector_load %arg9[%get3A_111, %get3A_112] {strides = array<i32>} : memref<32x1024xf32, #tpu.memory_space<vmem>>, vector<1x16xf32>,
      %get3A_114 = vector.shape_cast %get3A_113 : vector<1x16xf32> to vector<16xf32>
      %add3A_115 = arith.addf %add3A_110, %get3A_114 : vector<16xf32>
      %swap3A_116 = arith.index_cast %scan3A_45 : i32 to index
      %swap3A_117 = arith.constant 48 : index
      %swap3A_118 = tpu.vector_load %arg7[%swap3A_116, %swap3A_117] {strides = array<i32>} : memref<32x1024xf32, #tpu.memory_space<vmem>>, vector<1x16xf32>,
      %swap3A_119 = vector.shape_cast %swap3A_118 : vector<1x16xf32> to vector<16xf32>
      %swap3A_120 = vector.shape_cast %add3A_115 : vector<16xf32> to vector<1x16xf32>
      tpu.vector_store %arg7[%swap3A_116, %swap3A_117], %swap3A_120 {strides = array<i32>} : memref<32x1024xf32, #tpu.memory_space<vmem>>, vector<1x16xf32>,
      %get3A_121 = arith.index_cast %scan3A_45 : i32 to index
      %get3A_122 = arith.constant 64 : index
      %get3A_123 = tpu.vector_load %arg7[%get3A_121, %get3A_122] {strides = array<i32>} : memref<32x1024xf32, #tpu.memory_space<vmem>>, vector<1x16xf32>,
      %get3A_124 = vector.shape_cast %get3A_123 : vector<1x16xf32> to vector<16xf32>
      %get3A_125 = arith.index_cast %scan3A_45 : i32 to index
      %get3A_126 = arith.constant 64 : index
      %get3A_127 = tpu.vector_load %arg8[%get3A_125, %get3A_126] {strides = array<i32>} : memref<32x1024xf32, #tpu.memory_space<vmem>>, vector<1x16xf32>,
      %get3A_128 = vector.shape_cast %get3A_127 : vector<1x16xf32> to vector<16xf32>
      %add3A_129 = arith.addf %get3A_124, %get3A_128 : vector<16xf32>
      %get3A_130 = arith.index_cast %scan3A_45 : i32 to index
      %get3A_131 = arith.constant 64 : index
      %get3A_132 = tpu.vector_load %arg9[%get3A_130, %get3A_131] {strides = array<i32>} : memref<32x1024xf32, #tpu.memory_space<vmem>>, vector<1x16xf32>,
      %get3A_133 = vector.shape_cast %get3A_132 : vector<1x16xf32> to vector<16xf32>
      %add3A_134 = arith.addf %add3A_129, %get3A_133 : vector<16xf32>
      %swap3A_135 = arith.index_cast %scan3A_45 : i32 to index
      %swap3A_136 = arith.constant 64 : index
      %swap3A_137 = tpu.vector_load %arg7[%swap3A_135, %swap3A_136] {strides = array<i32>} : memref<32x1024xf32, #tpu.memory_space<vmem>>, vector<1x16xf32>,
      %swap3A_138 = vector.shape_cast %swap3A_137 : vector<1x16xf32> to vector<16xf32>
      %swap3A_139 = vector.shape_cast %add3A_134 : vector<16xf32> to vector<1x16xf32>
      tpu.vector_store %arg7[%swap3A_135, %swap3A_136], %swap3A_139 {strides = array<i32>} : memref<32x1024xf32, #tpu.memory_space<vmem>>, vector<1x16xf32>,
      %get3A_140 = arith.index_cast %scan3A_45 : i32 to index
      %get3A_141 = arith.constant 80 : index
      %get3A_142 = tpu.vector_load %arg7[%get3A_140, %get3A_141] {strides = array<i32>} : memref<32x1024xf32, #tpu.memory_space<vmem>>, vector<1x16xf32>,
      %get3A_143 = vector.shape_cast %get3A_142 : vector<1x16xf32> to vector<16xf32>
      %get3A_144 = arith.index_cast %scan3A_45 : i32 to index
      %get3A_145 = arith.constant 80 : index
      %get3A_146 = tpu.vector_load %arg8[%get3A_144, %get3A_145] {strides = array<i32>} : memref<32x1024xf32, #tpu.memory_space<vmem>>, vector<1x16xf32>,
      %get3A_147 = vector.shape_cast %get3A_146 : vector<1x16xf32> to vector<16xf32>
      %add3A_148 = arith.addf %get3A_143, %get3A_147 : vector<16xf32>
      %get3A_149 = arith.index_cast %scan3A_45 : i32 to index
      %get3A_150 = arith.constant 80 : index
      %get3A_151 = tpu.vector_load %arg9[%get3A_149, %get3A_150] {strides = array<i32>} : memref<32x1024xf32, #tpu.memory_space<vmem>>, vector<1x16xf32>,
      %get3A_152 = vector.shape_cast %get3A_151 : vector<1x16xf32> to vector<16xf32>
      %add3A_153 = arith.addf %add3A_148, %get3A_152 : vector<16xf32>
      %swap3A_154 = arith.index_cast %scan3A_45 : i32 to index
      %swap3A_155 = arith.constant 80 : index
      %swap3A_156 = tpu.vector_load %arg7[%swap3A_154, %swap3A_155] {strides = array<i32>} : memref<32x1024xf32, #tpu.memory_space<vmem>>, vector<1x16xf32>,
      %swap3A_157 = vector.shape_cast %swap3A_156 : vector<1x16xf32> to vector<16xf32>
      %swap3A_158 = vector.shape_cast %add3A_153 : vector<16xf32> to vector<1x16xf32>
      tpu.vector_store %arg7[%swap3A_154, %swap3A_155], %swap3A_158 {strides = array<i32>} : memref<32x1024xf32, #tpu.memory_space<vmem>>, vector<1x16xf32>,
      %get3A_159 = arith.index_cast %scan3A_45 : i32 to index
      %get3A_160 = arith.constant 96 : index
      %get3A_161 = tpu.vector_load %arg7[%get3A_159, %get3A_160] {strides = array<i32>} : memref<32x1024xf32, #tpu.memory_space<vmem>>, vector<1x16xf32>,
      %get3A_162 = vector.shape_cast %get3A_161 : vector<1x16xf32> to vector<16xf32>
      %get3A_163 = arith.index_cast %scan3A_45 : i32 to index
      %get3A_164 = arith.constant 96 : index
      %get3A_165 = tpu.vector_load %arg8[%get3A_163, %get3A_164] {strides = array<i32>} : memref<32x1024xf32, #tpu.memory_space<vmem>>, vector<1x16xf32>,
      %get3A_166 = vector.shape_cast %get3A_165 : vector<1x16xf32> to vector<16xf32>
      %add3A_167 = arith.addf %get3A_162, %get3A_166 : vector<16xf32>
      %get3A_168 = arith.index_cast %scan3A_45 : i32 to index
      %get3A_169 = arith.constant 96 : index
      %get3A_170 = tpu.vector_load %arg9[%get3A_168, %get3A_169] {strides = array<i32>} : memref<32x1024xf32, #tpu.memory_space<vmem>>, vector<1x16xf32>,
      %get3A_171 = vector.shape_cast %get3A_170 : vector<1x16xf32> to vector<16xf32>
      %add3A_172 = arith.addf %add3A_167, %get3A_171 : vector<16xf32>
      %swap3A_173 = arith.index_cast %scan3A_45 : i32 to index
      %swap3A_174 = arith.constant 96 : index
      %swap3A_175 = tpu.vector_load %arg7[%swap3A_173, %swap3A_174] {strides = array<i32>} : memref<32x1024xf32, #tpu.memory_space<vmem>>, vector<1x16xf32>,
      %swap3A_176 = vector.shape_cast %swap3A_175 : vector<1x16xf32> to vector<16xf32>
      %swap3A_177 = vector.shape_cast %add3A_172 : vector<16xf32> to vector<1x16xf32>
      tpu.vector_store %arg7[%swap3A_173, %swap3A_174], %swap3A_177 {strides = array<i32>} : memref<32x1024xf32, #tpu.memory_space<vmem>>, vector<1x16xf32>,
      %get3A_178 = arith.index_cast %scan3A_45 : i32 to index
      %get3A_179 = arith.constant 112 : index
      %get3A_180 = tpu.vector_load %arg7[%get3A_178, %get3A_179] {strides = array<i32>} : memref<32x1024xf32, #tpu.memory_space<vmem>>, vector<1x16xf32>,
      %get3A_181 = vector.shape_cast %get3A_180 : vector<1x16xf32> to vector<16xf32>
      %get3A_182 = arith.index_cast %scan3A_45 : i32 to index
      %get3A_183 = arith.constant 112 : index
      %get3A_184 = tpu.vector_load %arg8[%get3A_182, %get3A_183] {strides = array<i32>} : memref<32x1024xf32, #tpu.memory_space<vmem>>, vector<1x16xf32>,
      %get3A_185 = vector.shape_cast %get3A_184 : vector<1x16xf32> to vector<16xf32>
      %add3A_186 = arith.addf %get3A_181, %get3A_185 : vector<16xf32>
      %get3A_187 = arith.index_cast %scan3A_45 : i32 to index
      %get3A_188 = arith.constant 112 : index
      %get3A_189 = tpu.vector_load %arg9[%get3A_187, %get3A_188] {strides = array<i32>} : memref<32x1024xf32, #tpu.memory_space<vmem>>, vector<1x16xf32>,
      %get3A_190 = vector.shape_cast %get3A_189 : vector<1x16xf32> to vector<16xf32>
      %add3A_191 = arith.addf %add3A_186, %get3A_190 : vector<16xf32>
      %swap3A_192 = arith.index_cast %scan3A_45 : i32 to index
      %swap3A_193 = arith.constant 112 : index
      %swap3A_194 = tpu.vector_load %arg7[%swap3A_192, %swap3A_193] {strides = array<i32>} : memref<32x1024xf32, #tpu.memory_space<vmem>>, vector<1x16xf32>,
      %swap3A_195 = vector.shape_cast %swap3A_194 : vector<1x16xf32> to vector<16xf32>
      %swap3A_196 = vector.shape_cast %add3A_191 : vector<16xf32> to vector<1x16xf32>
      tpu.vector_store %arg7[%swap3A_192, %swap3A_193], %swap3A_196 {strides = array<i32>} : memref<32x1024xf32, #tpu.memory_space<vmem>>, vector<1x16xf32>,
      %get3A_197 = arith.index_cast %scan3A_45 : i32 to index
      %get3A_198 = arith.constant 128 : index
      %get3A_199 = tpu.vector_load %arg7[%get3A_197, %get3A_198] {strides = array<i32>} : memref<32x1024xf32, #tpu.memory_space<vmem>>, vector<1x16xf32>,
      %get3A_200 = vector.shape_cast %get3A_199 : vector<1x16xf32> to vector<16xf32>
      %get3A_201 = arith.index_cast %scan3A_45 : i32 to index
      %get3A_202 = arith.constant 128 : index
      %get3A_203 = tpu.vector_load %arg8[%get3A_201, %get3A_202] {strides = array<i32>} : memref<32x1024xf32, #tpu.memory_space<vmem>>, vector<1x16xf32>,
      %get3A_204 = vector.shape_cast %get3A_203 : vector<1x16xf32> to vector<16xf32>
      %add3A_205 = arith.addf %get3A_200, %get3A_204 : vector<16xf32>
      %get3A_206 = arith.index_cast %scan3A_45 : i32 to index
      %get3A_207 = arith.constant 128 : index
      %get3A_208 = tpu.vector_load %arg9[%get3A_206, %get3A_207] {strides = array<i32>} : memref<32x1024xf32, #tpu.memory_space<vmem>>, vector<1x16xf32>,
      %get3A_209 = vector.shape_cast %get3A_208 : vector<1x16xf32> to vector<16xf32>
      %add3A_210 = arith.addf %add3A_205, %get3A_209 : vector<16xf32>
      %swap3A_211 = arith.index_cast %scan3A_45 : i32 to index
      %swap3A_212 = arith.constant 128 : index
      %swap3A_213 = tpu.vector_load %arg7[%swap3A_211, %swap3A_212] {strides = array<i32>} : memref<32x1024xf32, #tpu.memory_space<vmem>>, vector<1x16xf32>,
      %swap3A_214 = vector.shape_cast %swap3A_213 : vector<1x16xf32> to vector<16xf32>
      %swap3A_215 = vector.shape_cast %add3A_210 : vector<16xf32> to vector<1x16xf32>
      tpu.vector_store %arg7[%swap3A_211, %swap3A_212], %swap3A_215 {strides = array<i32>} : memref<32x1024xf32, #tpu.memory_space<vmem>>, vector<1x16xf32>,
      %get3A_216 = arith.index_cast %scan3A_45 : i32 to index
      %get3A_217 = arith.constant 144 : index
      %get3A_218 = tpu.vector_load %arg7[%get3A_216, %get3A_217] {strides = array<i32>} : memref<32x1024xf32, #tpu.memory_space<vmem>>, vector<1x16xf32>,
      %get3A_219 = vector.shape_cast %get3A_218 : vector<1x16xf32> to vector<16xf32>
      %get3A_220 = arith.index_cast %scan3A_45 : i32 to index
      %get3A_221 = arith.constant 144 : index
      %get3A_222 = tpu.vector_load %arg8[%get3A_220, %get3A_221] {strides = array<i32>} : memref<32x1024xf32, #tpu.memory_space<vmem>>, vector<1x16xf32>,
      %get3A_223 = vector.shape_cast %get3A_222 : vector<1x16xf32> to vector<16xf32>
      %add3A_224 = arith.addf %get3A_219, %get3A_223 : vector<16xf32>
      %get3A_225 = arith.index_cast %scan3A_45 : i32 to index
      %get3A_226 = arith.constant 144 : index
      %get3A_227 = tpu.vector_load %arg9[%get3A_225, %get3A_226] {strides = array<i32>} : memref<32x1024xf32, #tpu.memory_space<vmem>>, vector<1x16xf32>,
      %get3A_228 = vector.shape_cast %get3A_227 : vector<1x16xf32> to vector<16xf32>
      %add3A_229 = arith.addf %add3A_224, %get3A_228 : vector<16xf32>
      %swap3A_230 = arith.index_cast %scan3A_45 : i32 to index
      %swap3A_231 = arith.constant 144 : index
      %swap3A_232 = tpu.vector_load %arg7[%swap3A_230, %swap3A_231] {strides = array<i32>} : memref<32x1024xf32, #tpu.memory_space<vmem>>, vector<1x16xf32>,
      %swap3A_233 = vector.shape_cast %swap3A_232 : vector<1x16xf32> to vector<16xf32>
      %swap3A_234 = vector.shape_cast %add3A_229 : vector<16xf32> to vector<1x16xf32>
      tpu.vector_store %arg7[%swap3A_230, %swap3A_231], %swap3A_234 {strides = array<i32>} : memref<32x1024xf32, #tpu.memory_space<vmem>>, vector<1x16xf32>,
      %get3A_235 = arith.index_cast %scan3A_45 : i32 to index
      %get3A_236 = arith.constant 160 : index
      %get3A_237 = tpu.vector_load %arg7[%get3A_235, %get3A_236] {strides = array<i32>} : memref<32x1024xf32, #tpu.memory_space<vmem>>, vector<1x16xf32>,
      %get3A_238 = vector.shape_cast %get3A_237 : vector<1x16xf32> to vector<16xf32>
      %get3A_239 = arith.index_cast %scan3A_45 : i32 to index
      %get3A_240 = arith.constant 160 : index
      %get3A_241 = tpu.vector_load %arg8[%get3A_239, %get3A_240] {strides = array<i32>} : memref<32x1024xf32, #tpu.memory_space<vmem>>, vector<1x16xf32>,
      %get3A_242 = vector.shape_cast %get3A_241 : vector<1x16xf32> to vector<16xf32>
      %add3A_243 = arith.addf %get3A_238, %get3A_242 : vector<16xf32>
      %get3A_244 = arith.index_cast %scan3A_45 : i32 to index
      %get3A_245 = arith.constant 160 : index
      %get3A_246 = tpu.vector_load %arg9[%get3A_244, %get3A_245] {strides = array<i32>} : memref<32x1024xf32, #tpu.memory_space<vmem>>, vector<1x16xf32>,
      %get3A_247 = vector.shape_cast %get3A_246 : vector<1x16xf32> to vector<16xf32>
      %add3A_248 = arith.addf %add3A_243, %get3A_247 : vector<16xf32>
      %swap3A_249 = arith.index_cast %scan3A_45 : i32 to index
      %swap3A_250 = arith.constant 160 : index
      %swap3A_251 = tpu.vector_load %arg7[%swap3A_249, %swap3A_250] {strides = array<i32>} : memref<32x1024xf32, #tpu.memory_space<vmem>>, vector<1x16xf32>,
      %swap3A_252 = vector.shape_cast %swap3A_251 : vector<1x16xf32> to vector<16xf32>
      %swap3A_253 = vector.shape_cast %add3A_248 : vector<16xf32> to vector<1x16xf32>
      tpu.vector_store %arg7[%swap3A_249, %swap3A_250], %swap3A_253 {strides = array<i32>} : memref<32x1024xf32, #tpu.memory_space<vmem>>, vector<1x16xf32>,
      %get3A_254 = arith.index_cast %scan3A_45 : i32 to index
      %get3A_255 = arith.constant 176 : index
      %get3A_256 = tpu.vector_load %arg7[%get3A_254, %get3A_255] {strides = array<i32>} : memref<32x1024xf32, #tpu.memory_space<vmem>>, vector<1x16xf32>,
      %get3A_257 = vector.shape_cast %get3A_256 : vector<1x16xf32> to vector<16xf32>
      %get3A_258 = arith.index_cast %scan3A_45 : i32 to index
      %get3A_259 = arith.constant 176 : index
      %get3A_260 = tpu.vector_load %arg8[%get3A_258, %get3A_259] {strides = array<i32>} : memref<32x1024xf32, #tpu.memory_space<vmem>>, vector<1x16xf32>,
      %get3A_261 = vector.shape_cast %get3A_260 : vector<1x16xf32> to vector<16xf32>
      %add3A_262 = arith.addf %get3A_257, %get3A_261 : vector<16xf32>
      %get3A_263 = arith.index_cast %scan3A_45 : i32 to index
      %get3A_264 = arith.constant 176 : index
      %get3A_265 = tpu.vector_load %arg9[%get3A_263, %get3A_264] {strides = array<i32>} : memref<32x1024xf32, #tpu.memory_space<vmem>>, vector<1x16xf32>,
      %get3A_266 = vector.shape_cast %get3A_265 : vector<1x16xf32> to vector<16xf32>
      %add3A_267 = arith.addf %add3A_262, %get3A_266 : vector<16xf32>
      %swap3A_268 = arith.index_cast %scan3A_45 : i32 to index
      %swap3A_269 = arith.constant 176 : index
      %swap3A_270 = tpu.vector_load %arg7[%swap3A_268, %swap3A_269] {strides = array<i32>} : memref<32x1024xf32, #tpu.memory_space<vmem>>, vector<1x16xf32>,
      %swap3A_271 = vector.shape_cast %swap3A_270 : vector<1x16xf32> to vector<16xf32>
      %swap3A_272 = vector.shape_cast %add3A_267 : vector<16xf32> to vector<1x16xf32>
      tpu.vector_store %arg7[%swap3A_268, %swap3A_269], %swap3A_272 {strides = array<i32>} : memref<32x1024xf32, #tpu.memory_space<vmem>>, vector<1x16xf32>,
      %get3A_273 = arith.index_cast %scan3A_45 : i32 to index
      %get3A_274 = arith.constant 192 : index
      %get3A_275 = tpu.vector_load %arg7[%get3A_273, %get3A_274] {strides = array<i32>} : memref<32x1024xf32, #tpu.memory_space<vmem>>, vector<1x16xf32>,
      %get3A_276 = vector.shape_cast %get3A_275 : vector<1x16xf32> to vector<16xf32>
      %get3A_277 = arith.index_cast %scan3A_45 : i32 to index
      %get3A_278 = arith.constant 192 : index
      %get3A_279 = tpu.vector_load %arg8[%get3A_277, %get3A_278] {strides = array<i32>} : memref<32x1024xf32, #tpu.memory_space<vmem>>, vector<1x16xf32>,
      %get3A_280 = vector.shape_cast %get3A_279 : vector<1x16xf32> to vector<16xf32>
      %add3A_281 = arith.addf %get3A_276, %get3A_280 : vector<16xf32>
      %get3A_282 = arith.index_cast %scan3A_45 : i32 to index
      %get3A_283 = arith.constant 192 : index
      %get3A_284 = tpu.vector_load %arg9[%get3A_282, %get3A_283] {strides = array<i32>} : memref<32x1024xf32, #tpu.memory_space<vmem>>, vector<1x16xf32>,
      %get3A_285 = vector.shape_cast %get3A_284 : vector<1x16xf32> to vector<16xf32>
      %add3A_286 = arith.addf %add3A_281, %get3A_285 : vector<16xf32>
      %swap3A_287 = arith.index_cast %scan3A_45 : i32 to index
      %swap3A_288 = arith.constant 192 : index
      %swap3A_289 = tpu.vector_load %arg7[%swap3A_287, %swap3A_288] {strides = array<i32>} : memref<32x1024xf32, #tpu.memory_space<vmem>>, vector<1x16xf32>,
      %swap3A_290 = vector.shape_cast %swap3A_289 : vector<1x16xf32> to vector<16xf32>
      %swap3A_291 = vector.shape_cast %add3A_286 : vector<16xf32> to vector<1x16xf32>
      tpu.vector_store %arg7[%swap3A_287, %swap3A_288], %swap3A_291 {strides = array<i32>} : memref<32x1024xf32, #tpu.memory_space<vmem>>, vector<1x16xf32>,
      %get3A_292 = arith.index_cast %scan3A_45 : i32 to index
      %get3A_293 = arith.constant 208 : index
      %get3A_294 = tpu.vector_load %arg7[%get3A_292, %get3A_293] {strides = array<i32>} : memref<32x1024xf32, #tpu.memory_space<vmem>>, vector<1x16xf32>,
      %get3A_295 = vector.shape_cast %get3A_294 : vector<1x16xf32> to vector<16xf32>
      %get3A_296 = arith.index_cast %scan3A_45 : i32 to index
      %get3A_297 = arith.constant 208 : index
      %get3A_298 = tpu.vector_load %arg8[%get3A_296, %get3A_297] {strides = array<i32>} : memref<32x1024xf32, #tpu.memory_space<vmem>>, vector<1x16xf32>,
      %get3A_299 = vector.shape_cast %get3A_298 : vector<1x16xf32> to vector<16xf32>
      %add3A_300 = arith.addf %get3A_295, %get3A_299 : vector<16xf32>
      %get3A_301 = arith.index_cast %scan3A_45 : i32 to index
      %get3A_302 = arith.constant 208 : index
      %get3A_303 = tpu.vector_load %arg9[%get3A_301, %get3A_302] {strides = array<i32>} : memref<32x1024xf32, #tpu.memory_space<vmem>>, vector<1x16xf32>,
      %get3A_304 = vector.shape_cast %get3A_303 : vector<1x16xf32> to vector<16xf32>
      %add3A_305 = arith.addf %add3A_300, %get3A_304 : vector<16xf32>
      %swap3A_306 = arith.index_cast %scan3A_45 : i32 to index
      %swap3A_307 = arith.constant 208 : index
      %swap3A_308 = tpu.vector_load %arg7[%swap3A_306, %swap3A_307] {strides = array<i32>} : memref<32x1024xf32, #tpu.memory_space<vmem>>, vector<1x16xf32>,
      %swap3A_309 = vector.shape_cast %swap3A_308 : vector<1x16xf32> to vector<16xf32>
      %swap3A_310 = vector.shape_cast %add3A_305 : vector<16xf32> to vector<1x16xf32>
      tpu.vector_store %arg7[%swap3A_306, %swap3A_307], %swap3A_310 {strides = array<i32>} : memref<32x1024xf32, #tpu.memory_space<vmem>>, vector<1x16xf32>,
      %get3A_311 = arith.index_cast %scan3A_45 : i32 to index
      %get3A_312 = arith.constant 224 : index
      %get3A_313 = tpu.vector_load %arg7[%get3A_311, %get3A_312] {strides = array<i32>} : memref<32x1024xf32, #tpu.memory_space<vmem>>, vector<1x16xf32>,
      %get3A_314 = vector.shape_cast %get3A_313 : vector<1x16xf32> to vector<16xf32>
      %get3A_315 = arith.index_cast %scan3A_45 : i32 to index
      %get3A_316 = arith.constant 224 : index
      %get3A_317 = tpu.vector_load %arg8[%get3A_315, %get3A_316] {strides = array<i32>} : memref<32x1024xf32, #tpu.memory_space<vmem>>, vector<1x16xf32>,
      %get3A_318 = vector.shape_cast %get3A_317 : vector<1x16xf32> to vector<16xf32>
      %add3A_319 = arith.addf %get3A_314, %get3A_318 : vector<16xf32>
      %get3A_320 = arith.index_cast %scan3A_45 : i32 to index
      %get3A_321 = arith.constant 224 : index
      %get3A_322 = tpu.vector_load %arg9[%get3A_320, %get3A_321] {strides = array<i32>} : memref<32x1024xf32, #tpu.memory_space<vmem>>, vector<1x16xf32>,
      %get3A_323 = vector.shape_cast %get3A_322 : vector<1x16xf32> to vector<16xf32>
      %add3A_324 = arith.addf %add3A_319, %get3A_323 : vector<16xf32>
      %swap3A_325 = arith.index_cast %scan3A_45 : i32 to index
      %swap3A_326 = arith.constant 224 : index
      %swap3A_327 = tpu.vector_load %arg7[%swap3A_325, %swap3A_326] {strides = array<i32>} : memref<32x1024xf32, #tpu.memory_space<vmem>>, vector<1x16xf32>,
      %swap3A_328 = vector.shape_cast %swap3A_327 : vector<1x16xf32> to vector<16xf32>
      %swap3A_329 = vector.shape_cast %add3A_324 : vector<16xf32> to vector<1x16xf32>
      tpu.vector_store %arg7[%swap3A_325, %swap3A_326], %swap3A_329 {strides = array<i32>} : memref<32x1024xf32, #tpu.memory_space<vmem>>, vector<1x16xf32>,
      %get3A_330 = arith.index_cast %scan3A_45 : i32 to index
      %get3A_331 = arith.constant 240 : index
      %get3A_332 = tpu.vector_load %arg7[%get3A_330, %get3A_331] {strides = array<i32>} : memref<32x1024xf32, #tpu.memory_space<vmem>>, vector<1x16xf32>,
      %get3A_333 = vector.shape_cast %get3A_332 : vector<1x16xf32> to vector<16xf32>
      %get3A_334 = arith.index_cast %scan3A_45 : i32 to index
      %get3A_335 = arith.constant 240 : index
      %get3A_336 = tpu.vector_load %arg8[%get3A_334, %get3A_335] {strides = array<i32>} : memref<32x1024xf32, #tpu.memory_space<vmem>>, vector<1x16xf32>,
      %get3A_337 = vector.shape_cast %get3A_336 : vector<1x16xf32> to vector<16xf32>
      %add3A_338 = arith.addf %get3A_333, %get3A_337 : vector<16xf32>
      %get3A_339 = arith.index_cast %scan3A_45 : i32 to index
      %get3A_340 = arith.constant 240 : index
      %get3A_341 = tpu.vector_load %arg9[%get3A_339, %get3A_340] {strides = array<i32>} : memref<32x1024xf32, #tpu.memory_space<vmem>>, vector<1x16xf32>,
      %get3A_342 = vector.shape_cast %get3A_341 : vector<1x16xf32> to vector<16xf32>
      %add3A_343 = arith.addf %add3A_338, %get3A_342 : vector<16xf32>
      %swap3A_344 = arith.index_cast %scan3A_45 : i32 to index
      %swap3A_345 = arith.constant 240 : index
      %swap3A_346 = tpu.vector_load %arg7[%swap3A_344, %swap3A_345] {strides = array<i32>} : memref<32x1024xf32, #tpu.memory_space<vmem>>, vector<1x16xf32>,
      %swap3A_347 = vector.shape_cast %swap3A_346 : vector<1x16xf32> to vector<16xf32>
      %swap3A_348 = vector.shape_cast %add3A_343 : vector<16xf32> to vector<1x16xf32>
      tpu.vector_store %arg7[%swap3A_344, %swap3A_345], %swap3A_348 {strides = array<i32>} : memref<32x1024xf32, #tpu.memory_space<vmem>>, vector<1x16xf32>,
      %get3A_349 = arith.index_cast %scan3A_45 : i32 to index
      %get3A_350 = arith.constant 256 : index
      %get3A_351 = tpu.vector_load %arg7[%get3A_349, %get3A_350] {strides = array<i32>} : memref<32x1024xf32, #tpu.memory_space<vmem>>, vector<1x16xf32>,
      %get3A_352 = vector.shape_cast %get3A_351 : vector<1x16xf32> to vector<16xf32>
      %get3A_353 = arith.index_cast %scan3A_45 : i32 to index
      %get3A_354 = arith.constant 256 : index
      %get3A_355 = tpu.vector_load %arg8[%get3A_353, %get3A_354] {strides = array<i32>} : memref<32x1024xf32, #tpu.memory_space<vmem>>, vector<1x16xf32>,
      %get3A_356 = vector.shape_cast %get3A_355 : vector<1x16xf32> to vector<16xf32>
      %add3A_357 = arith.addf %get3A_352, %get3A_356 : vector<16xf32>
      %get3A_358 = arith.index_cast %scan3A_45 : i32 to index
      %get3A_359 = arith.constant 256 : index
      %get3A_360 = tpu.vector_load %arg9[%get3A_358, %get3A_359] {strides = array<i32>} : memref<32x1024xf32, #tpu.memory_space<vmem>>, vector<1x16xf32>,
      %get3A_361 = vector.shape_cast %get3A_360 : vector<1x16xf32> to vector<16xf32>
      %add3A_362 = arith.addf %add3A_357, %get3A_361 : vector<16xf32>
      %swap3A_363 = arith.index_cast %scan3A_45 : i32 to index
      %swap3A_364 = arith.constant 256 : index
      %swap3A_365 = tpu.vector_load %arg7[%swap3A_363, %swap3A_364] {strides = array<i32>} : memref<32x1024xf32, #tpu.memory_space<vmem>>, vector<1x16xf32>,
      %swap3A_366 = vector.shape_cast %swap3A_365 : vector<1x16xf32> to vector<16xf32>
      %swap3A_367 = vector.shape_cast %add3A_362 : vector<16xf32> to vector<1x16xf32>
      tpu.vector_store %arg7[%swap3A_363, %swap3A_364], %swap3A_367 {strides = array<i32>} : memref<32x1024xf32, #tpu.memory_space<vmem>>, vector<1x16xf32>,
      %get3A_368 = arith.index_cast %scan3A_45 : i32 to index
      %get3A_369 = arith.constant 272 : index
      %get3A_370 = tpu.vector_load %arg7[%get3A_368, %get3A_369] {strides = array<i32>} : memref<32x1024xf32, #tpu.memory_space<vmem>>, vector<1x16xf32>,
      %get3A_371 = vector.shape_cast %get3A_370 : vector<1x16xf32> to vector<16xf32>
      %get3A_372 = arith.index_cast %scan3A_45 : i32 to index
      %get3A_373 = arith.constant 272 : index
      %get3A_374 = tpu.vector_load %arg8[%get3A_372, %get3A_373] {strides = array<i32>} : memref<32x1024xf32, #tpu.memory_space<vmem>>, vector<1x16xf32>,
      %get3A_375 = vector.shape_cast %get3A_374 : vector<1x16xf32> to vector<16xf32>
      %add3A_376 = arith.addf %get3A_371, %get3A_375 : vector<16xf32>
      %get3A_377 = arith.index_cast %scan3A_45 : i32 to index
      %get3A_378 = arith.constant 272 : index
      %get3A_379 = tpu.vector_load %arg9[%get3A_377, %get3A_378] {strides = array<i32>} : memref<32x1024xf32, #tpu.memory_space<vmem>>, vector<1x16xf32>,
      %get3A_380 = vector.shape_cast %get3A_379 : vector<1x16xf32> to vector<16xf32>
      %add3A_381 = arith.addf %add3A_376, %get3A_380 : vector<16xf32>
      %swap3A_382 = arith.index_cast %scan3A_45 : i32 to index
      %swap3A_383 = arith.constant 272 : index
      %swap3A_384 = tpu.vector_load %arg7[%swap3A_382, %swap3A_383] {strides = array<i32>} : memref<32x1024xf32, #tpu.memory_space<vmem>>, vector<1x16xf32>,
      %swap3A_385 = vector.shape_cast %swap3A_384 : vector<1x16xf32> to vector<16xf32>
      %swap3A_386 = vector.shape_cast %add3A_381 : vector<16xf32> to vector<1x16xf32>
      tpu.vector_store %arg7[%swap3A_382, %swap3A_383], %swap3A_386 {strides = array<i32>} : memref<32x1024xf32, #tpu.memory_space<vmem>>, vector<1x16xf32>,
      %get3A_387 = arith.index_cast %scan3A_45 : i32 to index
      %get3A_388 = arith.constant 288 : index
      %get3A_389 = tpu.vector_load %arg7[%get3A_387, %get3A_388] {strides = array<i32>} : memref<32x1024xf32, #tpu.memory_space<vmem>>, vector<1x16xf32>,
      %get3A_390 = vector.shape_cast %get3A_389 : vector<1x16xf32> to vector<16xf32>
      %get3A_391 = arith.index_cast %scan3A_45 : i32 to index
      %get3A_392 = arith.constant 288 : index
      %get3A_393 = tpu.vector_load %arg8[%get3A_391, %get3A_392] {strides = array<i32>} : memref<32x1024xf32, #tpu.memory_space<vmem>>, vector<1x16xf32>,
      %get3A_394 = vector.shape_cast %get3A_393 : vector<1x16xf32> to vector<16xf32>
      %add3A_395 = arith.addf %get3A_390, %get3A_394 : vector<16xf32>
      %get3A_396 = arith.index_cast %scan3A_45 : i32 to index
      %get3A_397 = arith.constant 288 : index
      %get3A_398 = tpu.vector_load %arg9[%get3A_396, %get3A_397] {strides = array<i32>} : memref<32x1024xf32, #tpu.memory_space<vmem>>, vector<1x16xf32>,
      %get3A_399 = vector.shape_cast %get3A_398 : vector<1x16xf32> to vector<16xf32>
      %add3A_400 = arith.addf %add3A_395, %get3A_399 : vector<16xf32>
      %swap3A_401 = arith.index_cast %scan3A_45 : i32 to index
      %swap3A_402 = arith.constant 288 : index
      %swap3A_403 = tpu.vector_load %arg7[%swap3A_401, %swap3A_402] {strides = array<i32>} : memref<32x1024xf32, #tpu.memory_space<vmem>>, vector<1x16xf32>,
      %swap3A_404 = vector.shape_cast %swap3A_403 : vector<1x16xf32> to vector<16xf32>
      %swap3A_405 = vector.shape_cast %add3A_400 : vector<16xf32> to vector<1x16xf32>
      tpu.vector_store %arg7[%swap3A_401, %swap3A_402], %swap3A_405 {strides = array<i32>} : memref<32x1024xf32, #tpu.memory_space<vmem>>, vector<1x16xf32>,
      %get3A_406 = arith.index_cast %scan3A_45 : i32 to index
      %get3A_407 = arith.constant 304 : index
      %get3A_408 = tpu.vector_load %arg7[%get3A_406, %get3A_407] {strides = array<i32>} : memref<32x1024xf32, #tpu.memory_space<vmem>>, vector<1x16xf32>,
      %get3A_409 = vector.shape_cast %get3A_408 : vector<1x16xf32> to vector<16xf32>
      %get3A_410 = arith.index_cast %scan3A_45 : i32 to index
      %get3A_411 = arith.constant 304 : index
      %get3A_412 = tpu.vector_load %arg8[%get3A_410, %get3A_411] {strides = array<i32>} : memref<32x1024xf32, #tpu.memory_space<vmem>>, vector<1x16xf32>,
      %get3A_413 = vector.shape_cast %get3A_412 : vector<1x16xf32> to vector<16xf32>
      %add3A_414 = arith.addf %get3A_409, %get3A_413 : vector<16xf32>
      %get3A_415 = arith.index_cast %scan3A_45 : i32 to index
      %get3A_416 = arith.constant 304 : index
      %get3A_417 = tpu.vector_load %arg9[%get3A_415, %get3A_416] {strides = array<i32>} : memref<32x1024xf32, #tpu.memory_space<vmem>>, vector<1x16xf32>,
      %get3A_418 = vector.shape_cast %get3A_417 : vector<1x16xf32> to vector<16xf32>
      %add3A_419 = arith.addf %add3A_414, %get3A_418 : vector<16xf32>
      %swap3A_420 = arith.index_cast %scan3A_45 : i32 to index
      %swap3A_421 = arith.constant 304 : index
      %swap3A_422 = tpu.vector_load %arg7[%swap3A_420, %swap3A_421] {strides = array<i32>} : memref<32x1024xf32, #tpu.memory_space<vmem>>, vector<1x16xf32>,
      %swap3A_423 = vector.shape_cast %swap3A_422 : vector<1x16xf32> to vector<16xf32>
      %swap3A_424 = vector.shape_cast %add3A_419 : vector<16xf32> to vector<1x16xf32>
      tpu.vector_store %arg7[%swap3A_420, %swap3A_421], %swap3A_424 {strides = array<i32>} : memref<32x1024xf32, #tpu.memory_space<vmem>>, vector<1x16xf32>,
      %get3A_425 = arith.index_cast %scan3A_45 : i32 to index
      %get3A_426 = arith.constant 320 : index
      %get3A_427 = tpu.vector_load %arg7[%get3A_425, %get3A_426] {strides = array<i32>} : memref<32x1024xf32, #tpu.memory_space<vmem>>, vector<1x16xf32>,
      %get3A_428 = vector.shape_cast %get3A_427 : vector<1x16xf32> to vector<16xf32>
      %get3A_429 = arith.index_cast %scan3A_45 : i32 to index
      %get3A_430 = arith.constant 320 : index
      %get3A_431 = tpu.vector_load %arg8[%get3A_429, %get3A_430] {strides = array<i32>} : memref<32x1024xf32, #tpu.memory_space<vmem>>, vector<1x16xf32>,
      %get3A_432 = vector.shape_cast %get3A_431 : vector<1x16xf32> to vector<16xf32>
      %add3A_433 = arith.addf %get3A_428, %get3A_432 : vector<16xf32>
      %get3A_434 = arith.index_cast %scan3A_45 : i32 to index
      %get3A_435 = arith.constant 320 : index
      %get3A_436 = tpu.vector_load %arg9[%get3A_434, %get3A_435] {strides = array<i32>} : memref<32x1024xf32, #tpu.memory_space<vmem>>, vector<1x16xf32>,
      %get3A_437 = vector.shape_cast %get3A_436 : vector<1x16xf32> to vector<16xf32>
      %add3A_438 = arith.addf %add3A_433, %get3A_437 : vector<16xf32>
      %swap3A_439 = arith.index_cast %scan3A_45 : i32 to index
      %swap3A_440 = arith.constant 320 : index
      %swap3A_441 = tpu.vector_load %arg7[%swap3A_439, %swap3A_440] {strides = array<i32>} : memref<32x1024xf32, #tpu.memory_space<vmem>>, vector<1x16xf32>,
      %swap3A_442 = vector.shape_cast %swap3A_441 : vector<1x16xf32> to vector<16xf32>
      %swap3A_443 = vector.shape_cast %add3A_438 : vector<16xf32> to vector<1x16xf32>
      tpu.vector_store %arg7[%swap3A_439, %swap3A_440], %swap3A_443 {strides = array<i32>} : memref<32x1024xf32, #tpu.memory_space<vmem>>, vector<1x16xf32>,
      %get3A_444 = arith.index_cast %scan3A_45 : i32 to index
      %get3A_445 = arith.constant 336 : index
      %get3A_446 = tpu.vector_load %arg7[%get3A_444, %get3A_445] {strides = array<i32>} : memref<32x1024xf32, #tpu.memory_space<vmem>>, vector<1x16xf32>,
      %get3A_447 = vector.shape_cast %get3A_446 : vector<1x16xf32> to vector<16xf32>
      %get3A_448 = arith.index_cast %scan3A_45 : i32 to index
      %get3A_449 = arith.constant 336 : index
      %get3A_450 = tpu.vector_load %arg8[%get3A_448, %get3A_449] {strides = array<i32>} : memref<32x1024xf32, #tpu.memory_space<vmem>>, vector<1x16xf32>,
      %get3A_451 = vector.shape_cast %get3A_450 : vector<1x16xf32> to vector<16xf32>
      %add3A_452 = arith.addf %get3A_447, %get3A_451 : vector<16xf32>
      %get3A_453 = arith.index_cast %scan3A_45 : i32 to index
      %get3A_454 = arith.constant 336 : index
      %get3A_455 = tpu.vector_load %arg9[%get3A_453, %get3A_454] {strides = array<i32>} : memref<32x1024xf32, #tpu.memory_space<vmem>>, vector<1x16xf32>,
      %get3A_456 = vector.shape_cast %get3A_455 : vector<1x16xf32> to vector<16xf32>
      %add3A_457 = arith.addf %add3A_452, %get3A_456 : vector<16xf32>
      %swap3A_458 = arith.index_cast %scan3A_45 : i32 to index
      %swap3A_459 = arith.constant 336 : index
      %swap3A_460 = tpu.vector_load %arg7[%swap3A_458, %swap3A_459] {strides = array<i32>} : memref<32x1024xf32, #tpu.memory_space<vmem>>, vector<1x16xf32>,
      %swap3A_461 = vector.shape_cast %swap3A_460 : vector<1x16xf32> to vector<16xf32>
      %swap3A_462 = vector.shape_cast %add3A_457 : vector<16xf32> to vector<1x16xf32>
      tpu.vector_store %arg7[%swap3A_458, %swap3A_459], %swap3A_462 {strides = array<i32>} : memref<32x1024xf32, #tpu.memory_space<vmem>>, vector<1x16xf32>,
      %get3A_463 = arith.index_cast %scan3A_45 : i32 to index
      %get3A_464 = arith.constant 352 : index
      %get3A_465 = tpu.vector_load %arg7[%get3A_463, %get3A_464] {strides = array<i32>} : memref<32x1024xf32, #tpu.memory_space<vmem>>, vector<1x16xf32>,
      %get3A_466 = vector.shape_cast %get3A_465 : vector<1x16xf32> to vector<16xf32>
      %get3A_467 = arith.index_cast %scan3A_45 : i32 to index
      %get3A_468 = arith.constant 352 : index
      %get3A_469 = tpu.vector_load %arg8[%get3A_467, %get3A_468] {strides = array<i32>} : memref<32x1024xf32, #tpu.memory_space<vmem>>, vector<1x16xf32>,
      %get3A_470 = vector.shape_cast %get3A_469 : vector<1x16xf32> to vector<16xf32>
      %add3A_471 = arith.addf %get3A_466, %get3A_470 : vector<16xf32>
      %get3A_472 = arith.index_cast %scan3A_45 : i32 to index
      %get3A_473 = arith.constant 352 : index
      %get3A_474 = tpu.vector_load %arg9[%get3A_472, %get3A_473] {strides = array<i32>} : memref<32x1024xf32, #tpu.memory_space<vmem>>, vector<1x16xf32>,
      %get3A_475 = vector.shape_cast %get3A_474 : vector<1x16xf32> to vector<16xf32>
      %add3A_476 = arith.addf %add3A_471, %get3A_475 : vector<16xf32>
      %swap3A_477 = arith.index_cast %scan3A_45 : i32 to index
      %swap3A_478 = arith.constant 352 : index
      %swap3A_479 = tpu.vector_load %arg7[%swap3A_477, %swap3A_478] {strides = array<i32>} : memref<32x1024xf32, #tpu.memory_space<vmem>>, vector<1x16xf32>,
      %swap3A_480 = vector.shape_cast %swap3A_479 : vector<1x16xf32> to vector<16xf32>
      %swap3A_481 = vector.shape_cast %add3A_476 : vector<16xf32> to vector<1x16xf32>
      tpu.vector_store %arg7[%swap3A_477, %swap3A_478], %swap3A_481 {strides = array<i32>} : memref<32x1024xf32, #tpu.memory_space<vmem>>, vector<1x16xf32>,
      %get3A_482 = arith.index_cast %scan3A_45 : i32 to index
      %get3A_483 = arith.constant 368 : index
      %get3A_484 = tpu.vector_load %arg7[%get3A_482, %get3A_483] {strides = array<i32>} : memref<32x1024xf32, #tpu.memory_space<vmem>>, vector<1x16xf32>,
      %get3A_485 = vector.shape_cast %get3A_484 : vector<1x16xf32> to vector<16xf32>
      %get3A_486 = arith.index_cast %scan3A_45 : i32 to index
      %get3A_487 = arith.constant 368 : index
      %get3A_488 = tpu.vector_load %arg8[%get3A_486, %get3A_487] {strides = array<i32>} : memref<32x1024xf32, #tpu.memory_space<vmem>>, vector<1x16xf32>,
      %get3A_489 = vector.shape_cast %get3A_488 : vector<1x16xf32> to vector<16xf32>
      %add3A_490 = arith.addf %get3A_485, %get3A_489 : vector<16xf32>
      %get3A_491 = arith.index_cast %scan3A_45 : i32 to index
      %get3A_492 = arith.constant 368 : index
      %get3A_493 = tpu.vector_load %arg9[%get3A_491, %get3A_492] {strides = array<i32>} : memref<32x1024xf32, #tpu.memory_space<vmem>>, vector<1x16xf32>,
      %get3A_494 = vector.shape_cast %get3A_493 : vector<1x16xf32> to vector<16xf32>
      %add3A_495 = arith.addf %add3A_490, %get3A_494 : vector<16xf32>
      %swap3A_496 = arith.index_cast %scan3A_45 : i32 to index
      %swap3A_497 = arith.constant 368 : index
      %swap3A_498 = tpu.vector_load %arg7[%swap3A_496, %swap3A_497] {strides = array<i32>} : memref<32x1024xf32, #tpu.memory_space<vmem>>, vector<1x16xf32>,
      %swap3A_499 = vector.shape_cast %swap3A_498 : vector<1x16xf32> to vector<16xf32>
      %swap3A_500 = vector.shape_cast %add3A_495 : vector<16xf32> to vector<1x16xf32>
      tpu.vector_store %arg7[%swap3A_496, %swap3A_497], %swap3A_500 {strides = array<i32>} : memref<32x1024xf32, #tpu.memory_space<vmem>>, vector<1x16xf32>,
      %get3A_501 = arith.index_cast %scan3A_45 : i32 to index
      %get3A_502 = arith.constant 384 : index
      %get3A_503 = tpu.vector_load %arg7[%get3A_501, %get3A_502] {strides = array<i32>} : memref<32x1024xf32, #tpu.memory_space<vmem>>, vector<1x16xf32>,
      %get3A_504 = vector.shape_cast %get3A_503 : vector<1x16xf32> to vector<16xf32>
      %get3A_505 = arith.index_cast %scan3A_45 : i32 to index
      %get3A_506 = arith.constant 384 : index
      %get3A_507 = tpu.vector_load %arg8[%get3A_505, %get3A_506] {strides = array<i32>} : memref<32x1024xf32, #tpu.memory_space<vmem>>, vector<1x16xf32>,
      %get3A_508 = vector.shape_cast %get3A_507 : vector<1x16xf32> to vector<16xf32>
      %add3A_509 = arith.addf %get3A_504, %get3A_508 : vector<16xf32>
      %get3A_510 = arith.index_cast %scan3A_45 : i32 to index
      %get3A_511 = arith.constant 384 : index
      %get3A_512 = tpu.vector_load %arg9[%get3A_510, %get3A_511] {strides = array<i32>} : memref<32x1024xf32, #tpu.memory_space<vmem>>, vector<1x16xf32>,
      %get3A_513 = vector.shape_cast %get3A_512 : vector<1x16xf32> to vector<16xf32>
      %add3A_514 = arith.addf %add3A_509, %get3A_513 : vector<16xf32>
      %swap3A_515 = arith.index_cast %scan3A_45 : i32 to index
      %swap3A_516 = arith.constant 384 : index
      %swap3A_517 = tpu.vector_load %arg7[%swap3A_515, %swap3A_516] {strides = array<i32>} : memref<32x1024xf32, #tpu.memory_space<vmem>>, vector<1x16xf32>,
      %swap3A_518 = vector.shape_cast %swap3A_517 : vector<1x16xf32> to vector<16xf32>
      %swap3A_519 = vector.shape_cast %add3A_514 : vector<16xf32> to vector<1x16xf32>
      tpu.vector_store %arg7[%swap3A_515, %swap3A_516], %swap3A_519 {strides = array<i32>} : memref<32x1024xf32, #tpu.memory_space<vmem>>, vector<1x16xf32>,
      %get3A_520 = arith.index_cast %scan3A_45 : i32 to index
      %get3A_521 = arith.constant 400 : index
      %get3A_522 = tpu.vector_load %arg7[%get3A_520, %get3A_521] {strides = array<i32>} : memref<32x1024xf32, #tpu.memory_space<vmem>>, vector<1x16xf32>,
      %get3A_523 = vector.shape_cast %get3A_522 : vector<1x16xf32> to vector<16xf32>
      %get3A_524 = arith.index_cast %scan3A_45 : i32 to index
      %get3A_525 = arith.constant 400 : index
      %get3A_526 = tpu.vector_load %arg8[%get3A_524, %get3A_525] {strides = array<i32>} : memref<32x1024xf32, #tpu.memory_space<vmem>>, vector<1x16xf32>,
      %get3A_527 = vector.shape_cast %get3A_526 : vector<1x16xf32> to vector<16xf32>
      %add3A_528 = arith.addf %get3A_523, %get3A_527 : vector<16xf32>
      %get3A_529 = arith.index_cast %scan3A_45 : i32 to index
      %get3A_530 = arith.constant 400 : index
      %get3A_531 = tpu.vector_load %arg9[%get3A_529, %get3A_530] {strides = array<i32>} : memref<32x1024xf32, #tpu.memory_space<vmem>>, vector<1x16xf32>,
      %get3A_532 = vector.shape_cast %get3A_531 : vector<1x16xf32> to vector<16xf32>
      %add3A_533 = arith.addf %add3A_528, %get3A_532 : vector<16xf32>
      %swap3A_534 = arith.index_cast %scan3A_45 : i32 to index
      %swap3A_535 = arith.constant 400 : index
      %swap3A_536 = tpu.vector_load %arg7[%swap3A_534, %swap3A_535] {strides = array<i32>} : memref<32x1024xf32, #tpu.memory_space<vmem>>, vector<1x16xf32>,
      %swap3A_537 = vector.shape_cast %swap3A_536 : vector<1x16xf32> to vector<16xf32>
      %swap3A_538 = vector.shape_cast %add3A_533 : vector<16xf32> to vector<1x16xf32>
      tpu.vector_store %arg7[%swap3A_534, %swap3A_535], %swap3A_538 {strides = array<i32>} : memref<32x1024xf32, #tpu.memory_space<vmem>>, vector<1x16xf32>,
      %get3A_539 = arith.index_cast %scan3A_45 : i32 to index
      %get3A_540 = arith.constant 416 : index
      %get3A_541 = tpu.vector_load %arg7[%get3A_539, %get3A_540] {strides = array<i32>} : memref<32x1024xf32, #tpu.memory_space<vmem>>, vector<1x16xf32>,
      %get3A_542 = vector.shape_cast %get3A_541 : vector<1x16xf32> to vector<16xf32>
      %get3A_543 = arith.index_cast %scan3A_45 : i32 to index
      %get3A_544 = arith.constant 416 : index
      %get3A_545 = tpu.vector_load %arg8[%get3A_543, %get3A_544] {strides = array<i32>} : memref<32x1024xf32, #tpu.memory_space<vmem>>, vector<1x16xf32>,
      %get3A_546 = vector.shape_cast %get3A_545 : vector<1x16xf32> to vector<16xf32>
      %add3A_547 = arith.addf %get3A_542, %get3A_546 : vector<16xf32>
      %get3A_548 = arith.index_cast %scan3A_45 : i32 to index
      %get3A_549 = arith.constant 416 : index
      %get3A_550 = tpu.vector_load %arg9[%get3A_548, %get3A_549] {strides = array<i32>} : memref<32x1024xf32, #tpu.memory_space<vmem>>, vector<1x16xf32>,
      %get3A_551 = vector.shape_cast %get3A_550 : vector<1x16xf32> to vector<16xf32>
      %add3A_552 = arith.addf %add3A_547, %get3A_551 : vector<16xf32>
      %swap3A_553 = arith.index_cast %scan3A_45 : i32 to index
      %swap3A_554 = arith.constant 416 : index
      %swap3A_555 = tpu.vector_load %arg7[%swap3A_553, %swap3A_554] {strides = array<i32>} : memref<32x1024xf32, #tpu.memory_space<vmem>>, vector<1x16xf32>,
      %swap3A_556 = vector.shape_cast %swap3A_555 : vector<1x16xf32> to vector<16xf32>
      %swap3A_557 = vector.shape_cast %add3A_552 : vector<16xf32> to vector<1x16xf32>
      tpu.vector_store %arg7[%swap3A_553, %swap3A_554], %swap3A_557 {strides = array<i32>} : memref<32x1024xf32, #tpu.memory_space<vmem>>, vector<1x16xf32>,
      %get3A_558 = arith.index_cast %scan3A_45 : i32 to index
      %get3A_559 = arith.constant 432 : index
      %get3A_560 = tpu.vector_load %arg7[%get3A_558, %get3A_559] {strides = array<i32>} : memref<32x1024xf32, #tpu.memory_space<vmem>>, vector<1x16xf32>,
      %get3A_561 = vector.shape_cast %get3A_560 : vector<1x16xf32> to vector<16xf32>
      %get3A_562 = arith.index_cast %scan3A_45 : i32 to index
      %get3A_563 = arith.constant 432 : index
      %get3A_564 = tpu.vector_load %arg8[%get3A_562, %get3A_563] {strides = array<i32>} : memref<32x1024xf32, #tpu.memory_space<vmem>>, vector<1x16xf32>,
      %get3A_565 = vector.shape_cast %get3A_564 : vector<1x16xf32> to vector<16xf32>
      %add3A_566 = arith.addf %get3A_561, %get3A_565 : vector<16xf32>
      %get3A_567 = arith.index_cast %scan3A_45 : i32 to index
      %get3A_568 = arith.constant 432 : index
      %get3A_569 = tpu.vector_load %arg9[%get3A_567, %get3A_568] {strides = array<i32>} : memref<32x1024xf32, #tpu.memory_space<vmem>>, vector<1x16xf32>,
      %get3A_570 = vector.shape_cast %get3A_569 : vector<1x16xf32> to vector<16xf32>
      %add3A_571 = arith.addf %add3A_566, %get3A_570 : vector<16xf32>
      %swap3A_572 = arith.index_cast %scan3A_45 : i32 to index
      %swap3A_573 = arith.constant 432 : index
      %swap3A_574 = tpu.vector_load %arg7[%swap3A_572, %swap3A_573] {strides = array<i32>} : memref<32x1024xf32, #tpu.memory_space<vmem>>, vector<1x16xf32>,
      %swap3A_575 = vector.shape_cast %swap3A_574 : vector<1x16xf32> to vector<16xf32>
      %swap3A_576 = vector.shape_cast %add3A_571 : vector<16xf32> to vector<1x16xf32>
      tpu.vector_store %arg7[%swap3A_572, %swap3A_573], %swap3A_576 {strides = array<i32>} : memref<32x1024xf32, #tpu.memory_space<vmem>>, vector<1x16xf32>,
      %get3A_577 = arith.index_cast %scan3A_45 : i32 to index
      %get3A_578 = arith.constant 448 : index
      %get3A_579 = tpu.vector_load %arg7[%get3A_577, %get3A_578] {strides = array<i32>} : memref<32x1024xf32, #tpu.memory_space<vmem>>, vector<1x16xf32>,
      %get3A_580 = vector.shape_cast %get3A_579 : vector<1x16xf32> to vector<16xf32>
      %get3A_581 = arith.index_cast %scan3A_45 : i32 to index
      %get3A_582 = arith.constant 448 : index
      %get3A_583 = tpu.vector_load %arg8[%get3A_581, %get3A_582] {strides = array<i32>} : memref<32x1024xf32, #tpu.memory_space<vmem>>, vector<1x16xf32>,
      %get3A_584 = vector.shape_cast %get3A_583 : vector<1x16xf32> to vector<16xf32>
      %add3A_585 = arith.addf %get3A_580, %get3A_584 : vector<16xf32>
      %get3A_586 = arith.index_cast %scan3A_45 : i32 to index
      %get3A_587 = arith.constant 448 : index
      %get3A_588 = tpu.vector_load %arg9[%get3A_586, %get3A_587] {strides = array<i32>} : memref<32x1024xf32, #tpu.memory_space<vmem>>, vector<1x16xf32>,
      %get3A_589 = vector.shape_cast %get3A_588 : vector<1x16xf32> to vector<16xf32>
      %add3A_590 = arith.addf %add3A_585, %get3A_589 : vector<16xf32>
      %swap3A_591 = arith.index_cast %scan3A_45 : i32 to index
      %swap3A_592 = arith.constant 448 : index
      %swap3A_593 = tpu.vector_load %arg7[%swap3A_591, %swap3A_592] {strides = array<i32>} : memref<32x1024xf32, #tpu.memory_space<vmem>>, vector<1x16xf32>,
      %swap3A_594 = vector.shape_cast %swap3A_593 : vector<1x16xf32> to vector<16xf32>
      %swap3A_595 = vector.shape_cast %add3A_590 : vector<16xf32> to vector<1x16xf32>
      tpu.vector_store %arg7[%swap3A_591, %swap3A_592], %swap3A_595 {strides = array<i32>} : memref<32x1024xf32, #tpu.memory_space<vmem>>, vector<1x16xf32>,
      %get3A_596 = arith.index_cast %scan3A_45 : i32 to index
      %get3A_597 = arith.constant 464 : index
      %get3A_598 = tpu.vector_load %arg7[%get3A_596, %get3A_597] {strides = array<i32>} : memref<32x1024xf32, #tpu.memory_space<vmem>>, vector<1x16xf32>,
      %get3A_599 = vector.shape_cast %get3A_598 : vector<1x16xf32> to vector<16xf32>
      %get3A_600 = arith.index_cast %scan3A_45 : i32 to index
      %get3A_601 = arith.constant 464 : index
      %get3A_602 = tpu.vector_load %arg8[%get3A_600, %get3A_601] {strides = array<i32>} : memref<32x1024xf32, #tpu.memory_space<vmem>>, vector<1x16xf32>,
      %get3A_603 = vector.shape_cast %get3A_602 : vector<1x16xf32> to vector<16xf32>
      %add3A_604 = arith.addf %get3A_599, %get3A_603 : vector<16xf32>
      %get3A_605 = arith.index_cast %scan3A_45 : i32 to index
      %get3A_606 = arith.constant 464 : index
      %get3A_607 = tpu.vector_load %arg9[%get3A_605, %get3A_606] {strides = array<i32>} : memref<32x1024xf32, #tpu.memory_space<vmem>>, vector<1x16xf32>,
      %get3A_608 = vector.shape_cast %get3A_607 : vector<1x16xf32> to vector<16xf32>
      %add3A_609 = arith.addf %add3A_604, %get3A_608 : vector<16xf32>
      %swap3A_610 = arith.index_cast %scan3A_45 : i32 to index
      %swap3A_611 = arith.constant 464 : index
      %swap3A_612 = tpu.vector_load %arg7[%swap3A_610, %swap3A_611] {strides = array<i32>} : memref<32x1024xf32, #tpu.memory_space<vmem>>, vector<1x16xf32>,
      %swap3A_613 = vector.shape_cast %swap3A_612 : vector<1x16xf32> to vector<16xf32>
      %swap3A_614 = vector.shape_cast %add3A_609 : vector<16xf32> to vector<1x16xf32>
      tpu.vector_store %arg7[%swap3A_610, %swap3A_611], %swap3A_614 {strides = array<i32>} : memref<32x1024xf32, #tpu.memory_space<vmem>>, vector<1x16xf32>,
      %get3A_615 = arith.index_cast %scan3A_45 : i32 to index
      %get3A_616 = arith.constant 480 : index
      %get3A_617 = tpu.vector_load %arg7[%get3A_615, %get3A_616] {strides = array<i32>} : memref<32x1024xf32, #tpu.memory_space<vmem>>, vector<1x16xf32>,
      %get3A_618 = vector.shape_cast %get3A_617 : vector<1x16xf32> to vector<16xf32>
      %get3A_619 = arith.index_cast %scan3A_45 : i32 to index
      %get3A_620 = arith.constant 480 : index
      %get3A_621 = tpu.vector_load %arg8[%get3A_619, %get3A_620] {strides = array<i32>} : memref<32x1024xf32, #tpu.memory_space<vmem>>, vector<1x16xf32>,
      %get3A_622 = vector.shape_cast %get3A_621 : vector<1x16xf32> to vector<16xf32>
      %add3A_623 = arith.addf %get3A_618, %get3A_622 : vector<16xf32>
      %get3A_624 = arith.index_cast %scan3A_45 : i32 to index
      %get3A_625 = arith.constant 480 : index
      %get3A_626 = tpu.vector_load %arg9[%get3A_624, %get3A_625] {strides = array<i32>} : memref<32x1024xf32, #tpu.memory_space<vmem>>, vector<1x16xf32>,
      %get3A_627 = vector.shape_cast %get3A_626 : vector<1x16xf32> to vector<16xf32>
      %add3A_628 = arith.addf %add3A_623, %get3A_627 : vector<16xf32>
      %swap3A_629 = arith.index_cast %scan3A_45 : i32 to index
      %swap3A_630 = arith.constant 480 : index
      %swap3A_631 = tpu.vector_load %arg7[%swap3A_629, %swap3A_630] {strides = array<i32>} : memref<32x1024xf32, #tpu.memory_space<vmem>>, vector<1x16xf32>,
      %swap3A_632 = vector.shape_cast %swap3A_631 : vector<1x16xf32> to vector<16xf32>
      %swap3A_633 = vector.shape_cast %add3A_628 : vector<16xf32> to vector<1x16xf32>
      tpu.vector_store %arg7[%swap3A_629, %swap3A_630], %swap3A_633 {strides = array<i32>} : memref<32x1024xf32, #tpu.memory_space<vmem>>, vector<1x16xf32>,
      %get3A_634 = arith.index_cast %scan3A_45 : i32 to index
      %get3A_635 = arith.constant 496 : index
      %get3A_636 = tpu.vector_load %arg7[%get3A_634, %get3A_635] {strides = array<i32>} : memref<32x1024xf32, #tpu.memory_space<vmem>>, vector<1x16xf32>,
      %get3A_637 = vector.shape_cast %get3A_636 : vector<1x16xf32> to vector<16xf32>
      %get3A_638 = arith.index_cast %scan3A_45 : i32 to index
      %get3A_639 = arith.constant 496 : index
      %get3A_640 = tpu.vector_load %arg8[%get3A_638, %get3A_639] {strides = array<i32>} : memref<32x1024xf32, #tpu.memory_space<vmem>>, vector<1x16xf32>,
      %get3A_641 = vector.shape_cast %get3A_640 : vector<1x16xf32> to vector<16xf32>
      %add3A_642 = arith.addf %get3A_637, %get3A_641 : vector<16xf32>
      %get3A_643 = arith.index_cast %scan3A_45 : i32 to index
      %get3A_644 = arith.constant 496 : index
      %get3A_645 = tpu.vector_load %arg9[%get3A_643, %get3A_644] {strides = array<i32>} : memref<32x1024xf32, #tpu.memory_space<vmem>>, vector<1x16xf32>,
      %get3A_646 = vector.shape_cast %get3A_645 : vector<1x16xf32> to vector<16xf32>
      %add3A_647 = arith.addf %add3A_642, %get3A_646 : vector<16xf32>
      %swap3A_648 = arith.index_cast %scan3A_45 : i32 to index
      %swap3A_649 = arith.constant 496 : index
      %swap3A_650 = tpu.vector_load %arg7[%swap3A_648, %swap3A_649] {strides = array<i32>} : memref<32x1024xf32, #tpu.memory_space<vmem>>, vector<1x16xf32>,
      %swap3A_651 = vector.shape_cast %swap3A_650 : vector<1x16xf32> to vector<16xf32>
      %swap3A_652 = vector.shape_cast %add3A_647 : vector<16xf32> to vector<1x16xf32>
      tpu.vector_store %arg7[%swap3A_648, %swap3A_649], %swap3A_652 {strides = array<i32>} : memref<32x1024xf32, #tpu.memory_space<vmem>>, vector<1x16xf32>,
      %get3A_653 = arith.index_cast %scan3A_45 : i32 to index
      %get3A_654 = arith.constant 512 : index
      %get3A_655 = tpu.vector_load %arg7[%get3A_653, %get3A_654] {strides = array<i32>} : memref<32x1024xf32, #tpu.memory_space<vmem>>, vector<1x16xf32>,
      %get3A_656 = vector.shape_cast %get3A_655 : vector<1x16xf32> to vector<16xf32>
      %get3A_657 = arith.index_cast %scan3A_45 : i32 to index
      %get3A_658 = arith.constant 512 : index
      %get3A_659 = tpu.vector_load %arg8[%get3A_657, %get3A_658] {strides = array<i32>} : memref<32x1024xf32, #tpu.memory_space<vmem>>, vector<1x16xf32>,
      %get3A_660 = vector.shape_cast %get3A_659 : vector<1x16xf32> to vector<16xf32>
      %add3A_661 = arith.addf %get3A_656, %get3A_660 : vector<16xf32>
      %get3A_662 = arith.index_cast %scan3A_45 : i32 to index
      %get3A_663 = arith.constant 512 : index
      %get3A_664 = tpu.vector_load %arg9[%get3A_662, %get3A_663] {strides = array<i32>} : memref<32x1024xf32, #tpu.memory_space<vmem>>, vector<1x16xf32>,
      %get3A_665 = vector.shape_cast %get3A_664 : vector<1x16xf32> to vector<16xf32>
      %add3A_666 = arith.addf %add3A_661, %get3A_665 : vector<16xf32>
      %swap3A_667 = arith.index_cast %scan3A_45 : i32 to index
      %swap3A_668 = arith.constant 512 : index
      %swap3A_669 = tpu.vector_load %arg7[%swap3A_667, %swap3A_668] {strides = array<i32>} : memref<32x1024xf32, #tpu.memory_space<vmem>>, vector<1x16xf32>,
      %swap3A_670 = vector.shape_cast %swap3A_669 : vector<1x16xf32> to vector<16xf32>
      %swap3A_671 = vector.shape_cast %add3A_666 : vector<16xf32> to vector<1x16xf32>
      tpu.vector_store %arg7[%swap3A_667, %swap3A_668], %swap3A_671 {strides = array<i32>} : memref<32x1024xf32, #tpu.memory_space<vmem>>, vector<1x16xf32>,
      %get3A_672 = arith.index_cast %scan3A_45 : i32 to index
      %get3A_673 = arith.constant 528 : index
      %get3A_674 = tpu.vector_load %arg7[%get3A_672, %get3A_673] {strides = array<i32>} : memref<32x1024xf32, #tpu.memory_space<vmem>>, vector<1x16xf32>,
      %get3A_675 = vector.shape_cast %get3A_674 : vector<1x16xf32> to vector<16xf32>
      %get3A_676 = arith.index_cast %scan3A_45 : i32 to index
      %get3A_677 = arith.constant 528 : index
      %get3A_678 = tpu.vector_load %arg8[%get3A_676, %get3A_677] {strides = array<i32>} : memref<32x1024xf32, #tpu.memory_space<vmem>>, vector<1x16xf32>,
      %get3A_679 = vector.shape_cast %get3A_678 : vector<1x16xf32> to vector<16xf32>
      %add3A_680 = arith.addf %get3A_675, %get3A_679 : vector<16xf32>
      %get3A_681 = arith.index_cast %scan3A_45 : i32 to index
      %get3A_682 = arith.constant 528 : index
      %get3A_683 = tpu.vector_load %arg9[%get3A_681, %get3A_682] {strides = array<i32>} : memref<32x1024xf32, #tpu.memory_space<vmem>>, vector<1x16xf32>,
      %get3A_684 = vector.shape_cast %get3A_683 : vector<1x16xf32> to vector<16xf32>
      %add3A_685 = arith.addf %add3A_680, %get3A_684 : vector<16xf32>
      %swap3A_686 = arith.index_cast %scan3A_45 : i32 to index
      %swap3A_687 = arith.constant 528 : index
      %swap3A_688 = tpu.vector_load %arg7[%swap3A_686, %swap3A_687] {strides = array<i32>} : memref<32x1024xf32, #tpu.memory_space<vmem>>, vector<1x16xf32>,
      %swap3A_689 = vector.shape_cast %swap3A_688 : vector<1x16xf32> to vector<16xf32>
      %swap3A_690 = vector.shape_cast %add3A_685 : vector<16xf32> to vector<1x16xf32>
      tpu.vector_store %arg7[%swap3A_686, %swap3A_687], %swap3A_690 {strides = array<i32>} : memref<32x1024xf32, #tpu.memory_space<vmem>>, vector<1x16xf32>,
      %get3A_691 = arith.index_cast %scan3A_45 : i32 to index
      %get3A_692 = arith.constant 544 : index
      %get3A_693 = tpu.vector_load %arg7[%get3A_691, %get3A_692] {strides = array<i32>} : memref<32x1024xf32, #tpu.memory_space<vmem>>, vector<1x16xf32>,
      %get3A_694 = vector.shape_cast %get3A_693 : vector<1x16xf32> to vector<16xf32>
      %get3A_695 = arith.index_cast %scan3A_45 : i32 to index
      %get3A_696 = arith.constant 544 : index
      %get3A_697 = tpu.vector_load %arg8[%get3A_695, %get3A_696] {strides = array<i32>} : memref<32x1024xf32, #tpu.memory_space<vmem>>, vector<1x16xf32>,
      %get3A_698 = vector.shape_cast %get3A_697 : vector<1x16xf32> to vector<16xf32>
      %add3A_699 = arith.addf %get3A_694, %get3A_698 : vector<16xf32>
      %get3A_700 = arith.index_cast %scan3A_45 : i32 to index
      %get3A_701 = arith.constant 544 : index
      %get3A_702 = tpu.vector_load %arg9[%get3A_700, %get3A_701] {strides = array<i32>} : memref<32x1024xf32, #tpu.memory_space<vmem>>, vector<1x16xf32>,
      %get3A_703 = vector.shape_cast %get3A_702 : vector<1x16xf32> to vector<16xf32>
      %add3A_704 = arith.addf %add3A_699, %get3A_703 : vector<16xf32>
      %swap3A_705 = arith.index_cast %scan3A_45 : i32 to index
      %swap3A_706 = arith.constant 544 : index
      %swap3A_707 = tpu.vector_load %arg7[%swap3A_705, %swap3A_706] {strides = array<i32>} : memref<32x1024xf32, #tpu.memory_space<vmem>>, vector<1x16xf32>,
      %swap3A_708 = vector.shape_cast %swap3A_707 : vector<1x16xf32> to vector<16xf32>
      %swap3A_709 = vector.shape_cast %add3A_704 : vector<16xf32> to vector<1x16xf32>
      tpu.vector_store %arg7[%swap3A_705, %swap3A_706], %swap3A_709 {strides = array<i32>} : memref<32x1024xf32, #tpu.memory_space<vmem>>, vector<1x16xf32>,
      %get3A_710 = arith.index_cast %scan3A_45 : i32 to index
      %get3A_711 = arith.constant 560 : index
      %get3A_712 = tpu.vector_load %arg7[%get3A_710, %get3A_711] {strides = array<i32>} : memref<32x1024xf32, #tpu.memory_space<vmem>>, vector<1x16xf32>,
      %get3A_713 = vector.shape_cast %get3A_712 : vector<1x16xf32> to vector<16xf32>
      %get3A_714 = arith.index_cast %scan3A_45 : i32 to index
      %get3A_715 = arith.constant 560 : index
      %get3A_716 = tpu.vector_load %arg8[%get3A_714, %get3A_715] {strides = array<i32>} : memref<32x1024xf32, #tpu.memory_space<vmem>>, vector<1x16xf32>,
      %get3A_717 = vector.shape_cast %get3A_716 : vector<1x16xf32> to vector<16xf32>
      %add3A_718 = arith.addf %get3A_713, %get3A_717 : vector<16xf32>
      %get3A_719 = arith.index_cast %scan3A_45 : i32 to index
      %get3A_720 = arith.constant 560 : index
      %get3A_721 = tpu.vector_load %arg9[%get3A_719, %get3A_720] {strides = array<i32>} : memref<32x1024xf32, #tpu.memory_space<vmem>>, vector<1x16xf32>,
      %get3A_722 = vector.shape_cast %get3A_721 : vector<1x16xf32> to vector<16xf32>
      %add3A_723 = arith.addf %add3A_718, %get3A_722 : vector<16xf32>
      %swap3A_724 = arith.index_cast %scan3A_45 : i32 to index
      %swap3A_725 = arith.constant 560 : index
      %swap3A_726 = tpu.vector_load %arg7[%swap3A_724, %swap3A_725] {strides = array<i32>} : memref<32x1024xf32, #tpu.memory_space<vmem>>, vector<1x16xf32>,
      %swap3A_727 = vector.shape_cast %swap3A_726 : vector<1x16xf32> to vector<16xf32>
      %swap3A_728 = vector.shape_cast %add3A_723 : vector<16xf32> to vector<1x16xf32>
      tpu.vector_store %arg7[%swap3A_724, %swap3A_725], %swap3A_728 {strides = array<i32>} : memref<32x1024xf32, #tpu.memory_space<vmem>>, vector<1x16xf32>,
      %get3A_729 = arith.index_cast %scan3A_45 : i32 to index
      %get3A_730 = arith.constant 576 : index
      %get3A_731 = tpu.vector_load %arg7[%get3A_729, %get3A_730] {strides = array<i32>} : memref<32x1024xf32, #tpu.memory_space<vmem>>, vector<1x16xf32>,
      %get3A_732 = vector.shape_cast %get3A_731 : vector<1x16xf32> to vector<16xf32>
      %get3A_733 = arith.index_cast %scan3A_45 : i32 to index
      %get3A_734 = arith.constant 576 : index
      %get3A_735 = tpu.vector_load %arg8[%get3A_733, %get3A_734] {strides = array<i32>} : memref<32x1024xf32, #tpu.memory_space<vmem>>, vector<1x16xf32>,
      %get3A_736 = vector.shape_cast %get3A_735 : vector<1x16xf32> to vector<16xf32>
      %add3A_737 = arith.addf %get3A_732, %get3A_736 : vector<16xf32>
      %get3A_738 = arith.index_cast %scan3A_45 : i32 to index
      %get3A_739 = arith.constant 576 : index
      %get3A_740 = tpu.vector_load %arg9[%get3A_738, %get3A_739] {strides = array<i32>} : memref<32x1024xf32, #tpu.memory_space<vmem>>, vector<1x16xf32>,
      %get3A_741 = vector.shape_cast %get3A_740 : vector<1x16xf32> to vector<16xf32>
      %add3A_742 = arith.addf %add3A_737, %get3A_741 : vector<16xf32>
      %swap3A_743 = arith.index_cast %scan3A_45 : i32 to index
      %swap3A_744 = arith.constant 576 : index
      %swap3A_745 = tpu.vector_load %arg7[%swap3A_743, %swap3A_744] {strides = array<i32>} : memref<32x1024xf32, #tpu.memory_space<vmem>>, vector<1x16xf32>,
      %swap3A_746 = vector.shape_cast %swap3A_745 : vector<1x16xf32> to vector<16xf32>
      %swap3A_747 = vector.shape_cast %add3A_742 : vector<16xf32> to vector<1x16xf32>
      tpu.vector_store %arg7[%swap3A_743, %swap3A_744], %swap3A_747 {strides = array<i32>} : memref<32x1024xf32, #tpu.memory_space<vmem>>, vector<1x16xf32>,
      %get3A_748 = arith.index_cast %scan3A_45 : i32 to index
      %get3A_749 = arith.constant 592 : index
      %get3A_750 = tpu.vector_load %arg7[%get3A_748, %get3A_749] {strides = array<i32>} : memref<32x1024xf32, #tpu.memory_space<vmem>>, vector<1x16xf32>,
      %get3A_751 = vector.shape_cast %get3A_750 : vector<1x16xf32> to vector<16xf32>
      %get3A_752 = arith.index_cast %scan3A_45 : i32 to index
      %get3A_753 = arith.constant 592 : index
      %get3A_754 = tpu.vector_load %arg8[%get3A_752, %get3A_753] {strides = array<i32>} : memref<32x1024xf32, #tpu.memory_space<vmem>>, vector<1x16xf32>,
      %get3A_755 = vector.shape_cast %get3A_754 : vector<1x16xf32> to vector<16xf32>
      %add3A_756 = arith.addf %get3A_751, %get3A_755 : vector<16xf32>
      %get3A_757 = arith.index_cast %scan3A_45 : i32 to index
      %get3A_758 = arith.constant 592 : index
      %get3A_759 = tpu.vector_load %arg9[%get3A_757, %get3A_758] {strides = array<i32>} : memref<32x1024xf32, #tpu.memory_space<vmem>>, vector<1x16xf32>,
      %get3A_760 = vector.shape_cast %get3A_759 : vector<1x16xf32> to vector<16xf32>
      %add3A_761 = arith.addf %add3A_756, %get3A_760 : vector<16xf32>
      %swap3A_762 = arith.index_cast %scan3A_45 : i32 to index
      %swap3A_763 = arith.constant 592 : index
      %swap3A_764 = tpu.vector_load %arg7[%swap3A_762, %swap3A_763] {strides = array<i32>} : memref<32x1024xf32, #tpu.memory_space<vmem>>, vector<1x16xf32>,
      %swap3A_765 = vector.shape_cast %swap3A_764 : vector<1x16xf32> to vector<16xf32>
      %swap3A_766 = vector.shape_cast %add3A_761 : vector<16xf32> to vector<1x16xf32>
      tpu.vector_store %arg7[%swap3A_762, %swap3A_763], %swap3A_766 {strides = array<i32>} : memref<32x1024xf32, #tpu.memory_space<vmem>>, vector<1x16xf32>,
      %get3A_767 = arith.index_cast %scan3A_45 : i32 to index
      %get3A_768 = arith.constant 608 : index
      %get3A_769 = tpu.vector_load %arg7[%get3A_767, %get3A_768] {strides = array<i32>} : memref<32x1024xf32, #tpu.memory_space<vmem>>, vector<1x16xf32>,
      %get3A_770 = vector.shape_cast %get3A_769 : vector<1x16xf32> to vector<16xf32>
      %get3A_771 = arith.index_cast %scan3A_45 : i32 to index
      %get3A_772 = arith.constant 608 : index
      %get3A_773 = tpu.vector_load %arg8[%get3A_771, %get3A_772] {strides = array<i32>} : memref<32x1024xf32, #tpu.memory_space<vmem>>, vector<1x16xf32>,
      %get3A_774 = vector.shape_cast %get3A_773 : vector<1x16xf32> to vector<16xf32>
      %add3A_775 = arith.addf %get3A_770, %get3A_774 : vector<16xf32>
      %get3A_776 = arith.index_cast %scan3A_45 : i32 to index
      %get3A_777 = arith.constant 608 : index
      %get3A_778 = tpu.vector_load %arg9[%get3A_776, %get3A_777] {strides = array<i32>} : memref<32x1024xf32, #tpu.memory_space<vmem>>, vector<1x16xf32>,
      %get3A_779 = vector.shape_cast %get3A_778 : vector<1x16xf32> to vector<16xf32>
      %add3A_780 = arith.addf %add3A_775, %get3A_779 : vector<16xf32>
      %swap3A_781 = arith.index_cast %scan3A_45 : i32 to index
      %swap3A_782 = arith.constant 608 : index
      %swap3A_783 = tpu.vector_load %arg7[%swap3A_781, %swap3A_782] {strides = array<i32>} : memref<32x1024xf32, #tpu.memory_space<vmem>>, vector<1x16xf32>,
      %swap3A_784 = vector.shape_cast %swap3A_783 : vector<1x16xf32> to vector<16xf32>
      %swap3A_785 = vector.shape_cast %add3A_780 : vector<16xf32> to vector<1x16xf32>
      tpu.vector_store %arg7[%swap3A_781, %swap3A_782], %swap3A_785 {strides = array<i32>} : memref<32x1024xf32, #tpu.memory_space<vmem>>, vector<1x16xf32>,
      %get3A_786 = arith.index_cast %scan3A_45 : i32 to index
      %get3A_787 = arith.constant 624 : index
      %get3A_788 = tpu.vector_load %arg7[%get3A_786, %get3A_787] {strides = array<i32>} : memref<32x1024xf32, #tpu.memory_space<vmem>>, vector<1x16xf32>,
      %get3A_789 = vector.shape_cast %get3A_788 : vector<1x16xf32> to vector<16xf32>
      %get3A_790 = arith.index_cast %scan3A_45 : i32 to index
      %get3A_791 = arith.constant 624 : index
      %get3A_792 = tpu.vector_load %arg8[%get3A_790, %get3A_791] {strides = array<i32>} : memref<32x1024xf32, #tpu.memory_space<vmem>>, vector<1x16xf32>,
      %get3A_793 = vector.shape_cast %get3A_792 : vector<1x16xf32> to vector<16xf32>
      %add3A_794 = arith.addf %get3A_789, %get3A_793 : vector<16xf32>
      %get3A_795 = arith.index_cast %scan3A_45 : i32 to index
      %get3A_796 = arith.constant 624 : index
      %get3A_797 = tpu.vector_load %arg9[%get3A_795, %get3A_796] {strides = array<i32>} : memref<32x1024xf32, #tpu.memory_space<vmem>>, vector<1x16xf32>,
      %get3A_798 = vector.shape_cast %get3A_797 : vector<1x16xf32> to vector<16xf32>
      %add3A_799 = arith.addf %add3A_794, %get3A_798 : vector<16xf32>
      %swap3A_800 = arith.index_cast %scan3A_45 : i32 to index
      %swap3A_801 = arith.constant 624 : index
      %swap3A_802 = tpu.vector_load %arg7[%swap3A_800, %swap3A_801] {strides = array<i32>} : memref<32x1024xf32, #tpu.memory_space<vmem>>, vector<1x16xf32>,
      %swap3A_803 = vector.shape_cast %swap3A_802 : vector<1x16xf32> to vector<16xf32>
      %swap3A_804 = vector.shape_cast %add3A_799 : vector<16xf32> to vector<1x16xf32>
      tpu.vector_store %arg7[%swap3A_800, %swap3A_801], %swap3A_804 {strides = array<i32>} : memref<32x1024xf32, #tpu.memory_space<vmem>>, vector<1x16xf32>,
      %get3A_805 = arith.index_cast %scan3A_45 : i32 to index
      %get3A_806 = arith.constant 640 : index
      %get3A_807 = tpu.vector_load %arg7[%get3A_805, %get3A_806] {strides = array<i32>} : memref<32x1024xf32, #tpu.memory_space<vmem>>, vector<1x16xf32>,
      %get3A_808 = vector.shape_cast %get3A_807 : vector<1x16xf32> to vector<16xf32>
      %get3A_809 = arith.index_cast %scan3A_45 : i32 to index
      %get3A_810 = arith.constant 640 : index
      %get3A_811 = tpu.vector_load %arg8[%get3A_809, %get3A_810] {strides = array<i32>} : memref<32x1024xf32, #tpu.memory_space<vmem>>, vector<1x16xf32>,
      %get3A_812 = vector.shape_cast %get3A_811 : vector<1x16xf32> to vector<16xf32>
      %add3A_813 = arith.addf %get3A_808, %get3A_812 : vector<16xf32>
      %get3A_814 = arith.index_cast %scan3A_45 : i32 to index
      %get3A_815 = arith.constant 640 : index
      %get3A_816 = tpu.vector_load %arg9[%get3A_814, %get3A_815] {strides = array<i32>} : memref<32x1024xf32, #tpu.memory_space<vmem>>, vector<1x16xf32>,
      %get3A_817 = vector.shape_cast %get3A_816 : vector<1x16xf32> to vector<16xf32>
      %add3A_818 = arith.addf %add3A_813, %get3A_817 : vector<16xf32>
      %swap3A_819 = arith.index_cast %scan3A_45 : i32 to index
      %swap3A_820 = arith.constant 640 : index
      %swap3A_821 = tpu.vector_load %arg7[%swap3A_819, %swap3A_820] {strides = array<i32>} : memref<32x1024xf32, #tpu.memory_space<vmem>>, vector<1x16xf32>,
      %swap3A_822 = vector.shape_cast %swap3A_821 : vector<1x16xf32> to vector<16xf32>
      %swap3A_823 = vector.shape_cast %add3A_818 : vector<16xf32> to vector<1x16xf32>
      tpu.vector_store %arg7[%swap3A_819, %swap3A_820], %swap3A_823 {strides = array<i32>} : memref<32x1024xf32, #tpu.memory_space<vmem>>, vector<1x16xf32>,
      %get3A_824 = arith.index_cast %scan3A_45 : i32 to index
      %get3A_825 = arith.constant 656 : index
      %get3A_826 = tpu.vector_load %arg7[%get3A_824, %get3A_825] {strides = array<i32>} : memref<32x1024xf32, #tpu.memory_space<vmem>>, vector<1x16xf32>,
      %get3A_827 = vector.shape_cast %get3A_826 : vector<1x16xf32> to vector<16xf32>
      %get3A_828 = arith.index_cast %scan3A_45 : i32 to index
      %get3A_829 = arith.constant 656 : index
      %get3A_830 = tpu.vector_load %arg8[%get3A_828, %get3A_829] {strides = array<i32>} : memref<32x1024xf32, #tpu.memory_space<vmem>>, vector<1x16xf32>,
      %get3A_831 = vector.shape_cast %get3A_830 : vector<1x16xf32> to vector<16xf32>
      %add3A_832 = arith.addf %get3A_827, %get3A_831 : vector<16xf32>
      %get3A_833 = arith.index_cast %scan3A_45 : i32 to index
      %get3A_834 = arith.constant 656 : index
      %get3A_835 = tpu.vector_load %arg9[%get3A_833, %get3A_834] {strides = array<i32>} : memref<32x1024xf32, #tpu.memory_space<vmem>>, vector<1x16xf32>,
      %get3A_836 = vector.shape_cast %get3A_835 : vector<1x16xf32> to vector<16xf32>
      %add3A_837 = arith.addf %add3A_832, %get3A_836 : vector<16xf32>
      %swap3A_838 = arith.index_cast %scan3A_45 : i32 to index
      %swap3A_839 = arith.constant 656 : index
      %swap3A_840 = tpu.vector_load %arg7[%swap3A_838, %swap3A_839] {strides = array<i32>} : memref<32x1024xf32, #tpu.memory_space<vmem>>, vector<1x16xf32>,
      %swap3A_841 = vector.shape_cast %swap3A_840 : vector<1x16xf32> to vector<16xf32>
      %swap3A_842 = vector.shape_cast %add3A_837 : vector<16xf32> to vector<1x16xf32>
      tpu.vector_store %arg7[%swap3A_838, %swap3A_839], %swap3A_842 {strides = array<i32>} : memref<32x1024xf32, #tpu.memory_space<vmem>>, vector<1x16xf32>,
      %get3A_843 = arith.index_cast %scan3A_45 : i32 to index
      %get3A_844 = arith.constant 672 : index
      %get3A_845 = tpu.vector_load %arg7[%get3A_843, %get3A_844] {strides = array<i32>} : memref<32x1024xf32, #tpu.memory_space<vmem>>, vector<1x16xf32>,
      %get3A_846 = vector.shape_cast %get3A_845 : vector<1x16xf32> to vector<16xf32>
      %get3A_847 = arith.index_cast %scan3A_45 : i32 to index
      %get3A_848 = arith.constant 672 : index
      %get3A_849 = tpu.vector_load %arg8[%get3A_847, %get3A_848] {strides = array<i32>} : memref<32x1024xf32, #tpu.memory_space<vmem>>, vector<1x16xf32>,
      %get3A_850 = vector.shape_cast %get3A_849 : vector<1x16xf32> to vector<16xf32>
      %add3A_851 = arith.addf %get3A_846, %get3A_850 : vector<16xf32>
      %get3A_852 = arith.index_cast %scan3A_45 : i32 to index
      %get3A_853 = arith.constant 672 : index
      %get3A_854 = tpu.vector_load %arg9[%get3A_852, %get3A_853] {strides = array<i32>} : memref<32x1024xf32, #tpu.memory_space<vmem>>, vector<1x16xf32>,
      %get3A_855 = vector.shape_cast %get3A_854 : vector<1x16xf32> to vector<16xf32>
      %add3A_856 = arith.addf %add3A_851, %get3A_855 : vector<16xf32>
      %swap3A_857 = arith.index_cast %scan3A_45 : i32 to index
      %swap3A_858 = arith.constant 672 : index
      %swap3A_859 = tpu.vector_load %arg7[%swap3A_857, %swap3A_858] {strides = array<i32>} : memref<32x1024xf32, #tpu.memory_space<vmem>>, vector<1x16xf32>,
      %swap3A_860 = vector.shape_cast %swap3A_859 : vector<1x16xf32> to vector<16xf32>
      %swap3A_861 = vector.shape_cast %add3A_856 : vector<16xf32> to vector<1x16xf32>
      tpu.vector_store %arg7[%swap3A_857, %swap3A_858], %swap3A_861 {strides = array<i32>} : memref<32x1024xf32, #tpu.memory_space<vmem>>, vector<1x16xf32>,
      %get3A_862 = arith.index_cast %scan3A_45 : i32 to index
      %get3A_863 = arith.constant 688 : index
      %get3A_864 = tpu.vector_load %arg7[%get3A_862, %get3A_863] {strides = array<i32>} : memref<32x1024xf32, #tpu.memory_space<vmem>>, vector<1x16xf32>,
      %get3A_865 = vector.shape_cast %get3A_864 : vector<1x16xf32> to vector<16xf32>
      %get3A_866 = arith.index_cast %scan3A_45 : i32 to index
      %get3A_867 = arith.constant 688 : index
      %get3A_868 = tpu.vector_load %arg8[%get3A_866, %get3A_867] {strides = array<i32>} : memref<32x1024xf32, #tpu.memory_space<vmem>>, vector<1x16xf32>,
      %get3A_869 = vector.shape_cast %get3A_868 : vector<1x16xf32> to vector<16xf32>
      %add3A_870 = arith.addf %get3A_865, %get3A_869 : vector<16xf32>
      %get3A_871 = arith.index_cast %scan3A_45 : i32 to index
      %get3A_872 = arith.constant 688 : index
      %get3A_873 = tpu.vector_load %arg9[%get3A_871, %get3A_872] {strides = array<i32>} : memref<32x1024xf32, #tpu.memory_space<vmem>>, vector<1x16xf32>,
      %get3A_874 = vector.shape_cast %get3A_873 : vector<1x16xf32> to vector<16xf32>
      %add3A_875 = arith.addf %add3A_870, %get3A_874 : vector<16xf32>
      %swap3A_876 = arith.index_cast %scan3A_45 : i32 to index
      %swap3A_877 = arith.constant 688 : index
      %swap3A_878 = tpu.vector_load %arg7[%swap3A_876, %swap3A_877] {strides = array<i32>} : memref<32x1024xf32, #tpu.memory_space<vmem>>, vector<1x16xf32>,
      %swap3A_879 = vector.shape_cast %swap3A_878 : vector<1x16xf32> to vector<16xf32>
      %swap3A_880 = vector.shape_cast %add3A_875 : vector<16xf32> to vector<1x16xf32>
      tpu.vector_store %arg7[%swap3A_876, %swap3A_877], %swap3A_880 {strides = array<i32>} : memref<32x1024xf32, #tpu.memory_space<vmem>>, vector<1x16xf32>,
      %get3A_881 = arith.index_cast %scan3A_45 : i32 to index
      %get3A_882 = arith.constant 704 : index
      %get3A_883 = tpu.vector_load %arg7[%get3A_881, %get3A_882] {strides = array<i32>} : memref<32x1024xf32, #tpu.memory_space<vmem>>, vector<1x16xf32>,
      %get3A_884 = vector.shape_cast %get3A_883 : vector<1x16xf32> to vector<16xf32>
      %get3A_885 = arith.index_cast %scan3A_45 : i32 to index
      %get3A_886 = arith.constant 704 : index
      %get3A_887 = tpu.vector_load %arg8[%get3A_885, %get3A_886] {strides = array<i32>} : memref<32x1024xf32, #tpu.memory_space<vmem>>, vector<1x16xf32>,
      %get3A_888 = vector.shape_cast %get3A_887 : vector<1x16xf32> to vector<16xf32>
      %add3A_889 = arith.addf %get3A_884, %get3A_888 : vector<16xf32>
      %get3A_890 = arith.index_cast %scan3A_45 : i32 to index
      %get3A_891 = arith.constant 704 : index
      %get3A_892 = tpu.vector_load %arg9[%get3A_890, %get3A_891] {strides = array<i32>} : memref<32x1024xf32, #tpu.memory_space<vmem>>, vector<1x16xf32>,
      %get3A_893 = vector.shape_cast %get3A_892 : vector<1x16xf32> to vector<16xf32>
      %add3A_894 = arith.addf %add3A_889, %get3A_893 : vector<16xf32>
      %swap3A_895 = arith.index_cast %scan3A_45 : i32 to index
      %swap3A_896 = arith.constant 704 : index
      %swap3A_897 = tpu.vector_load %arg7[%swap3A_895, %swap3A_896] {strides = array<i32>} : memref<32x1024xf32, #tpu.memory_space<vmem>>, vector<1x16xf32>,
      %swap3A_898 = vector.shape_cast %swap3A_897 : vector<1x16xf32> to vector<16xf32>
      %swap3A_899 = vector.shape_cast %add3A_894 : vector<16xf32> to vector<1x16xf32>
      tpu.vector_store %arg7[%swap3A_895, %swap3A_896], %swap3A_899 {strides = array<i32>} : memref<32x1024xf32, #tpu.memory_space<vmem>>, vector<1x16xf32>,
      %get3A_900 = arith.index_cast %scan3A_45 : i32 to index
      %get3A_901 = arith.constant 720 : index
      %get3A_902 = tpu.vector_load %arg7[%get3A_900, %get3A_901] {strides = array<i32>} : memref<32x1024xf32, #tpu.memory_space<vmem>>, vector<1x16xf32>,
      %get3A_903 = vector.shape_cast %get3A_902 : vector<1x16xf32> to vector<16xf32>
      %get3A_904 = arith.index_cast %scan3A_45 : i32 to index
      %get3A_905 = arith.constant 720 : index
      %get3A_906 = tpu.vector_load %arg8[%get3A_904, %get3A_905] {strides = array<i32>} : memref<32x1024xf32, #tpu.memory_space<vmem>>, vector<1x16xf32>,
      %get3A_907 = vector.shape_cast %get3A_906 : vector<1x16xf32> to vector<16xf32>
      %add3A_908 = arith.addf %get3A_903, %get3A_907 : vector<16xf32>
      %get3A_909 = arith.index_cast %scan3A_45 : i32 to index
      %get3A_910 = arith.constant 720 : index
      %get3A_911 = tpu.vector_load %arg9[%get3A_909, %get3A_910] {strides = array<i32>} : memref<32x1024xf32, #tpu.memory_space<vmem>>, vector<1x16xf32>,
      %get3A_912 = vector.shape_cast %get3A_911 : vector<1x16xf32> to vector<16xf32>
      %add3A_913 = arith.addf %add3A_908, %get3A_912 : vector<16xf32>
      %swap3A_914 = arith.index_cast %scan3A_45 : i32 to index
      %swap3A_915 = arith.constant 720 : index
      %swap3A_916 = tpu.vector_load %arg7[%swap3A_914, %swap3A_915] {strides = array<i32>} : memref<32x1024xf32, #tpu.memory_space<vmem>>, vector<1x16xf32>,
      %swap3A_917 = vector.shape_cast %swap3A_916 : vector<1x16xf32> to vector<16xf32>
      %swap3A_918 = vector.shape_cast %add3A_913 : vector<16xf32> to vector<1x16xf32>
      tpu.vector_store %arg7[%swap3A_914, %swap3A_915], %swap3A_918 {strides = array<i32>} : memref<32x1024xf32, #tpu.memory_space<vmem>>, vector<1x16xf32>,
      %get3A_919 = arith.index_cast %scan3A_45 : i32 to index
      %get3A_920 = arith.constant 736 : index
      %get3A_921 = tpu.vector_load %arg7[%get3A_919, %get3A_920] {strides = array<i32>} : memref<32x1024xf32, #tpu.memory_space<vmem>>, vector<1x16xf32>,
      %get3A_922 = vector.shape_cast %get3A_921 : vector<1x16xf32> to vector<16xf32>
      %get3A_923 = arith.index_cast %scan3A_45 : i32 to index
      %get3A_924 = arith.constant 736 : index
      %get3A_925 = tpu.vector_load %arg8[%get3A_923, %get3A_924] {strides = array<i32>} : memref<32x1024xf32, #tpu.memory_space<vmem>>, vector<1x16xf32>,
      %get3A_926 = vector.shape_cast %get3A_925 : vector<1x16xf32> to vector<16xf32>
      %add3A_927 = arith.addf %get3A_922, %get3A_926 : vector<16xf32>
      %get3A_928 = arith.index_cast %scan3A_45 : i32 to index
      %get3A_929 = arith.constant 736 : index
      %get3A_930 = tpu.vector_load %arg9[%get3A_928, %get3A_929] {strides = array<i32>} : memref<32x1024xf32, #tpu.memory_space<vmem>>, vector<1x16xf32>,
      %get3A_931 = vector.shape_cast %get3A_930 : vector<1x16xf32> to vector<16xf32>
      %add3A_932 = arith.addf %add3A_927, %get3A_931 : vector<16xf32>
      %swap3A_933 = arith.index_cast %scan3A_45 : i32 to index
      %swap3A_934 = arith.constant 736 : index
      %swap3A_935 = tpu.vector_load %arg7[%swap3A_933, %swap3A_934] {strides = array<i32>} : memref<32x1024xf32, #tpu.memory_space<vmem>>, vector<1x16xf32>,
      %swap3A_936 = vector.shape_cast %swap3A_935 : vector<1x16xf32> to vector<16xf32>
      %swap3A_937 = vector.shape_cast %add3A_932 : vector<16xf32> to vector<1x16xf32>
      tpu.vector_store %arg7[%swap3A_933, %swap3A_934], %swap3A_937 {strides = array<i32>} : memref<32x1024xf32, #tpu.memory_space<vmem>>, vector<1x16xf32>,
      %get3A_938 = arith.index_cast %scan3A_45 : i32 to index
      %get3A_939 = arith.constant 752 : index
      %get3A_940 = tpu.vector_load %arg7[%get3A_938, %get3A_939] {strides = array<i32>} : memref<32x1024xf32, #tpu.memory_space<vmem>>, vector<1x16xf32>,
      %get3A_941 = vector.shape_cast %get3A_940 : vector<1x16xf32> to vector<16xf32>
      %get3A_942 = arith.index_cast %scan3A_45 : i32 to index
      %get3A_943 = arith.constant 752 : index
      %get3A_944 = tpu.vector_load %arg8[%get3A_942, %get3A_943] {strides = array<i32>} : memref<32x1024xf32, #tpu.memory_space<vmem>>, vector<1x16xf32>,
      %get3A_945 = vector.shape_cast %get3A_944 : vector<1x16xf32> to vector<16xf32>
      %add3A_946 = arith.addf %get3A_941, %get3A_945 : vector<16xf32>
      %get3A_947 = arith.index_cast %scan3A_45 : i32 to index
      %get3A_948 = arith.constant 752 : index
      %get3A_949 = tpu.vector_load %arg9[%get3A_947, %get3A_948] {strides = array<i32>} : memref<32x1024xf32, #tpu.memory_space<vmem>>, vector<1x16xf32>,
      %get3A_950 = vector.shape_cast %get3A_949 : vector<1x16xf32> to vector<16xf32>
      %add3A_951 = arith.addf %add3A_946, %get3A_950 : vector<16xf32>
      %swap3A_952 = arith.index_cast %scan3A_45 : i32 to index
      %swap3A_953 = arith.constant 752 : index
      %swap3A_954 = tpu.vector_load %arg7[%swap3A_952, %swap3A_953] {strides = array<i32>} : memref<32x1024xf32, #tpu.memory_space<vmem>>, vector<1x16xf32>,
      %swap3A_955 = vector.shape_cast %swap3A_954 : vector<1x16xf32> to vector<16xf32>
      %swap3A_956 = vector.shape_cast %add3A_951 : vector<16xf32> to vector<1x16xf32>
      tpu.vector_store %arg7[%swap3A_952, %swap3A_953], %swap3A_956 {strides = array<i32>} : memref<32x1024xf32, #tpu.memory_space<vmem>>, vector<1x16xf32>,
      %get3A_957 = arith.index_cast %scan3A_45 : i32 to index
      %get3A_958 = arith.constant 768 : index
      %get3A_959 = tpu.vector_load %arg7[%get3A_957, %get3A_958] {strides = array<i32>} : memref<32x1024xf32, #tpu.memory_space<vmem>>, vector<1x16xf32>,
      %get3A_960 = vector.shape_cast %get3A_959 : vector<1x16xf32> to vector<16xf32>
      %get3A_961 = arith.index_cast %scan3A_45 : i32 to index
      %get3A_962 = arith.constant 768 : index
      %get3A_963 = tpu.vector_load %arg8[%get3A_961, %get3A_962] {strides = array<i32>} : memref<32x1024xf32, #tpu.memory_space<vmem>>, vector<1x16xf32>,
      %get3A_964 = vector.shape_cast %get3A_963 : vector<1x16xf32> to vector<16xf32>
      %add3A_965 = arith.addf %get3A_960, %get3A_964 : vector<16xf32>
      %get3A_966 = arith.index_cast %scan3A_45 : i32 to index
      %get3A_967 = arith.constant 768 : index
      %get3A_968 = tpu.vector_load %arg9[%get3A_966, %get3A_967] {strides = array<i32>} : memref<32x1024xf32, #tpu.memory_space<vmem>>, vector<1x16xf32>,
      %get3A_969 = vector.shape_cast %get3A_968 : vector<1x16xf32> to vector<16xf32>
      %add3A_970 = arith.addf %add3A_965, %get3A_969 : vector<16xf32>
      %swap3A_971 = arith.index_cast %scan3A_45 : i32 to index
      %swap3A_972 = arith.constant 768 : index
      %swap3A_973 = tpu.vector_load %arg7[%swap3A_971, %swap3A_972] {strides = array<i32>} : memref<32x1024xf32, #tpu.memory_space<vmem>>, vector<1x16xf32>,
      %swap3A_974 = vector.shape_cast %swap3A_973 : vector<1x16xf32> to vector<16xf32>
      %swap3A_975 = vector.shape_cast %add3A_970 : vector<16xf32> to vector<1x16xf32>
      tpu.vector_store %arg7[%swap3A_971, %swap3A_972], %swap3A_975 {strides = array<i32>} : memref<32x1024xf32, #tpu.memory_space<vmem>>, vector<1x16xf32>,
      %get3A_976 = arith.index_cast %scan3A_45 : i32 to index
      %get3A_977 = arith.constant 784 : index
      %get3A_978 = tpu.vector_load %arg7[%get3A_976, %get3A_977] {strides = array<i32>} : memref<32x1024xf32, #tpu.memory_space<vmem>>, vector<1x16xf32>,
      %get3A_979 = vector.shape_cast %get3A_978 : vector<1x16xf32> to vector<16xf32>
      %get3A_980 = arith.index_cast %scan3A_45 : i32 to index
      %get3A_981 = arith.constant 784 : index
      %get3A_982 = tpu.vector_load %arg8[%get3A_980, %get3A_981] {strides = array<i32>} : memref<32x1024xf32, #tpu.memory_space<vmem>>, vector<1x16xf32>,
      %get3A_983 = vector.shape_cast %get3A_982 : vector<1x16xf32> to vector<16xf32>
      %add3A_984 = arith.addf %get3A_979, %get3A_983 : vector<16xf32>
      %get3A_985 = arith.index_cast %scan3A_45 : i32 to index
      %get3A_986 = arith.constant 784 : index
      %get3A_987 = tpu.vector_load %arg9[%get3A_985, %get3A_986] {strides = array<i32>} : memref<32x1024xf32, #tpu.memory_space<vmem>>, vector<1x16xf32>,
      %get3A_988 = vector.shape_cast %get3A_987 : vector<1x16xf32> to vector<16xf32>
      %add3A_989 = arith.addf %add3A_984, %get3A_988 : vector<16xf32>
      %swap3A_990 = arith.index_cast %scan3A_45 : i32 to index
      %swap3A_991 = arith.constant 784 : index
      %swap3A_992 = tpu.vector_load %arg7[%swap3A_990, %swap3A_991] {strides = array<i32>} : memref<32x1024xf32, #tpu.memory_space<vmem>>, vector<1x16xf32>,
      %swap3A_993 = vector.shape_cast %swap3A_992 : vector<1x16xf32> to vector<16xf32>
      %swap3A_994 = vector.shape_cast %add3A_989 : vector<16xf32> to vector<1x16xf32>
      tpu.vector_store %arg7[%swap3A_990, %swap3A_991], %swap3A_994 {strides = array<i32>} : memref<32x1024xf32, #tpu.memory_space<vmem>>, vector<1x16xf32>,
      %get3A_995 = arith.index_cast %scan3A_45 : i32 to index
      %get3A_996 = arith.constant 800 : index
      %get3A_997 = tpu.vector_load %arg7[%get3A_995, %get3A_996] {strides = array<i32>} : memref<32x1024xf32, #tpu.memory_space<vmem>>, vector<1x16xf32>,
      %get3A_998 = vector.shape_cast %get3A_997 : vector<1x16xf32> to vector<16xf32>
      %get3A_999 = arith.index_cast %scan3A_45 : i32 to index
      %get3A_1000 = arith.constant 800 : index
      %get3A_1001 = tpu.vector_load %arg8[%get3A_999, %get3A_1000] {strides = array<i32>} : memref<32x1024xf32, #tpu.memory_space<vmem>>, vector<1x16xf32>,
      %get3A_1002 = vector.shape_cast %get3A_1001 : vector<1x16xf32> to vector<16xf32>
      %add3A_1003 = arith.addf %get3A_998, %get3A_1002 : vector<16xf32>
      %get3A_1004 = arith.index_cast %scan3A_45 : i32 to index
      %get3A_1005 = arith.constant 800 : index
      %get3A_1006 = tpu.vector_load %arg9[%get3A_1004, %get3A_1005] {strides = array<i32>} : memref<32x1024xf32, #tpu.memory_space<vmem>>, vector<1x16xf32>,
      %get3A_1007 = vector.shape_cast %get3A_1006 : vector<1x16xf32> to vector<16xf32>
      %add3A_1008 = arith.addf %add3A_1003, %get3A_1007 : vector<16xf32>
      %swap3A_1009 = arith.index_cast %scan3A_45 : i32 to index
      %swap3A_1010 = arith.constant 800 : index
      %swap3A_1011 = tpu.vector_load %arg7[%swap3A_1009, %swap3A_1010] {strides = array<i32>} : memref<32x1024xf32, #tpu.memory_space<vmem>>, vector<1x16xf32>,
      %swap3A_1012 = vector.shape_cast %swap3A_1011 : vector<1x16xf32> to vector<16xf32>
      %swap3A_1013 = vector.shape_cast %add3A_1008 : vector<16xf32> to vector<1x16xf32>
      tpu.vector_store %arg7[%swap3A_1009, %swap3A_1010], %swap3A_1013 {strides = array<i32>} : memref<32x1024xf32, #tpu.memory_space<vmem>>, vector<1x16xf32>,
      %get3A_1014 = arith.index_cast %scan3A_45 : i32 to index
      %get3A_1015 = arith.constant 816 : index
      %get3A_1016 = tpu.vector_load %arg7[%get3A_1014, %get3A_1015] {strides = array<i32>} : memref<32x1024xf32, #tpu.memory_space<vmem>>, vector<1x16xf32>,
      %get3A_1017 = vector.shape_cast %get3A_1016 : vector<1x16xf32> to vector<16xf32>
      %get3A_1018 = arith.index_cast %scan3A_45 : i32 to index
      %get3A_1019 = arith.constant 816 : index
      %get3A_1020 = tpu.vector_load %arg8[%get3A_1018, %get3A_1019] {strides = array<i32>} : memref<32x1024xf32, #tpu.memory_space<vmem>>, vector<1x16xf32>,
      %get3A_1021 = vector.shape_cast %get3A_1020 : vector<1x16xf32> to vector<16xf32>
      %add3A_1022 = arith.addf %get3A_1017, %get3A_1021 : vector<16xf32>
      %get3A_1023 = arith.index_cast %scan3A_45 : i32 to index
      %get3A_1024 = arith.constant 816 : index
      %get3A_1025 = tpu.vector_load %arg9[%get3A_1023, %get3A_1024] {strides = array<i32>} : memref<32x1024xf32, #tpu.memory_space<vmem>>, vector<1x16xf32>,
      %get3A_1026 = vector.shape_cast %get3A_1025 : vector<1x16xf32> to vector<16xf32>
      %add3A_1027 = arith.addf %add3A_1022, %get3A_1026 : vector<16xf32>
      %swap3A_1028 = arith.index_cast %scan3A_45 : i32 to index
      %swap3A_1029 = arith.constant 816 : index
      %swap3A_1030 = tpu.vector_load %arg7[%swap3A_1028, %swap3A_1029] {strides = array<i32>} : memref<32x1024xf32, #tpu.memory_space<vmem>>, vector<1x16xf32>,
      %swap3A_1031 = vector.shape_cast %swap3A_1030 : vector<1x16xf32> to vector<16xf32>
      %swap3A_1032 = vector.shape_cast %add3A_1027 : vector<16xf32> to vector<1x16xf32>
      tpu.vector_store %arg7[%swap3A_1028, %swap3A_1029], %swap3A_1032 {strides = array<i32>} : memref<32x1024xf32, #tpu.memory_space<vmem>>, vector<1x16xf32>,
      %get3A_1033 = arith.index_cast %scan3A_45 : i32 to index
      %get3A_1034 = arith.constant 832 : index
      %get3A_1035 = tpu.vector_load %arg7[%get3A_1033, %get3A_1034] {strides = array<i32>} : memref<32x1024xf32, #tpu.memory_space<vmem>>, vector<1x16xf32>,
      %get3A_1036 = vector.shape_cast %get3A_1035 : vector<1x16xf32> to vector<16xf32>
      %get3A_1037 = arith.index_cast %scan3A_45 : i32 to index
      %get3A_1038 = arith.constant 832 : index
      %get3A_1039 = tpu.vector_load %arg8[%get3A_1037, %get3A_1038] {strides = array<i32>} : memref<32x1024xf32, #tpu.memory_space<vmem>>, vector<1x16xf32>,
      %get3A_1040 = vector.shape_cast %get3A_1039 : vector<1x16xf32> to vector<16xf32>
      %add3A_1041 = arith.addf %get3A_1036, %get3A_1040 : vector<16xf32>
      %get3A_1042 = arith.index_cast %scan3A_45 : i32 to index
      %get3A_1043 = arith.constant 832 : index
      %get3A_1044 = tpu.vector_load %arg9[%get3A_1042, %get3A_1043] {strides = array<i32>} : memref<32x1024xf32, #tpu.memory_space<vmem>>, vector<1x16xf32>,
      %get3A_1045 = vector.shape_cast %get3A_1044 : vector<1x16xf32> to vector<16xf32>
      %add3A_1046 = arith.addf %add3A_1041, %get3A_1045 : vector<16xf32>
      %swap3A_1047 = arith.index_cast %scan3A_45 : i32 to index
      %swap3A_1048 = arith.constant 832 : index
      %swap3A_1049 = tpu.vector_load %arg7[%swap3A_1047, %swap3A_1048] {strides = array<i32>} : memref<32x1024xf32, #tpu.memory_space<vmem>>, vector<1x16xf32>,
      %swap3A_1050 = vector.shape_cast %swap3A_1049 : vector<1x16xf32> to vector<16xf32>
      %swap3A_1051 = vector.shape_cast %add3A_1046 : vector<16xf32> to vector<1x16xf32>
      tpu.vector_store %arg7[%swap3A_1047, %swap3A_1048], %swap3A_1051 {strides = array<i32>} : memref<32x1024xf32, #tpu.memory_space<vmem>>, vector<1x16xf32>,
      %get3A_1052 = arith.index_cast %scan3A_45 : i32 to index
      %get3A_1053 = arith.constant 848 : index
      %get3A_1054 = tpu.vector_load %arg7[%get3A_1052, %get3A_1053] {strides = array<i32>} : memref<32x1024xf32, #tpu.memory_space<vmem>>, vector<1x16xf32>,
      %get3A_1055 = vector.shape_cast %get3A_1054 : vector<1x16xf32> to vector<16xf32>
      %get3A_1056 = arith.index_cast %scan3A_45 : i32 to index
      %get3A_1057 = arith.constant 848 : index
      %get3A_1058 = tpu.vector_load %arg8[%get3A_1056, %get3A_1057] {strides = array<i32>} : memref<32x1024xf32, #tpu.memory_space<vmem>>, vector<1x16xf32>,
      %get3A_1059 = vector.shape_cast %get3A_1058 : vector<1x16xf32> to vector<16xf32>
      %add3A_1060 = arith.addf %get3A_1055, %get3A_1059 : vector<16xf32>
      %get3A_1061 = arith.index_cast %scan3A_45 : i32 to index
      %get3A_1062 = arith.constant 848 : index
      %get3A_1063 = tpu.vector_load %arg9[%get3A_1061, %get3A_1062] {strides = array<i32>} : memref<32x1024xf32, #tpu.memory_space<vmem>>, vector<1x16xf32>,
      %get3A_1064 = vector.shape_cast %get3A_1063 : vector<1x16xf32> to vector<16xf32>
      %add3A_1065 = arith.addf %add3A_1060, %get3A_1064 : vector<16xf32>
      %swap3A_1066 = arith.index_cast %scan3A_45 : i32 to index
      %swap3A_1067 = arith.constant 848 : index
      %swap3A_1068 = tpu.vector_load %arg7[%swap3A_1066, %swap3A_1067] {strides = array<i32>} : memref<32x1024xf32, #tpu.memory_space<vmem>>, vector<1x16xf32>,
      %swap3A_1069 = vector.shape_cast %swap3A_1068 : vector<1x16xf32> to vector<16xf32>
      %swap3A_1070 = vector.shape_cast %add3A_1065 : vector<16xf32> to vector<1x16xf32>
      tpu.vector_store %arg7[%swap3A_1066, %swap3A_1067], %swap3A_1070 {strides = array<i32>} : memref<32x1024xf32, #tpu.memory_space<vmem>>, vector<1x16xf32>,
      %get3A_1071 = arith.index_cast %scan3A_45 : i32 to index
      %get3A_1072 = arith.constant 864 : index
      %get3A_1073 = tpu.vector_load %arg7[%get3A_1071, %get3A_1072] {strides = array<i32>} : memref<32x1024xf32, #tpu.memory_space<vmem>>, vector<1x16xf32>,
      %get3A_1074 = vector.shape_cast %get3A_1073 : vector<1x16xf32> to vector<16xf32>
      %get3A_1075 = arith.index_cast %scan3A_45 : i32 to index
      %get3A_1076 = arith.constant 864 : index
      %get3A_1077 = tpu.vector_load %arg8[%get3A_1075, %get3A_1076] {strides = array<i32>} : memref<32x1024xf32, #tpu.memory_space<vmem>>, vector<1x16xf32>,
      %get3A_1078 = vector.shape_cast %get3A_1077 : vector<1x16xf32> to vector<16xf32>
      %add3A_1079 = arith.addf %get3A_1074, %get3A_1078 : vector<16xf32>
      %get3A_1080 = arith.index_cast %scan3A_45 : i32 to index
      %get3A_1081 = arith.constant 864 : index
      %get3A_1082 = tpu.vector_load %arg9[%get3A_1080, %get3A_1081] {strides = array<i32>} : memref<32x1024xf32, #tpu.memory_space<vmem>>, vector<1x16xf32>,
      %get3A_1083 = vector.shape_cast %get3A_1082 : vector<1x16xf32> to vector<16xf32>
      %add3A_1084 = arith.addf %add3A_1079, %get3A_1083 : vector<16xf32>
      %swap3A_1085 = arith.index_cast %scan3A_45 : i32 to index
      %swap3A_1086 = arith.constant 864 : index
      %swap3A_1087 = tpu.vector_load %arg7[%swap3A_1085, %swap3A_1086] {strides = array<i32>} : memref<32x1024xf32, #tpu.memory_space<vmem>>, vector<1x16xf32>,
      %swap3A_1088 = vector.shape_cast %swap3A_1087 : vector<1x16xf32> to vector<16xf32>
      %swap3A_1089 = vector.shape_cast %add3A_1084 : vector<16xf32> to vector<1x16xf32>
      tpu.vector_store %arg7[%swap3A_1085, %swap3A_1086], %swap3A_1089 {strides = array<i32>} : memref<32x1024xf32, #tpu.memory_space<vmem>>, vector<1x16xf32>,
      %get3A_1090 = arith.index_cast %scan3A_45 : i32 to index
      %get3A_1091 = arith.constant 880 : index
      %get3A_1092 = tpu.vector_load %arg7[%get3A_1090, %get3A_1091] {strides = array<i32>} : memref<32x1024xf32, #tpu.memory_space<vmem>>, vector<1x16xf32>,
      %get3A_1093 = vector.shape_cast %get3A_1092 : vector<1x16xf32> to vector<16xf32>
      %get3A_1094 = arith.index_cast %scan3A_45 : i32 to index
      %get3A_1095 = arith.constant 880 : index
      %get3A_1096 = tpu.vector_load %arg8[%get3A_1094, %get3A_1095] {strides = array<i32>} : memref<32x1024xf32, #tpu.memory_space<vmem>>, vector<1x16xf32>,
      %get3A_1097 = vector.shape_cast %get3A_1096 : vector<1x16xf32> to vector<16xf32>
      %add3A_1098 = arith.addf %get3A_1093, %get3A_1097 : vector<16xf32>
      %get3A_1099 = arith.index_cast %scan3A_45 : i32 to index
      %get3A_1100 = arith.constant 880 : index
      %get3A_1101 = tpu.vector_load %arg9[%get3A_1099, %get3A_1100] {strides = array<i32>} : memref<32x1024xf32, #tpu.memory_space<vmem>>, vector<1x16xf32>,
      %get3A_1102 = vector.shape_cast %get3A_1101 : vector<1x16xf32> to vector<16xf32>
      %add3A_1103 = arith.addf %add3A_1098, %get3A_1102 : vector<16xf32>
      %swap3A_1104 = arith.index_cast %scan3A_45 : i32 to index
      %swap3A_1105 = arith.constant 880 : index
      %swap3A_1106 = tpu.vector_load %arg7[%swap3A_1104, %swap3A_1105] {strides = array<i32>} : memref<32x1024xf32, #tpu.memory_space<vmem>>, vector<1x16xf32>,
      %swap3A_1107 = vector.shape_cast %swap3A_1106 : vector<1x16xf32> to vector<16xf32>
      %swap3A_1108 = vector.shape_cast %add3A_1103 : vector<16xf32> to vector<1x16xf32>
      tpu.vector_store %arg7[%swap3A_1104, %swap3A_1105], %swap3A_1108 {strides = array<i32>} : memref<32x1024xf32, #tpu.memory_space<vmem>>, vector<1x16xf32>,
      %get3A_1109 = arith.index_cast %scan3A_45 : i32 to index
      %get3A_1110 = arith.constant 896 : index
      %get3A_1111 = tpu.vector_load %arg7[%get3A_1109, %get3A_1110] {strides = array<i32>} : memref<32x1024xf32, #tpu.memory_space<vmem>>, vector<1x16xf32>,
      %get3A_1112 = vector.shape_cast %get3A_1111 : vector<1x16xf32> to vector<16xf32>
      %get3A_1113 = arith.index_cast %scan3A_45 : i32 to index
      %get3A_1114 = arith.constant 896 : index
      %get3A_1115 = tpu.vector_load %arg8[%get3A_1113, %get3A_1114] {strides = array<i32>} : memref<32x1024xf32, #tpu.memory_space<vmem>>, vector<1x16xf32>,
      %get3A_1116 = vector.shape_cast %get3A_1115 : vector<1x16xf32> to vector<16xf32>
      %add3A_1117 = arith.addf %get3A_1112, %get3A_1116 : vector<16xf32>
      %get3A_1118 = arith.index_cast %scan3A_45 : i32 to index
      %get3A_1119 = arith.constant 896 : index
      %get3A_1120 = tpu.vector_load %arg9[%get3A_1118, %get3A_1119] {strides = array<i32>} : memref<32x1024xf32, #tpu.memory_space<vmem>>, vector<1x16xf32>,
      %get3A_1121 = vector.shape_cast %get3A_1120 : vector<1x16xf32> to vector<16xf32>
      %add3A_1122 = arith.addf %add3A_1117, %get3A_1121 : vector<16xf32>
      %swap3A_1123 = arith.index_cast %scan3A_45 : i32 to index
      %swap3A_1124 = arith.constant 896 : index
      %swap3A_1125 = tpu.vector_load %arg7[%swap3A_1123, %swap3A_1124] {strides = array<i32>} : memref<32x1024xf32, #tpu.memory_space<vmem>>, vector<1x16xf32>,
      %swap3A_1126 = vector.shape_cast %swap3A_1125 : vector<1x16xf32> to vector<16xf32>
      %swap3A_1127 = vector.shape_cast %add3A_1122 : vector<16xf32> to vector<1x16xf32>
      tpu.vector_store %arg7[%swap3A_1123, %swap3A_1124], %swap3A_1127 {strides = array<i32>} : memref<32x1024xf32, #tpu.memory_space<vmem>>, vector<1x16xf32>,
      %get3A_1128 = arith.index_cast %scan3A_45 : i32 to index
      %get3A_1129 = arith.constant 912 : index
      %get3A_1130 = tpu.vector_load %arg7[%get3A_1128, %get3A_1129] {strides = array<i32>} : memref<32x1024xf32, #tpu.memory_space<vmem>>, vector<1x16xf32>,
      %get3A_1131 = vector.shape_cast %get3A_1130 : vector<1x16xf32> to vector<16xf32>
      %get3A_1132 = arith.index_cast %scan3A_45 : i32 to index
      %get3A_1133 = arith.constant 912 : index
      %get3A_1134 = tpu.vector_load %arg8[%get3A_1132, %get3A_1133] {strides = array<i32>} : memref<32x1024xf32, #tpu.memory_space<vmem>>, vector<1x16xf32>,
      %get3A_1135 = vector.shape_cast %get3A_1134 : vector<1x16xf32> to vector<16xf32>
      %add3A_1136 = arith.addf %get3A_1131, %get3A_1135 : vector<16xf32>
      %get3A_1137 = arith.index_cast %scan3A_45 : i32 to index
      %get3A_1138 = arith.constant 912 : index
      %get3A_1139 = tpu.vector_load %arg9[%get3A_1137, %get3A_1138] {strides = array<i32>} : memref<32x1024xf32, #tpu.memory_space<vmem>>, vector<1x16xf32>,
      %get3A_1140 = vector.shape_cast %get3A_1139 : vector<1x16xf32> to vector<16xf32>
      %add3A_1141 = arith.addf %add3A_1136, %get3A_1140 : vector<16xf32>
      %swap3A_1142 = arith.index_cast %scan3A_45 : i32 to index
      %swap3A_1143 = arith.constant 912 : index
      %swap3A_1144 = tpu.vector_load %arg7[%swap3A_1142, %swap3A_1143] {strides = array<i32>} : memref<32x1024xf32, #tpu.memory_space<vmem>>, vector<1x16xf32>,
      %swap3A_1145 = vector.shape_cast %swap3A_1144 : vector<1x16xf32> to vector<16xf32>
      %swap3A_1146 = vector.shape_cast %add3A_1141 : vector<16xf32> to vector<1x16xf32>
      tpu.vector_store %arg7[%swap3A_1142, %swap3A_1143], %swap3A_1146 {strides = array<i32>} : memref<32x1024xf32, #tpu.memory_space<vmem>>, vector<1x16xf32>,
      %get3A_1147 = arith.index_cast %scan3A_45 : i32 to index
      %get3A_1148 = arith.constant 928 : index
      %get3A_1149 = tpu.vector_load %arg7[%get3A_1147, %get3A_1148] {strides = array<i32>} : memref<32x1024xf32, #tpu.memory_space<vmem>>, vector<1x16xf32>,
      %get3A_1150 = vector.shape_cast %get3A_1149 : vector<1x16xf32> to vector<16xf32>
      %get3A_1151 = arith.index_cast %scan3A_45 : i32 to index
      %get3A_1152 = arith.constant 928 : index
      %get3A_1153 = tpu.vector_load %arg8[%get3A_1151, %get3A_1152] {strides = array<i32>} : memref<32x1024xf32, #tpu.memory_space<vmem>>, vector<1x16xf32>,
      %get3A_1154 = vector.shape_cast %get3A_1153 : vector<1x16xf32> to vector<16xf32>
      %add3A_1155 = arith.addf %get3A_1150, %get3A_1154 : vector<16xf32>
      %get3A_1156 = arith.index_cast %scan3A_45 : i32 to index
      %get3A_1157 = arith.constant 928 : index
      %get3A_1158 = tpu.vector_load %arg9[%get3A_1156, %get3A_1157] {strides = array<i32>} : memref<32x1024xf32, #tpu.memory_space<vmem>>, vector<1x16xf32>,
      %get3A_1159 = vector.shape_cast %get3A_1158 : vector<1x16xf32> to vector<16xf32>
      %add3A_1160 = arith.addf %add3A_1155, %get3A_1159 : vector<16xf32>
      %swap3A_1161 = arith.index_cast %scan3A_45 : i32 to index
      %swap3A_1162 = arith.constant 928 : index
      %swap3A_1163 = tpu.vector_load %arg7[%swap3A_1161, %swap3A_1162] {strides = array<i32>} : memref<32x1024xf32, #tpu.memory_space<vmem>>, vector<1x16xf32>,
      %swap3A_1164 = vector.shape_cast %swap3A_1163 : vector<1x16xf32> to vector<16xf32>
      %swap3A_1165 = vector.shape_cast %add3A_1160 : vector<16xf32> to vector<1x16xf32>
      tpu.vector_store %arg7[%swap3A_1161, %swap3A_1162], %swap3A_1165 {strides = array<i32>} : memref<32x1024xf32, #tpu.memory_space<vmem>>, vector<1x16xf32>,
      %get3A_1166 = arith.index_cast %scan3A_45 : i32 to index
      %get3A_1167 = arith.constant 944 : index
      %get3A_1168 = tpu.vector_load %arg7[%get3A_1166, %get3A_1167] {strides = array<i32>} : memref<32x1024xf32, #tpu.memory_space<vmem>>, vector<1x16xf32>,
      %get3A_1169 = vector.shape_cast %get3A_1168 : vector<1x16xf32> to vector<16xf32>
      %get3A_1170 = arith.index_cast %scan3A_45 : i32 to index
      %get3A_1171 = arith.constant 944 : index
      %get3A_1172 = tpu.vector_load %arg8[%get3A_1170, %get3A_1171] {strides = array<i32>} : memref<32x1024xf32, #tpu.memory_space<vmem>>, vector<1x16xf32>,
      %get3A_1173 = vector.shape_cast %get3A_1172 : vector<1x16xf32> to vector<16xf32>
      %add3A_1174 = arith.addf %get3A_1169, %get3A_1173 : vector<16xf32>
      %get3A_1175 = arith.index_cast %scan3A_45 : i32 to index
      %get3A_1176 = arith.constant 944 : index
      %get3A_1177 = tpu.vector_load %arg9[%get3A_1175, %get3A_1176] {strides = array<i32>} : memref<32x1024xf32, #tpu.memory_space<vmem>>, vector<1x16xf32>,
      %get3A_1178 = vector.shape_cast %get3A_1177 : vector<1x16xf32> to vector<16xf32>
      %add3A_1179 = arith.addf %add3A_1174, %get3A_1178 : vector<16xf32>
      %swap3A_1180 = arith.index_cast %scan3A_45 : i32 to index
      %swap3A_1181 = arith.constant 944 : index
      %swap3A_1182 = tpu.vector_load %arg7[%swap3A_1180, %swap3A_1181] {strides = array<i32>} : memref<32x1024xf32, #tpu.memory_space<vmem>>, vector<1x16xf32>,
      %swap3A_1183 = vector.shape_cast %swap3A_1182 : vector<1x16xf32> to vector<16xf32>
      %swap3A_1184 = vector.shape_cast %add3A_1179 : vector<16xf32> to vector<1x16xf32>
      tpu.vector_store %arg7[%swap3A_1180, %swap3A_1181], %swap3A_1184 {strides = array<i32>} : memref<32x1024xf32, #tpu.memory_space<vmem>>, vector<1x16xf32>,
      %get3A_1185 = arith.index_cast %scan3A_45 : i32 to index
      %get3A_1186 = arith.constant 960 : index
      %get3A_1187 = tpu.vector_load %arg7[%get3A_1185, %get3A_1186] {strides = array<i32>} : memref<32x1024xf32, #tpu.memory_space<vmem>>, vector<1x16xf32>,
      %get3A_1188 = vector.shape_cast %get3A_1187 : vector<1x16xf32> to vector<16xf32>
      %get3A_1189 = arith.index_cast %scan3A_45 : i32 to index
      %get3A_1190 = arith.constant 960 : index
      %get3A_1191 = tpu.vector_load %arg8[%get3A_1189, %get3A_1190] {strides = array<i32>} : memref<32x1024xf32, #tpu.memory_space<vmem>>, vector<1x16xf32>,
      %get3A_1192 = vector.shape_cast %get3A_1191 : vector<1x16xf32> to vector<16xf32>
      %add3A_1193 = arith.addf %get3A_1188, %get3A_1192 : vector<16xf32>
      %get3A_1194 = arith.index_cast %scan3A_45 : i32 to index
      %get3A_1195 = arith.constant 960 : index
      %get3A_1196 = tpu.vector_load %arg9[%get3A_1194, %get3A_1195] {strides = array<i32>} : memref<32x1024xf32, #tpu.memory_space<vmem>>, vector<1x16xf32>,
      %get3A_1197 = vector.shape_cast %get3A_1196 : vector<1x16xf32> to vector<16xf32>
      %add3A_1198 = arith.addf %add3A_1193, %get3A_1197 : vector<16xf32>
      %swap3A_1199 = arith.index_cast %scan3A_45 : i32 to index
      %swap3A_1200 = arith.constant 960 : index
      %swap3A_1201 = tpu.vector_load %arg7[%swap3A_1199, %swap3A_1200] {strides = array<i32>} : memref<32x1024xf32, #tpu.memory_space<vmem>>, vector<1x16xf32>,
      %swap3A_1202 = vector.shape_cast %swap3A_1201 : vector<1x16xf32> to vector<16xf32>
      %swap3A_1203 = vector.shape_cast %add3A_1198 : vector<16xf32> to vector<1x16xf32>
      tpu.vector_store %arg7[%swap3A_1199, %swap3A_1200], %swap3A_1203 {strides = array<i32>} : memref<32x1024xf32, #tpu.memory_space<vmem>>, vector<1x16xf32>,
      %get3A_1204 = arith.index_cast %scan3A_45 : i32 to index
      %get3A_1205 = arith.constant 976 : index
      %get3A_1206 = tpu.vector_load %arg7[%get3A_1204, %get3A_1205] {strides = array<i32>} : memref<32x1024xf32, #tpu.memory_space<vmem>>, vector<1x16xf32>,
      %get3A_1207 = vector.shape_cast %get3A_1206 : vector<1x16xf32> to vector<16xf32>
      %get3A_1208 = arith.index_cast %scan3A_45 : i32 to index
      %get3A_1209 = arith.constant 976 : index
      %get3A_1210 = tpu.vector_load %arg8[%get3A_1208, %get3A_1209] {strides = array<i32>} : memref<32x1024xf32, #tpu.memory_space<vmem>>, vector<1x16xf32>,
      %get3A_1211 = vector.shape_cast %get3A_1210 : vector<1x16xf32> to vector<16xf32>
      %add3A_1212 = arith.addf %get3A_1207, %get3A_1211 : vector<16xf32>
      %get3A_1213 = arith.index_cast %scan3A_45 : i32 to index
      %get3A_1214 = arith.constant 976 : index
      %get3A_1215 = tpu.vector_load %arg9[%get3A_1213, %get3A_1214] {strides = array<i32>} : memref<32x1024xf32, #tpu.memory_space<vmem>>, vector<1x16xf32>,
      %get3A_1216 = vector.shape_cast %get3A_1215 : vector<1x16xf32> to vector<16xf32>
      %add3A_1217 = arith.addf %add3A_1212, %get3A_1216 : vector<16xf32>
      %swap3A_1218 = arith.index_cast %scan3A_45 : i32 to index
      %swap3A_1219 = arith.constant 976 : index
      %swap3A_1220 = tpu.vector_load %arg7[%swap3A_1218, %swap3A_1219] {strides = array<i32>} : memref<32x1024xf32, #tpu.memory_space<vmem>>, vector<1x16xf32>,
      %swap3A_1221 = vector.shape_cast %swap3A_1220 : vector<1x16xf32> to vector<16xf32>
      %swap3A_1222 = vector.shape_cast %add3A_1217 : vector<16xf32> to vector<1x16xf32>
      tpu.vector_store %arg7[%swap3A_1218, %swap3A_1219], %swap3A_1222 {strides = array<i32>} : memref<32x1024xf32, #tpu.memory_space<vmem>>, vector<1x16xf32>,
      %get3A_1223 = arith.index_cast %scan3A_45 : i32 to index
      %get3A_1224 = arith.constant 992 : index
      %get3A_1225 = tpu.vector_load %arg7[%get3A_1223, %get3A_1224] {strides = array<i32>} : memref<32x1024xf32, #tpu.memory_space<vmem>>, vector<1x16xf32>,
      %get3A_1226 = vector.shape_cast %get3A_1225 : vector<1x16xf32> to vector<16xf32>
      %get3A_1227 = arith.index_cast %scan3A_45 : i32 to index
      %get3A_1228 = arith.constant 992 : index
      %get3A_1229 = tpu.vector_load %arg8[%get3A_1227, %get3A_1228] {strides = array<i32>} : memref<32x1024xf32, #tpu.memory_space<vmem>>, vector<1x16xf32>,
      %get3A_1230 = vector.shape_cast %get3A_1229 : vector<1x16xf32> to vector<16xf32>
      %add3A_1231 = arith.addf %get3A_1226, %get3A_1230 : vector<16xf32>
      %get3A_1232 = arith.index_cast %scan3A_45 : i32 to index
      %get3A_1233 = arith.constant 992 : index
      %get3A_1234 = tpu.vector_load %arg9[%get3A_1232, %get3A_1233] {strides = array<i32>} : memref<32x1024xf32, #tpu.memory_space<vmem>>, vector<1x16xf32>,
      %get3A_1235 = vector.shape_cast %get3A_1234 : vector<1x16xf32> to vector<16xf32>
      %add3A_1236 = arith.addf %add3A_1231, %get3A_1235 : vector<16xf32>
      %swap3A_1237 = arith.index_cast %scan3A_45 : i32 to index
      %swap3A_1238 = arith.constant 992 : index
      %swap3A_1239 = tpu.vector_load %arg7[%swap3A_1237, %swap3A_1238] {strides = array<i32>} : memref<32x1024xf32, #tpu.memory_space<vmem>>, vector<1x16xf32>,
      %swap3A_1240 = vector.shape_cast %swap3A_1239 : vector<1x16xf32> to vector<16xf32>
      %swap3A_1241 = vector.shape_cast %add3A_1236 : vector<16xf32> to vector<1x16xf32>
      tpu.vector_store %arg7[%swap3A_1237, %swap3A_1238], %swap3A_1241 {strides = array<i32>} : memref<32x1024xf32, #tpu.memory_space<vmem>>, vector<1x16xf32>,
      %get3A_1242 = arith.index_cast %scan3A_45 : i32 to index
      %get3A_1243 = arith.constant 1008 : index
      %get3A_1244 = tpu.vector_load %arg7[%get3A_1242, %get3A_1243] {strides = array<i32>} : memref<32x1024xf32, #tpu.memory_space<vmem>>, vector<1x16xf32>,
      %get3A_1245 = vector.shape_cast %get3A_1244 : vector<1x16xf32> to vector<16xf32>
      %get3A_1246 = arith.index_cast %scan3A_45 : i32 to index
      %get3A_1247 = arith.constant 1008 : index
      %get3A_1248 = tpu.vector_load %arg8[%get3A_1246, %get3A_1247] {strides = array<i32>} : memref<32x1024xf32, #tpu.memory_space<vmem>>, vector<1x16xf32>,
      %get3A_1249 = vector.shape_cast %get3A_1248 : vector<1x16xf32> to vector<16xf32>
      %add3A_1250 = arith.addf %get3A_1245, %get3A_1249 : vector<16xf32>
      %get3A_1251 = arith.index_cast %scan3A_45 : i32 to index
      %get3A_1252 = arith.constant 1008 : index
      %get3A_1253 = tpu.vector_load %arg9[%get3A_1251, %get3A_1252] {strides = array<i32>} : memref<32x1024xf32, #tpu.memory_space<vmem>>, vector<1x16xf32>,
      %get3A_1254 = vector.shape_cast %get3A_1253 : vector<1x16xf32> to vector<16xf32>
      %add3A_1255 = arith.addf %add3A_1250, %get3A_1254 : vector<16xf32>
      %swap3A_1256 = arith.index_cast %scan3A_45 : i32 to index
      %swap3A_1257 = arith.constant 1008 : index
      %swap3A_1258 = tpu.vector_load %arg7[%swap3A_1256, %swap3A_1257] {strides = array<i32>} : memref<32x1024xf32, #tpu.memory_space<vmem>>, vector<1x16xf32>,
      %swap3A_1259 = vector.shape_cast %swap3A_1258 : vector<1x16xf32> to vector<16xf32>
      %swap3A_1260 = vector.shape_cast %add3A_1255 : vector<16xf32> to vector<1x16xf32>
      tpu.vector_store %arg7[%swap3A_1256, %swap3A_1257], %swap3A_1260 {strides = array<i32>} : memref<32x1024xf32, #tpu.memory_space<vmem>>, vector<1x16xf32>,
      %scan3A_1261 = arith.constant 0 : i32
      scf.yield %scan3A_1261 : i32
    }
    %scan3A_21 = arith.constant 32 : i32
    "tpu.region"() ({
      %run_scoped3A_45 = tpu.sem_alloc : memref<!tpu.dma_semaphore, #tpu.memory_space<semaphore_mem>>
      %dma_start3A_46 = arith.constant 0 : i32
      %dma_start3A_47 = tpu.memref_slice %arg6[%add3A_4, %dma_start3A_46] : memref<2048x1024xf32, #tpu.memory_space<hbm>> -> memref<32x1024xf32, #tpu.memory_space<hbm>>
      %dma_start3A_48 = arith.constant 0 : i32
      %dma_start3A_49 = tpu.memref_slice %arg6[%add3A_4, %dma_start3A_48] : memref<2048x1024xf32, #tpu.memory_space<hbm>> -> memref<32x1024xf32, #tpu.memory_space<hbm>>
      tpu.enqueue_dma source(%arg7 : memref<32x1024xf32, #tpu.memory_space<vmem>>) target(%dma_start3A_49 : memref<32x1024xf32, #tpu.memory_space<hbm>>) target_semaphore(%run_scoped3A_45 : memref<!tpu.dma_semaphore, #tpu.memory_space<semaphore_mem>>)
      %dma_wait3A_50 = arith.constant 0 : i32
      %dma_wait3A_51 = tpu.memref_slice %arg6[%add3A_4, %dma_wait3A_50] : memref<2048x1024xf32, #tpu.memory_space<hbm>> -> memref<32x1024xf32, #tpu.memory_space<hbm>>
      %dma_wait3A_52 = arith.constant 0 : i32
      %dma_wait3A_53 = tpu.memref_slice %arg6[%add3A_4, %dma_wait3A_52] : memref<2048x1024xf32, #tpu.memory_space<hbm>> -> memref<32x1024xf32, #tpu.memory_space<hbm>>
      tpu.wait_dma2 semaphore(%run_scoped3A_45 : memref<!tpu.dma_semaphore, #tpu.memory_space<semaphore_mem>>) src(%arg7 : memref<32x1024xf32, #tpu.memory_space<vmem>>) dst(%dma_wait3A_53 : memref<32x1024xf32, #tpu.memory_space<hbm>>)
      tpu.yield
    }) : () -> ()
    %add3A_22 = arith.constant 32 : i32
    %add3A_23 = arith.addi %mul3A_2, %add3A_22 : i32
    "tpu.region"() ({
      %run_scoped3A_45 = tpu.sem_alloc : memref<!tpu.dma_semaphore, #tpu.memory_space<semaphore_mem>>
      %dma_start3A_46 = arith.constant 0 : i32
      %dma_start3A_47 = tpu.memref_slice %arg3[%add3A_23, %dma_start3A_46] : memref<2048x1024xf32, #tpu.memory_space<hbm>> -> memref<32x1024xf32, #tpu.memory_space<hbm>>
      %dma_start3A_48 = arith.constant 0 : i32
      %dma_start3A_49 = tpu.memref_slice %arg3[%add3A_23, %dma_start3A_48] : memref<2048x1024xf32, #tpu.memory_space<hbm>> -> memref<32x1024xf32, #tpu.memory_space<hbm>>
      tpu.enqueue_dma source(%dma_start3A_49 : memref<32x1024xf32, #tpu.memory_space<hbm>>) target(%arg7 : memref<32x1024xf32, #tpu.memory_space<vmem>>) target_semaphore(%run_scoped3A_45 : memref<!tpu.dma_semaphore, #tpu.memory_space<semaphore_mem>>)
      %dma_wait3A_50 = arith.constant 0 : i32
      %dma_wait3A_51 = tpu.memref_slice %arg3[%add3A_23, %dma_wait3A_50] : memref<2048x1024xf32, #tpu.memory_space<hbm>> -> memref<32x1024xf32, #tpu.memory_space<hbm>>
      %dma_wait3A_52 = arith.constant 0 : i32
      %dma_wait3A_53 = tpu.memref_slice %arg3[%add3A_23, %dma_wait3A_52] : memref<2048x1024xf32, #tpu.memory_space<hbm>> -> memref<32x1024xf32, #tpu.memory_space<hbm>>
      tpu.wait_dma2 semaphore(%run_scoped3A_45 : memref<!tpu.dma_semaphore, #tpu.memory_space<semaphore_mem>>) src(%dma_wait3A_53 : memref<32x1024xf32, #tpu.memory_space<hbm>>) dst(%arg7 : memref<32x1024xf32, #tpu.memory_space<vmem>>)
      tpu.yield
    }) : () -> ()
    %run_scoped3A_24 = arith.constant 1 : i32
    "tpu.region"() ({
      %run_scoped3A_45 = tpu.sem_alloc : memref<!tpu.dma_semaphore, #tpu.memory_space<semaphore_mem>>
      %dma_start3A_46 = arith.constant 0 : i32
      %dma_start3A_47 = tpu.memref_slice %arg4[%add3A, %run_scoped3A_24, %dma_start3A_46] : memref<32x2x32xi32, #tpu.memory_space<hbm>> -> memref<1x1x32xi32, #tpu.memory_space<hbm>>
      %dma_start3A_48 = tpu.memref_squeeze %dma_start3A_47 : memref<1x1x32xi32, #tpu.memory_space<hbm>> -> memref<32xi32, #tpu.memory_space<hbm>>
      %dma_start3A_49 = arith.constant 0 : i32
      %dma_start3A_50 = tpu.memref_slice %arg4[%add3A, %run_scoped3A_24, %dma_start3A_49] : memref<32x2x32xi32, #tpu.memory_space<hbm>> -> memref<1x1x32xi32, #tpu.memory_space<hbm>>
      %dma_start3A_51 = tpu.memref_squeeze %dma_start3A_50 : memref<1x1x32xi32, #tpu.memory_space<hbm>> -> memref<32xi32, #tpu.memory_space<hbm>>
      tpu.enqueue_dma source(%dma_start3A_51 : memref<32xi32, #tpu.memory_space<hbm>>) target(%arg10 : memref<32xi32, #tpu.memory_space<vmem>>) target_semaphore(%run_scoped3A_45 : memref<!tpu.dma_semaphore, #tpu.memory_space<semaphore_mem>>)
      %dma_wait3A_52 = arith.constant 0 : i32
      %dma_wait3A_53 = tpu.memref_slice %arg4[%add3A, %run_scoped3A_24, %dma_wait3A_52] : memref<32x2x32xi32, #tpu.memory_space<hbm>> -> memref<1x1x32xi32, #tpu.memory_space<hbm>>
      %dma_wait3A_54 = tpu.memref_squeeze %dma_wait3A_53 : memref<1x1x32xi32, #tpu.memory_space<hbm>> -> memref<32xi32, #tpu.memory_space<hbm>>
      %dma_wait3A_55 = arith.constant 0 : i32
      %dma_wait3A_56 = tpu.memref_slice %arg4[%add3A, %run_scoped3A_24, %dma_wait3A_55] : memref<32x2x32xi32, #tpu.memory_space<hbm>> -> memref<1x1x32xi32, #tpu.memory_space<hbm>>
      %dma_wait3A_57 = tpu.memref_squeeze %dma_wait3A_56 : memref<1x1x32xi32, #tpu.memory_space<hbm>> -> memref<32xi32, #tpu.memory_space<hbm>>
      tpu.wait_dma2 semaphore(%run_scoped3A_45 : memref<!tpu.dma_semaphore, #tpu.memory_space<semaphore_mem>>) src(%dma_wait3A_57 : memref<32xi32, #tpu.memory_space<hbm>>) dst(%arg10 : memref<32xi32, #tpu.memory_space<vmem>>)
      tpu.yield
    }) : () -> ()
    %run_scoped3A_25 = arith.constant 1 : i32
    "tpu.region"() ({
      %run_scoped3A_45 = tpu.sem_alloc : memref<!tpu.dma_semaphore, #tpu.memory_space<semaphore_mem>>
      %dma_start3A_46 = arith.constant 0 : i32
      %dma_start3A_47 = tpu.memref_slice %arg5[%add3A, %run_scoped3A_25, %dma_start3A_46] : memref<32x2x32xi32, #tpu.memory_space<hbm>> -> memref<1x1x32xi32, #tpu.memory_space<hbm>>
      %dma_start3A_48 = tpu.memref_squeeze %dma_start3A_47 : memref<1x1x32xi32, #tpu.memory_space<hbm>> -> memref<32xi32, #tpu.memory_space<hbm>>
      %dma_start3A_49 = arith.constant 0 : i32
      %dma_start3A_50 = tpu.memref_slice %arg5[%add3A, %run_scoped3A_25, %dma_start3A_49] : memref<32x2x32xi32, #tpu.memory_space<hbm>> -> memref<1x1x32xi32, #tpu.memory_space<hbm>>
      %dma_start3A_51 = tpu.memref_squeeze %dma_start3A_50 : memref<1x1x32xi32, #tpu.memory_space<hbm>> -> memref<32xi32, #tpu.memory_space<hbm>>
      tpu.enqueue_dma source(%dma_start3A_51 : memref<32xi32, #tpu.memory_space<hbm>>) target(%arg11 : memref<32xi32, #tpu.memory_space<vmem>>) target_semaphore(%run_scoped3A_45 : memref<!tpu.dma_semaphore, #tpu.memory_space<semaphore_mem>>)
      %dma_wait3A_52 = arith.constant 0 : i32
      %dma_wait3A_53 = tpu.memref_slice %arg5[%add3A, %run_scoped3A_25, %dma_wait3A_52] : memref<32x2x32xi32, #tpu.memory_space<hbm>> -> memref<1x1x32xi32, #tpu.memory_space<hbm>>
      %dma_wait3A_54 = tpu.memref_squeeze %dma_wait3A_53 : memref<1x1x32xi32, #tpu.memory_space<hbm>> -> memref<32xi32, #tpu.memory_space<hbm>>
      %dma_wait3A_55 = arith.constant 0 : i32
      %dma_wait3A_56 = tpu.memref_slice %arg5[%add3A, %run_scoped3A_25, %dma_wait3A_55] : memref<32x2x32xi32, #tpu.memory_space<hbm>> -> memref<1x1x32xi32, #tpu.memory_space<hbm>>
      %dma_wait3A_57 = tpu.memref_squeeze %dma_wait3A_56 : memref<1x1x32xi32, #tpu.memory_space<hbm>> -> memref<32xi32, #tpu.memory_space<hbm>>
      tpu.wait_dma2 semaphore(%run_scoped3A_45 : memref<!tpu.dma_semaphore, #tpu.memory_space<semaphore_mem>>) src(%dma_wait3A_57 : memref<32xi32, #tpu.memory_space<hbm>>) dst(%arg11 : memref<32xi32, #tpu.memory_space<vmem>>)
      tpu.yield
    }) : () -> ()
    %dma_start3A_26 = arith.constant 0 : i32
    %dma_start3A_27 = arith.constant 0 : i32
    %dma_start3A_28 = tpu.memref_slice %arg2[%dma_start3A_26, %dma_start3A_27] : memref<6400x1024xf32, #tpu.memory_space<hbm>> -> memref<6400x1024xf32, #tpu.memory_space<hbm>>
    tpu.enqueue_indirect_dma source(%dma_start3A_28 : memref<6400x1024xf32, #tpu.memory_space<hbm>>) target(%arg8 : memref<32x1024xf32, #tpu.memory_space<vmem>>) offsets(%arg10 : memref<32xi32, #tpu.memory_space<vmem>>) semaphore(%arg12 : memref<!tpu.dma_semaphore, #tpu.memory_space<semaphore_mem>>)
    %dma_start3A_29 = arith.constant 0 : i32
    %dma_start3A_30 = arith.constant 0 : i32
    %dma_start3A_31 = tpu.memref_slice %arg2[%dma_start3A_29, %dma_start3A_30] : memref<6400x1024xf32, #tpu.memory_space<hbm>> -> memref<6400x1024xf32, #tpu.memory_space<hbm>>
    tpu.enqueue_indirect_dma source(%dma_start3A_31 : memref<6400x1024xf32, #tpu.memory_space<hbm>>) target(%arg9 : memref<32x1024xf32, #tpu.memory_space<vmem>>) offsets(%arg11 : memref<32xi32, #tpu.memory_space<vmem>>) semaphore(%arg12 : memref<!tpu.dma_semaphore, #tpu.memory_space<semaphore_mem>>)
    %dma_wait3A_32 = arith.constant 0 : i32
    %dma_wait3A_33 = arith.constant 0 : i32
    %dma_wait3A_34 = tpu.memref_slice %arg2[%dma_wait3A_32, %dma_wait3A_33] : memref<6400x1024xf32, #tpu.memory_space<hbm>> -> memref<6400x1024xf32, #tpu.memory_space<hbm>>
    tpu.wait_indirect_dma semaphore(%arg12 : memref<!tpu.dma_semaphore, #tpu.memory_space<semaphore_mem>>) src(%dma_wait3A_34 : memref<6400x1024xf32, #tpu.memory_space<hbm>>) dst(%arg8 : memref<32x1024xf32, #tpu.memory_space<vmem>>)
    %dma_wait3A_35 = arith.constant 0 : i32
    %dma_wait3A_36 = arith.constant 0 : i32
    %dma_wait3A_37 = tpu.memref_slice %arg2[%dma_wait3A_35, %dma_wait3A_36] : memref<6400x1024xf32, #tpu.memory_space<hbm>> -> memref<6400x1024xf32, #tpu.memory_space<hbm>>
    tpu.wait_indirect_dma semaphore(%arg12 : memref<!tpu.dma_semaphore, #tpu.memory_space<semaphore_mem>>) src(%dma_wait3A_37 : memref<6400x1024xf32, #tpu.memory_space<hbm>>) dst(%arg9 : memref<32x1024xf32, #tpu.memory_space<vmem>>)
    %scan3A_38 = arith.constant 0 : i32
    %scan3A_39 = arith.constant 0 : i32
    %scan3A_40 = arith.constant 32 : i32
    %scan3A_41 = arith.addi %scan3A_39, %scan3A_40 : i32
    %scan3A_42 = arith.constant 1 : i32
    %scan3A_43 = scf.for %scan3A_45 = %scan3A_39 to %scan3A_41 step %scan3A_42 iter_args(%scan3A_46 = %scan3A_38) -> (i32)  : i32 {
      %get3A = arith.index_cast %scan3A_45 : i32 to index
      %get3A_47 = arith.constant 0 : index
      %get3A_48 = tpu.vector_load %arg7[%get3A, %get3A_47] {strides = array<i32>} : memref<32x1024xf32, #tpu.memory_space<vmem>>, vector<1x16xf32>,
      %get3A_49 = vector.shape_cast %get3A_48 : vector<1x16xf32> to vector<16xf32>
      %get3A_50 = arith.index_cast %scan3A_45 : i32 to index
      %get3A_51 = arith.constant 0 : index
      %get3A_52 = tpu.vector_load %arg8[%get3A_50, %get3A_51] {strides = array<i32>} : memref<32x1024xf32, #tpu.memory_space<vmem>>, vector<1x16xf32>,
      %get3A_53 = vector.shape_cast %get3A_52 : vector<1x16xf32> to vector<16xf32>
      %add3A_54 = arith.addf %get3A_49, %get3A_53 : vector<16xf32>
      %get3A_55 = arith.index_cast %scan3A_45 : i32 to index
      %get3A_56 = arith.constant 0 : index
      %get3A_57 = tpu.vector_load %arg9[%get3A_55, %get3A_56] {strides = array<i32>} : memref<32x1024xf32, #tpu.memory_space<vmem>>, vector<1x16xf32>,
      %get3A_58 = vector.shape_cast %get3A_57 : vector<1x16xf32> to vector<16xf32>
      %add3A_59 = arith.addf %add3A_54, %get3A_58 : vector<16xf32>
      %swap3A = arith.index_cast %scan3A_45 : i32 to index
      %swap3A_60 = arith.constant 0 : index
      %swap3A_61 = tpu.vector_load %arg7[%swap3A, %swap3A_60] {strides = array<i32>} : memref<32x1024xf32, #tpu.memory_space<vmem>>, vector<1x16xf32>,
      %swap3A_62 = vector.shape_cast %swap3A_61 : vector<1x16xf32> to vector<16xf32>
      %swap3A_63 = vector.shape_cast %add3A_59 : vector<16xf32> to vector<1x16xf32>
      tpu.vector_store %arg7[%swap3A, %swap3A_60], %swap3A_63 {strides = array<i32>} : memref<32x1024xf32, #tpu.memory_space<vmem>>, vector<1x16xf32>,
      %get3A_64 = arith.index_cast %scan3A_45 : i32 to index
      %get3A_65 = arith.constant 16 : index
      %get3A_66 = tpu.vector_load %arg7[%get3A_64, %get3A_65] {strides = array<i32>} : memref<32x1024xf32, #tpu.memory_space<vmem>>, vector<1x16xf32>,
      %get3A_67 = vector.shape_cast %get3A_66 : vector<1x16xf32> to vector<16xf32>
      %get3A_68 = arith.index_cast %scan3A_45 : i32 to index
      %get3A_69 = arith.constant 16 : index
      %get3A_70 = tpu.vector_load %arg8[%get3A_68, %get3A_69] {strides = array<i32>} : memref<32x1024xf32, #tpu.memory_space<vmem>>, vector<1x16xf32>,
      %get3A_71 = vector.shape_cast %get3A_70 : vector<1x16xf32> to vector<16xf32>
      %add3A_72 = arith.addf %get3A_67, %get3A_71 : vector<16xf32>
      %get3A_73 = arith.index_cast %scan3A_45 : i32 to index
      %get3A_74 = arith.constant 16 : index
      %get3A_75 = tpu.vector_load %arg9[%get3A_73, %get3A_74] {strides = array<i32>} : memref<32x1024xf32, #tpu.memory_space<vmem>>, vector<1x16xf32>,
      %get3A_76 = vector.shape_cast %get3A_75 : vector<1x16xf32> to vector<16xf32>
      %add3A_77 = arith.addf %add3A_72, %get3A_76 : vector<16xf32>
      %swap3A_78 = arith.index_cast %scan3A_45 : i32 to index
      %swap3A_79 = arith.constant 16 : index
      %swap3A_80 = tpu.vector_load %arg7[%swap3A_78, %swap3A_79] {strides = array<i32>} : memref<32x1024xf32, #tpu.memory_space<vmem>>, vector<1x16xf32>,
      %swap3A_81 = vector.shape_cast %swap3A_80 : vector<1x16xf32> to vector<16xf32>
      %swap3A_82 = vector.shape_cast %add3A_77 : vector<16xf32> to vector<1x16xf32>
      tpu.vector_store %arg7[%swap3A_78, %swap3A_79], %swap3A_82 {strides = array<i32>} : memref<32x1024xf32, #tpu.memory_space<vmem>>, vector<1x16xf32>,
      %get3A_83 = arith.index_cast %scan3A_45 : i32 to index
      %get3A_84 = arith.constant 32 : index
      %get3A_85 = tpu.vector_load %arg7[%get3A_83, %get3A_84] {strides = array<i32>} : memref<32x1024xf32, #tpu.memory_space<vmem>>, vector<1x16xf32>,
      %get3A_86 = vector.shape_cast %get3A_85 : vector<1x16xf32> to vector<16xf32>
      %get3A_87 = arith.index_cast %scan3A_45 : i32 to index
      %get3A_88 = arith.constant 32 : index
      %get3A_89 = tpu.vector_load %arg8[%get3A_87, %get3A_88] {strides = array<i32>} : memref<32x1024xf32, #tpu.memory_space<vmem>>, vector<1x16xf32>,
      %get3A_90 = vector.shape_cast %get3A_89 : vector<1x16xf32> to vector<16xf32>
      %add3A_91 = arith.addf %get3A_86, %get3A_90 : vector<16xf32>
      %get3A_92 = arith.index_cast %scan3A_45 : i32 to index
      %get3A_93 = arith.constant 32 : index
      %get3A_94 = tpu.vector_load %arg9[%get3A_92, %get3A_93] {strides = array<i32>} : memref<32x1024xf32, #tpu.memory_space<vmem>>, vector<1x16xf32>,
      %get3A_95 = vector.shape_cast %get3A_94 : vector<1x16xf32> to vector<16xf32>
      %add3A_96 = arith.addf %add3A_91, %get3A_95 : vector<16xf32>
      %swap3A_97 = arith.index_cast %scan3A_45 : i32 to index
      %swap3A_98 = arith.constant 32 : index
      %swap3A_99 = tpu.vector_load %arg7[%swap3A_97, %swap3A_98] {strides = array<i32>} : memref<32x1024xf32, #tpu.memory_space<vmem>>, vector<1x16xf32>,
      %swap3A_100 = vector.shape_cast %swap3A_99 : vector<1x16xf32> to vector<16xf32>
      %swap3A_101 = vector.shape_cast %add3A_96 : vector<16xf32> to vector<1x16xf32>
      tpu.vector_store %arg7[%swap3A_97, %swap3A_98], %swap3A_101 {strides = array<i32>} : memref<32x1024xf32, #tpu.memory_space<vmem>>, vector<1x16xf32>,
      %get3A_102 = arith.index_cast %scan3A_45 : i32 to index
      %get3A_103 = arith.constant 48 : index
      %get3A_104 = tpu.vector_load %arg7[%get3A_102, %get3A_103] {strides = array<i32>} : memref<32x1024xf32, #tpu.memory_space<vmem>>, vector<1x16xf32>,
      %get3A_105 = vector.shape_cast %get3A_104 : vector<1x16xf32> to vector<16xf32>
      %get3A_106 = arith.index_cast %scan3A_45 : i32 to index
      %get3A_107 = arith.constant 48 : index
      %get3A_108 = tpu.vector_load %arg8[%get3A_106, %get3A_107] {strides = array<i32>} : memref<32x1024xf32, #tpu.memory_space<vmem>>, vector<1x16xf32>,
      %get3A_109 = vector.shape_cast %get3A_108 : vector<1x16xf32> to vector<16xf32>
      %add3A_110 = arith.addf %get3A_105, %get3A_109 : vector<16xf32>
      %get3A_111 = arith.index_cast %scan3A_45 : i32 to index
      %get3A_112 = arith.constant 48 : index
      %get3A_113 = tpu.vector_load %arg9[%get3A_111, %get3A_112] {strides = array<i32>} : memref<32x1024xf32, #tpu.memory_space<vmem>>, vector<1x16xf32>,
      %get3A_114 = vector.shape_cast %get3A_113 : vector<1x16xf32> to vector<16xf32>
      %add3A_115 = arith.addf %add3A_110, %get3A_114 : vector<16xf32>
      %swap3A_116 = arith.index_cast %scan3A_45 : i32 to index
      %swap3A_117 = arith.constant 48 : index
      %swap3A_118 = tpu.vector_load %arg7[%swap3A_116, %swap3A_117] {strides = array<i32>} : memref<32x1024xf32, #tpu.memory_space<vmem>>, vector<1x16xf32>,
      %swap3A_119 = vector.shape_cast %swap3A_118 : vector<1x16xf32> to vector<16xf32>
      %swap3A_120 = vector.shape_cast %add3A_115 : vector<16xf32> to vector<1x16xf32>
      tpu.vector_store %arg7[%swap3A_116, %swap3A_117], %swap3A_120 {strides = array<i32>} : memref<32x1024xf32, #tpu.memory_space<vmem>>, vector<1x16xf32>,
      %get3A_121 = arith.index_cast %scan3A_45 : i32 to index
      %get3A_122 = arith.constant 64 : index
      %get3A_123 = tpu.vector_load %arg7[%get3A_121, %get3A_122] {strides = array<i32>} : memref<32x1024xf32, #tpu.memory_space<vmem>>, vector<1x16xf32>,
      %get3A_124 = vector.shape_cast %get3A_123 : vector<1x16xf32> to vector<16xf32>
      %get3A_125 = arith.index_cast %scan3A_45 : i32 to index
      %get3A_126 = arith.constant 64 : index
      %get3A_127 = tpu.vector_load %arg8[%get3A_125, %get3A_126] {strides = array<i32>} : memref<32x1024xf32, #tpu.memory_space<vmem>>, vector<1x16xf32>,
      %get3A_128 = vector.shape_cast %get3A_127 : vector<1x16xf32> to vector<16xf32>
      %add3A_129 = arith.addf %get3A_124, %get3A_128 : vector<16xf32>
      %get3A_130 = arith.index_cast %scan3A_45 : i32 to index
      %get3A_131 = arith.constant 64 : index
      %get3A_132 = tpu.vector_load %arg9[%get3A_130, %get3A_131] {strides = array<i32>} : memref<32x1024xf32, #tpu.memory_space<vmem>>, vector<1x16xf32>,
      %get3A_133 = vector.shape_cast %get3A_132 : vector<1x16xf32> to vector<16xf32>
      %add3A_134 = arith.addf %add3A_129, %get3A_133 : vector<16xf32>
      %swap3A_135 = arith.index_cast %scan3A_45 : i32 to index
      %swap3A_136 = arith.constant 64 : index
      %swap3A_137 = tpu.vector_load %arg7[%swap3A_135, %swap3A_136] {strides = array<i32>} : memref<32x1024xf32, #tpu.memory_space<vmem>>, vector<1x16xf32>,
      %swap3A_138 = vector.shape_cast %swap3A_137 : vector<1x16xf32> to vector<16xf32>
      %swap3A_139 = vector.shape_cast %add3A_134 : vector<16xf32> to vector<1x16xf32>
      tpu.vector_store %arg7[%swap3A_135, %swap3A_136], %swap3A_139 {strides = array<i32>} : memref<32x1024xf32, #tpu.memory_space<vmem>>, vector<1x16xf32>,
      %get3A_140 = arith.index_cast %scan3A_45 : i32 to index
      %get3A_141 = arith.constant 80 : index
      %get3A_142 = tpu.vector_load %arg7[%get3A_140, %get3A_141] {strides = array<i32>} : memref<32x1024xf32, #tpu.memory_space<vmem>>, vector<1x16xf32>,
      %get3A_143 = vector.shape_cast %get3A_142 : vector<1x16xf32> to vector<16xf32>
      %get3A_144 = arith.index_cast %scan3A_45 : i32 to index
      %get3A_145 = arith.constant 80 : index
      %get3A_146 = tpu.vector_load %arg8[%get3A_144, %get3A_145] {strides = array<i32>} : memref<32x1024xf32, #tpu.memory_space<vmem>>, vector<1x16xf32>,
      %get3A_147 = vector.shape_cast %get3A_146 : vector<1x16xf32> to vector<16xf32>
      %add3A_148 = arith.addf %get3A_143, %get3A_147 : vector<16xf32>
      %get3A_149 = arith.index_cast %scan3A_45 : i32 to index
      %get3A_150 = arith.constant 80 : index
      %get3A_151 = tpu.vector_load %arg9[%get3A_149, %get3A_150] {strides = array<i32>} : memref<32x1024xf32, #tpu.memory_space<vmem>>, vector<1x16xf32>,
      %get3A_152 = vector.shape_cast %get3A_151 : vector<1x16xf32> to vector<16xf32>
      %add3A_153 = arith.addf %add3A_148, %get3A_152 : vector<16xf32>
      %swap3A_154 = arith.index_cast %scan3A_45 : i32 to index
      %swap3A_155 = arith.constant 80 : index
      %swap3A_156 = tpu.vector_load %arg7[%swap3A_154, %swap3A_155] {strides = array<i32>} : memref<32x1024xf32, #tpu.memory_space<vmem>>, vector<1x16xf32>,
      %swap3A_157 = vector.shape_cast %swap3A_156 : vector<1x16xf32> to vector<16xf32>
      %swap3A_158 = vector.shape_cast %add3A_153 : vector<16xf32> to vector<1x16xf32>
      tpu.vector_store %arg7[%swap3A_154, %swap3A_155], %swap3A_158 {strides = array<i32>} : memref<32x1024xf32, #tpu.memory_space<vmem>>, vector<1x16xf32>,
      %get3A_159 = arith.index_cast %scan3A_45 : i32 to index
      %get3A_160 = arith.constant 96 : index
      %get3A_161 = tpu.vector_load %arg7[%get3A_159, %get3A_160] {strides = array<i32>} : memref<32x1024xf32, #tpu.memory_space<vmem>>, vector<1x16xf32>,
      %get3A_162 = vector.shape_cast %get3A_161 : vector<1x16xf32> to vector<16xf32>
      %get3A_163 = arith.index_cast %scan3A_45 : i32 to index
      %get3A_164 = arith.constant 96 : index
      %get3A_165 = tpu.vector_load %arg8[%get3A_163, %get3A_164] {strides = array<i32>} : memref<32x1024xf32, #tpu.memory_space<vmem>>, vector<1x16xf32>,
      %get3A_166 = vector.shape_cast %get3A_165 : vector<1x16xf32> to vector<16xf32>
      %add3A_167 = arith.addf %get3A_162, %get3A_166 : vector<16xf32>
      %get3A_168 = arith.index_cast %scan3A_45 : i32 to index
      %get3A_169 = arith.constant 96 : index
      %get3A_170 = tpu.vector_load %arg9[%get3A_168, %get3A_169] {strides = array<i32>} : memref<32x1024xf32, #tpu.memory_space<vmem>>, vector<1x16xf32>,
      %get3A_171 = vector.shape_cast %get3A_170 : vector<1x16xf32> to vector<16xf32>
      %add3A_172 = arith.addf %add3A_167, %get3A_171 : vector<16xf32>
      %swap3A_173 = arith.index_cast %scan3A_45 : i32 to index
      %swap3A_174 = arith.constant 96 : index
      %swap3A_175 = tpu.vector_load %arg7[%swap3A_173, %swap3A_174] {strides = array<i32>} : memref<32x1024xf32, #tpu.memory_space<vmem>>, vector<1x16xf32>,
      %swap3A_176 = vector.shape_cast %swap3A_175 : vector<1x16xf32> to vector<16xf32>
      %swap3A_177 = vector.shape_cast %add3A_172 : vector<16xf32> to vector<1x16xf32>
      tpu.vector_store %arg7[%swap3A_173, %swap3A_174], %swap3A_177 {strides = array<i32>} : memref<32x1024xf32, #tpu.memory_space<vmem>>, vector<1x16xf32>,
      %get3A_178 = arith.index_cast %scan3A_45 : i32 to index
      %get3A_179 = arith.constant 112 : index
      %get3A_180 = tpu.vector_load %arg7[%get3A_178, %get3A_179] {strides = array<i32>} : memref<32x1024xf32, #tpu.memory_space<vmem>>, vector<1x16xf32>,
      %get3A_181 = vector.shape_cast %get3A_180 : vector<1x16xf32> to vector<16xf32>
      %get3A_182 = arith.index_cast %scan3A_45 : i32 to index
      %get3A_183 = arith.constant 112 : index
      %get3A_184 = tpu.vector_load %arg8[%get3A_182, %get3A_183] {strides = array<i32>} : memref<32x1024xf32, #tpu.memory_space<vmem>>, vector<1x16xf32>,
      %get3A_185 = vector.shape_cast %get3A_184 : vector<1x16xf32> to vector<16xf32>
      %add3A_186 = arith.addf %get3A_181, %get3A_185 : vector<16xf32>
      %get3A_187 = arith.index_cast %scan3A_45 : i32 to index
      %get3A_188 = arith.constant 112 : index
      %get3A_189 = tpu.vector_load %arg9[%get3A_187, %get3A_188] {strides = array<i32>} : memref<32x1024xf32, #tpu.memory_space<vmem>>, vector<1x16xf32>,
      %get3A_190 = vector.shape_cast %get3A_189 : vector<1x16xf32> to vector<16xf32>
      %add3A_191 = arith.addf %add3A_186, %get3A_190 : vector<16xf32>
      %swap3A_192 = arith.index_cast %scan3A_45 : i32 to index
      %swap3A_193 = arith.constant 112 : index
      %swap3A_194 = tpu.vector_load %arg7[%swap3A_192, %swap3A_193] {strides = array<i32>} : memref<32x1024xf32, #tpu.memory_space<vmem>>, vector<1x16xf32>,
      %swap3A_195 = vector.shape_cast %swap3A_194 : vector<1x16xf32> to vector<16xf32>
      %swap3A_196 = vector.shape_cast %add3A_191 : vector<16xf32> to vector<1x16xf32>
      tpu.vector_store %arg7[%swap3A_192, %swap3A_193], %swap3A_196 {strides = array<i32>} : memref<32x1024xf32, #tpu.memory_space<vmem>>, vector<1x16xf32>,
      %get3A_197 = arith.index_cast %scan3A_45 : i32 to index
      %get3A_198 = arith.constant 128 : index
      %get3A_199 = tpu.vector_load %arg7[%get3A_197, %get3A_198] {strides = array<i32>} : memref<32x1024xf32, #tpu.memory_space<vmem>>, vector<1x16xf32>,
      %get3A_200 = vector.shape_cast %get3A_199 : vector<1x16xf32> to vector<16xf32>
      %get3A_201 = arith.index_cast %scan3A_45 : i32 to index
      %get3A_202 = arith.constant 128 : index
      %get3A_203 = tpu.vector_load %arg8[%get3A_201, %get3A_202] {strides = array<i32>} : memref<32x1024xf32, #tpu.memory_space<vmem>>, vector<1x16xf32>,
      %get3A_204 = vector.shape_cast %get3A_203 : vector<1x16xf32> to vector<16xf32>
      %add3A_205 = arith.addf %get3A_200, %get3A_204 : vector<16xf32>
      %get3A_206 = arith.index_cast %scan3A_45 : i32 to index
      %get3A_207 = arith.constant 128 : index
      %get3A_208 = tpu.vector_load %arg9[%get3A_206, %get3A_207] {strides = array<i32>} : memref<32x1024xf32, #tpu.memory_space<vmem>>, vector<1x16xf32>,
      %get3A_209 = vector.shape_cast %get3A_208 : vector<1x16xf32> to vector<16xf32>
      %add3A_210 = arith.addf %add3A_205, %get3A_209 : vector<16xf32>
      %swap3A_211 = arith.index_cast %scan3A_45 : i32 to index
      %swap3A_212 = arith.constant 128 : index
      %swap3A_213 = tpu.vector_load %arg7[%swap3A_211, %swap3A_212] {strides = array<i32>} : memref<32x1024xf32, #tpu.memory_space<vmem>>, vector<1x16xf32>,
      %swap3A_214 = vector.shape_cast %swap3A_213 : vector<1x16xf32> to vector<16xf32>
      %swap3A_215 = vector.shape_cast %add3A_210 : vector<16xf32> to vector<1x16xf32>
      tpu.vector_store %arg7[%swap3A_211, %swap3A_212], %swap3A_215 {strides = array<i32>} : memref<32x1024xf32, #tpu.memory_space<vmem>>, vector<1x16xf32>,
      %get3A_216 = arith.index_cast %scan3A_45 : i32 to index
      %get3A_217 = arith.constant 144 : index
      %get3A_218 = tpu.vector_load %arg7[%get3A_216, %get3A_217] {strides = array<i32>} : memref<32x1024xf32, #tpu.memory_space<vmem>>, vector<1x16xf32>,
      %get3A_219 = vector.shape_cast %get3A_218 : vector<1x16xf32> to vector<16xf32>
      %get3A_220 = arith.index_cast %scan3A_45 : i32 to index
      %get3A_221 = arith.constant 144 : index
      %get3A_222 = tpu.vector_load %arg8[%get3A_220, %get3A_221] {strides = array<i32>} : memref<32x1024xf32, #tpu.memory_space<vmem>>, vector<1x16xf32>,
      %get3A_223 = vector.shape_cast %get3A_222 : vector<1x16xf32> to vector<16xf32>
      %add3A_224 = arith.addf %get3A_219, %get3A_223 : vector<16xf32>
      %get3A_225 = arith.index_cast %scan3A_45 : i32 to index
      %get3A_226 = arith.constant 144 : index
      %get3A_227 = tpu.vector_load %arg9[%get3A_225, %get3A_226] {strides = array<i32>} : memref<32x1024xf32, #tpu.memory_space<vmem>>, vector<1x16xf32>,
      %get3A_228 = vector.shape_cast %get3A_227 : vector<1x16xf32> to vector<16xf32>
      %add3A_229 = arith.addf %add3A_224, %get3A_228 : vector<16xf32>
      %swap3A_230 = arith.index_cast %scan3A_45 : i32 to index
      %swap3A_231 = arith.constant 144 : index
      %swap3A_232 = tpu.vector_load %arg7[%swap3A_230, %swap3A_231] {strides = array<i32>} : memref<32x1024xf32, #tpu.memory_space<vmem>>, vector<1x16xf32>,
      %swap3A_233 = vector.shape_cast %swap3A_232 : vector<1x16xf32> to vector<16xf32>
      %swap3A_234 = vector.shape_cast %add3A_229 : vector<16xf32> to vector<1x16xf32>
      tpu.vector_store %arg7[%swap3A_230, %swap3A_231], %swap3A_234 {strides = array<i32>} : memref<32x1024xf32, #tpu.memory_space<vmem>>, vector<1x16xf32>,
      %get3A_235 = arith.index_cast %scan3A_45 : i32 to index
      %get3A_236 = arith.constant 160 : index
      %get3A_237 = tpu.vector_load %arg7[%get3A_235, %get3A_236] {strides = array<i32>} : memref<32x1024xf32, #tpu.memory_space<vmem>>, vector<1x16xf32>,
      %get3A_238 = vector.shape_cast %get3A_237 : vector<1x16xf32> to vector<16xf32>
      %get3A_239 = arith.index_cast %scan3A_45 : i32 to index
      %get3A_240 = arith.constant 160 : index
      %get3A_241 = tpu.vector_load %arg8[%get3A_239, %get3A_240] {strides = array<i32>} : memref<32x1024xf32, #tpu.memory_space<vmem>>, vector<1x16xf32>,
      %get3A_242 = vector.shape_cast %get3A_241 : vector<1x16xf32> to vector<16xf32>
      %add3A_243 = arith.addf %get3A_238, %get3A_242 : vector<16xf32>
      %get3A_244 = arith.index_cast %scan3A_45 : i32 to index
      %get3A_245 = arith.constant 160 : index
      %get3A_246 = tpu.vector_load %arg9[%get3A_244, %get3A_245] {strides = array<i32>} : memref<32x1024xf32, #tpu.memory_space<vmem>>, vector<1x16xf32>,
      %get3A_247 = vector.shape_cast %get3A_246 : vector<1x16xf32> to vector<16xf32>
      %add3A_248 = arith.addf %add3A_243, %get3A_247 : vector<16xf32>
      %swap3A_249 = arith.index_cast %scan3A_45 : i32 to index
      %swap3A_250 = arith.constant 160 : index
      %swap3A_251 = tpu.vector_load %arg7[%swap3A_249, %swap3A_250] {strides = array<i32>} : memref<32x1024xf32, #tpu.memory_space<vmem>>, vector<1x16xf32>,
      %swap3A_252 = vector.shape_cast %swap3A_251 : vector<1x16xf32> to vector<16xf32>
      %swap3A_253 = vector.shape_cast %add3A_248 : vector<16xf32> to vector<1x16xf32>
      tpu.vector_store %arg7[%swap3A_249, %swap3A_250], %swap3A_253 {strides = array<i32>} : memref<32x1024xf32, #tpu.memory_space<vmem>>, vector<1x16xf32>,
      %get3A_254 = arith.index_cast %scan3A_45 : i32 to index
      %get3A_255 = arith.constant 176 : index
      %get3A_256 = tpu.vector_load %arg7[%get3A_254, %get3A_255] {strides = array<i32>} : memref<32x1024xf32, #tpu.memory_space<vmem>>, vector<1x16xf32>,
      %get3A_257 = vector.shape_cast %get3A_256 : vector<1x16xf32> to vector<16xf32>
      %get3A_258 = arith.index_cast %scan3A_45 : i32 to index
      %get3A_259 = arith.constant 176 : index
      %get3A_260 = tpu.vector_load %arg8[%get3A_258, %get3A_259] {strides = array<i32>} : memref<32x1024xf32, #tpu.memory_space<vmem>>, vector<1x16xf32>,
      %get3A_261 = vector.shape_cast %get3A_260 : vector<1x16xf32> to vector<16xf32>
      %add3A_262 = arith.addf %get3A_257, %get3A_261 : vector<16xf32>
      %get3A_263 = arith.index_cast %scan3A_45 : i32 to index
      %get3A_264 = arith.constant 176 : index
      %get3A_265 = tpu.vector_load %arg9[%get3A_263, %get3A_264] {strides = array<i32>} : memref<32x1024xf32, #tpu.memory_space<vmem>>, vector<1x16xf32>,
      %get3A_266 = vector.shape_cast %get3A_265 : vector<1x16xf32> to vector<16xf32>
      %add3A_267 = arith.addf %add3A_262, %get3A_266 : vector<16xf32>
      %swap3A_268 = arith.index_cast %scan3A_45 : i32 to index
      %swap3A_269 = arith.constant 176 : index
      %swap3A_270 = tpu.vector_load %arg7[%swap3A_268, %swap3A_269] {strides = array<i32>} : memref<32x1024xf32, #tpu.memory_space<vmem>>, vector<1x16xf32>,
      %swap3A_271 = vector.shape_cast %swap3A_270 : vector<1x16xf32> to vector<16xf32>
      %swap3A_272 = vector.shape_cast %add3A_267 : vector<16xf32> to vector<1x16xf32>
      tpu.vector_store %arg7[%swap3A_268, %swap3A_269], %swap3A_272 {strides = array<i32>} : memref<32x1024xf32, #tpu.memory_space<vmem>>, vector<1x16xf32>,
      %get3A_273 = arith.index_cast %scan3A_45 : i32 to index
      %get3A_274 = arith.constant 192 : index
      %get3A_275 = tpu.vector_load %arg7[%get3A_273, %get3A_274] {strides = array<i32>} : memref<32x1024xf32, #tpu.memory_space<vmem>>, vector<1x16xf32>,
      %get3A_276 = vector.shape_cast %get3A_275 : vector<1x16xf32> to vector<16xf32>
      %get3A_277 = arith.index_cast %scan3A_45 : i32 to index
      %get3A_278 = arith.constant 192 : index
      %get3A_279 = tpu.vector_load %arg8[%get3A_277, %get3A_278] {strides = array<i32>} : memref<32x1024xf32, #tpu.memory_space<vmem>>, vector<1x16xf32>,
      %get3A_280 = vector.shape_cast %get3A_279 : vector<1x16xf32> to vector<16xf32>
      %add3A_281 = arith.addf %get3A_276, %get3A_280 : vector<16xf32>
      %get3A_282 = arith.index_cast %scan3A_45 : i32 to index
      %get3A_283 = arith.constant 192 : index
      %get3A_284 = tpu.vector_load %arg9[%get3A_282, %get3A_283] {strides = array<i32>} : memref<32x1024xf32, #tpu.memory_space<vmem>>, vector<1x16xf32>,
      %get3A_285 = vector.shape_cast %get3A_284 : vector<1x16xf32> to vector<16xf32>
      %add3A_286 = arith.addf %add3A_281, %get3A_285 : vector<16xf32>
      %swap3A_287 = arith.index_cast %scan3A_45 : i32 to index
      %swap3A_288 = arith.constant 192 : index
      %swap3A_289 = tpu.vector_load %arg7[%swap3A_287, %swap3A_288] {strides = array<i32>} : memref<32x1024xf32, #tpu.memory_space<vmem>>, vector<1x16xf32>,
      %swap3A_290 = vector.shape_cast %swap3A_289 : vector<1x16xf32> to vector<16xf32>
      %swap3A_291 = vector.shape_cast %add3A_286 : vector<16xf32> to vector<1x16xf32>
      tpu.vector_store %arg7[%swap3A_287, %swap3A_288], %swap3A_291 {strides = array<i32>} : memref<32x1024xf32, #tpu.memory_space<vmem>>, vector<1x16xf32>,
      %get3A_292 = arith.index_cast %scan3A_45 : i32 to index
      %get3A_293 = arith.constant 208 : index
      %get3A_294 = tpu.vector_load %arg7[%get3A_292, %get3A_293] {strides = array<i32>} : memref<32x1024xf32, #tpu.memory_space<vmem>>, vector<1x16xf32>,
      %get3A_295 = vector.shape_cast %get3A_294 : vector<1x16xf32> to vector<16xf32>
      %get3A_296 = arith.index_cast %scan3A_45 : i32 to index
      %get3A_297 = arith.constant 208 : index
      %get3A_298 = tpu.vector_load %arg8[%get3A_296, %get3A_297] {strides = array<i32>} : memref<32x1024xf32, #tpu.memory_space<vmem>>, vector<1x16xf32>,
      %get3A_299 = vector.shape_cast %get3A_298 : vector<1x16xf32> to vector<16xf32>
      %add3A_300 = arith.addf %get3A_295, %get3A_299 : vector<16xf32>
      %get3A_301 = arith.index_cast %scan3A_45 : i32 to index
      %get3A_302 = arith.constant 208 : index
      %get3A_303 = tpu.vector_load %arg9[%get3A_301, %get3A_302] {strides = array<i32>} : memref<32x1024xf32, #tpu.memory_space<vmem>>, vector<1x16xf32>,
      %get3A_304 = vector.shape_cast %get3A_303 : vector<1x16xf32> to vector<16xf32>
      %add3A_305 = arith.addf %add3A_300, %get3A_304 : vector<16xf32>
      %swap3A_306 = arith.index_cast %scan3A_45 : i32 to index
      %swap3A_307 = arith.constant 208 : index
      %swap3A_308 = tpu.vector_load %arg7[%swap3A_306, %swap3A_307] {strides = array<i32>} : memref<32x1024xf32, #tpu.memory_space<vmem>>, vector<1x16xf32>,
      %swap3A_309 = vector.shape_cast %swap3A_308 : vector<1x16xf32> to vector<16xf32>
      %swap3A_310 = vector.shape_cast %add3A_305 : vector<16xf32> to vector<1x16xf32>
      tpu.vector_store %arg7[%swap3A_306, %swap3A_307], %swap3A_310 {strides = array<i32>} : memref<32x1024xf32, #tpu.memory_space<vmem>>, vector<1x16xf32>,
      %get3A_311 = arith.index_cast %scan3A_45 : i32 to index
      %get3A_312 = arith.constant 224 : index
      %get3A_313 = tpu.vector_load %arg7[%get3A_311, %get3A_312] {strides = array<i32>} : memref<32x1024xf32, #tpu.memory_space<vmem>>, vector<1x16xf32>,
      %get3A_314 = vector.shape_cast %get3A_313 : vector<1x16xf32> to vector<16xf32>
      %get3A_315 = arith.index_cast %scan3A_45 : i32 to index
      %get3A_316 = arith.constant 224 : index
      %get3A_317 = tpu.vector_load %arg8[%get3A_315, %get3A_316] {strides = array<i32>} : memref<32x1024xf32, #tpu.memory_space<vmem>>, vector<1x16xf32>,
      %get3A_318 = vector.shape_cast %get3A_317 : vector<1x16xf32> to vector<16xf32>
      %add3A_319 = arith.addf %get3A_314, %get3A_318 : vector<16xf32>
      %get3A_320 = arith.index_cast %scan3A_45 : i32 to index
      %get3A_321 = arith.constant 224 : index
      %get3A_322 = tpu.vector_load %arg9[%get3A_320, %get3A_321] {strides = array<i32>} : memref<32x1024xf32, #tpu.memory_space<vmem>>, vector<1x16xf32>,
      %get3A_323 = vector.shape_cast %get3A_322 : vector<1x16xf32> to vector<16xf32>
      %add3A_324 = arith.addf %add3A_319, %get3A_323 : vector<16xf32>
      %swap3A_325 = arith.index_cast %scan3A_45 : i32 to index
      %swap3A_326 = arith.constant 224 : index
      %swap3A_327 = tpu.vector_load %arg7[%swap3A_325, %swap3A_326] {strides = array<i32>} : memref<32x1024xf32, #tpu.memory_space<vmem>>, vector<1x16xf32>,
      %swap3A_328 = vector.shape_cast %swap3A_327 : vector<1x16xf32> to vector<16xf32>
      %swap3A_329 = vector.shape_cast %add3A_324 : vector<16xf32> to vector<1x16xf32>
      tpu.vector_store %arg7[%swap3A_325, %swap3A_326], %swap3A_329 {strides = array<i32>} : memref<32x1024xf32, #tpu.memory_space<vmem>>, vector<1x16xf32>,
      %get3A_330 = arith.index_cast %scan3A_45 : i32 to index
      %get3A_331 = arith.constant 240 : index
      %get3A_332 = tpu.vector_load %arg7[%get3A_330, %get3A_331] {strides = array<i32>} : memref<32x1024xf32, #tpu.memory_space<vmem>>, vector<1x16xf32>,
      %get3A_333 = vector.shape_cast %get3A_332 : vector<1x16xf32> to vector<16xf32>
      %get3A_334 = arith.index_cast %scan3A_45 : i32 to index
      %get3A_335 = arith.constant 240 : index
      %get3A_336 = tpu.vector_load %arg8[%get3A_334, %get3A_335] {strides = array<i32>} : memref<32x1024xf32, #tpu.memory_space<vmem>>, vector<1x16xf32>,
      %get3A_337 = vector.shape_cast %get3A_336 : vector<1x16xf32> to vector<16xf32>
      %add3A_338 = arith.addf %get3A_333, %get3A_337 : vector<16xf32>
      %get3A_339 = arith.index_cast %scan3A_45 : i32 to index
      %get3A_340 = arith.constant 240 : index
      %get3A_341 = tpu.vector_load %arg9[%get3A_339, %get3A_340] {strides = array<i32>} : memref<32x1024xf32, #tpu.memory_space<vmem>>, vector<1x16xf32>,
      %get3A_342 = vector.shape_cast %get3A_341 : vector<1x16xf32> to vector<16xf32>
      %add3A_343 = arith.addf %add3A_338, %get3A_342 : vector<16xf32>
      %swap3A_344 = arith.index_cast %scan3A_45 : i32 to index
      %swap3A_345 = arith.constant 240 : index
      %swap3A_346 = tpu.vector_load %arg7[%swap3A_344, %swap3A_345] {strides = array<i32>} : memref<32x1024xf32, #tpu.memory_space<vmem>>, vector<1x16xf32>,
      %swap3A_347 = vector.shape_cast %swap3A_346 : vector<1x16xf32> to vector<16xf32>
      %swap3A_348 = vector.shape_cast %add3A_343 : vector<16xf32> to vector<1x16xf32>
      tpu.vector_store %arg7[%swap3A_344, %swap3A_345], %swap3A_348 {strides = array<i32>} : memref<32x1024xf32, #tpu.memory_space<vmem>>, vector<1x16xf32>,
      %get3A_349 = arith.index_cast %scan3A_45 : i32 to index
      %get3A_350 = arith.constant 256 : index
      %get3A_351 = tpu.vector_load %arg7[%get3A_349, %get3A_350] {strides = array<i32>} : memref<32x1024xf32, #tpu.memory_space<vmem>>, vector<1x16xf32>,
      %get3A_352 = vector.shape_cast %get3A_351 : vector<1x16xf32> to vector<16xf32>
      %get3A_353 = arith.index_cast %scan3A_45 : i32 to index
      %get3A_354 = arith.constant 256 : index
      %get3A_355 = tpu.vector_load %arg8[%get3A_353, %get3A_354] {strides = array<i32>} : memref<32x1024xf32, #tpu.memory_space<vmem>>, vector<1x16xf32>,
      %get3A_356 = vector.shape_cast %get3A_355 : vector<1x16xf32> to vector<16xf32>
      %add3A_357 = arith.addf %get3A_352, %get3A_356 : vector<16xf32>
      %get3A_358 = arith.index_cast %scan3A_45 : i32 to index
      %get3A_359 = arith.constant 256 : index
      %get3A_360 = tpu.vector_load %arg9[%get3A_358, %get3A_359] {strides = array<i32>} : memref<32x1024xf32, #tpu.memory_space<vmem>>, vector<1x16xf32>,
      %get3A_361 = vector.shape_cast %get3A_360 : vector<1x16xf32> to vector<16xf32>
      %add3A_362 = arith.addf %add3A_357, %get3A_361 : vector<16xf32>
      %swap3A_363 = arith.index_cast %scan3A_45 : i32 to index
      %swap3A_364 = arith.constant 256 : index
      %swap3A_365 = tpu.vector_load %arg7[%swap3A_363, %swap3A_364] {strides = array<i32>} : memref<32x1024xf32, #tpu.memory_space<vmem>>, vector<1x16xf32>,
      %swap3A_366 = vector.shape_cast %swap3A_365 : vector<1x16xf32> to vector<16xf32>
      %swap3A_367 = vector.shape_cast %add3A_362 : vector<16xf32> to vector<1x16xf32>
      tpu.vector_store %arg7[%swap3A_363, %swap3A_364], %swap3A_367 {strides = array<i32>} : memref<32x1024xf32, #tpu.memory_space<vmem>>, vector<1x16xf32>,
      %get3A_368 = arith.index_cast %scan3A_45 : i32 to index
      %get3A_369 = arith.constant 272 : index
      %get3A_370 = tpu.vector_load %arg7[%get3A_368, %get3A_369] {strides = array<i32>} : memref<32x1024xf32, #tpu.memory_space<vmem>>, vector<1x16xf32>,
      %get3A_371 = vector.shape_cast %get3A_370 : vector<1x16xf32> to vector<16xf32>
      %get3A_372 = arith.index_cast %scan3A_45 : i32 to index
      %get3A_373 = arith.constant 272 : index
      %get3A_374 = tpu.vector_load %arg8[%get3A_372, %get3A_373] {strides = array<i32>} : memref<32x1024xf32, #tpu.memory_space<vmem>>, vector<1x16xf32>,
      %get3A_375 = vector.shape_cast %get3A_374 : vector<1x16xf32> to vector<16xf32>
      %add3A_376 = arith.addf %get3A_371, %get3A_375 : vector<16xf32>
      %get3A_377 = arith.index_cast %scan3A_45 : i32 to index
      %get3A_378 = arith.constant 272 : index
      %get3A_379 = tpu.vector_load %arg9[%get3A_377, %get3A_378] {strides = array<i32>} : memref<32x1024xf32, #tpu.memory_space<vmem>>, vector<1x16xf32>,
      %get3A_380 = vector.shape_cast %get3A_379 : vector<1x16xf32> to vector<16xf32>
      %add3A_381 = arith.addf %add3A_376, %get3A_380 : vector<16xf32>
      %swap3A_382 = arith.index_cast %scan3A_45 : i32 to index
      %swap3A_383 = arith.constant 272 : index
      %swap3A_384 = tpu.vector_load %arg7[%swap3A_382, %swap3A_383] {strides = array<i32>} : memref<32x1024xf32, #tpu.memory_space<vmem>>, vector<1x16xf32>,
      %swap3A_385 = vector.shape_cast %swap3A_384 : vector<1x16xf32> to vector<16xf32>
      %swap3A_386 = vector.shape_cast %add3A_381 : vector<16xf32> to vector<1x16xf32>
      tpu.vector_store %arg7[%swap3A_382, %swap3A_383], %swap3A_386 {strides = array<i32>} : memref<32x1024xf32, #tpu.memory_space<vmem>>, vector<1x16xf32>,
      %get3A_387 = arith.index_cast %scan3A_45 : i32 to index
      %get3A_388 = arith.constant 288 : index
      %get3A_389 = tpu.vector_load %arg7[%get3A_387, %get3A_388] {strides = array<i32>} : memref<32x1024xf32, #tpu.memory_space<vmem>>, vector<1x16xf32>,
      %get3A_390 = vector.shape_cast %get3A_389 : vector<1x16xf32> to vector<16xf32>
      %get3A_391 = arith.index_cast %scan3A_45 : i32 to index
      %get3A_392 = arith.constant 288 : index
      %get3A_393 = tpu.vector_load %arg8[%get3A_391, %get3A_392] {strides = array<i32>} : memref<32x1024xf32, #tpu.memory_space<vmem>>, vector<1x16xf32>,
      %get3A_394 = vector.shape_cast %get3A_393 : vector<1x16xf32> to vector<16xf32>
      %add3A_395 = arith.addf %get3A_390, %get3A_394 : vector<16xf32>
      %get3A_396 = arith.index_cast %scan3A_45 : i32 to index
      %get3A_397 = arith.constant 288 : index
      %get3A_398 = tpu.vector_load %arg9[%get3A_396, %get3A_397] {strides = array<i32>} : memref<32x1024xf32, #tpu.memory_space<vmem>>, vector<1x16xf32>,
      %get3A_399 = vector.shape_cast %get3A_398 : vector<1x16xf32> to vector<16xf32>
      %add3A_400 = arith.addf %add3A_395, %get3A_399 : vector<16xf32>
      %swap3A_401 = arith.index_cast %scan3A_45 : i32 to index
      %swap3A_402 = arith.constant 288 : index
      %swap3A_403 = tpu.vector_load %arg7[%swap3A_401, %swap3A_402] {strides = array<i32>} : memref<32x1024xf32, #tpu.memory_space<vmem>>, vector<1x16xf32>,
      %swap3A_404 = vector.shape_cast %swap3A_403 : vector<1x16xf32> to vector<16xf32>
      %swap3A_405 = vector.shape_cast %add3A_400 : vector<16xf32> to vector<1x16xf32>
      tpu.vector_store %arg7[%swap3A_401, %swap3A_402], %swap3A_405 {strides = array<i32>} : memref<32x1024xf32, #tpu.memory_space<vmem>>, vector<1x16xf32>,
      %get3A_406 = arith.index_cast %scan3A_45 : i32 to index
      %get3A_407 = arith.constant 304 : index
      %get3A_408 = tpu.vector_load %arg7[%get3A_406, %get3A_407] {strides = array<i32>} : memref<32x1024xf32, #tpu.memory_space<vmem>>, vector<1x16xf32>,
      %get3A_409 = vector.shape_cast %get3A_408 : vector<1x16xf32> to vector<16xf32>
      %get3A_410 = arith.index_cast %scan3A_45 : i32 to index
      %get3A_411 = arith.constant 304 : index
      %get3A_412 = tpu.vector_load %arg8[%get3A_410, %get3A_411] {strides = array<i32>} : memref<32x1024xf32, #tpu.memory_space<vmem>>, vector<1x16xf32>,
      %get3A_413 = vector.shape_cast %get3A_412 : vector<1x16xf32> to vector<16xf32>
      %add3A_414 = arith.addf %get3A_409, %get3A_413 : vector<16xf32>
      %get3A_415 = arith.index_cast %scan3A_45 : i32 to index
      %get3A_416 = arith.constant 304 : index
      %get3A_417 = tpu.vector_load %arg9[%get3A_415, %get3A_416] {strides = array<i32>} : memref<32x1024xf32, #tpu.memory_space<vmem>>, vector<1x16xf32>,
      %get3A_418 = vector.shape_cast %get3A_417 : vector<1x16xf32> to vector<16xf32>
      %add3A_419 = arith.addf %add3A_414, %get3A_418 : vector<16xf32>
      %swap3A_420 = arith.index_cast %scan3A_45 : i32 to index
      %swap3A_421 = arith.constant 304 : index
      %swap3A_422 = tpu.vector_load %arg7[%swap3A_420, %swap3A_421] {strides = array<i32>} : memref<32x1024xf32, #tpu.memory_space<vmem>>, vector<1x16xf32>,
      %swap3A_423 = vector.shape_cast %swap3A_422 : vector<1x16xf32> to vector<16xf32>
      %swap3A_424 = vector.shape_cast %add3A_419 : vector<16xf32> to vector<1x16xf32>
      tpu.vector_store %arg7[%swap3A_420, %swap3A_421], %swap3A_424 {strides = array<i32>} : memref<32x1024xf32, #tpu.memory_space<vmem>>, vector<1x16xf32>,
      %get3A_425 = arith.index_cast %scan3A_45 : i32 to index
      %get3A_426 = arith.constant 320 : index
      %get3A_427 = tpu.vector_load %arg7[%get3A_425, %get3A_426] {strides = array<i32>} : memref<32x1024xf32, #tpu.memory_space<vmem>>, vector<1x16xf32>,
      %get3A_428 = vector.shape_cast %get3A_427 : vector<1x16xf32> to vector<16xf32>
      %get3A_429 = arith.index_cast %scan3A_45 : i32 to index
      %get3A_430 = arith.constant 320 : index
      %get3A_431 = tpu.vector_load %arg8[%get3A_429, %get3A_430] {strides = array<i32>} : memref<32x1024xf32, #tpu.memory_space<vmem>>, vector<1x16xf32>,
      %get3A_432 = vector.shape_cast %get3A_431 : vector<1x16xf32> to vector<16xf32>
      %add3A_433 = arith.addf %get3A_428, %get3A_432 : vector<16xf32>
      %get3A_434 = arith.index_cast %scan3A_45 : i32 to index
      %get3A_435 = arith.constant 320 : index
      %get3A_436 = tpu.vector_load %arg9[%get3A_434, %get3A_435] {strides = array<i32>} : memref<32x1024xf32, #tpu.memory_space<vmem>>, vector<1x16xf32>,
      %get3A_437 = vector.shape_cast %get3A_436 : vector<1x16xf32> to vector<16xf32>
      %add3A_438 = arith.addf %add3A_433, %get3A_437 : vector<16xf32>
      %swap3A_439 = arith.index_cast %scan3A_45 : i32 to index
      %swap3A_440 = arith.constant 320 : index
      %swap3A_441 = tpu.vector_load %arg7[%swap3A_439, %swap3A_440] {strides = array<i32>} : memref<32x1024xf32, #tpu.memory_space<vmem>>, vector<1x16xf32>,
      %swap3A_442 = vector.shape_cast %swap3A_441 : vector<1x16xf32> to vector<16xf32>
      %swap3A_443 = vector.shape_cast %add3A_438 : vector<16xf32> to vector<1x16xf32>
      tpu.vector_store %arg7[%swap3A_439, %swap3A_440], %swap3A_443 {strides = array<i32>} : memref<32x1024xf32, #tpu.memory_space<vmem>>, vector<1x16xf32>,
      %get3A_444 = arith.index_cast %scan3A_45 : i32 to index
      %get3A_445 = arith.constant 336 : index
      %get3A_446 = tpu.vector_load %arg7[%get3A_444, %get3A_445] {strides = array<i32>} : memref<32x1024xf32, #tpu.memory_space<vmem>>, vector<1x16xf32>,
      %get3A_447 = vector.shape_cast %get3A_446 : vector<1x16xf32> to vector<16xf32>
      %get3A_448 = arith.index_cast %scan3A_45 : i32 to index
      %get3A_449 = arith.constant 336 : index
      %get3A_450 = tpu.vector_load %arg8[%get3A_448, %get3A_449] {strides = array<i32>} : memref<32x1024xf32, #tpu.memory_space<vmem>>, vector<1x16xf32>,
      %get3A_451 = vector.shape_cast %get3A_450 : vector<1x16xf32> to vector<16xf32>
      %add3A_452 = arith.addf %get3A_447, %get3A_451 : vector<16xf32>
      %get3A_453 = arith.index_cast %scan3A_45 : i32 to index
      %get3A_454 = arith.constant 336 : index
      %get3A_455 = tpu.vector_load %arg9[%get3A_453, %get3A_454] {strides = array<i32>} : memref<32x1024xf32, #tpu.memory_space<vmem>>, vector<1x16xf32>,
      %get3A_456 = vector.shape_cast %get3A_455 : vector<1x16xf32> to vector<16xf32>
      %add3A_457 = arith.addf %add3A_452, %get3A_456 : vector<16xf32>
      %swap3A_458 = arith.index_cast %scan3A_45 : i32 to index
      %swap3A_459 = arith.constant 336 : index
      %swap3A_460 = tpu.vector_load %arg7[%swap3A_458, %swap3A_459] {strides = array<i32>} : memref<32x1024xf32, #tpu.memory_space<vmem>>, vector<1x16xf32>,
      %swap3A_461 = vector.shape_cast %swap3A_460 : vector<1x16xf32> to vector<16xf32>
      %swap3A_462 = vector.shape_cast %add3A_457 : vector<16xf32> to vector<1x16xf32>
      tpu.vector_store %arg7[%swap3A_458, %swap3A_459], %swap3A_462 {strides = array<i32>} : memref<32x1024xf32, #tpu.memory_space<vmem>>, vector<1x16xf32>,
      %get3A_463 = arith.index_cast %scan3A_45 : i32 to index
      %get3A_464 = arith.constant 352 : index
      %get3A_465 = tpu.vector_load %arg7[%get3A_463, %get3A_464] {strides = array<i32>} : memref<32x1024xf32, #tpu.memory_space<vmem>>, vector<1x16xf32>,
      %get3A_466 = vector.shape_cast %get3A_465 : vector<1x16xf32> to vector<16xf32>
      %get3A_467 = arith.index_cast %scan3A_45 : i32 to index
      %get3A_468 = arith.constant 352 : index
      %get3A_469 = tpu.vector_load %arg8[%get3A_467, %get3A_468] {strides = array<i32>} : memref<32x1024xf32, #tpu.memory_space<vmem>>, vector<1x16xf32>,
      %get3A_470 = vector.shape_cast %get3A_469 : vector<1x16xf32> to vector<16xf32>
      %add3A_471 = arith.addf %get3A_466, %get3A_470 : vector<16xf32>
      %get3A_472 = arith.index_cast %scan3A_45 : i32 to index
      %get3A_473 = arith.constant 352 : index
      %get3A_474 = tpu.vector_load %arg9[%get3A_472, %get3A_473] {strides = array<i32>} : memref<32x1024xf32, #tpu.memory_space<vmem>>, vector<1x16xf32>,
      %get3A_475 = vector.shape_cast %get3A_474 : vector<1x16xf32> to vector<16xf32>
      %add3A_476 = arith.addf %add3A_471, %get3A_475 : vector<16xf32>
      %swap3A_477 = arith.index_cast %scan3A_45 : i32 to index
      %swap3A_478 = arith.constant 352 : index
      %swap3A_479 = tpu.vector_load %arg7[%swap3A_477, %swap3A_478] {strides = array<i32>} : memref<32x1024xf32, #tpu.memory_space<vmem>>, vector<1x16xf32>,
      %swap3A_480 = vector.shape_cast %swap3A_479 : vector<1x16xf32> to vector<16xf32>
      %swap3A_481 = vector.shape_cast %add3A_476 : vector<16xf32> to vector<1x16xf32>
      tpu.vector_store %arg7[%swap3A_477, %swap3A_478], %swap3A_481 {strides = array<i32>} : memref<32x1024xf32, #tpu.memory_space<vmem>>, vector<1x16xf32>,
      %get3A_482 = arith.index_cast %scan3A_45 : i32 to index
      %get3A_483 = arith.constant 368 : index
      %get3A_484 = tpu.vector_load %arg7[%get3A_482, %get3A_483] {strides = array<i32>} : memref<32x1024xf32, #tpu.memory_space<vmem>>, vector<1x16xf32>,
      %get3A_485 = vector.shape_cast %get3A_484 : vector<1x16xf32> to vector<16xf32>
      %get3A_486 = arith.index_cast %scan3A_45 : i32 to index
      %get3A_487 = arith.constant 368 : index
      %get3A_488 = tpu.vector_load %arg8[%get3A_486, %get3A_487] {strides = array<i32>} : memref<32x1024xf32, #tpu.memory_space<vmem>>, vector<1x16xf32>,
      %get3A_489 = vector.shape_cast %get3A_488 : vector<1x16xf32> to vector<16xf32>
      %add3A_490 = arith.addf %get3A_485, %get3A_489 : vector<16xf32>
      %get3A_491 = arith.index_cast %scan3A_45 : i32 to index
      %get3A_492 = arith.constant 368 : index
      %get3A_493 = tpu.vector_load %arg9[%get3A_491, %get3A_492] {strides = array<i32>} : memref<32x1024xf32, #tpu.memory_space<vmem>>, vector<1x16xf32>,
      %get3A_494 = vector.shape_cast %get3A_493 : vector<1x16xf32> to vector<16xf32>
      %add3A_495 = arith.addf %add3A_490, %get3A_494 : vector<16xf32>
      %swap3A_496 = arith.index_cast %scan3A_45 : i32 to index
      %swap3A_497 = arith.constant 368 : index
      %swap3A_498 = tpu.vector_load %arg7[%swap3A_496, %swap3A_497] {strides = array<i32>} : memref<32x1024xf32, #tpu.memory_space<vmem>>, vector<1x16xf32>,
      %swap3A_499 = vector.shape_cast %swap3A_498 : vector<1x16xf32> to vector<16xf32>
      %swap3A_500 = vector.shape_cast %add3A_495 : vector<16xf32> to vector<1x16xf32>
      tpu.vector_store %arg7[%swap3A_496, %swap3A_497], %swap3A_500 {strides = array<i32>} : memref<32x1024xf32, #tpu.memory_space<vmem>>, vector<1x16xf32>,
      %get3A_501 = arith.index_cast %scan3A_45 : i32 to index
      %get3A_502 = arith.constant 384 : index
      %get3A_503 = tpu.vector_load %arg7[%get3A_501, %get3A_502] {strides = array<i32>} : memref<32x1024xf32, #tpu.memory_space<vmem>>, vector<1x16xf32>,
      %get3A_504 = vector.shape_cast %get3A_503 : vector<1x16xf32> to vector<16xf32>
      %get3A_505 = arith.index_cast %scan3A_45 : i32 to index
      %get3A_506 = arith.constant 384 : index
      %get3A_507 = tpu.vector_load %arg8[%get3A_505, %get3A_506] {strides = array<i32>} : memref<32x1024xf32, #tpu.memory_space<vmem>>, vector<1x16xf32>,
      %get3A_508 = vector.shape_cast %get3A_507 : vector<1x16xf32> to vector<16xf32>
      %add3A_509 = arith.addf %get3A_504, %get3A_508 : vector<16xf32>
      %get3A_510 = arith.index_cast %scan3A_45 : i32 to index
      %get3A_511 = arith.constant 384 : index
      %get3A_512 = tpu.vector_load %arg9[%get3A_510, %get3A_511] {strides = array<i32>} : memref<32x1024xf32, #tpu.memory_space<vmem>>, vector<1x16xf32>,
      %get3A_513 = vector.shape_cast %get3A_512 : vector<1x16xf32> to vector<16xf32>
      %add3A_514 = arith.addf %add3A_509, %get3A_513 : vector<16xf32>
      %swap3A_515 = arith.index_cast %scan3A_45 : i32 to index
      %swap3A_516 = arith.constant 384 : index
      %swap3A_517 = tpu.vector_load %arg7[%swap3A_515, %swap3A_516] {strides = array<i32>} : memref<32x1024xf32, #tpu.memory_space<vmem>>, vector<1x16xf32>,
      %swap3A_518 = vector.shape_cast %swap3A_517 : vector<1x16xf32> to vector<16xf32>
      %swap3A_519 = vector.shape_cast %add3A_514 : vector<16xf32> to vector<1x16xf32>
      tpu.vector_store %arg7[%swap3A_515, %swap3A_516], %swap3A_519 {strides = array<i32>} : memref<32x1024xf32, #tpu.memory_space<vmem>>, vector<1x16xf32>,
      %get3A_520 = arith.index_cast %scan3A_45 : i32 to index
      %get3A_521 = arith.constant 400 : index
      %get3A_522 = tpu.vector_load %arg7[%get3A_520, %get3A_521] {strides = array<i32>} : memref<32x1024xf32, #tpu.memory_space<vmem>>, vector<1x16xf32>,
      %get3A_523 = vector.shape_cast %get3A_522 : vector<1x16xf32> to vector<16xf32>
      %get3A_524 = arith.index_cast %scan3A_45 : i32 to index
      %get3A_525 = arith.constant 400 : index
      %get3A_526 = tpu.vector_load %arg8[%get3A_524, %get3A_525] {strides = array<i32>} : memref<32x1024xf32, #tpu.memory_space<vmem>>, vector<1x16xf32>,
      %get3A_527 = vector.shape_cast %get3A_526 : vector<1x16xf32> to vector<16xf32>
      %add3A_528 = arith.addf %get3A_523, %get3A_527 : vector<16xf32>
      %get3A_529 = arith.index_cast %scan3A_45 : i32 to index
      %get3A_530 = arith.constant 400 : index
      %get3A_531 = tpu.vector_load %arg9[%get3A_529, %get3A_530] {strides = array<i32>} : memref<32x1024xf32, #tpu.memory_space<vmem>>, vector<1x16xf32>,
      %get3A_532 = vector.shape_cast %get3A_531 : vector<1x16xf32> to vector<16xf32>
      %add3A_533 = arith.addf %add3A_528, %get3A_532 : vector<16xf32>
      %swap3A_534 = arith.index_cast %scan3A_45 : i32 to index
      %swap3A_535 = arith.constant 400 : index
      %swap3A_536 = tpu.vector_load %arg7[%swap3A_534, %swap3A_535] {strides = array<i32>} : memref<32x1024xf32, #tpu.memory_space<vmem>>, vector<1x16xf32>,
      %swap3A_537 = vector.shape_cast %swap3A_536 : vector<1x16xf32> to vector<16xf32>
      %swap3A_538 = vector.shape_cast %add3A_533 : vector<16xf32> to vector<1x16xf32>
      tpu.vector_store %arg7[%swap3A_534, %swap3A_535], %swap3A_538 {strides = array<i32>} : memref<32x1024xf32, #tpu.memory_space<vmem>>, vector<1x16xf32>,
      %get3A_539 = arith.index_cast %scan3A_45 : i32 to index
      %get3A_540 = arith.constant 416 : index
      %get3A_541 = tpu.vector_load %arg7[%get3A_539, %get3A_540] {strides = array<i32>} : memref<32x1024xf32, #tpu.memory_space<vmem>>, vector<1x16xf32>,
      %get3A_542 = vector.shape_cast %get3A_541 : vector<1x16xf32> to vector<16xf32>
      %get3A_543 = arith.index_cast %scan3A_45 : i32 to index
      %get3A_544 = arith.constant 416 : index
      %get3A_545 = tpu.vector_load %arg8[%get3A_543, %get3A_544] {strides = array<i32>} : memref<32x1024xf32, #tpu.memory_space<vmem>>, vector<1x16xf32>,
      %get3A_546 = vector.shape_cast %get3A_545 : vector<1x16xf32> to vector<16xf32>
      %add3A_547 = arith.addf %get3A_542, %get3A_546 : vector<16xf32>
      %get3A_548 = arith.index_cast %scan3A_45 : i32 to index
      %get3A_549 = arith.constant 416 : index
      %get3A_550 = tpu.vector_load %arg9[%get3A_548, %get3A_549] {strides = array<i32>} : memref<32x1024xf32, #tpu.memory_space<vmem>>, vector<1x16xf32>,
      %get3A_551 = vector.shape_cast %get3A_550 : vector<1x16xf32> to vector<16xf32>
      %add3A_552 = arith.addf %add3A_547, %get3A_551 : vector<16xf32>
      %swap3A_553 = arith.index_cast %scan3A_45 : i32 to index
      %swap3A_554 = arith.constant 416 : index
      %swap3A_555 = tpu.vector_load %arg7[%swap3A_553, %swap3A_554] {strides = array<i32>} : memref<32x1024xf32, #tpu.memory_space<vmem>>, vector<1x16xf32>,
      %swap3A_556 = vector.shape_cast %swap3A_555 : vector<1x16xf32> to vector<16xf32>
      %swap3A_557 = vector.shape_cast %add3A_552 : vector<16xf32> to vector<1x16xf32>
      tpu.vector_store %arg7[%swap3A_553, %swap3A_554], %swap3A_557 {strides = array<i32>} : memref<32x1024xf32, #tpu.memory_space<vmem>>, vector<1x16xf32>,
      %get3A_558 = arith.index_cast %scan3A_45 : i32 to index
      %get3A_559 = arith.constant 432 : index
      %get3A_560 = tpu.vector_load %arg7[%get3A_558, %get3A_559] {strides = array<i32>} : memref<32x1024xf32, #tpu.memory_space<vmem>>, vector<1x16xf32>,
      %get3A_561 = vector.shape_cast %get3A_560 : vector<1x16xf32> to vector<16xf32>
      %get3A_562 = arith.index_cast %scan3A_45 : i32 to index
      %get3A_563 = arith.constant 432 : index
      %get3A_564 = tpu.vector_load %arg8[%get3A_562, %get3A_563] {strides = array<i32>} : memref<32x1024xf32, #tpu.memory_space<vmem>>, vector<1x16xf32>,
      %get3A_565 = vector.shape_cast %get3A_564 : vector<1x16xf32> to vector<16xf32>
      %add3A_566 = arith.addf %get3A_561, %get3A_565 : vector<16xf32>
      %get3A_567 = arith.index_cast %scan3A_45 : i32 to index
      %get3A_568 = arith.constant 432 : index
      %get3A_569 = tpu.vector_load %arg9[%get3A_567, %get3A_568] {strides = array<i32>} : memref<32x1024xf32, #tpu.memory_space<vmem>>, vector<1x16xf32>,
      %get3A_570 = vector.shape_cast %get3A_569 : vector<1x16xf32> to vector<16xf32>
      %add3A_571 = arith.addf %add3A_566, %get3A_570 : vector<16xf32>
      %swap3A_572 = arith.index_cast %scan3A_45 : i32 to index
      %swap3A_573 = arith.constant 432 : index
      %swap3A_574 = tpu.vector_load %arg7[%swap3A_572, %swap3A_573] {strides = array<i32>} : memref<32x1024xf32, #tpu.memory_space<vmem>>, vector<1x16xf32>,
      %swap3A_575 = vector.shape_cast %swap3A_574 : vector<1x16xf32> to vector<16xf32>
      %swap3A_576 = vector.shape_cast %add3A_571 : vector<16xf32> to vector<1x16xf32>
      tpu.vector_store %arg7[%swap3A_572, %swap3A_573], %swap3A_576 {strides = array<i32>} : memref<32x1024xf32, #tpu.memory_space<vmem>>, vector<1x16xf32>,
      %get3A_577 = arith.index_cast %scan3A_45 : i32 to index
      %get3A_578 = arith.constant 448 : index
      %get3A_579 = tpu.vector_load %arg7[%get3A_577, %get3A_578] {strides = array<i32>} : memref<32x1024xf32, #tpu.memory_space<vmem>>, vector<1x16xf32>,
      %get3A_580 = vector.shape_cast %get3A_579 : vector<1x16xf32> to vector<16xf32>
      %get3A_581 = arith.index_cast %scan3A_45 : i32 to index
      %get3A_582 = arith.constant 448 : index
      %get3A_583 = tpu.vector_load %arg8[%get3A_581, %get3A_582] {strides = array<i32>} : memref<32x1024xf32, #tpu.memory_space<vmem>>, vector<1x16xf32>,
      %get3A_584 = vector.shape_cast %get3A_583 : vector<1x16xf32> to vector<16xf32>
      %add3A_585 = arith.addf %get3A_580, %get3A_584 : vector<16xf32>
      %get3A_586 = arith.index_cast %scan3A_45 : i32 to index
      %get3A_587 = arith.constant 448 : index
      %get3A_588 = tpu.vector_load %arg9[%get3A_586, %get3A_587] {strides = array<i32>} : memref<32x1024xf32, #tpu.memory_space<vmem>>, vector<1x16xf32>,
      %get3A_589 = vector.shape_cast %get3A_588 : vector<1x16xf32> to vector<16xf32>
      %add3A_590 = arith.addf %add3A_585, %get3A_589 : vector<16xf32>
      %swap3A_591 = arith.index_cast %scan3A_45 : i32 to index
      %swap3A_592 = arith.constant 448 : index
      %swap3A_593 = tpu.vector_load %arg7[%swap3A_591, %swap3A_592] {strides = array<i32>} : memref<32x1024xf32, #tpu.memory_space<vmem>>, vector<1x16xf32>,
      %swap3A_594 = vector.shape_cast %swap3A_593 : vector<1x16xf32> to vector<16xf32>
      %swap3A_595 = vector.shape_cast %add3A_590 : vector<16xf32> to vector<1x16xf32>
      tpu.vector_store %arg7[%swap3A_591, %swap3A_592], %swap3A_595 {strides = array<i32>} : memref<32x1024xf32, #tpu.memory_space<vmem>>, vector<1x16xf32>,
      %get3A_596 = arith.index_cast %scan3A_45 : i32 to index
      %get3A_597 = arith.constant 464 : index
      %get3A_598 = tpu.vector_load %arg7[%get3A_596, %get3A_597] {strides = array<i32>} : memref<32x1024xf32, #tpu.memory_space<vmem>>, vector<1x16xf32>,
      %get3A_599 = vector.shape_cast %get3A_598 : vector<1x16xf32> to vector<16xf32>
      %get3A_600 = arith.index_cast %scan3A_45 : i32 to index
      %get3A_601 = arith.constant 464 : index
      %get3A_602 = tpu.vector_load %arg8[%get3A_600, %get3A_601] {strides = array<i32>} : memref<32x1024xf32, #tpu.memory_space<vmem>>, vector<1x16xf32>,
      %get3A_603 = vector.shape_cast %get3A_602 : vector<1x16xf32> to vector<16xf32>
      %add3A_604 = arith.addf %get3A_599, %get3A_603 : vector<16xf32>
      %get3A_605 = arith.index_cast %scan3A_45 : i32 to index
      %get3A_606 = arith.constant 464 : index
      %get3A_607 = tpu.vector_load %arg9[%get3A_605, %get3A_606] {strides = array<i32>} : memref<32x1024xf32, #tpu.memory_space<vmem>>, vector<1x16xf32>,
      %get3A_608 = vector.shape_cast %get3A_607 : vector<1x16xf32> to vector<16xf32>
      %add3A_609 = arith.addf %add3A_604, %get3A_608 : vector<16xf32>
      %swap3A_610 = arith.index_cast %scan3A_45 : i32 to index
      %swap3A_611 = arith.constant 464 : index
      %swap3A_612 = tpu.vector_load %arg7[%swap3A_610, %swap3A_611] {strides = array<i32>} : memref<32x1024xf32, #tpu.memory_space<vmem>>, vector<1x16xf32>,
      %swap3A_613 = vector.shape_cast %swap3A_612 : vector<1x16xf32> to vector<16xf32>
      %swap3A_614 = vector.shape_cast %add3A_609 : vector<16xf32> to vector<1x16xf32>
      tpu.vector_store %arg7[%swap3A_610, %swap3A_611], %swap3A_614 {strides = array<i32>} : memref<32x1024xf32, #tpu.memory_space<vmem>>, vector<1x16xf32>,
      %get3A_615 = arith.index_cast %scan3A_45 : i32 to index
      %get3A_616 = arith.constant 480 : index
      %get3A_617 = tpu.vector_load %arg7[%get3A_615, %get3A_616] {strides = array<i32>} : memref<32x1024xf32, #tpu.memory_space<vmem>>, vector<1x16xf32>,
      %get3A_618 = vector.shape_cast %get3A_617 : vector<1x16xf32> to vector<16xf32>
      %get3A_619 = arith.index_cast %scan3A_45 : i32 to index
      %get3A_620 = arith.constant 480 : index
      %get3A_621 = tpu.vector_load %arg8[%get3A_619, %get3A_620] {strides = array<i32>} : memref<32x1024xf32, #tpu.memory_space<vmem>>, vector<1x16xf32>,
      %get3A_622 = vector.shape_cast %get3A_621 : vector<1x16xf32> to vector<16xf32>
      %add3A_623 = arith.addf %get3A_618, %get3A_622 : vector<16xf32>
      %get3A_624 = arith.index_cast %scan3A_45 : i32 to index
      %get3A_625 = arith.constant 480 : index
      %get3A_626 = tpu.vector_load %arg9[%get3A_624, %get3A_625] {strides = array<i32>} : memref<32x1024xf32, #tpu.memory_space<vmem>>, vector<1x16xf32>,
      %get3A_627 = vector.shape_cast %get3A_626 : vector<1x16xf32> to vector<16xf32>
      %add3A_628 = arith.addf %add3A_623, %get3A_627 : vector<16xf32>
      %swap3A_629 = arith.index_cast %scan3A_45 : i32 to index
      %swap3A_630 = arith.constant 480 : index
      %swap3A_631 = tpu.vector_load %arg7[%swap3A_629, %swap3A_630] {strides = array<i32>} : memref<32x1024xf32, #tpu.memory_space<vmem>>, vector<1x16xf32>,
      %swap3A_632 = vector.shape_cast %swap3A_631 : vector<1x16xf32> to vector<16xf32>
      %swap3A_633 = vector.shape_cast %add3A_628 : vector<16xf32> to vector<1x16xf32>
      tpu.vector_store %arg7[%swap3A_629, %swap3A_630], %swap3A_633 {strides = array<i32>} : memref<32x1024xf32, #tpu.memory_space<vmem>>, vector<1x16xf32>,
      %get3A_634 = arith.index_cast %scan3A_45 : i32 to index
      %get3A_635 = arith.constant 496 : index
      %get3A_636 = tpu.vector_load %arg7[%get3A_634, %get3A_635] {strides = array<i32>} : memref<32x1024xf32, #tpu.memory_space<vmem>>, vector<1x16xf32>,
      %get3A_637 = vector.shape_cast %get3A_636 : vector<1x16xf32> to vector<16xf32>
      %get3A_638 = arith.index_cast %scan3A_45 : i32 to index
      %get3A_639 = arith.constant 496 : index
      %get3A_640 = tpu.vector_load %arg8[%get3A_638, %get3A_639] {strides = array<i32>} : memref<32x1024xf32, #tpu.memory_space<vmem>>, vector<1x16xf32>,
      %get3A_641 = vector.shape_cast %get3A_640 : vector<1x16xf32> to vector<16xf32>
      %add3A_642 = arith.addf %get3A_637, %get3A_641 : vector<16xf32>
      %get3A_643 = arith.index_cast %scan3A_45 : i32 to index
      %get3A_644 = arith.constant 496 : index
      %get3A_645 = tpu.vector_load %arg9[%get3A_643, %get3A_644] {strides = array<i32>} : memref<32x1024xf32, #tpu.memory_space<vmem>>, vector<1x16xf32>,
      %get3A_646 = vector.shape_cast %get3A_645 : vector<1x16xf32> to vector<16xf32>
      %add3A_647 = arith.addf %add3A_642, %get3A_646 : vector<16xf32>
      %swap3A_648 = arith.index_cast %scan3A_45 : i32 to index
      %swap3A_649 = arith.constant 496 : index
      %swap3A_650 = tpu.vector_load %arg7[%swap3A_648, %swap3A_649] {strides = array<i32>} : memref<32x1024xf32, #tpu.memory_space<vmem>>, vector<1x16xf32>,
      %swap3A_651 = vector.shape_cast %swap3A_650 : vector<1x16xf32> to vector<16xf32>
      %swap3A_652 = vector.shape_cast %add3A_647 : vector<16xf32> to vector<1x16xf32>
      tpu.vector_store %arg7[%swap3A_648, %swap3A_649], %swap3A_652 {strides = array<i32>} : memref<32x1024xf32, #tpu.memory_space<vmem>>, vector<1x16xf32>,
      %get3A_653 = arith.index_cast %scan3A_45 : i32 to index
      %get3A_654 = arith.constant 512 : index
      %get3A_655 = tpu.vector_load %arg7[%get3A_653, %get3A_654] {strides = array<i32>} : memref<32x1024xf32, #tpu.memory_space<vmem>>, vector<1x16xf32>,
      %get3A_656 = vector.shape_cast %get3A_655 : vector<1x16xf32> to vector<16xf32>
      %get3A_657 = arith.index_cast %scan3A_45 : i32 to index
      %get3A_658 = arith.constant 512 : index
      %get3A_659 = tpu.vector_load %arg8[%get3A_657, %get3A_658] {strides = array<i32>} : memref<32x1024xf32, #tpu.memory_space<vmem>>, vector<1x16xf32>,
      %get3A_660 = vector.shape_cast %get3A_659 : vector<1x16xf32> to vector<16xf32>
      %add3A_661 = arith.addf %get3A_656, %get3A_660 : vector<16xf32>
      %get3A_662 = arith.index_cast %scan3A_45 : i32 to index
      %get3A_663 = arith.constant 512 : index
      %get3A_664 = tpu.vector_load %arg9[%get3A_662, %get3A_663] {strides = array<i32>} : memref<32x1024xf32, #tpu.memory_space<vmem>>, vector<1x16xf32>,
      %get3A_665 = vector.shape_cast %get3A_664 : vector<1x16xf32> to vector<16xf32>
      %add3A_666 = arith.addf %add3A_661, %get3A_665 : vector<16xf32>
      %swap3A_667 = arith.index_cast %scan3A_45 : i32 to index
      %swap3A_668 = arith.constant 512 : index
      %swap3A_669 = tpu.vector_load %arg7[%swap3A_667, %swap3A_668] {strides = array<i32>} : memref<32x1024xf32, #tpu.memory_space<vmem>>, vector<1x16xf32>,
      %swap3A_670 = vector.shape_cast %swap3A_669 : vector<1x16xf32> to vector<16xf32>
      %swap3A_671 = vector.shape_cast %add3A_666 : vector<16xf32> to vector<1x16xf32>
      tpu.vector_store %arg7[%swap3A_667, %swap3A_668], %swap3A_671 {strides = array<i32>} : memref<32x1024xf32, #tpu.memory_space<vmem>>, vector<1x16xf32>,
      %get3A_672 = arith.index_cast %scan3A_45 : i32 to index
      %get3A_673 = arith.constant 528 : index
      %get3A_674 = tpu.vector_load %arg7[%get3A_672, %get3A_673] {strides = array<i32>} : memref<32x1024xf32, #tpu.memory_space<vmem>>, vector<1x16xf32>,
      %get3A_675 = vector.shape_cast %get3A_674 : vector<1x16xf32> to vector<16xf32>
      %get3A_676 = arith.index_cast %scan3A_45 : i32 to index
      %get3A_677 = arith.constant 528 : index
      %get3A_678 = tpu.vector_load %arg8[%get3A_676, %get3A_677] {strides = array<i32>} : memref<32x1024xf32, #tpu.memory_space<vmem>>, vector<1x16xf32>,
      %get3A_679 = vector.shape_cast %get3A_678 : vector<1x16xf32> to vector<16xf32>
      %add3A_680 = arith.addf %get3A_675, %get3A_679 : vector<16xf32>
      %get3A_681 = arith.index_cast %scan3A_45 : i32 to index
      %get3A_682 = arith.constant 528 : index
      %get3A_683 = tpu.vector_load %arg9[%get3A_681, %get3A_682] {strides = array<i32>} : memref<32x1024xf32, #tpu.memory_space<vmem>>, vector<1x16xf32>,
      %get3A_684 = vector.shape_cast %get3A_683 : vector<1x16xf32> to vector<16xf32>
      %add3A_685 = arith.addf %add3A_680, %get3A_684 : vector<16xf32>
      %swap3A_686 = arith.index_cast %scan3A_45 : i32 to index
      %swap3A_687 = arith.constant 528 : index
      %swap3A_688 = tpu.vector_load %arg7[%swap3A_686, %swap3A_687] {strides = array<i32>} : memref<32x1024xf32, #tpu.memory_space<vmem>>, vector<1x16xf32>,
      %swap3A_689 = vector.shape_cast %swap3A_688 : vector<1x16xf32> to vector<16xf32>
      %swap3A_690 = vector.shape_cast %add3A_685 : vector<16xf32> to vector<1x16xf32>
      tpu.vector_store %arg7[%swap3A_686, %swap3A_687], %swap3A_690 {strides = array<i32>} : memref<32x1024xf32, #tpu.memory_space<vmem>>, vector<1x16xf32>,
      %get3A_691 = arith.index_cast %scan3A_45 : i32 to index
      %get3A_692 = arith.constant 544 : index
      %get3A_693 = tpu.vector_load %arg7[%get3A_691, %get3A_692] {strides = array<i32>} : memref<32x1024xf32, #tpu.memory_space<vmem>>, vector<1x16xf32>,
      %get3A_694 = vector.shape_cast %get3A_693 : vector<1x16xf32> to vector<16xf32>
      %get3A_695 = arith.index_cast %scan3A_45 : i32 to index
      %get3A_696 = arith.constant 544 : index
      %get3A_697 = tpu.vector_load %arg8[%get3A_695, %get3A_696] {strides = array<i32>} : memref<32x1024xf32, #tpu.memory_space<vmem>>, vector<1x16xf32>,
      %get3A_698 = vector.shape_cast %get3A_697 : vector<1x16xf32> to vector<16xf32>
      %add3A_699 = arith.addf %get3A_694, %get3A_698 : vector<16xf32>
      %get3A_700 = arith.index_cast %scan3A_45 : i32 to index
      %get3A_701 = arith.constant 544 : index
      %get3A_702 = tpu.vector_load %arg9[%get3A_700, %get3A_701] {strides = array<i32>} : memref<32x1024xf32, #tpu.memory_space<vmem>>, vector<1x16xf32>,
      %get3A_703 = vector.shape_cast %get3A_702 : vector<1x16xf32> to vector<16xf32>
      %add3A_704 = arith.addf %add3A_699, %get3A_703 : vector<16xf32>
      %swap3A_705 = arith.index_cast %scan3A_45 : i32 to index
      %swap3A_706 = arith.constant 544 : index
      %swap3A_707 = tpu.vector_load %arg7[%swap3A_705, %swap3A_706] {strides = array<i32>} : memref<32x1024xf32, #tpu.memory_space<vmem>>, vector<1x16xf32>,
      %swap3A_708 = vector.shape_cast %swap3A_707 : vector<1x16xf32> to vector<16xf32>
      %swap3A_709 = vector.shape_cast %add3A_704 : vector<16xf32> to vector<1x16xf32>
      tpu.vector_store %arg7[%swap3A_705, %swap3A_706], %swap3A_709 {strides = array<i32>} : memref<32x1024xf32, #tpu.memory_space<vmem>>, vector<1x16xf32>,
      %get3A_710 = arith.index_cast %scan3A_45 : i32 to index
      %get3A_711 = arith.constant 560 : index
      %get3A_712 = tpu.vector_load %arg7[%get3A_710, %get3A_711] {strides = array<i32>} : memref<32x1024xf32, #tpu.memory_space<vmem>>, vector<1x16xf32>,
      %get3A_713 = vector.shape_cast %get3A_712 : vector<1x16xf32> to vector<16xf32>
      %get3A_714 = arith.index_cast %scan3A_45 : i32 to index
      %get3A_715 = arith.constant 560 : index
      %get3A_716 = tpu.vector_load %arg8[%get3A_714, %get3A_715] {strides = array<i32>} : memref<32x1024xf32, #tpu.memory_space<vmem>>, vector<1x16xf32>,
      %get3A_717 = vector.shape_cast %get3A_716 : vector<1x16xf32> to vector<16xf32>
      %add3A_718 = arith.addf %get3A_713, %get3A_717 : vector<16xf32>
      %get3A_719 = arith.index_cast %scan3A_45 : i32 to index
      %get3A_720 = arith.constant 560 : index
      %get3A_721 = tpu.vector_load %arg9[%get3A_719, %get3A_720] {strides = array<i32>} : memref<32x1024xf32, #tpu.memory_space<vmem>>, vector<1x16xf32>,
      %get3A_722 = vector.shape_cast %get3A_721 : vector<1x16xf32> to vector<16xf32>
      %add3A_723 = arith.addf %add3A_718, %get3A_722 : vector<16xf32>
      %swap3A_724 = arith.index_cast %scan3A_45 : i32 to index
      %swap3A_725 = arith.constant 560 : index
      %swap3A_726 = tpu.vector_load %arg7[%swap3A_724, %swap3A_725] {strides = array<i32>} : memref<32x1024xf32, #tpu.memory_space<vmem>>, vector<1x16xf32>,
      %swap3A_727 = vector.shape_cast %swap3A_726 : vector<1x16xf32> to vector<16xf32>
      %swap3A_728 = vector.shape_cast %add3A_723 : vector<16xf32> to vector<1x16xf32>
      tpu.vector_store %arg7[%swap3A_724, %swap3A_725], %swap3A_728 {strides = array<i32>} : memref<32x1024xf32, #tpu.memory_space<vmem>>, vector<1x16xf32>,
      %get3A_729 = arith.index_cast %scan3A_45 : i32 to index
      %get3A_730 = arith.constant 576 : index
      %get3A_731 = tpu.vector_load %arg7[%get3A_729, %get3A_730] {strides = array<i32>} : memref<32x1024xf32, #tpu.memory_space<vmem>>, vector<1x16xf32>,
      %get3A_732 = vector.shape_cast %get3A_731 : vector<1x16xf32> to vector<16xf32>
      %get3A_733 = arith.index_cast %scan3A_45 : i32 to index
      %get3A_734 = arith.constant 576 : index
      %get3A_735 = tpu.vector_load %arg8[%get3A_733, %get3A_734] {strides = array<i32>} : memref<32x1024xf32, #tpu.memory_space<vmem>>, vector<1x16xf32>,
      %get3A_736 = vector.shape_cast %get3A_735 : vector<1x16xf32> to vector<16xf32>
      %add3A_737 = arith.addf %get3A_732, %get3A_736 : vector<16xf32>
      %get3A_738 = arith.index_cast %scan3A_45 : i32 to index
      %get3A_739 = arith.constant 576 : index
      %get3A_740 = tpu.vector_load %arg9[%get3A_738, %get3A_739] {strides = array<i32>} : memref<32x1024xf32, #tpu.memory_space<vmem>>, vector<1x16xf32>,
      %get3A_741 = vector.shape_cast %get3A_740 : vector<1x16xf32> to vector<16xf32>
      %add3A_742 = arith.addf %add3A_737, %get3A_741 : vector<16xf32>
      %swap3A_743 = arith.index_cast %scan3A_45 : i32 to index
      %swap3A_744 = arith.constant 576 : index
      %swap3A_745 = tpu.vector_load %arg7[%swap3A_743, %swap3A_744] {strides = array<i32>} : memref<32x1024xf32, #tpu.memory_space<vmem>>, vector<1x16xf32>,
      %swap3A_746 = vector.shape_cast %swap3A_745 : vector<1x16xf32> to vector<16xf32>
      %swap3A_747 = vector.shape_cast %add3A_742 : vector<16xf32> to vector<1x16xf32>
      tpu.vector_store %arg7[%swap3A_743, %swap3A_744], %swap3A_747 {strides = array<i32>} : memref<32x1024xf32, #tpu.memory_space<vmem>>, vector<1x16xf32>,
      %get3A_748 = arith.index_cast %scan3A_45 : i32 to index
      %get3A_749 = arith.constant 592 : index
      %get3A_750 = tpu.vector_load %arg7[%get3A_748, %get3A_749] {strides = array<i32>} : memref<32x1024xf32, #tpu.memory_space<vmem>>, vector<1x16xf32>,
      %get3A_751 = vector.shape_cast %get3A_750 : vector<1x16xf32> to vector<16xf32>
      %get3A_752 = arith.index_cast %scan3A_45 : i32 to index
      %get3A_753 = arith.constant 592 : index
      %get3A_754 = tpu.vector_load %arg8[%get3A_752, %get3A_753] {strides = array<i32>} : memref<32x1024xf32, #tpu.memory_space<vmem>>, vector<1x16xf32>,
      %get3A_755 = vector.shape_cast %get3A_754 : vector<1x16xf32> to vector<16xf32>
      %add3A_756 = arith.addf %get3A_751, %get3A_755 : vector<16xf32>
      %get3A_757 = arith.index_cast %scan3A_45 : i32 to index
      %get3A_758 = arith.constant 592 : index
      %get3A_759 = tpu.vector_load %arg9[%get3A_757, %get3A_758] {strides = array<i32>} : memref<32x1024xf32, #tpu.memory_space<vmem>>, vector<1x16xf32>,
      %get3A_760 = vector.shape_cast %get3A_759 : vector<1x16xf32> to vector<16xf32>
      %add3A_761 = arith.addf %add3A_756, %get3A_760 : vector<16xf32>
      %swap3A_762 = arith.index_cast %scan3A_45 : i32 to index
      %swap3A_763 = arith.constant 592 : index
      %swap3A_764 = tpu.vector_load %arg7[%swap3A_762, %swap3A_763] {strides = array<i32>} : memref<32x1024xf32, #tpu.memory_space<vmem>>, vector<1x16xf32>,
      %swap3A_765 = vector.shape_cast %swap3A_764 : vector<1x16xf32> to vector<16xf32>
      %swap3A_766 = vector.shape_cast %add3A_761 : vector<16xf32> to vector<1x16xf32>
      tpu.vector_store %arg7[%swap3A_762, %swap3A_763], %swap3A_766 {strides = array<i32>} : memref<32x1024xf32, #tpu.memory_space<vmem>>, vector<1x16xf32>,
      %get3A_767 = arith.index_cast %scan3A_45 : i32 to index
      %get3A_768 = arith.constant 608 : index
      %get3A_769 = tpu.vector_load %arg7[%get3A_767, %get3A_768] {strides = array<i32>} : memref<32x1024xf32, #tpu.memory_space<vmem>>, vector<1x16xf32>,
      %get3A_770 = vector.shape_cast %get3A_769 : vector<1x16xf32> to vector<16xf32>
      %get3A_771 = arith.index_cast %scan3A_45 : i32 to index
      %get3A_772 = arith.constant 608 : index
      %get3A_773 = tpu.vector_load %arg8[%get3A_771, %get3A_772] {strides = array<i32>} : memref<32x1024xf32, #tpu.memory_space<vmem>>, vector<1x16xf32>,
      %get3A_774 = vector.shape_cast %get3A_773 : vector<1x16xf32> to vector<16xf32>
      %add3A_775 = arith.addf %get3A_770, %get3A_774 : vector<16xf32>
      %get3A_776 = arith.index_cast %scan3A_45 : i32 to index
      %get3A_777 = arith.constant 608 : index
      %get3A_778 = tpu.vector_load %arg9[%get3A_776, %get3A_777] {strides = array<i32>} : memref<32x1024xf32, #tpu.memory_space<vmem>>, vector<1x16xf32>,
      %get3A_779 = vector.shape_cast %get3A_778 : vector<1x16xf32> to vector<16xf32>
      %add3A_780 = arith.addf %add3A_775, %get3A_779 : vector<16xf32>
      %swap3A_781 = arith.index_cast %scan3A_45 : i32 to index
      %swap3A_782 = arith.constant 608 : index
      %swap3A_783 = tpu.vector_load %arg7[%swap3A_781, %swap3A_782] {strides = array<i32>} : memref<32x1024xf32, #tpu.memory_space<vmem>>, vector<1x16xf32>,
      %swap3A_784 = vector.shape_cast %swap3A_783 : vector<1x16xf32> to vector<16xf32>
      %swap3A_785 = vector.shape_cast %add3A_780 : vector<16xf32> to vector<1x16xf32>
      tpu.vector_store %arg7[%swap3A_781, %swap3A_782], %swap3A_785 {strides = array<i32>} : memref<32x1024xf32, #tpu.memory_space<vmem>>, vector<1x16xf32>,
      %get3A_786 = arith.index_cast %scan3A_45 : i32 to index
      %get3A_787 = arith.constant 624 : index
      %get3A_788 = tpu.vector_load %arg7[%get3A_786, %get3A_787] {strides = array<i32>} : memref<32x1024xf32, #tpu.memory_space<vmem>>, vector<1x16xf32>,
      %get3A_789 = vector.shape_cast %get3A_788 : vector<1x16xf32> to vector<16xf32>
      %get3A_790 = arith.index_cast %scan3A_45 : i32 to index
      %get3A_791 = arith.constant 624 : index
      %get3A_792 = tpu.vector_load %arg8[%get3A_790, %get3A_791] {strides = array<i32>} : memref<32x1024xf32, #tpu.memory_space<vmem>>, vector<1x16xf32>,
      %get3A_793 = vector.shape_cast %get3A_792 : vector<1x16xf32> to vector<16xf32>
      %add3A_794 = arith.addf %get3A_789, %get3A_793 : vector<16xf32>
      %get3A_795 = arith.index_cast %scan3A_45 : i32 to index
      %get3A_796 = arith.constant 624 : index
      %get3A_797 = tpu.vector_load %arg9[%get3A_795, %get3A_796] {strides = array<i32>} : memref<32x1024xf32, #tpu.memory_space<vmem>>, vector<1x16xf32>,
      %get3A_798 = vector.shape_cast %get3A_797 : vector<1x16xf32> to vector<16xf32>
      %add3A_799 = arith.addf %add3A_794, %get3A_798 : vector<16xf32>
      %swap3A_800 = arith.index_cast %scan3A_45 : i32 to index
      %swap3A_801 = arith.constant 624 : index
      %swap3A_802 = tpu.vector_load %arg7[%swap3A_800, %swap3A_801] {strides = array<i32>} : memref<32x1024xf32, #tpu.memory_space<vmem>>, vector<1x16xf32>,
      %swap3A_803 = vector.shape_cast %swap3A_802 : vector<1x16xf32> to vector<16xf32>
      %swap3A_804 = vector.shape_cast %add3A_799 : vector<16xf32> to vector<1x16xf32>
      tpu.vector_store %arg7[%swap3A_800, %swap3A_801], %swap3A_804 {strides = array<i32>} : memref<32x1024xf32, #tpu.memory_space<vmem>>, vector<1x16xf32>,
      %get3A_805 = arith.index_cast %scan3A_45 : i32 to index
      %get3A_806 = arith.constant 640 : index
      %get3A_807 = tpu.vector_load %arg7[%get3A_805, %get3A_806] {strides = array<i32>} : memref<32x1024xf32, #tpu.memory_space<vmem>>, vector<1x16xf32>,
      %get3A_808 = vector.shape_cast %get3A_807 : vector<1x16xf32> to vector<16xf32>
      %get3A_809 = arith.index_cast %scan3A_45 : i32 to index
      %get3A_810 = arith.constant 640 : index
      %get3A_811 = tpu.vector_load %arg8[%get3A_809, %get3A_810] {strides = array<i32>} : memref<32x1024xf32, #tpu.memory_space<vmem>>, vector<1x16xf32>,
      %get3A_812 = vector.shape_cast %get3A_811 : vector<1x16xf32> to vector<16xf32>
      %add3A_813 = arith.addf %get3A_808, %get3A_812 : vector<16xf32>
      %get3A_814 = arith.index_cast %scan3A_45 : i32 to index
      %get3A_815 = arith.constant 640 : index
      %get3A_816 = tpu.vector_load %arg9[%get3A_814, %get3A_815] {strides = array<i32>} : memref<32x1024xf32, #tpu.memory_space<vmem>>, vector<1x16xf32>,
      %get3A_817 = vector.shape_cast %get3A_816 : vector<1x16xf32> to vector<16xf32>
      %add3A_818 = arith.addf %add3A_813, %get3A_817 : vector<16xf32>
      %swap3A_819 = arith.index_cast %scan3A_45 : i32 to index
      %swap3A_820 = arith.constant 640 : index
      %swap3A_821 = tpu.vector_load %arg7[%swap3A_819, %swap3A_820] {strides = array<i32>} : memref<32x1024xf32, #tpu.memory_space<vmem>>, vector<1x16xf32>,
      %swap3A_822 = vector.shape_cast %swap3A_821 : vector<1x16xf32> to vector<16xf32>
      %swap3A_823 = vector.shape_cast %add3A_818 : vector<16xf32> to vector<1x16xf32>
      tpu.vector_store %arg7[%swap3A_819, %swap3A_820], %swap3A_823 {strides = array<i32>} : memref<32x1024xf32, #tpu.memory_space<vmem>>, vector<1x16xf32>,
      %get3A_824 = arith.index_cast %scan3A_45 : i32 to index
      %get3A_825 = arith.constant 656 : index
      %get3A_826 = tpu.vector_load %arg7[%get3A_824, %get3A_825] {strides = array<i32>} : memref<32x1024xf32, #tpu.memory_space<vmem>>, vector<1x16xf32>,
      %get3A_827 = vector.shape_cast %get3A_826 : vector<1x16xf32> to vector<16xf32>
      %get3A_828 = arith.index_cast %scan3A_45 : i32 to index
      %get3A_829 = arith.constant 656 : index
      %get3A_830 = tpu.vector_load %arg8[%get3A_828, %get3A_829] {strides = array<i32>} : memref<32x1024xf32, #tpu.memory_space<vmem>>, vector<1x16xf32>,
      %get3A_831 = vector.shape_cast %get3A_830 : vector<1x16xf32> to vector<16xf32>
      %add3A_832 = arith.addf %get3A_827, %get3A_831 : vector<16xf32>
      %get3A_833 = arith.index_cast %scan3A_45 : i32 to index
      %get3A_834 = arith.constant 656 : index
      %get3A_835 = tpu.vector_load %arg9[%get3A_833, %get3A_834] {strides = array<i32>} : memref<32x1024xf32, #tpu.memory_space<vmem>>, vector<1x16xf32>,
      %get3A_836 = vector.shape_cast %get3A_835 : vector<1x16xf32> to vector<16xf32>
      %add3A_837 = arith.addf %add3A_832, %get3A_836 : vector<16xf32>
      %swap3A_838 = arith.index_cast %scan3A_45 : i32 to index
      %swap3A_839 = arith.constant 656 : index
      %swap3A_840 = tpu.vector_load %arg7[%swap3A_838, %swap3A_839] {strides = array<i32>} : memref<32x1024xf32, #tpu.memory_space<vmem>>, vector<1x16xf32>,
      %swap3A_841 = vector.shape_cast %swap3A_840 : vector<1x16xf32> to vector<16xf32>
      %swap3A_842 = vector.shape_cast %add3A_837 : vector<16xf32> to vector<1x16xf32>
      tpu.vector_store %arg7[%swap3A_838, %swap3A_839], %swap3A_842 {strides = array<i32>} : memref<32x1024xf32, #tpu.memory_space<vmem>>, vector<1x16xf32>,
      %get3A_843 = arith.index_cast %scan3A_45 : i32 to index
      %get3A_844 = arith.constant 672 : index
      %get3A_845 = tpu.vector_load %arg7[%get3A_843, %get3A_844] {strides = array<i32>} : memref<32x1024xf32, #tpu.memory_space<vmem>>, vector<1x16xf32>,
      %get3A_846 = vector.shape_cast %get3A_845 : vector<1x16xf32> to vector<16xf32>
      %get3A_847 = arith.index_cast %scan3A_45 : i32 to index
      %get3A_848 = arith.constant 672 : index
      %get3A_849 = tpu.vector_load %arg8[%get3A_847, %get3A_848] {strides = array<i32>} : memref<32x1024xf32, #tpu.memory_space<vmem>>, vector<1x16xf32>,
      %get3A_850 = vector.shape_cast %get3A_849 : vector<1x16xf32> to vector<16xf32>
      %add3A_851 = arith.addf %get3A_846, %get3A_850 : vector<16xf32>
      %get3A_852 = arith.index_cast %scan3A_45 : i32 to index
      %get3A_853 = arith.constant 672 : index
      %get3A_854 = tpu.vector_load %arg9[%get3A_852, %get3A_853] {strides = array<i32>} : memref<32x1024xf32, #tpu.memory_space<vmem>>, vector<1x16xf32>,
      %get3A_855 = vector.shape_cast %get3A_854 : vector<1x16xf32> to vector<16xf32>
      %add3A_856 = arith.addf %add3A_851, %get3A_855 : vector<16xf32>
      %swap3A_857 = arith.index_cast %scan3A_45 : i32 to index
      %swap3A_858 = arith.constant 672 : index
      %swap3A_859 = tpu.vector_load %arg7[%swap3A_857, %swap3A_858] {strides = array<i32>} : memref<32x1024xf32, #tpu.memory_space<vmem>>, vector<1x16xf32>,
      %swap3A_860 = vector.shape_cast %swap3A_859 : vector<1x16xf32> to vector<16xf32>
      %swap3A_861 = vector.shape_cast %add3A_856 : vector<16xf32> to vector<1x16xf32>
      tpu.vector_store %arg7[%swap3A_857, %swap3A_858], %swap3A_861 {strides = array<i32>} : memref<32x1024xf32, #tpu.memory_space<vmem>>, vector<1x16xf32>,
      %get3A_862 = arith.index_cast %scan3A_45 : i32 to index
      %get3A_863 = arith.constant 688 : index
      %get3A_864 = tpu.vector_load %arg7[%get3A_862, %get3A_863] {strides = array<i32>} : memref<32x1024xf32, #tpu.memory_space<vmem>>, vector<1x16xf32>,
      %get3A_865 = vector.shape_cast %get3A_864 : vector<1x16xf32> to vector<16xf32>
      %get3A_866 = arith.index_cast %scan3A_45 : i32 to index
      %get3A_867 = arith.constant 688 : index
      %get3A_868 = tpu.vector_load %arg8[%get3A_866, %get3A_867] {strides = array<i32>} : memref<32x1024xf32, #tpu.memory_space<vmem>>, vector<1x16xf32>,
      %get3A_869 = vector.shape_cast %get3A_868 : vector<1x16xf32> to vector<16xf32>
      %add3A_870 = arith.addf %get3A_865, %get3A_869 : vector<16xf32>
      %get3A_871 = arith.index_cast %scan3A_45 : i32 to index
      %get3A_872 = arith.constant 688 : index
      %get3A_873 = tpu.vector_load %arg9[%get3A_871, %get3A_872] {strides = array<i32>} : memref<32x1024xf32, #tpu.memory_space<vmem>>, vector<1x16xf32>,
      %get3A_874 = vector.shape_cast %get3A_873 : vector<1x16xf32> to vector<16xf32>
      %add3A_875 = arith.addf %add3A_870, %get3A_874 : vector<16xf32>
      %swap3A_876 = arith.index_cast %scan3A_45 : i32 to index
      %swap3A_877 = arith.constant 688 : index
      %swap3A_878 = tpu.vector_load %arg7[%swap3A_876, %swap3A_877] {strides = array<i32>} : memref<32x1024xf32, #tpu.memory_space<vmem>>, vector<1x16xf32>,
      %swap3A_879 = vector.shape_cast %swap3A_878 : vector<1x16xf32> to vector<16xf32>
      %swap3A_880 = vector.shape_cast %add3A_875 : vector<16xf32> to vector<1x16xf32>
      tpu.vector_store %arg7[%swap3A_876, %swap3A_877], %swap3A_880 {strides = array<i32>} : memref<32x1024xf32, #tpu.memory_space<vmem>>, vector<1x16xf32>,
      %get3A_881 = arith.index_cast %scan3A_45 : i32 to index
      %get3A_882 = arith.constant 704 : index
      %get3A_883 = tpu.vector_load %arg7[%get3A_881, %get3A_882] {strides = array<i32>} : memref<32x1024xf32, #tpu.memory_space<vmem>>, vector<1x16xf32>,
      %get3A_884 = vector.shape_cast %get3A_883 : vector<1x16xf32> to vector<16xf32>
      %get3A_885 = arith.index_cast %scan3A_45 : i32 to index
      %get3A_886 = arith.constant 704 : index
      %get3A_887 = tpu.vector_load %arg8[%get3A_885, %get3A_886] {strides = array<i32>} : memref<32x1024xf32, #tpu.memory_space<vmem>>, vector<1x16xf32>,
      %get3A_888 = vector.shape_cast %get3A_887 : vector<1x16xf32> to vector<16xf32>
      %add3A_889 = arith.addf %get3A_884, %get3A_888 : vector<16xf32>
      %get3A_890 = arith.index_cast %scan3A_45 : i32 to index
      %get3A_891 = arith.constant 704 : index
      %get3A_892 = tpu.vector_load %arg9[%get3A_890, %get3A_891] {strides = array<i32>} : memref<32x1024xf32, #tpu.memory_space<vmem>>, vector<1x16xf32>,
      %get3A_893 = vector.shape_cast %get3A_892 : vector<1x16xf32> to vector<16xf32>
      %add3A_894 = arith.addf %add3A_889, %get3A_893 : vector<16xf32>
      %swap3A_895 = arith.index_cast %scan3A_45 : i32 to index
      %swap3A_896 = arith.constant 704 : index
      %swap3A_897 = tpu.vector_load %arg7[%swap3A_895, %swap3A_896] {strides = array<i32>} : memref<32x1024xf32, #tpu.memory_space<vmem>>, vector<1x16xf32>,
      %swap3A_898 = vector.shape_cast %swap3A_897 : vector<1x16xf32> to vector<16xf32>
      %swap3A_899 = vector.shape_cast %add3A_894 : vector<16xf32> to vector<1x16xf32>
      tpu.vector_store %arg7[%swap3A_895, %swap3A_896], %swap3A_899 {strides = array<i32>} : memref<32x1024xf32, #tpu.memory_space<vmem>>, vector<1x16xf32>,
      %get3A_900 = arith.index_cast %scan3A_45 : i32 to index
      %get3A_901 = arith.constant 720 : index
      %get3A_902 = tpu.vector_load %arg7[%get3A_900, %get3A_901] {strides = array<i32>} : memref<32x1024xf32, #tpu.memory_space<vmem>>, vector<1x16xf32>,
      %get3A_903 = vector.shape_cast %get3A_902 : vector<1x16xf32> to vector<16xf32>
      %get3A_904 = arith.index_cast %scan3A_45 : i32 to index
      %get3A_905 = arith.constant 720 : index
      %get3A_906 = tpu.vector_load %arg8[%get3A_904, %get3A_905] {strides = array<i32>} : memref<32x1024xf32, #tpu.memory_space<vmem>>, vector<1x16xf32>,
      %get3A_907 = vector.shape_cast %get3A_906 : vector<1x16xf32> to vector<16xf32>
      %add3A_908 = arith.addf %get3A_903, %get3A_907 : vector<16xf32>
      %get3A_909 = arith.index_cast %scan3A_45 : i32 to index
      %get3A_910 = arith.constant 720 : index
      %get3A_911 = tpu.vector_load %arg9[%get3A_909, %get3A_910] {strides = array<i32>} : memref<32x1024xf32, #tpu.memory_space<vmem>>, vector<1x16xf32>,
      %get3A_912 = vector.shape_cast %get3A_911 : vector<1x16xf32> to vector<16xf32>
      %add3A_913 = arith.addf %add3A_908, %get3A_912 : vector<16xf32>
      %swap3A_914 = arith.index_cast %scan3A_45 : i32 to index
      %swap3A_915 = arith.constant 720 : index
      %swap3A_916 = tpu.vector_load %arg7[%swap3A_914, %swap3A_915] {strides = array<i32>} : memref<32x1024xf32, #tpu.memory_space<vmem>>, vector<1x16xf32>,
      %swap3A_917 = vector.shape_cast %swap3A_916 : vector<1x16xf32> to vector<16xf32>
      %swap3A_918 = vector.shape_cast %add3A_913 : vector<16xf32> to vector<1x16xf32>
      tpu.vector_store %arg7[%swap3A_914, %swap3A_915], %swap3A_918 {strides = array<i32>} : memref<32x1024xf32, #tpu.memory_space<vmem>>, vector<1x16xf32>,
      %get3A_919 = arith.index_cast %scan3A_45 : i32 to index
      %get3A_920 = arith.constant 736 : index
      %get3A_921 = tpu.vector_load %arg7[%get3A_919, %get3A_920] {strides = array<i32>} : memref<32x1024xf32, #tpu.memory_space<vmem>>, vector<1x16xf32>,
      %get3A_922 = vector.shape_cast %get3A_921 : vector<1x16xf32> to vector<16xf32>
      %get3A_923 = arith.index_cast %scan3A_45 : i32 to index
      %get3A_924 = arith.constant 736 : index
      %get3A_925 = tpu.vector_load %arg8[%get3A_923, %get3A_924] {strides = array<i32>} : memref<32x1024xf32, #tpu.memory_space<vmem>>, vector<1x16xf32>,
      %get3A_926 = vector.shape_cast %get3A_925 : vector<1x16xf32> to vector<16xf32>
      %add3A_927 = arith.addf %get3A_922, %get3A_926 : vector<16xf32>
      %get3A_928 = arith.index_cast %scan3A_45 : i32 to index
      %get3A_929 = arith.constant 736 : index
      %get3A_930 = tpu.vector_load %arg9[%get3A_928, %get3A_929] {strides = array<i32>} : memref<32x1024xf32, #tpu.memory_space<vmem>>, vector<1x16xf32>,
      %get3A_931 = vector.shape_cast %get3A_930 : vector<1x16xf32> to vector<16xf32>
      %add3A_932 = arith.addf %add3A_927, %get3A_931 : vector<16xf32>
      %swap3A_933 = arith.index_cast %scan3A_45 : i32 to index
      %swap3A_934 = arith.constant 736 : index
      %swap3A_935 = tpu.vector_load %arg7[%swap3A_933, %swap3A_934] {strides = array<i32>} : memref<32x1024xf32, #tpu.memory_space<vmem>>, vector<1x16xf32>,
      %swap3A_936 = vector.shape_cast %swap3A_935 : vector<1x16xf32> to vector<16xf32>
      %swap3A_937 = vector.shape_cast %add3A_932 : vector<16xf32> to vector<1x16xf32>
      tpu.vector_store %arg7[%swap3A_933, %swap3A_934], %swap3A_937 {strides = array<i32>} : memref<32x1024xf32, #tpu.memory_space<vmem>>, vector<1x16xf32>,
      %get3A_938 = arith.index_cast %scan3A_45 : i32 to index
      %get3A_939 = arith.constant 752 : index
      %get3A_940 = tpu.vector_load %arg7[%get3A_938, %get3A_939] {strides = array<i32>} : memref<32x1024xf32, #tpu.memory_space<vmem>>, vector<1x16xf32>,
      %get3A_941 = vector.shape_cast %get3A_940 : vector<1x16xf32> to vector<16xf32>
      %get3A_942 = arith.index_cast %scan3A_45 : i32 to index
      %get3A_943 = arith.constant 752 : index
      %get3A_944 = tpu.vector_load %arg8[%get3A_942, %get3A_943] {strides = array<i32>} : memref<32x1024xf32, #tpu.memory_space<vmem>>, vector<1x16xf32>,
      %get3A_945 = vector.shape_cast %get3A_944 : vector<1x16xf32> to vector<16xf32>
      %add3A_946 = arith.addf %get3A_941, %get3A_945 : vector<16xf32>
      %get3A_947 = arith.index_cast %scan3A_45 : i32 to index
      %get3A_948 = arith.constant 752 : index
      %get3A_949 = tpu.vector_load %arg9[%get3A_947, %get3A_948] {strides = array<i32>} : memref<32x1024xf32, #tpu.memory_space<vmem>>, vector<1x16xf32>,
      %get3A_950 = vector.shape_cast %get3A_949 : vector<1x16xf32> to vector<16xf32>
      %add3A_951 = arith.addf %add3A_946, %get3A_950 : vector<16xf32>
      %swap3A_952 = arith.index_cast %scan3A_45 : i32 to index
      %swap3A_953 = arith.constant 752 : index
      %swap3A_954 = tpu.vector_load %arg7[%swap3A_952, %swap3A_953] {strides = array<i32>} : memref<32x1024xf32, #tpu.memory_space<vmem>>, vector<1x16xf32>,
      %swap3A_955 = vector.shape_cast %swap3A_954 : vector<1x16xf32> to vector<16xf32>
      %swap3A_956 = vector.shape_cast %add3A_951 : vector<16xf32> to vector<1x16xf32>
      tpu.vector_store %arg7[%swap3A_952, %swap3A_953], %swap3A_956 {strides = array<i32>} : memref<32x1024xf32, #tpu.memory_space<vmem>>, vector<1x16xf32>,
      %get3A_957 = arith.index_cast %scan3A_45 : i32 to index
      %get3A_958 = arith.constant 768 : index
      %get3A_959 = tpu.vector_load %arg7[%get3A_957, %get3A_958] {strides = array<i32>} : memref<32x1024xf32, #tpu.memory_space<vmem>>, vector<1x16xf32>,
      %get3A_960 = vector.shape_cast %get3A_959 : vector<1x16xf32> to vector<16xf32>
      %get3A_961 = arith.index_cast %scan3A_45 : i32 to index
      %get3A_962 = arith.constant 768 : index
      %get3A_963 = tpu.vector_load %arg8[%get3A_961, %get3A_962] {strides = array<i32>} : memref<32x1024xf32, #tpu.memory_space<vmem>>, vector<1x16xf32>,
      %get3A_964 = vector.shape_cast %get3A_963 : vector<1x16xf32> to vector<16xf32>
      %add3A_965 = arith.addf %get3A_960, %get3A_964 : vector<16xf32>
      %get3A_966 = arith.index_cast %scan3A_45 : i32 to index
      %get3A_967 = arith.constant 768 : index
      %get3A_968 = tpu.vector_load %arg9[%get3A_966, %get3A_967] {strides = array<i32>} : memref<32x1024xf32, #tpu.memory_space<vmem>>, vector<1x16xf32>,
      %get3A_969 = vector.shape_cast %get3A_968 : vector<1x16xf32> to vector<16xf32>
      %add3A_970 = arith.addf %add3A_965, %get3A_969 : vector<16xf32>
      %swap3A_971 = arith.index_cast %scan3A_45 : i32 to index
      %swap3A_972 = arith.constant 768 : index
      %swap3A_973 = tpu.vector_load %arg7[%swap3A_971, %swap3A_972] {strides = array<i32>} : memref<32x1024xf32, #tpu.memory_space<vmem>>, vector<1x16xf32>,
      %swap3A_974 = vector.shape_cast %swap3A_973 : vector<1x16xf32> to vector<16xf32>
      %swap3A_975 = vector.shape_cast %add3A_970 : vector<16xf32> to vector<1x16xf32>
      tpu.vector_store %arg7[%swap3A_971, %swap3A_972], %swap3A_975 {strides = array<i32>} : memref<32x1024xf32, #tpu.memory_space<vmem>>, vector<1x16xf32>,
      %get3A_976 = arith.index_cast %scan3A_45 : i32 to index
      %get3A_977 = arith.constant 784 : index
      %get3A_978 = tpu.vector_load %arg7[%get3A_976, %get3A_977] {strides = array<i32>} : memref<32x1024xf32, #tpu.memory_space<vmem>>, vector<1x16xf32>,
      %get3A_979 = vector.shape_cast %get3A_978 : vector<1x16xf32> to vector<16xf32>
      %get3A_980 = arith.index_cast %scan3A_45 : i32 to index
      %get3A_981 = arith.constant 784 : index
      %get3A_982 = tpu.vector_load %arg8[%get3A_980, %get3A_981] {strides = array<i32>} : memref<32x1024xf32, #tpu.memory_space<vmem>>, vector<1x16xf32>,
      %get3A_983 = vector.shape_cast %get3A_982 : vector<1x16xf32> to vector<16xf32>
      %add3A_984 = arith.addf %get3A_979, %get3A_983 : vector<16xf32>
      %get3A_985 = arith.index_cast %scan3A_45 : i32 to index
      %get3A_986 = arith.constant 784 : index
      %get3A_987 = tpu.vector_load %arg9[%get3A_985, %get3A_986] {strides = array<i32>} : memref<32x1024xf32, #tpu.memory_space<vmem>>, vector<1x16xf32>,
      %get3A_988 = vector.shape_cast %get3A_987 : vector<1x16xf32> to vector<16xf32>
      %add3A_989 = arith.addf %add3A_984, %get3A_988 : vector<16xf32>
      %swap3A_990 = arith.index_cast %scan3A_45 : i32 to index
      %swap3A_991 = arith.constant 784 : index
      %swap3A_992 = tpu.vector_load %arg7[%swap3A_990, %swap3A_991] {strides = array<i32>} : memref<32x1024xf32, #tpu.memory_space<vmem>>, vector<1x16xf32>,
      %swap3A_993 = vector.shape_cast %swap3A_992 : vector<1x16xf32> to vector<16xf32>
      %swap3A_994 = vector.shape_cast %add3A_989 : vector<16xf32> to vector<1x16xf32>
      tpu.vector_store %arg7[%swap3A_990, %swap3A_991], %swap3A_994 {strides = array<i32>} : memref<32x1024xf32, #tpu.memory_space<vmem>>, vector<1x16xf32>,
      %get3A_995 = arith.index_cast %scan3A_45 : i32 to index
      %get3A_996 = arith.constant 800 : index
      %get3A_997 = tpu.vector_load %arg7[%get3A_995, %get3A_996] {strides = array<i32>} : memref<32x1024xf32, #tpu.memory_space<vmem>>, vector<1x16xf32>,
      %get3A_998 = vector.shape_cast %get3A_997 : vector<1x16xf32> to vector<16xf32>
      %get3A_999 = arith.index_cast %scan3A_45 : i32 to index
      %get3A_1000 = arith.constant 800 : index
      %get3A_1001 = tpu.vector_load %arg8[%get3A_999, %get3A_1000] {strides = array<i32>} : memref<32x1024xf32, #tpu.memory_space<vmem>>, vector<1x16xf32>,
      %get3A_1002 = vector.shape_cast %get3A_1001 : vector<1x16xf32> to vector<16xf32>
      %add3A_1003 = arith.addf %get3A_998, %get3A_1002 : vector<16xf32>
      %get3A_1004 = arith.index_cast %scan3A_45 : i32 to index
      %get3A_1005 = arith.constant 800 : index
      %get3A_1006 = tpu.vector_load %arg9[%get3A_1004, %get3A_1005] {strides = array<i32>} : memref<32x1024xf32, #tpu.memory_space<vmem>>, vector<1x16xf32>,
      %get3A_1007 = vector.shape_cast %get3A_1006 : vector<1x16xf32> to vector<16xf32>
      %add3A_1008 = arith.addf %add3A_1003, %get3A_1007 : vector<16xf32>
      %swap3A_1009 = arith.index_cast %scan3A_45 : i32 to index
      %swap3A_1010 = arith.constant 800 : index
      %swap3A_1011 = tpu.vector_load %arg7[%swap3A_1009, %swap3A_1010] {strides = array<i32>} : memref<32x1024xf32, #tpu.memory_space<vmem>>, vector<1x16xf32>,
      %swap3A_1012 = vector.shape_cast %swap3A_1011 : vector<1x16xf32> to vector<16xf32>
      %swap3A_1013 = vector.shape_cast %add3A_1008 : vector<16xf32> to vector<1x16xf32>
      tpu.vector_store %arg7[%swap3A_1009, %swap3A_1010], %swap3A_1013 {strides = array<i32>} : memref<32x1024xf32, #tpu.memory_space<vmem>>, vector<1x16xf32>,
      %get3A_1014 = arith.index_cast %scan3A_45 : i32 to index
      %get3A_1015 = arith.constant 816 : index
      %get3A_1016 = tpu.vector_load %arg7[%get3A_1014, %get3A_1015] {strides = array<i32>} : memref<32x1024xf32, #tpu.memory_space<vmem>>, vector<1x16xf32>,
      %get3A_1017 = vector.shape_cast %get3A_1016 : vector<1x16xf32> to vector<16xf32>
      %get3A_1018 = arith.index_cast %scan3A_45 : i32 to index
      %get3A_1019 = arith.constant 816 : index
      %get3A_1020 = tpu.vector_load %arg8[%get3A_1018, %get3A_1019] {strides = array<i32>} : memref<32x1024xf32, #tpu.memory_space<vmem>>, vector<1x16xf32>,
      %get3A_1021 = vector.shape_cast %get3A_1020 : vector<1x16xf32> to vector<16xf32>
      %add3A_1022 = arith.addf %get3A_1017, %get3A_1021 : vector<16xf32>
      %get3A_1023 = arith.index_cast %scan3A_45 : i32 to index
      %get3A_1024 = arith.constant 816 : index
      %get3A_1025 = tpu.vector_load %arg9[%get3A_1023, %get3A_1024] {strides = array<i32>} : memref<32x1024xf32, #tpu.memory_space<vmem>>, vector<1x16xf32>,
      %get3A_1026 = vector.shape_cast %get3A_1025 : vector<1x16xf32> to vector<16xf32>
      %add3A_1027 = arith.addf %add3A_1022, %get3A_1026 : vector<16xf32>
      %swap3A_1028 = arith.index_cast %scan3A_45 : i32 to index
      %swap3A_1029 = arith.constant 816 : index
      %swap3A_1030 = tpu.vector_load %arg7[%swap3A_1028, %swap3A_1029] {strides = array<i32>} : memref<32x1024xf32, #tpu.memory_space<vmem>>, vector<1x16xf32>,
      %swap3A_1031 = vector.shape_cast %swap3A_1030 : vector<1x16xf32> to vector<16xf32>
      %swap3A_1032 = vector.shape_cast %add3A_1027 : vector<16xf32> to vector<1x16xf32>
      tpu.vector_store %arg7[%swap3A_1028, %swap3A_1029], %swap3A_1032 {strides = array<i32>} : memref<32x1024xf32, #tpu.memory_space<vmem>>, vector<1x16xf32>,
      %get3A_1033 = arith.index_cast %scan3A_45 : i32 to index
      %get3A_1034 = arith.constant 832 : index
      %get3A_1035 = tpu.vector_load %arg7[%get3A_1033, %get3A_1034] {strides = array<i32>} : memref<32x1024xf32, #tpu.memory_space<vmem>>, vector<1x16xf32>,
      %get3A_1036 = vector.shape_cast %get3A_1035 : vector<1x16xf32> to vector<16xf32>
      %get3A_1037 = arith.index_cast %scan3A_45 : i32 to index
      %get3A_1038 = arith.constant 832 : index
      %get3A_1039 = tpu.vector_load %arg8[%get3A_1037, %get3A_1038] {strides = array<i32>} : memref<32x1024xf32, #tpu.memory_space<vmem>>, vector<1x16xf32>,
      %get3A_1040 = vector.shape_cast %get3A_1039 : vector<1x16xf32> to vector<16xf32>
      %add3A_1041 = arith.addf %get3A_1036, %get3A_1040 : vector<16xf32>
      %get3A_1042 = arith.index_cast %scan3A_45 : i32 to index
      %get3A_1043 = arith.constant 832 : index
      %get3A_1044 = tpu.vector_load %arg9[%get3A_1042, %get3A_1043] {strides = array<i32>} : memref<32x1024xf32, #tpu.memory_space<vmem>>, vector<1x16xf32>,
      %get3A_1045 = vector.shape_cast %get3A_1044 : vector<1x16xf32> to vector<16xf32>
      %add3A_1046 = arith.addf %add3A_1041, %get3A_1045 : vector<16xf32>
      %swap3A_1047 = arith.index_cast %scan3A_45 : i32 to index
      %swap3A_1048 = arith.constant 832 : index
      %swap3A_1049 = tpu.vector_load %arg7[%swap3A_1047, %swap3A_1048] {strides = array<i32>} : memref<32x1024xf32, #tpu.memory_space<vmem>>, vector<1x16xf32>,
      %swap3A_1050 = vector.shape_cast %swap3A_1049 : vector<1x16xf32> to vector<16xf32>
      %swap3A_1051 = vector.shape_cast %add3A_1046 : vector<16xf32> to vector<1x16xf32>
      tpu.vector_store %arg7[%swap3A_1047, %swap3A_1048], %swap3A_1051 {strides = array<i32>} : memref<32x1024xf32, #tpu.memory_space<vmem>>, vector<1x16xf32>,
      %get3A_1052 = arith.index_cast %scan3A_45 : i32 to index
      %get3A_1053 = arith.constant 848 : index
      %get3A_1054 = tpu.vector_load %arg7[%get3A_1052, %get3A_1053] {strides = array<i32>} : memref<32x1024xf32, #tpu.memory_space<vmem>>, vector<1x16xf32>,
      %get3A_1055 = vector.shape_cast %get3A_1054 : vector<1x16xf32> to vector<16xf32>
      %get3A_1056 = arith.index_cast %scan3A_45 : i32 to index
      %get3A_1057 = arith.constant 848 : index
      %get3A_1058 = tpu.vector_load %arg8[%get3A_1056, %get3A_1057] {strides = array<i32>} : memref<32x1024xf32, #tpu.memory_space<vmem>>, vector<1x16xf32>,
      %get3A_1059 = vector.shape_cast %get3A_1058 : vector<1x16xf32> to vector<16xf32>
      %add3A_1060 = arith.addf %get3A_1055, %get3A_1059 : vector<16xf32>
      %get3A_1061 = arith.index_cast %scan3A_45 : i32 to index
      %get3A_1062 = arith.constant 848 : index
      %get3A_1063 = tpu.vector_load %arg9[%get3A_1061, %get3A_1062] {strides = array<i32>} : memref<32x1024xf32, #tpu.memory_space<vmem>>, vector<1x16xf32>,
      %get3A_1064 = vector.shape_cast %get3A_1063 : vector<1x16xf32> to vector<16xf32>
      %add3A_1065 = arith.addf %add3A_1060, %get3A_1064 : vector<16xf32>
      %swap3A_1066 = arith.index_cast %scan3A_45 : i32 to index
      %swap3A_1067 = arith.constant 848 : index
      %swap3A_1068 = tpu.vector_load %arg7[%swap3A_1066, %swap3A_1067] {strides = array<i32>} : memref<32x1024xf32, #tpu.memory_space<vmem>>, vector<1x16xf32>,
      %swap3A_1069 = vector.shape_cast %swap3A_1068 : vector<1x16xf32> to vector<16xf32>
      %swap3A_1070 = vector.shape_cast %add3A_1065 : vector<16xf32> to vector<1x16xf32>
      tpu.vector_store %arg7[%swap3A_1066, %swap3A_1067], %swap3A_1070 {strides = array<i32>} : memref<32x1024xf32, #tpu.memory_space<vmem>>, vector<1x16xf32>,
      %get3A_1071 = arith.index_cast %scan3A_45 : i32 to index
      %get3A_1072 = arith.constant 864 : index
      %get3A_1073 = tpu.vector_load %arg7[%get3A_1071, %get3A_1072] {strides = array<i32>} : memref<32x1024xf32, #tpu.memory_space<vmem>>, vector<1x16xf32>,
      %get3A_1074 = vector.shape_cast %get3A_1073 : vector<1x16xf32> to vector<16xf32>
      %get3A_1075 = arith.index_cast %scan3A_45 : i32 to index
      %get3A_1076 = arith.constant 864 : index
      %get3A_1077 = tpu.vector_load %arg8[%get3A_1075, %get3A_1076] {strides = array<i32>} : memref<32x1024xf32, #tpu.memory_space<vmem>>, vector<1x16xf32>,
      %get3A_1078 = vector.shape_cast %get3A_1077 : vector<1x16xf32> to vector<16xf32>
      %add3A_1079 = arith.addf %get3A_1074, %get3A_1078 : vector<16xf32>
      %get3A_1080 = arith.index_cast %scan3A_45 : i32 to index
      %get3A_1081 = arith.constant 864 : index
      %get3A_1082 = tpu.vector_load %arg9[%get3A_1080, %get3A_1081] {strides = array<i32>} : memref<32x1024xf32, #tpu.memory_space<vmem>>, vector<1x16xf32>,
      %get3A_1083 = vector.shape_cast %get3A_1082 : vector<1x16xf32> to vector<16xf32>
      %add3A_1084 = arith.addf %add3A_1079, %get3A_1083 : vector<16xf32>
      %swap3A_1085 = arith.index_cast %scan3A_45 : i32 to index
      %swap3A_1086 = arith.constant 864 : index
      %swap3A_1087 = tpu.vector_load %arg7[%swap3A_1085, %swap3A_1086] {strides = array<i32>} : memref<32x1024xf32, #tpu.memory_space<vmem>>, vector<1x16xf32>,
      %swap3A_1088 = vector.shape_cast %swap3A_1087 : vector<1x16xf32> to vector<16xf32>
      %swap3A_1089 = vector.shape_cast %add3A_1084 : vector<16xf32> to vector<1x16xf32>
      tpu.vector_store %arg7[%swap3A_1085, %swap3A_1086], %swap3A_1089 {strides = array<i32>} : memref<32x1024xf32, #tpu.memory_space<vmem>>, vector<1x16xf32>,
      %get3A_1090 = arith.index_cast %scan3A_45 : i32 to index
      %get3A_1091 = arith.constant 880 : index
      %get3A_1092 = tpu.vector_load %arg7[%get3A_1090, %get3A_1091] {strides = array<i32>} : memref<32x1024xf32, #tpu.memory_space<vmem>>, vector<1x16xf32>,
      %get3A_1093 = vector.shape_cast %get3A_1092 : vector<1x16xf32> to vector<16xf32>
      %get3A_1094 = arith.index_cast %scan3A_45 : i32 to index
      %get3A_1095 = arith.constant 880 : index
      %get3A_1096 = tpu.vector_load %arg8[%get3A_1094, %get3A_1095] {strides = array<i32>} : memref<32x1024xf32, #tpu.memory_space<vmem>>, vector<1x16xf32>,
      %get3A_1097 = vector.shape_cast %get3A_1096 : vector<1x16xf32> to vector<16xf32>
      %add3A_1098 = arith.addf %get3A_1093, %get3A_1097 : vector<16xf32>
      %get3A_1099 = arith.index_cast %scan3A_45 : i32 to index
      %get3A_1100 = arith.constant 880 : index
      %get3A_1101 = tpu.vector_load %arg9[%get3A_1099, %get3A_1100] {strides = array<i32>} : memref<32x1024xf32, #tpu.memory_space<vmem>>, vector<1x16xf32>,
      %get3A_1102 = vector.shape_cast %get3A_1101 : vector<1x16xf32> to vector<16xf32>
      %add3A_1103 = arith.addf %add3A_1098, %get3A_1102 : vector<16xf32>
      %swap3A_1104 = arith.index_cast %scan3A_45 : i32 to index
      %swap3A_1105 = arith.constant 880 : index
      %swap3A_1106 = tpu.vector_load %arg7[%swap3A_1104, %swap3A_1105] {strides = array<i32>} : memref<32x1024xf32, #tpu.memory_space<vmem>>, vector<1x16xf32>,
      %swap3A_1107 = vector.shape_cast %swap3A_1106 : vector<1x16xf32> to vector<16xf32>
      %swap3A_1108 = vector.shape_cast %add3A_1103 : vector<16xf32> to vector<1x16xf32>
      tpu.vector_store %arg7[%swap3A_1104, %swap3A_1105], %swap3A_1108 {strides = array<i32>} : memref<32x1024xf32, #tpu.memory_space<vmem>>, vector<1x16xf32>,
      %get3A_1109 = arith.index_cast %scan3A_45 : i32 to index
      %get3A_1110 = arith.constant 896 : index
      %get3A_1111 = tpu.vector_load %arg7[%get3A_1109, %get3A_1110] {strides = array<i32>} : memref<32x1024xf32, #tpu.memory_space<vmem>>, vector<1x16xf32>,
      %get3A_1112 = vector.shape_cast %get3A_1111 : vector<1x16xf32> to vector<16xf32>
      %get3A_1113 = arith.index_cast %scan3A_45 : i32 to index
      %get3A_1114 = arith.constant 896 : index
      %get3A_1115 = tpu.vector_load %arg8[%get3A_1113, %get3A_1114] {strides = array<i32>} : memref<32x1024xf32, #tpu.memory_space<vmem>>, vector<1x16xf32>,
      %get3A_1116 = vector.shape_cast %get3A_1115 : vector<1x16xf32> to vector<16xf32>
      %add3A_1117 = arith.addf %get3A_1112, %get3A_1116 : vector<16xf32>
      %get3A_1118 = arith.index_cast %scan3A_45 : i32 to index
      %get3A_1119 = arith.constant 896 : index
      %get3A_1120 = tpu.vector_load %arg9[%get3A_1118, %get3A_1119] {strides = array<i32>} : memref<32x1024xf32, #tpu.memory_space<vmem>>, vector<1x16xf32>,
      %get3A_1121 = vector.shape_cast %get3A_1120 : vector<1x16xf32> to vector<16xf32>
      %add3A_1122 = arith.addf %add3A_1117, %get3A_1121 : vector<16xf32>
      %swap3A_1123 = arith.index_cast %scan3A_45 : i32 to index
      %swap3A_1124 = arith.constant 896 : index
      %swap3A_1125 = tpu.vector_load %arg7[%swap3A_1123, %swap3A_1124] {strides = array<i32>} : memref<32x1024xf32, #tpu.memory_space<vmem>>, vector<1x16xf32>,
      %swap3A_1126 = vector.shape_cast %swap3A_1125 : vector<1x16xf32> to vector<16xf32>
      %swap3A_1127 = vector.shape_cast %add3A_1122 : vector<16xf32> to vector<1x16xf32>
      tpu.vector_store %arg7[%swap3A_1123, %swap3A_1124], %swap3A_1127 {strides = array<i32>} : memref<32x1024xf32, #tpu.memory_space<vmem>>, vector<1x16xf32>,
      %get3A_1128 = arith.index_cast %scan3A_45 : i32 to index
      %get3A_1129 = arith.constant 912 : index
      %get3A_1130 = tpu.vector_load %arg7[%get3A_1128, %get3A_1129] {strides = array<i32>} : memref<32x1024xf32, #tpu.memory_space<vmem>>, vector<1x16xf32>,
      %get3A_1131 = vector.shape_cast %get3A_1130 : vector<1x16xf32> to vector<16xf32>
      %get3A_1132 = arith.index_cast %scan3A_45 : i32 to index
      %get3A_1133 = arith.constant 912 : index
      %get3A_1134 = tpu.vector_load %arg8[%get3A_1132, %get3A_1133] {strides = array<i32>} : memref<32x1024xf32, #tpu.memory_space<vmem>>, vector<1x16xf32>,
      %get3A_1135 = vector.shape_cast %get3A_1134 : vector<1x16xf32> to vector<16xf32>
      %add3A_1136 = arith.addf %get3A_1131, %get3A_1135 : vector<16xf32>
      %get3A_1137 = arith.index_cast %scan3A_45 : i32 to index
      %get3A_1138 = arith.constant 912 : index
      %get3A_1139 = tpu.vector_load %arg9[%get3A_1137, %get3A_1138] {strides = array<i32>} : memref<32x1024xf32, #tpu.memory_space<vmem>>, vector<1x16xf32>,
      %get3A_1140 = vector.shape_cast %get3A_1139 : vector<1x16xf32> to vector<16xf32>
      %add3A_1141 = arith.addf %add3A_1136, %get3A_1140 : vector<16xf32>
      %swap3A_1142 = arith.index_cast %scan3A_45 : i32 to index
      %swap3A_1143 = arith.constant 912 : index
      %swap3A_1144 = tpu.vector_load %arg7[%swap3A_1142, %swap3A_1143] {strides = array<i32>} : memref<32x1024xf32, #tpu.memory_space<vmem>>, vector<1x16xf32>,
      %swap3A_1145 = vector.shape_cast %swap3A_1144 : vector<1x16xf32> to vector<16xf32>
      %swap3A_1146 = vector.shape_cast %add3A_1141 : vector<16xf32> to vector<1x16xf32>
      tpu.vector_store %arg7[%swap3A_1142, %swap3A_1143], %swap3A_1146 {strides = array<i32>} : memref<32x1024xf32, #tpu.memory_space<vmem>>, vector<1x16xf32>,
      %get3A_1147 = arith.index_cast %scan3A_45 : i32 to index
      %get3A_1148 = arith.constant 928 : index
      %get3A_1149 = tpu.vector_load %arg7[%get3A_1147, %get3A_1148] {strides = array<i32>} : memref<32x1024xf32, #tpu.memory_space<vmem>>, vector<1x16xf32>,
      %get3A_1150 = vector.shape_cast %get3A_1149 : vector<1x16xf32> to vector<16xf32>
      %get3A_1151 = arith.index_cast %scan3A_45 : i32 to index
      %get3A_1152 = arith.constant 928 : index
      %get3A_1153 = tpu.vector_load %arg8[%get3A_1151, %get3A_1152] {strides = array<i32>} : memref<32x1024xf32, #tpu.memory_space<vmem>>, vector<1x16xf32>,
      %get3A_1154 = vector.shape_cast %get3A_1153 : vector<1x16xf32> to vector<16xf32>
      %add3A_1155 = arith.addf %get3A_1150, %get3A_1154 : vector<16xf32>
      %get3A_1156 = arith.index_cast %scan3A_45 : i32 to index
      %get3A_1157 = arith.constant 928 : index
      %get3A_1158 = tpu.vector_load %arg9[%get3A_1156, %get3A_1157] {strides = array<i32>} : memref<32x1024xf32, #tpu.memory_space<vmem>>, vector<1x16xf32>,
      %get3A_1159 = vector.shape_cast %get3A_1158 : vector<1x16xf32> to vector<16xf32>
      %add3A_1160 = arith.addf %add3A_1155, %get3A_1159 : vector<16xf32>
      %swap3A_1161 = arith.index_cast %scan3A_45 : i32 to index
      %swap3A_1162 = arith.constant 928 : index
      %swap3A_1163 = tpu.vector_load %arg7[%swap3A_1161, %swap3A_1162] {strides = array<i32>} : memref<32x1024xf32, #tpu.memory_space<vmem>>, vector<1x16xf32>,
      %swap3A_1164 = vector.shape_cast %swap3A_1163 : vector<1x16xf32> to vector<16xf32>
      %swap3A_1165 = vector.shape_cast %add3A_1160 : vector<16xf32> to vector<1x16xf32>
      tpu.vector_store %arg7[%swap3A_1161, %swap3A_1162], %swap3A_1165 {strides = array<i32>} : memref<32x1024xf32, #tpu.memory_space<vmem>>, vector<1x16xf32>,
      %get3A_1166 = arith.index_cast %scan3A_45 : i32 to index
      %get3A_1167 = arith.constant 944 : index
      %get3A_1168 = tpu.vector_load %arg7[%get3A_1166, %get3A_1167] {strides = array<i32>} : memref<32x1024xf32, #tpu.memory_space<vmem>>, vector<1x16xf32>,
      %get3A_1169 = vector.shape_cast %get3A_1168 : vector<1x16xf32> to vector<16xf32>
      %get3A_1170 = arith.index_cast %scan3A_45 : i32 to index
      %get3A_1171 = arith.constant 944 : index
      %get3A_1172 = tpu.vector_load %arg8[%get3A_1170, %get3A_1171] {strides = array<i32>} : memref<32x1024xf32, #tpu.memory_space<vmem>>, vector<1x16xf32>,
      %get3A_1173 = vector.shape_cast %get3A_1172 : vector<1x16xf32> to vector<16xf32>
      %add3A_1174 = arith.addf %get3A_1169, %get3A_1173 : vector<16xf32>
      %get3A_1175 = arith.index_cast %scan3A_45 : i32 to index
      %get3A_1176 = arith.constant 944 : index
      %get3A_1177 = tpu.vector_load %arg9[%get3A_1175, %get3A_1176] {strides = array<i32>} : memref<32x1024xf32, #tpu.memory_space<vmem>>, vector<1x16xf32>,
      %get3A_1178 = vector.shape_cast %get3A_1177 : vector<1x16xf32> to vector<16xf32>
      %add3A_1179 = arith.addf %add3A_1174, %get3A_1178 : vector<16xf32>
      %swap3A_1180 = arith.index_cast %scan3A_45 : i32 to index
      %swap3A_1181 = arith.constant 944 : index
      %swap3A_1182 = tpu.vector_load %arg7[%swap3A_1180, %swap3A_1181] {strides = array<i32>} : memref<32x1024xf32, #tpu.memory_space<vmem>>, vector<1x16xf32>,
      %swap3A_1183 = vector.shape_cast %swap3A_1182 : vector<1x16xf32> to vector<16xf32>
      %swap3A_1184 = vector.shape_cast %add3A_1179 : vector<16xf32> to vector<1x16xf32>
      tpu.vector_store %arg7[%swap3A_1180, %swap3A_1181], %swap3A_1184 {strides = array<i32>} : memref<32x1024xf32, #tpu.memory_space<vmem>>, vector<1x16xf32>,
      %get3A_1185 = arith.index_cast %scan3A_45 : i32 to index
      %get3A_1186 = arith.constant 960 : index
      %get3A_1187 = tpu.vector_load %arg7[%get3A_1185, %get3A_1186] {strides = array<i32>} : memref<32x1024xf32, #tpu.memory_space<vmem>>, vector<1x16xf32>,
      %get3A_1188 = vector.shape_cast %get3A_1187 : vector<1x16xf32> to vector<16xf32>
      %get3A_1189 = arith.index_cast %scan3A_45 : i32 to index
      %get3A_1190 = arith.constant 960 : index
      %get3A_1191 = tpu.vector_load %arg8[%get3A_1189, %get3A_1190] {strides = array<i32>} : memref<32x1024xf32, #tpu.memory_space<vmem>>, vector<1x16xf32>,
      %get3A_1192 = vector.shape_cast %get3A_1191 : vector<1x16xf32> to vector<16xf32>
      %add3A_1193 = arith.addf %get3A_1188, %get3A_1192 : vector<16xf32>
      %get3A_1194 = arith.index_cast %scan3A_45 : i32 to index
      %get3A_1195 = arith.constant 960 : index
      %get3A_1196 = tpu.vector_load %arg9[%get3A_1194, %get3A_1195] {strides = array<i32>} : memref<32x1024xf32, #tpu.memory_space<vmem>>, vector<1x16xf32>,
      %get3A_1197 = vector.shape_cast %get3A_1196 : vector<1x16xf32> to vector<16xf32>
      %add3A_1198 = arith.addf %add3A_1193, %get3A_1197 : vector<16xf32>
      %swap3A_1199 = arith.index_cast %scan3A_45 : i32 to index
      %swap3A_1200 = arith.constant 960 : index
      %swap3A_1201 = tpu.vector_load %arg7[%swap3A_1199, %swap3A_1200] {strides = array<i32>} : memref<32x1024xf32, #tpu.memory_space<vmem>>, vector<1x16xf32>,
      %swap3A_1202 = vector.shape_cast %swap3A_1201 : vector<1x16xf32> to vector<16xf32>
      %swap3A_1203 = vector.shape_cast %add3A_1198 : vector<16xf32> to vector<1x16xf32>
      tpu.vector_store %arg7[%swap3A_1199, %swap3A_1200], %swap3A_1203 {strides = array<i32>} : memref<32x1024xf32, #tpu.memory_space<vmem>>, vector<1x16xf32>,
      %get3A_1204 = arith.index_cast %scan3A_45 : i32 to index
      %get3A_1205 = arith.constant 976 : index
      %get3A_1206 = tpu.vector_load %arg7[%get3A_1204, %get3A_1205] {strides = array<i32>} : memref<32x1024xf32, #tpu.memory_space<vmem>>, vector<1x16xf32>,
      %get3A_1207 = vector.shape_cast %get3A_1206 : vector<1x16xf32> to vector<16xf32>
      %get3A_1208 = arith.index_cast %scan3A_45 : i32 to index
      %get3A_1209 = arith.constant 976 : index
      %get3A_1210 = tpu.vector_load %arg8[%get3A_1208, %get3A_1209] {strides = array<i32>} : memref<32x1024xf32, #tpu.memory_space<vmem>>, vector<1x16xf32>,
      %get3A_1211 = vector.shape_cast %get3A_1210 : vector<1x16xf32> to vector<16xf32>
      %add3A_1212 = arith.addf %get3A_1207, %get3A_1211 : vector<16xf32>
      %get3A_1213 = arith.index_cast %scan3A_45 : i32 to index
      %get3A_1214 = arith.constant 976 : index
      %get3A_1215 = tpu.vector_load %arg9[%get3A_1213, %get3A_1214] {strides = array<i32>} : memref<32x1024xf32, #tpu.memory_space<vmem>>, vector<1x16xf32>,
      %get3A_1216 = vector.shape_cast %get3A_1215 : vector<1x16xf32> to vector<16xf32>
      %add3A_1217 = arith.addf %add3A_1212, %get3A_1216 : vector<16xf32>
      %swap3A_1218 = arith.index_cast %scan3A_45 : i32 to index
      %swap3A_1219 = arith.constant 976 : index
      %swap3A_1220 = tpu.vector_load %arg7[%swap3A_1218, %swap3A_1219] {strides = array<i32>} : memref<32x1024xf32, #tpu.memory_space<vmem>>, vector<1x16xf32>,
      %swap3A_1221 = vector.shape_cast %swap3A_1220 : vector<1x16xf32> to vector<16xf32>
      %swap3A_1222 = vector.shape_cast %add3A_1217 : vector<16xf32> to vector<1x16xf32>
      tpu.vector_store %arg7[%swap3A_1218, %swap3A_1219], %swap3A_1222 {strides = array<i32>} : memref<32x1024xf32, #tpu.memory_space<vmem>>, vector<1x16xf32>,
      %get3A_1223 = arith.index_cast %scan3A_45 : i32 to index
      %get3A_1224 = arith.constant 992 : index
      %get3A_1225 = tpu.vector_load %arg7[%get3A_1223, %get3A_1224] {strides = array<i32>} : memref<32x1024xf32, #tpu.memory_space<vmem>>, vector<1x16xf32>,
      %get3A_1226 = vector.shape_cast %get3A_1225 : vector<1x16xf32> to vector<16xf32>
      %get3A_1227 = arith.index_cast %scan3A_45 : i32 to index
      %get3A_1228 = arith.constant 992 : index
      %get3A_1229 = tpu.vector_load %arg8[%get3A_1227, %get3A_1228] {strides = array<i32>} : memref<32x1024xf32, #tpu.memory_space<vmem>>, vector<1x16xf32>,
      %get3A_1230 = vector.shape_cast %get3A_1229 : vector<1x16xf32> to vector<16xf32>
      %add3A_1231 = arith.addf %get3A_1226, %get3A_1230 : vector<16xf32>
      %get3A_1232 = arith.index_cast %scan3A_45 : i32 to index
      %get3A_1233 = arith.constant 992 : index
      %get3A_1234 = tpu.vector_load %arg9[%get3A_1232, %get3A_1233] {strides = array<i32>} : memref<32x1024xf32, #tpu.memory_space<vmem>>, vector<1x16xf32>,
      %get3A_1235 = vector.shape_cast %get3A_1234 : vector<1x16xf32> to vector<16xf32>
      %add3A_1236 = arith.addf %add3A_1231, %get3A_1235 : vector<16xf32>
      %swap3A_1237 = arith.index_cast %scan3A_45 : i32 to index
      %swap3A_1238 = arith.constant 992 : index
      %swap3A_1239 = tpu.vector_load %arg7[%swap3A_1237, %swap3A_1238] {strides = array<i32>} : memref<32x1024xf32, #tpu.memory_space<vmem>>, vector<1x16xf32>,
      %swap3A_1240 = vector.shape_cast %swap3A_1239 : vector<1x16xf32> to vector<16xf32>
      %swap3A_1241 = vector.shape_cast %add3A_1236 : vector<16xf32> to vector<1x16xf32>
      tpu.vector_store %arg7[%swap3A_1237, %swap3A_1238], %swap3A_1241 {strides = array<i32>} : memref<32x1024xf32, #tpu.memory_space<vmem>>, vector<1x16xf32>,
      %get3A_1242 = arith.index_cast %scan3A_45 : i32 to index
      %get3A_1243 = arith.constant 1008 : index
      %get3A_1244 = tpu.vector_load %arg7[%get3A_1242, %get3A_1243] {strides = array<i32>} : memref<32x1024xf32, #tpu.memory_space<vmem>>, vector<1x16xf32>,
      %get3A_1245 = vector.shape_cast %get3A_1244 : vector<1x16xf32> to vector<16xf32>
      %get3A_1246 = arith.index_cast %scan3A_45 : i32 to index
      %get3A_1247 = arith.constant 1008 : index
      %get3A_1248 = tpu.vector_load %arg8[%get3A_1246, %get3A_1247] {strides = array<i32>} : memref<32x1024xf32, #tpu.memory_space<vmem>>, vector<1x16xf32>,
      %get3A_1249 = vector.shape_cast %get3A_1248 : vector<1x16xf32> to vector<16xf32>
      %add3A_1250 = arith.addf %get3A_1245, %get3A_1249 : vector<16xf32>
      %get3A_1251 = arith.index_cast %scan3A_45 : i32 to index
      %get3A_1252 = arith.constant 1008 : index
      %get3A_1253 = tpu.vector_load %arg9[%get3A_1251, %get3A_1252] {strides = array<i32>} : memref<32x1024xf32, #tpu.memory_space<vmem>>, vector<1x16xf32>,
      %get3A_1254 = vector.shape_cast %get3A_1253 : vector<1x16xf32> to vector<16xf32>
      %add3A_1255 = arith.addf %add3A_1250, %get3A_1254 : vector<16xf32>
      %swap3A_1256 = arith.index_cast %scan3A_45 : i32 to index
      %swap3A_1257 = arith.constant 1008 : index
      %swap3A_1258 = tpu.vector_load %arg7[%swap3A_1256, %swap3A_1257] {strides = array<i32>} : memref<32x1024xf32, #tpu.memory_space<vmem>>, vector<1x16xf32>,
      %swap3A_1259 = vector.shape_cast %swap3A_1258 : vector<1x16xf32> to vector<16xf32>
      %swap3A_1260 = vector.shape_cast %add3A_1255 : vector<16xf32> to vector<1x16xf32>
      tpu.vector_store %arg7[%swap3A_1256, %swap3A_1257], %swap3A_1260 {strides = array<i32>} : memref<32x1024xf32, #tpu.memory_space<vmem>>, vector<1x16xf32>,
      %scan3A_1261 = arith.constant 0 : i32
      scf.yield %scan3A_1261 : i32
    }
    %scan3A_44 = arith.constant 32 : i32
    "tpu.region"() ({
      %run_scoped3A_45 = tpu.sem_alloc : memref<!tpu.dma_semaphore, #tpu.memory_space<semaphore_mem>>
      %dma_start3A_46 = arith.constant 0 : i32
      %dma_start3A_47 = tpu.memref_slice %arg6[%add3A_23, %dma_start3A_46] : memref<2048x1024xf32, #tpu.memory_space<hbm>> -> memref<32x1024xf32, #tpu.memory_space<hbm>>
      %dma_start3A_48 = arith.constant 0 : i32
      %dma_start3A_49 = tpu.memref_slice %arg6[%add3A_23, %dma_start3A_48] : memref<2048x1024xf32, #tpu.memory_space<hbm>> -> memref<32x1024xf32, #tpu.memory_space<hbm>>
      tpu.enqueue_dma source(%arg7 : memref<32x1024xf32, #tpu.memory_space<vmem>>) target(%dma_start3A_49 : memref<32x1024xf32, #tpu.memory_space<hbm>>) target_semaphore(%run_scoped3A_45 : memref<!tpu.dma_semaphore, #tpu.memory_space<semaphore_mem>>)
      %dma_wait3A_50 = arith.constant 0 : i32
      %dma_wait3A_51 = tpu.memref_slice %arg6[%add3A_23, %dma_wait3A_50] : memref<2048x1024xf32, #tpu.memory_space<hbm>> -> memref<32x1024xf32, #tpu.memory_space<hbm>>
      %dma_wait3A_52 = arith.constant 0 : i32
      %dma_wait3A_53 = tpu.memref_slice %arg6[%add3A_23, %dma_wait3A_52] : memref<2048x1024xf32, #tpu.memory_space<hbm>> -> memref<32x1024xf32, #tpu.memory_space<hbm>>
      tpu.wait_dma2 semaphore(%run_scoped3A_45 : memref<!tpu.dma_semaphore, #tpu.memory_space<semaphore_mem>>) src(%arg7 : memref<32x1024xf32, #tpu.memory_space<vmem>>) dst(%dma_wait3A_53 : memref<32x1024xf32, #tpu.memory_space<hbm>>)
      tpu.yield
    }) : () -> ()
    return
  }
}

module attributes {stable_mosaic.version = 14 : i64} {
  func.func @_experts_body(%arg0: i32, %arg1: memref<25xi32, #tpu.memory_space<smem>>, %arg2: memref<1xi32, #tpu.memory_space<smem>>, %arg3: memref<256x1024xf32, #tpu.memory_space<vmem>>, %arg4: memref<256x128xf32, #tpu.memory_space<vmem>>, %arg5: memref<1x1024x512xf32, #tpu.memory_space<vmem>>, %arg6: memref<1x1024x512xf32, #tpu.memory_space<vmem>>, %arg7: memref<1x512x1024xf32, #tpu.memory_space<vmem>>, %arg8: memref<256x1024xf32, #tpu.memory_space<vmem>>) attributes {dimension_semantics = [#tpu.dimension_semantics<arbitrary>], iteration_bounds = array<i64: 25>, scalar_prefetch = 2 : i64, scratch_operands = 0 : i64, tpu.core_type = #tpu.core_type<tc>, window_params = [{transform_indices = @transform_0, window_bounds = array<i64: 256, 1024>}, {transform_indices = @transform_1, window_bounds = array<i64: 256, 128>}, {transform_indices = @transform_2, window_bounds = array<i64: 1, 1024, 512>}, {transform_indices = @transform_3, window_bounds = array<i64: 1, 1024, 512>}, {transform_indices = @transform_4, window_bounds = array<i64: 1, 512, 1024>}, {transform_indices = @transform_5, window_bounds = array<i64: 256, 1024>}]} {
    %get3A = arith.constant 0 : index
    %get3A_0 = memref.load %arg2[%get3A] : memref<1xi32, #tpu.memory_space<smem>>
    %lt3A = arith.cmpi slt, %arg0, %get3A_0 : i32
    %convert_element_type3A = arith.extui %lt3A : i1 to i32
    %cond3A = arith.constant 0 : i32
    %cond3A_1 = arith.cmpi ne, %convert_element_type3A, %cond3A : i32
    scf.if %cond3A_1 {
      %get3A_6 = arith.constant 0 : index
      %get3A_7 = arith.constant 0 : index
      %get3A_8 = vector.load %arg3[%get3A_6, %get3A_7] : memref<256x1024xf32, #tpu.memory_space<vmem>>, vector<256x1024xf32>
      %convert_element_type3A_9 = arith.truncf %get3A_8 : vector<256x1024xf32> to vector<256x1024xbf16>
      %get3A_10 = arith.constant 0 : index
      %get3A_11 = arith.constant 0 : index
      %get3A_12 = arith.constant 0 : index
      %get3A_13 = vector.load %arg5[%get3A_10, %get3A_11, %get3A_12] : memref<1x1024x512xf32, #tpu.memory_space<vmem>>, vector<1x1024x512xf32>
      %get3A_14 = vector.shape_cast %get3A_13 : vector<1x1024x512xf32> to vector<1024x512xf32>
      %convert_element_type3A_15 = arith.truncf %get3A_14 : vector<1024x512xf32> to vector<1024x512xbf16>
      %dot_general3A = arith.constant dense<0.000000e+00> : vector<256x512xf32>
      %dot_general3A_16 = tpu.matmul %convert_element_type3A_9, %convert_element_type3A_15, %dot_general3A {dimension_numbers = #tpu.dot_dimension_numbers<[1], [0], [0], [1], [0, 0, 1, 1], [], []>, transpose_lhs_hint = false} : vector<256x1024xbf16>, vector<1024x512xbf16>, vector<256x512xf32> -> vector<256x512xf32>
      %get3A_17 = arith.constant 0 : index
      %get3A_18 = arith.constant 0 : index
      %get3A_19 = arith.constant 0 : index
      %get3A_20 = vector.load %arg6[%get3A_17, %get3A_18, %get3A_19] : memref<1x1024x512xf32, #tpu.memory_space<vmem>>, vector<1x1024x512xf32>
      %get3A_21 = vector.shape_cast %get3A_20 : vector<1x1024x512xf32> to vector<1024x512xf32>
      %convert_element_type3A_22 = arith.truncf %get3A_21 : vector<1024x512xf32> to vector<1024x512xbf16>
      %dot_general3A_23 = arith.constant dense<0.000000e+00> : vector<256x512xf32>
      %dot_general3A_24 = tpu.matmul %convert_element_type3A_9, %convert_element_type3A_22, %dot_general3A_23 {dimension_numbers = #tpu.dot_dimension_numbers<[1], [0], [0], [1], [0, 0, 1, 1], [], []>, transpose_lhs_hint = false} : vector<256x1024xbf16>, vector<1024x512xbf16>, vector<256x512xf32> -> vector<256x512xf32>
      %get3A_25 = arith.constant 0 : index
      %get3A_26 = arith.constant 0 : index
      %get3A_27 = vector.load %arg4[%get3A_25, %get3A_26] : memref<256x128xf32, #tpu.memory_space<vmem>>, vector<256x1xf32>
      %logistic3A = arith.negf %dot_general3A_16 : vector<256x512xf32>
      %logistic3A_28 = math.exp %logistic3A : vector<256x512xf32>
      %logistic3A_29 = arith.constant 1.000000e+00 : f32
      %logistic3A_30 = vector.broadcast %logistic3A_29 : f32 to vector<256x512xf32>
      %logistic3A_31 = arith.addf %logistic3A_30, %logistic3A_28 : vector<256x512xf32>
      %logistic3A_32 = arith.divf %logistic3A_30, %logistic3A_31 : vector<256x512xf32>
      %mul3A = arith.mulf %dot_general3A_16, %logistic3A_32 : vector<256x512xf32>
      %mul3A_33 = arith.mulf %mul3A, %dot_general3A_24 : vector<256x512xf32>
      %mul3A_34 = vector.broadcast %get3A_27 : vector<256x1xf32> to vector<256x512xf32>
      %mul3A_35 = arith.mulf %mul3A_33, %mul3A_34 : vector<256x512xf32>
      %convert_element_type3A_36 = arith.truncf %mul3A_35 : vector<256x512xf32> to vector<256x512xbf16>
      %get3A_37 = arith.constant 0 : index
      %get3A_38 = arith.constant 0 : index
      %get3A_39 = arith.constant 0 : index
      %get3A_40 = vector.load %arg7[%get3A_37, %get3A_38, %get3A_39] : memref<1x512x1024xf32, #tpu.memory_space<vmem>>, vector<1x512x1024xf32>
      %get3A_41 = vector.shape_cast %get3A_40 : vector<1x512x1024xf32> to vector<512x1024xf32>
      %convert_element_type3A_42 = arith.truncf %get3A_41 : vector<512x1024xf32> to vector<512x1024xbf16>
      %dot_general3A_43 = arith.constant dense<0.000000e+00> : vector<256x1024xf32>
      %dot_general3A_44 = tpu.matmul %convert_element_type3A_36, %convert_element_type3A_42, %dot_general3A_43 {dimension_numbers = #tpu.dot_dimension_numbers<[1], [0], [0], [1], [0, 0, 1, 1], [], []>, transpose_lhs_hint = false} : vector<256x512xbf16>, vector<512x1024xbf16>, vector<256x1024xf32> -> vector<256x1024xf32>
      %swap3A = arith.constant 0 : index
      %swap3A_45 = arith.constant 0 : index
      %swap3A_46 = vector.load %arg8[%swap3A, %swap3A_45] : memref<256x1024xf32, #tpu.memory_space<vmem>>, vector<256x1024xf32>
      tpu.vector_store %arg8[%swap3A, %swap3A_45], %dot_general3A_44 {strides = array<i32>} : memref<256x1024xf32, #tpu.memory_space<vmem>>, vector<256x1024xf32>,
    } else {
    }
    %eq3A = arith.constant 24 : i32
    %eq3A_2 = arith.cmpi eq, %arg0, %eq3A : i32
    %convert_element_type3A_3 = arith.extui %eq3A_2 : i1 to i32
    %cond3A_4 = arith.constant 0 : i32
    %cond3A_5 = arith.cmpi ne, %convert_element_type3A_3, %cond3A_4 : i32
    scf.if %cond3A_5 {
      %broadcast_in_dim3A = arith.constant 0.000000e+00 : f32
      %broadcast_in_dim3A_6 = vector.broadcast %broadcast_in_dim3A : f32 to vector<256x1024xf32>
      %swap3A = arith.constant 0 : index
      %swap3A_7 = arith.constant 0 : index
      %swap3A_8 = vector.load %arg8[%swap3A, %swap3A_7] : memref<256x1024xf32, #tpu.memory_space<vmem>>, vector<256x1024xf32>
      tpu.vector_store %arg8[%swap3A, %swap3A_7], %broadcast_in_dim3A_6 {strides = array<i32>} : memref<256x1024xf32, #tpu.memory_space<vmem>>, vector<256x1024xf32>,
    } else {
    }
    return
  }
  func.func @transform_0(%arg0: i32, %arg1: memref<25xi32, #tpu.memory_space<smem>>, %arg2: memref<1xi32, #tpu.memory_space<smem>>) -> (i32, i32) {
    %c0_i32 = arith.constant 0 : i32
    %c0_i32_0 = arith.constant 0 : i32
    return %arg0, %c0_i32 : i32, i32
  }
  func.func @transform_1(%arg0: i32, %arg1: memref<25xi32, #tpu.memory_space<smem>>, %arg2: memref<1xi32, #tpu.memory_space<smem>>) -> (i32, i32) {
    %c0_i32 = arith.constant 0 : i32
    %c0_i32_0 = arith.constant 0 : i32
    return %arg0, %c0_i32 : i32, i32
  }
  func.func @transform_2(%arg0: i32, %arg1: memref<25xi32, #tpu.memory_space<smem>>, %arg2: memref<1xi32, #tpu.memory_space<smem>>) -> (i32, i32, i32) {
    %get3A = arith.index_cast %arg0 : i32 to index
    %get3A_0 = memref.load %arg1[%get3A] : memref<25xi32, #tpu.memory_space<smem>>
    %c0_i32 = arith.constant 0 : i32
    %c0_i32_1 = arith.constant 0 : i32
    %c0_i32_2 = arith.constant 0 : i32
    return %get3A_0, %c0_i32, %c0_i32_1 : i32, i32, i32
  }
  func.func @transform_3(%arg0: i32, %arg1: memref<25xi32, #tpu.memory_space<smem>>, %arg2: memref<1xi32, #tpu.memory_space<smem>>) -> (i32, i32, i32) {
    %get3A = arith.index_cast %arg0 : i32 to index
    %get3A_0 = memref.load %arg1[%get3A] : memref<25xi32, #tpu.memory_space<smem>>
    %c0_i32 = arith.constant 0 : i32
    %c0_i32_1 = arith.constant 0 : i32
    %c0_i32_2 = arith.constant 0 : i32
    return %get3A_0, %c0_i32, %c0_i32_1 : i32, i32, i32
  }
  func.func @transform_4(%arg0: i32, %arg1: memref<25xi32, #tpu.memory_space<smem>>, %arg2: memref<1xi32, #tpu.memory_space<smem>>) -> (i32, i32, i32) {
    %get3A = arith.index_cast %arg0 : i32 to index
    %get3A_0 = memref.load %arg1[%get3A] : memref<25xi32, #tpu.memory_space<smem>>
    %c0_i32 = arith.constant 0 : i32
    %c0_i32_1 = arith.constant 0 : i32
    %c0_i32_2 = arith.constant 0 : i32
    return %get3A_0, %c0_i32, %c0_i32_1 : i32, i32, i32
  }
  func.func @transform_5(%arg0: i32, %arg1: memref<25xi32, #tpu.memory_space<smem>>, %arg2: memref<1xi32, #tpu.memory_space<smem>>) -> (i32, i32) {
    %c0_i32 = arith.constant 0 : i32
    %c0_i32_0 = arith.constant 0 : i32
    return %arg0, %c0_i32 : i32, i32
  }
}

module attributes {stable_mosaic.version = 14 : i64} {
  func.func @_gating_body(%arg0: memref<2048x1024xf32, #tpu.memory_space<vmem>>, %arg1: memref<1024x8xf32, #tpu.memory_space<vmem>>, %arg2: memref<1x8xf32, #tpu.memory_space<vmem>>, %arg3: memref<1x1xf32, #tpu.memory_space<vmem>>, %arg4: memref<2048x1xi32, #tpu.memory_space<vmem>>, %arg5: memref<2048x1xi32, #tpu.memory_space<vmem>>, %arg6: memref<2048x1xi32, #tpu.memory_space<vmem>>, %arg7: memref<2048x1xi32, #tpu.memory_space<vmem>>, %arg8: memref<2048x128xf32, #tpu.memory_space<vmem>>, %arg9: memref<2048x128xf32, #tpu.memory_space<vmem>>, %arg10: memref<1x25xi32, #tpu.memory_space<vmem>>, %arg11: memref<1x1xi32, #tpu.memory_space<smem>>, %arg12: memref<1x1xf32, #tpu.memory_space<smem>>) attributes {dimension_semantics = [], scalar_prefetch = 0 : i64, scratch_operands = 0 : i64, tpu.core_type = #tpu.core_type<tc>} {
    %get3A = arith.constant 0 : index
    %get3A_0 = arith.constant 0 : index
    %get3A_1 = vector.load %arg0[%get3A, %get3A_0] : memref<2048x1024xf32, #tpu.memory_space<vmem>>, vector<2048x1024xf32>
    %get3A_2 = arith.constant 0 : index
    %get3A_3 = arith.constant 0 : index
    %get3A_4 = vector.load %arg1[%get3A_2, %get3A_3] : memref<1024x8xf32, #tpu.memory_space<vmem>>, vector<1024x8xf32>
    %dot_general3A = arith.constant dense<0.000000e+00> : vector<2048x8xf32>
    %dot_general3A_5 = tpu.matmul %get3A_1, %get3A_4, %dot_general3A {dimension_numbers = #tpu.dot_dimension_numbers<[1], [0], [0], [1], [0, 0, 1, 1], [], []>, transpose_lhs_hint = false} : vector<2048x1024xf32>, vector<1024x8xf32>, vector<2048x8xf32> -> vector<2048x8xf32>
    %get3A_6 = arith.constant 0 : index
    %get3A_7 = arith.constant 0 : index
    %get3A_8 = vector.load %arg2[%get3A_6, %get3A_7] : memref<1x8xf32, #tpu.memory_space<vmem>>, vector<1x8xf32>
    %add3A = vector.broadcast %get3A_8 : vector<1x8xf32> to vector<2048x8xf32>
    %add3A_9 = arith.addf %dot_general3A_5, %add3A : vector<2048x8xf32>
    %get3A_10 = arith.constant 0 : index
    %get3A_11 = arith.constant 0 : index
    %get3A_12 = vector.load %arg3[%get3A_10, %get3A_11] : memref<1x1xf32, #tpu.memory_space<vmem>>, vector<1x1xf32>
    %get3A_13 = vector.extract %get3A_12[0, 0] : f32 from vector<1x1xf32>
    %iota3A = tpu.iota {dimensions = array<i32: 1>} : vector<2048x8xi32>
    %reduce_max3A = arith.constant dense<0xFF800000> : vector<2048xf32>
    %reduce_max3A_14 = vector.multi_reduction <maximumf>, %add3A_9, %reduce_max3A [1] : vector<2048x8xf32> to vector<2048xf32>
    %broadcast_in_dim3A = vector.shape_cast %reduce_max3A_14 : vector<2048xf32> to vector<2048x1xf32>
    %eq3A = vector.broadcast %broadcast_in_dim3A : vector<2048x1xf32> to vector<2048x8xf32>
    %eq3A_15 = arith.cmpf oeq, %add3A_9, %eq3A : vector<2048x8xf32>
    %jit3A = arith.constant 8 : i32
    %broadcast_in_dim3A_16 = vector.broadcast %jit3A : i32 to vector<2048x8xi32>
    %select_n3A = arith.select %eq3A_15, %iota3A, %broadcast_in_dim3A_16 : vector<2048x8xi1>, vector<2048x8xi32>
    %reduce_min3A = arith.constant dense<2147483647> : vector<2048xi32>
    %reduce_min3A_17 = vector.multi_reduction <minsi>, %select_n3A, %reduce_min3A [1] : vector<2048x8xi32> to vector<2048xi32>
    %broadcast_in_dim3A_18 = vector.shape_cast %reduce_min3A_17 : vector<2048xi32> to vector<2048x1xi32>
    %eq3A_19 = vector.broadcast %broadcast_in_dim3A_18 : vector<2048x1xi32> to vector<2048x8xi32>
    %eq3A_20 = arith.cmpi eq, %iota3A, %eq3A_19 : vector<2048x8xi32>
    %jit3A_21 = arith.constant 0xFF800000 : f32
    %broadcast_in_dim3A_22 = vector.broadcast %jit3A_21 : f32 to vector<2048x8xf32>
    %select_n3A_23 = arith.select %eq3A_20, %broadcast_in_dim3A_22, %add3A_9 : vector<2048x8xi1>, vector<2048x8xf32>
    %reduce_max3A_24 = arith.constant dense<0xFF800000> : vector<2048xf32>
    %reduce_max3A_25 = vector.multi_reduction <maximumf>, %select_n3A_23, %reduce_max3A_24 [1] : vector<2048x8xf32> to vector<2048xf32>
    %broadcast_in_dim3A_26 = vector.shape_cast %reduce_max3A_25 : vector<2048xf32> to vector<2048x1xf32>
    %eq3A_27 = vector.broadcast %broadcast_in_dim3A_26 : vector<2048x1xf32> to vector<2048x8xf32>
    %eq3A_28 = arith.cmpf oeq, %select_n3A_23, %eq3A_27 : vector<2048x8xf32>
    %jit3A_29 = arith.constant 8 : i32
    %broadcast_in_dim3A_30 = vector.broadcast %jit3A_29 : i32 to vector<2048x8xi32>
    %select_n3A_31 = arith.select %eq3A_28, %iota3A, %broadcast_in_dim3A_30 : vector<2048x8xi1>, vector<2048x8xi32>
    %reduce_min3A_32 = arith.constant dense<2147483647> : vector<2048xi32>
    %reduce_min3A_33 = vector.multi_reduction <minsi>, %select_n3A_31, %reduce_min3A_32 [1] : vector<2048x8xi32> to vector<2048xi32>
    %broadcast_in_dim3A_34 = vector.shape_cast %reduce_min3A_33 : vector<2048xi32> to vector<2048x1xi32>
    %ge3A = vector.broadcast %get3A_13 : f32 to vector<2048x1xf32>
    %ge3A_35 = arith.cmpf oge, %broadcast_in_dim3A, %ge3A : vector<2048x1xf32>
    %ge3A_36 = vector.broadcast %get3A_13 : f32 to vector<2048x1xf32>
    %ge3A_37 = arith.cmpf oge, %broadcast_in_dim3A_26, %ge3A_36 : vector<2048x1xf32>
    %and3A = arith.andi %ge3A_35, %ge3A_37 : vector<2048x1xi1>
    %sub3A = arith.subf %broadcast_in_dim3A_26, %broadcast_in_dim3A : vector<2048x1xf32>
    %exp3A = math.exp %sub3A : vector<2048x1xf32>
    %add3A_38 = arith.constant 1.000000e+00 : f32
    %add3A_39 = vector.broadcast %add3A_38 : f32 to vector<2048x1xf32>
    %add3A_40 = arith.addf %add3A_39, %exp3A : vector<2048x1xf32>
    %div3A = arith.constant 1.000000e+00 : f32
    %div3A_41 = vector.broadcast %div3A : f32 to vector<2048x1xf32>
    %div3A_42 = arith.divf %div3A_41, %add3A_40 : vector<2048x1xf32>
    %jit3A_43 = arith.constant 1.000000e+00 : f32
    %broadcast_in_dim3A_44 = vector.broadcast %jit3A_43 : f32 to vector<2048x1xf32>
    %select_n3A_45 = arith.select %and3A, %div3A_42, %broadcast_in_dim3A_44 : vector<2048x1xi1>, vector<2048x1xf32>
    %jit3A_46 = arith.constant 0.000000e+00 : f32
    %broadcast_in_dim3A_47 = vector.broadcast %jit3A_46 : f32 to vector<2048x1xf32>
    %select_n3A_48 = arith.select %ge3A_35, %select_n3A_45, %broadcast_in_dim3A_47 : vector<2048x1xi1>, vector<2048x1xf32>
    %sub3A_49 = arith.constant 1.000000e+00 : f32
    %sub3A_50 = vector.broadcast %sub3A_49 : f32 to vector<2048x1xf32>
    %sub3A_51 = arith.subf %sub3A_50, %div3A_42 : vector<2048x1xf32>
    %jit3A_52 = arith.constant 0.000000e+00 : f32
    %broadcast_in_dim3A_53 = vector.broadcast %jit3A_52 : f32 to vector<2048x1xf32>
    %select_n3A_54 = arith.select %and3A, %sub3A_51, %broadcast_in_dim3A_53 : vector<2048x1xi1>, vector<2048x1xf32>
    %broadcast_in_dim3A_55 = vector.shape_cast %select_n3A_48 : vector<2048x1xf32> to vector<2048x1xf32>
    %broadcast_in_dim3A_56 = vector.broadcast %broadcast_in_dim3A_55 : vector<2048x1xf32> to vector<2048x128xf32>
    %swap3A = arith.constant 0 : index
    %swap3A_57 = arith.constant 0 : index
    %swap3A_58 = vector.load %arg8[%swap3A, %swap3A_57] : memref<2048x128xf32, #tpu.memory_space<vmem>>, vector<2048x128xf32>
    tpu.vector_store %arg8[%swap3A, %swap3A_57], %broadcast_in_dim3A_56 {strides = array<i32>} : memref<2048x128xf32, #tpu.memory_space<vmem>>, vector<2048x128xf32>,
    %broadcast_in_dim3A_59 = vector.shape_cast %select_n3A_54 : vector<2048x1xf32> to vector<2048x1xf32>
    %broadcast_in_dim3A_60 = vector.broadcast %broadcast_in_dim3A_59 : vector<2048x1xf32> to vector<2048x128xf32>
    %swap3A_61 = arith.constant 0 : index
    %swap3A_62 = arith.constant 0 : index
    %swap3A_63 = vector.load %arg9[%swap3A_61, %swap3A_62] : memref<2048x128xf32, #tpu.memory_space<vmem>>, vector<2048x128xf32>
    tpu.vector_store %arg9[%swap3A_61, %swap3A_62], %broadcast_in_dim3A_60 {strides = array<i32>} : memref<2048x128xf32, #tpu.memory_space<vmem>>, vector<2048x128xf32>,
    %eq3A_64 = vector.broadcast %broadcast_in_dim3A_18 : vector<2048x1xi32> to vector<2048x8xi32>
    %eq3A_65 = arith.cmpi eq, %iota3A, %eq3A_64 : vector<2048x8xi32>
    %and3A_66 = vector.broadcast %ge3A_35 : vector<2048x1xi1> to vector<2048x8xi1>
    %and3A_67 = arith.andi %eq3A_65, %and3A_66 : vector<2048x8xi1>
    %jit3A_68 = arith.constant 1.000000e+00 : f32
    %jit3A_69 = arith.constant 0.000000e+00 : f32
    %broadcast_in_dim3A_70 = vector.broadcast %jit3A_68 : f32 to vector<2048x8xf32>
    %broadcast_in_dim3A_71 = vector.broadcast %jit3A_69 : f32 to vector<2048x8xf32>
    %select_n3A_72 = arith.select %and3A_67, %broadcast_in_dim3A_70, %broadcast_in_dim3A_71 : vector<2048x8xi1>, vector<2048x8xf32>
    %eq3A_73 = vector.broadcast %broadcast_in_dim3A_34 : vector<2048x1xi32> to vector<2048x8xi32>
    %eq3A_74 = arith.cmpi eq, %iota3A, %eq3A_73 : vector<2048x8xi32>
    %and3A_75 = vector.broadcast %and3A : vector<2048x1xi1> to vector<2048x8xi1>
    %and3A_76 = arith.andi %eq3A_74, %and3A_75 : vector<2048x8xi1>
    %jit3A_77 = arith.constant 1.000000e+00 : f32
    %jit3A_78 = arith.constant 0.000000e+00 : f32
    %broadcast_in_dim3A_79 = vector.broadcast %jit3A_77 : f32 to vector<2048x8xf32>
    %broadcast_in_dim3A_80 = vector.broadcast %jit3A_78 : f32 to vector<2048x8xf32>
    %select_n3A_81 = arith.select %and3A_76, %broadcast_in_dim3A_79, %broadcast_in_dim3A_80 : vector<2048x8xi1>, vector<2048x8xf32>
    %add3A_82 = arith.addf %select_n3A_72, %select_n3A_81 : vector<2048x8xf32>
    %iota3A_83 = tpu.iota {dimensions = array<i32: 0>} : vector<2048x2048xi32>
    %iota3A_84 = tpu.iota {dimensions = array<i32: 1>} : vector<2048x2048xi32>
    %gt3A = arith.cmpi sgt, %iota3A_83, %iota3A_84 : vector<2048x2048xi32>
    %jit3A_85 = arith.constant 1.000000e+00 : f32
    %jit3A_86 = arith.constant 0.000000e+00 : f32
    %broadcast_in_dim3A_87 = vector.broadcast %jit3A_85 : f32 to vector<2048x2048xf32>
    %broadcast_in_dim3A_88 = vector.broadcast %jit3A_86 : f32 to vector<2048x2048xf32>
    %select_n3A_89 = arith.select %gt3A, %broadcast_in_dim3A_87, %broadcast_in_dim3A_88 : vector<2048x2048xi1>, vector<2048x2048xf32>
    %convert_element_type3A = arith.truncf %select_n3A_89 : vector<2048x2048xf32> to vector<2048x2048xbf16>
    %convert_element_type3A_90 = arith.truncf %add3A_82 : vector<2048x8xf32> to vector<2048x8xbf16>
    %dot_general3A_91 = arith.constant dense<0.000000e+00> : vector<2048x8xf32>
    %dot_general3A_92 = tpu.matmul %convert_element_type3A, %convert_element_type3A_90, %dot_general3A_91 {dimension_numbers = #tpu.dot_dimension_numbers<[1], [0], [0], [1], [0, 0, 1, 1], [], []>, transpose_lhs_hint = false} : vector<2048x2048xbf16>, vector<2048x8xbf16>, vector<2048x8xf32> -> vector<2048x8xf32>
    %reduce_sum3A = arith.constant dense<0.000000e+00> : vector<8xf32>
    %reduce_sum3A_93 = vector.multi_reduction <add>, %add3A_82, %reduce_sum3A [0] : vector<2048x8xf32> to vector<8xf32>
    %broadcast_in_dim3A_94 = vector.shape_cast %reduce_sum3A_93 : vector<8xf32> to vector<1x8xf32>
    %add3A_95 = arith.constant 2.550000e+02 : f32
    %add3A_96 = vector.broadcast %add3A_95 : f32 to vector<1x8xf32>
    %add3A_97 = arith.addf %broadcast_in_dim3A_94, %add3A_96 : vector<1x8xf32>
    %mul3A = arith.constant 3.906250e-03 : f32
    %mul3A_98 = vector.broadcast %mul3A : f32 to vector<1x8xf32>
    %mul3A_99 = arith.mulf %add3A_97, %mul3A_98 : vector<1x8xf32>
    %floor3A = math.floor %mul3A_99 : vector<1x8xf32>
    %mul3A_100 = arith.constant 2.560000e+02 : f32
    %mul3A_101 = vector.broadcast %mul3A_100 : f32 to vector<1x8xf32>
    %mul3A_102 = arith.mulf %floor3A, %mul3A_101 : vector<1x8xf32>
    %iota3A_103 = tpu.iota {dimensions = array<i32: 0>} : vector<8x8xi32>
    %iota3A_104 = tpu.iota {dimensions = array<i32: 1>} : vector<8x8xi32>
    %lt3A = arith.cmpi slt, %iota3A_103, %iota3A_104 : vector<8x8xi32>
    %jit3A_105 = arith.constant 1.000000e+00 : f32
    %jit3A_106 = arith.constant 0.000000e+00 : f32
    %broadcast_in_dim3A_107 = vector.broadcast %jit3A_105 : f32 to vector<8x8xf32>
    %broadcast_in_dim3A_108 = vector.broadcast %jit3A_106 : f32 to vector<8x8xf32>
    %select_n3A_109 = arith.select %lt3A, %broadcast_in_dim3A_107, %broadcast_in_dim3A_108 : vector<8x8xi1>, vector<8x8xf32>
    %convert_element_type3A_110 = arith.truncf %select_n3A_109 : vector<8x8xf32> to vector<8x8xbf16>
    %convert_element_type3A_111 = arith.truncf %mul3A_102 : vector<1x8xf32> to vector<1x8xbf16>
    %dot_general3A_112 = arith.constant dense<0.000000e+00> : vector<1x8xf32>
    %dot_general3A_113 = tpu.matmul %convert_element_type3A_111, %convert_element_type3A_110, %dot_general3A_112 {dimension_numbers = #tpu.dot_dimension_numbers<[1], [0], [0], [1], [0, 0, 1, 1], [], []>, transpose_lhs_hint = false} : vector<1x8xbf16>, vector<8x8xbf16>, vector<1x8xf32> -> vector<1x8xf32>
    %add3A_114 = vector.broadcast %dot_general3A_113 : vector<1x8xf32> to vector<2048x8xf32>
    %add3A_115 = arith.addf %dot_general3A_92, %add3A_114 : vector<2048x8xf32>
    %mul3A_116 = arith.mulf %select_n3A_72, %add3A_115 : vector<2048x8xf32>
    %reduce_sum3A_117 = arith.constant dense<0.000000e+00> : vector<2048xf32>
    %reduce_sum3A_118 = vector.multi_reduction <add>, %mul3A_116, %reduce_sum3A_117 [1] : vector<2048x8xf32> to vector<2048xf32>
    %broadcast_in_dim3A_119 = vector.shape_cast %reduce_sum3A_118 : vector<2048xf32> to vector<2048x1xf32>
    %add3A_120 = vector.broadcast %dot_general3A_113 : vector<1x8xf32> to vector<2048x8xf32>
    %add3A_121 = arith.addf %dot_general3A_92, %add3A_120 : vector<2048x8xf32>
    %mul3A_122 = arith.mulf %select_n3A_81, %add3A_121 : vector<2048x8xf32>
    %reduce_sum3A_123 = arith.constant dense<0.000000e+00> : vector<2048xf32>
    %reduce_sum3A_124 = vector.multi_reduction <add>, %mul3A_122, %reduce_sum3A_123 [1] : vector<2048x8xf32> to vector<2048xf32>
    %broadcast_in_dim3A_125 = vector.shape_cast %reduce_sum3A_124 : vector<2048xf32> to vector<2048x1xf32>
    %convert_element_type3A_126 = arith.fptosi %broadcast_in_dim3A_119 : vector<2048x1xf32> to vector<2048x1xi32>
    %convert_element_type3A_127 = arith.fptosi %broadcast_in_dim3A_125 : vector<2048x1xf32> to vector<2048x1xi32>
    %jit3A_128 = arith.constant 6144 : i32
    %broadcast_in_dim3A_129 = vector.broadcast %jit3A_128 : i32 to vector<2048x1xi32>
    %select_n3A_130 = arith.select %ge3A_35, %convert_element_type3A_126, %broadcast_in_dim3A_129 : vector<2048x1xi1>, vector<2048x1xi32>
    %swap3A_131 = arith.constant 0 : index
    %swap3A_132 = arith.constant 0 : index
    %swap3A_133 = vector.load %arg4[%swap3A_131, %swap3A_132] : memref<2048x1xi32, #tpu.memory_space<vmem>>, vector<2048x1xi32>
    tpu.vector_store %arg4[%swap3A_131, %swap3A_132], %select_n3A_130 {strides = array<i32>} : memref<2048x1xi32, #tpu.memory_space<vmem>>, vector<2048x1xi32>,
    %jit3A_134 = arith.constant 6144 : i32
    %broadcast_in_dim3A_135 = vector.broadcast %jit3A_134 : i32 to vector<2048x1xi32>
    %select_n3A_136 = arith.select %and3A, %convert_element_type3A_127, %broadcast_in_dim3A_135 : vector<2048x1xi1>, vector<2048x1xi32>
    %swap3A_137 = arith.constant 0 : index
    %swap3A_138 = arith.constant 0 : index
    %swap3A_139 = vector.load %arg5[%swap3A_137, %swap3A_138] : memref<2048x1xi32, #tpu.memory_space<vmem>>, vector<2048x1xi32>
    tpu.vector_store %arg5[%swap3A_137, %swap3A_138], %select_n3A_136 {strides = array<i32>} : memref<2048x1xi32, #tpu.memory_space<vmem>>, vector<2048x1xi32>,
    %jit3A_140 = arith.constant 6144 : i32
    %broadcast_in_dim3A_141 = vector.broadcast %jit3A_140 : i32 to vector<2048x1xi32>
    %select_n3A_142 = arith.select %ge3A_35, %convert_element_type3A_126, %broadcast_in_dim3A_141 : vector<2048x1xi1>, vector<2048x1xi32>
    %swap3A_143 = arith.constant 0 : index
    %swap3A_144 = arith.constant 0 : index
    %swap3A_145 = vector.load %arg6[%swap3A_143, %swap3A_144] : memref<2048x1xi32, #tpu.memory_space<vmem>>, vector<2048x1xi32>
    tpu.vector_store %arg6[%swap3A_143, %swap3A_144], %select_n3A_142 {strides = array<i32>} : memref<2048x1xi32, #tpu.memory_space<vmem>>, vector<2048x1xi32>,
    %jit3A_146 = arith.constant 6144 : i32
    %broadcast_in_dim3A_147 = vector.broadcast %jit3A_146 : i32 to vector<2048x1xi32>
    %select_n3A_148 = arith.select %and3A, %convert_element_type3A_127, %broadcast_in_dim3A_147 : vector<2048x1xi1>, vector<2048x1xi32>
    %swap3A_149 = arith.constant 0 : index
    %swap3A_150 = arith.constant 0 : index
    %swap3A_151 = vector.load %arg7[%swap3A_149, %swap3A_150] : memref<2048x1xi32, #tpu.memory_space<vmem>>, vector<2048x1xi32>
    tpu.vector_store %arg7[%swap3A_149, %swap3A_150], %select_n3A_148 {strides = array<i32>} : memref<2048x1xi32, #tpu.memory_space<vmem>>, vector<2048x1xi32>,
    %add3A_152 = arith.addf %dot_general3A_113, %mul3A_102 : vector<1x8xf32>
    %iota3A_153 = tpu.iota {dimensions = array<i32: 0>} : vector<25x8xi32>
    %mul3A_154 = arith.constant 256 : i32
    %mul3A_155 = vector.broadcast %mul3A_154 : i32 to vector<25x8xi32>
    %mul3A_156 = arith.muli %iota3A_153, %mul3A_155 : vector<25x8xi32>
    %convert_element_type3A_157 = arith.sitofp %mul3A_156 : vector<25x8xi32> to vector<25x8xf32>
    %broadcast_in_dim3A_158 = vector.shape_cast %add3A_152 : vector<1x8xf32> to vector<1x8xf32>
    %broadcast_in_dim3A_159 = vector.broadcast %broadcast_in_dim3A_158 : vector<1x8xf32> to vector<25x8xf32>
    %le3A = arith.cmpf ole, %broadcast_in_dim3A_159, %convert_element_type3A_157 : vector<25x8xf32>
    %jit3A_160 = arith.constant 1 : i32
    %jit3A_161 = arith.constant 0 : i32
    %broadcast_in_dim3A_162 = vector.broadcast %jit3A_160 : i32 to vector<25x8xi32>
    %broadcast_in_dim3A_163 = vector.broadcast %jit3A_161 : i32 to vector<25x8xi32>
    %select_n3A_164 = arith.select %le3A, %broadcast_in_dim3A_162, %broadcast_in_dim3A_163 : vector<25x8xi1>, vector<25x8xi32>
    %reduce_sum3A_165 = arith.constant dense<0> : vector<25xi32>
    %reduce_sum3A_166 = vector.multi_reduction <add>, %select_n3A_164, %reduce_sum3A_165 [1] : vector<25x8xi32> to vector<25xi32>
    %broadcast_in_dim3A_167 = vector.shape_cast %reduce_sum3A_166 : vector<25xi32> to vector<25x1xi32>
    %iota3A_168 = tpu.iota {dimensions = array<i32: 1>} : vector<1x8xi32>
    %gt3A_169 = arith.constant 0.000000e+00 : f32
    %gt3A_170 = vector.broadcast %gt3A_169 : f32 to vector<1x8xf32>
    %gt3A_171 = arith.cmpf ogt, %mul3A_102, %gt3A_170 : vector<1x8xf32>
    %jit3A_172 = arith.constant 0 : i32
    %broadcast_in_dim3A_173 = vector.broadcast %jit3A_172 : i32 to vector<1x8xi32>
    %select_n3A_174 = arith.select %gt3A_171, %iota3A_168, %broadcast_in_dim3A_173 : vector<1x8xi1>, vector<1x8xi32>
    %reduce_max3A_175 = vector.shape_cast %select_n3A_174 : vector<1x8xi32> to vector<1x1x8xi32>
    %reduce_max3A_176 = arith.constant dense<-2147483648> : vector<1xi32>
    %reduce_max3A_177 = vector.multi_reduction <maxsi>, %reduce_max3A_175, %reduce_max3A_176 [1, 2] : vector<1x1x8xi32> to vector<1xi32>
    %reduce_max3A_178 = vector.shape_cast %reduce_max3A_177 : vector<1xi32> to vector<1x1x1xi32>
    %reduce_max3A_179 = vector.extract %reduce_max3A_178[0, 0, 0] : i32 from vector<1x1x1xi32>
    %min3A = vector.broadcast %reduce_max3A_179 : i32 to vector<25x1xi32>
    %min3A_180 = arith.minsi %broadcast_in_dim3A_167, %min3A : vector<25x1xi32>
    %reshape3A = vector.shape_cast %min3A_180 : vector<25x1xi32> to vector<1x25xi32>
    %swap3A_181 = arith.constant 0 : index
    %swap3A_182 = arith.constant 0 : index
    %swap3A_183 = vector.load %arg10[%swap3A_181, %swap3A_182] : memref<1x25xi32, #tpu.memory_space<vmem>>, vector<1x25xi32>
    tpu.vector_store %arg10[%swap3A_181, %swap3A_182], %reshape3A {strides = array<i32>} : memref<1x25xi32, #tpu.memory_space<vmem>>, vector<1x25xi32>,
    %reduce_sum3A_184 = vector.shape_cast %mul3A_102 : vector<1x8xf32> to vector<1x1x8xf32>
    %reduce_sum3A_185 = arith.constant dense<0.000000e+00> : vector<1xf32>
    %reduce_sum3A_186 = vector.multi_reduction <add>, %reduce_sum3A_184, %reduce_sum3A_185 [1, 2] : vector<1x1x8xf32> to vector<1xf32>
    %reduce_sum3A_187 = vector.shape_cast %reduce_sum3A_186 : vector<1xf32> to vector<1x1x1xf32>
    %reduce_sum3A_188 = vector.extract %reduce_sum3A_187[0, 0, 0] : f32 from vector<1x1x1xf32>
    %mul3A_189 = arith.constant 3.906250e-03 : f32
    %mul3A_190 = arith.mulf %reduce_sum3A_188, %mul3A_189 : f32
    %convert_element_type3A_191 = arith.fptosi %mul3A_190 : f32 to i32
    %swap3A_192 = arith.constant 0 : index
    %swap3A_193 = arith.constant 0 : index
    %swap3A_194 = memref.load %arg11[%swap3A_192, %swap3A_193] : memref<1x1xi32, #tpu.memory_space<smem>>
    memref.store %convert_element_type3A_191, %arg11[%swap3A_192, %swap3A_193] : memref<1x1xi32, #tpu.memory_space<smem>>
    %sub3A_195 = vector.broadcast %broadcast_in_dim3A : vector<2048x1xf32> to vector<2048x8xf32>
    %sub3A_196 = arith.subf %add3A_9, %sub3A_195 : vector<2048x8xf32>
    %exp3A_197 = math.exp %sub3A_196 : vector<2048x8xf32>
    %reduce_sum3A_198 = arith.constant dense<0.000000e+00> : vector<2048xf32>
    %reduce_sum3A_199 = vector.multi_reduction <add>, %exp3A_197, %reduce_sum3A_198 [1] : vector<2048x8xf32> to vector<2048xf32>
    %broadcast_in_dim3A_200 = vector.shape_cast %reduce_sum3A_199 : vector<2048xf32> to vector<2048x1xf32>
    %div3A_201 = vector.broadcast %broadcast_in_dim3A_200 : vector<2048x1xf32> to vector<2048x8xf32>
    %div3A_202 = arith.divf %exp3A_197, %div3A_201 : vector<2048x8xf32>
    %reduce_sum3A_203 = arith.constant dense<0.000000e+00> : vector<8xf32>
    %reduce_sum3A_204 = vector.multi_reduction <add>, %div3A_202, %reduce_sum3A_203 [0] : vector<2048x8xf32> to vector<8xf32>
    %div3A_205 = arith.constant 2.048000e+03 : f32
    %div3A_206 = vector.broadcast %div3A_205 : f32 to vector<8xf32>
    %div3A_207 = arith.divf %reduce_sum3A_204, %div3A_206 : vector<8xf32>
    %reduce_sum3A_208 = arith.constant dense<0.000000e+00> : vector<8xf32>
    %reduce_sum3A_209 = vector.multi_reduction <add>, %add3A_82, %reduce_sum3A_208 [0] : vector<2048x8xf32> to vector<8xf32>
    %reduce_sum3A_210 = vector.shape_cast %reduce_sum3A_209 : vector<8xf32> to vector<1x8xf32>
    %reduce_sum3A_211 = arith.constant dense<0.000000e+00> : vector<1xf32>
    %reduce_sum3A_212 = vector.multi_reduction <add>, %reduce_sum3A_210, %reduce_sum3A_211 [1] : vector<1x8xf32> to vector<1xf32>
    %reduce_sum3A_213 = vector.shape_cast %reduce_sum3A_212 : vector<1xf32> to vector<1x1xf32>
    %reduce_sum3A_214 = vector.extract %reduce_sum3A_213[0, 0] : f32 from vector<1x1xf32>
    %max3A = arith.constant 9.99999997E-7 : f32
    %max3A_215 = arith.maximumf %reduce_sum3A_214, %max3A : f32
    %div3A_216 = vector.broadcast %max3A_215 : f32 to vector<8xf32>
    %div3A_217 = arith.divf %reduce_sum3A_209, %div3A_216 : vector<8xf32>
    %mul3A_218 = arith.mulf %div3A_217, %div3A_207 : vector<8xf32>
    %reduce_sum3A_219 = vector.shape_cast %mul3A_218 : vector<8xf32> to vector<1x8xf32>
    %reduce_sum3A_220 = arith.constant dense<0.000000e+00> : vector<1xf32>
    %reduce_sum3A_221 = vector.multi_reduction <add>, %reduce_sum3A_219, %reduce_sum3A_220 [1] : vector<1x8xf32> to vector<1xf32>
    %reduce_sum3A_222 = vector.shape_cast %reduce_sum3A_221 : vector<1xf32> to vector<1x1xf32>
    %reduce_sum3A_223 = vector.extract %reduce_sum3A_222[0, 0] : f32 from vector<1x1xf32>
    %mul3A_224 = arith.constant 8.000000e+00 : f32
    %mul3A_225 = arith.mulf %mul3A_224, %reduce_sum3A_223 : f32
    %jit3A_226 = arith.constant 0.000000e+00 : f32
    %jit3A_227 = arith.constant 1.000000e+00 : f32
    %broadcast_in_dim3A_228 = vector.broadcast %jit3A_226 : f32 to vector<2048x1xf32>
    %broadcast_in_dim3A_229 = vector.broadcast %jit3A_227 : f32 to vector<2048x1xf32>
    %select_n3A_230 = arith.select %ge3A_35, %broadcast_in_dim3A_228, %broadcast_in_dim3A_229 : vector<2048x1xi1>, vector<2048x1xf32>
    %jit3A_231 = arith.constant 0.000000e+00 : f32
    %jit3A_232 = arith.constant 1.000000e+00 : f32
    %broadcast_in_dim3A_233 = vector.broadcast %jit3A_231 : f32 to vector<2048x1xf32>
    %broadcast_in_dim3A_234 = vector.broadcast %jit3A_232 : f32 to vector<2048x1xf32>
    %select_n3A_235 = arith.select %and3A, %broadcast_in_dim3A_233, %broadcast_in_dim3A_234 : vector<2048x1xi1>, vector<2048x1xf32>
    %add3A_236 = arith.addf %select_n3A_230, %select_n3A_235 : vector<2048x1xf32>
    %reduce_sum3A_237 = vector.shape_cast %add3A_236 : vector<2048x1xf32> to vector<1x2048x1xf32>
    %reduce_sum3A_238 = arith.constant dense<0.000000e+00> : vector<1xf32>
    %reduce_sum3A_239 = vector.multi_reduction <add>, %reduce_sum3A_237, %reduce_sum3A_238 [1, 2] : vector<1x2048x1xf32> to vector<1xf32>
    %reduce_sum3A_240 = vector.shape_cast %reduce_sum3A_239 : vector<1xf32> to vector<1x1x1xf32>
    %reduce_sum3A_241 = vector.extract %reduce_sum3A_240[0, 0, 0] : f32 from vector<1x1x1xf32>
    %div3A_242 = arith.constant 4.096000e+03 : f32
    %div3A_243 = arith.divf %reduce_sum3A_241, %div3A_242 : f32
    %sub3A_244 = arith.constant 5.000000e-01 : f32
    %sub3A_245 = arith.subf %div3A_243, %sub3A_244 : f32
    %integer_pow3A = arith.mulf %sub3A_245, %sub3A_245 : f32
    %max3A_246 = vector.broadcast %get3A_13 : f32 to vector<2048x1xf32>
    %max3A_247 = arith.maximumf %broadcast_in_dim3A, %max3A_246 : vector<2048x1xf32>
    %sub3A_248 = vector.broadcast %max3A_247 : vector<2048x1xf32> to vector<2048x8xf32>
    %sub3A_249 = arith.subf %add3A_9, %sub3A_248 : vector<2048x8xf32>
    %exp3A_250 = math.exp %sub3A_249 : vector<2048x8xf32>
    %reduce_sum3A_251 = arith.constant dense<0.000000e+00> : vector<2048xf32>
    %reduce_sum3A_252 = vector.multi_reduction <add>, %exp3A_250, %reduce_sum3A_251 [1] : vector<2048x8xf32> to vector<2048xf32>
    %broadcast_in_dim3A_253 = vector.shape_cast %reduce_sum3A_252 : vector<2048xf32> to vector<2048x1xf32>
    %sub3A_254 = vector.broadcast %get3A_13 : f32 to vector<2048x1xf32>
    %sub3A_255 = arith.subf %sub3A_254, %max3A_247 : vector<2048x1xf32>
    %exp3A_256 = math.exp %sub3A_255 : vector<2048x1xf32>
    %mul3A_257 = arith.constant 8.000000e+00 : f32
    %mul3A_258 = vector.broadcast %mul3A_257 : f32 to vector<2048x1xf32>
    %mul3A_259 = arith.mulf %mul3A_258, %exp3A_256 : vector<2048x1xf32>
    %add3A_260 = arith.addf %broadcast_in_dim3A_253, %mul3A_259 : vector<2048x1xf32>
    %log3A = math.log %add3A_260 : vector<2048x1xf32>
    %add3A_261 = arith.addf %max3A_247, %log3A : vector<2048x1xf32>
    %mul3A_262 = arith.mulf %add3A_261, %add3A_261 : vector<2048x1xf32>
    %reduce_sum3A_263 = vector.shape_cast %mul3A_262 : vector<2048x1xf32> to vector<1x2048x1xf32>
    %reduce_sum3A_264 = arith.constant dense<0.000000e+00> : vector<1xf32>
    %reduce_sum3A_265 = vector.multi_reduction <add>, %reduce_sum3A_263, %reduce_sum3A_264 [1, 2] : vector<1x2048x1xf32> to vector<1xf32>
    %reduce_sum3A_266 = vector.shape_cast %reduce_sum3A_265 : vector<1xf32> to vector<1x1x1xf32>
    %reduce_sum3A_267 = vector.extract %reduce_sum3A_266[0, 0, 0] : f32 from vector<1x1x1xf32>
    %div3A_268 = arith.constant 2.048000e+03 : f32
    %div3A_269 = arith.divf %reduce_sum3A_267, %div3A_268 : f32
    %mul3A_270 = arith.constant 2.000000e-02 : f32
    %mul3A_271 = arith.mulf %mul3A_270, %mul3A_225 : f32
    %mul3A_272 = arith.constant 1.000000e-03 : f32
    %mul3A_273 = arith.mulf %mul3A_272, %div3A_269 : f32
    %add3A_274 = arith.addf %mul3A_271, %mul3A_273 : f32
    %mul3A_275 = arith.constant 0.00999999977 : f32
    %mul3A_276 = arith.mulf %mul3A_275, %integer_pow3A : f32
    %add3A_277 = arith.addf %add3A_274, %mul3A_276 : f32
    %swap3A_278 = arith.constant 0 : index
    %swap3A_279 = arith.constant 0 : index
    %swap3A_280 = memref.load %arg12[%swap3A_278, %swap3A_279] : memref<1x1xf32, #tpu.memory_space<smem>>
    memref.store %add3A_277, %arg12[%swap3A_278, %swap3A_279] : memref<1x1xf32, #tpu.memory_space<smem>>
    return
  }
}

module attributes {stable_mosaic.version = 14 : i64} {
  func.func @_shared_body(%arg0: i32, %arg1: memref<512x1024xf32, #tpu.memory_space<vmem>>, %arg2: memref<1024x2048xf32, #tpu.memory_space<vmem>>, %arg3: memref<1024x2048xf32, #tpu.memory_space<vmem>>, %arg4: memref<2048x1024xf32, #tpu.memory_space<vmem>>, %arg5: memref<512x1024xf32, #tpu.memory_space<vmem>>) attributes {dimension_semantics = [#tpu.dimension_semantics<arbitrary>], iteration_bounds = array<i64: 4>, scalar_prefetch = 0 : i64, scratch_operands = 0 : i64, tpu.core_type = #tpu.core_type<tc>, window_params = [{transform_indices = @transform_0, window_bounds = array<i64: 512, 1024>}, {pipeline_mode = #tpu.pipeline_mode<synchronous>, transform_indices = @transform_1, window_bounds = array<i64: 1024, 2048>}, {pipeline_mode = #tpu.pipeline_mode<synchronous>, transform_indices = @transform_2, window_bounds = array<i64: 1024, 2048>}, {pipeline_mode = #tpu.pipeline_mode<synchronous>, transform_indices = @transform_3, window_bounds = array<i64: 2048, 1024>}, {transform_indices = @transform_4, window_bounds = array<i64: 512, 1024>}]} {
    %get3A = arith.constant 0 : index
    %get3A_0 = arith.constant 0 : index
    %get3A_1 = vector.load %arg1[%get3A, %get3A_0] : memref<512x1024xf32, #tpu.memory_space<vmem>>, vector<512x1024xf32>
    %convert_element_type3A = arith.truncf %get3A_1 : vector<512x1024xf32> to vector<512x1024xbf16>
    %get3A_2 = arith.constant 0 : index
    %get3A_3 = arith.constant 0 : index
    %get3A_4 = vector.load %arg2[%get3A_2, %get3A_3] : memref<1024x2048xf32, #tpu.memory_space<vmem>>, vector<1024x2048xf32>
    %convert_element_type3A_5 = arith.truncf %get3A_4 : vector<1024x2048xf32> to vector<1024x2048xbf16>
    %dot_general3A = arith.constant dense<0.000000e+00> : vector<512x2048xf32>
    %dot_general3A_6 = tpu.matmul %convert_element_type3A, %convert_element_type3A_5, %dot_general3A {dimension_numbers = #tpu.dot_dimension_numbers<[1], [0], [0], [1], [0, 0, 1, 1], [], []>, transpose_lhs_hint = false} : vector<512x1024xbf16>, vector<1024x2048xbf16>, vector<512x2048xf32> -> vector<512x2048xf32>
    %get3A_7 = arith.constant 0 : index
    %get3A_8 = arith.constant 0 : index
    %get3A_9 = vector.load %arg3[%get3A_7, %get3A_8] : memref<1024x2048xf32, #tpu.memory_space<vmem>>, vector<1024x2048xf32>
    %convert_element_type3A_10 = arith.truncf %get3A_9 : vector<1024x2048xf32> to vector<1024x2048xbf16>
    %dot_general3A_11 = arith.constant dense<0.000000e+00> : vector<512x2048xf32>
    %dot_general3A_12 = tpu.matmul %convert_element_type3A, %convert_element_type3A_10, %dot_general3A_11 {dimension_numbers = #tpu.dot_dimension_numbers<[1], [0], [0], [1], [0, 0, 1, 1], [], []>, transpose_lhs_hint = false} : vector<512x1024xbf16>, vector<1024x2048xbf16>, vector<512x2048xf32> -> vector<512x2048xf32>
    %logistic3A = arith.negf %dot_general3A_6 : vector<512x2048xf32>
    %logistic3A_13 = math.exp %logistic3A : vector<512x2048xf32>
    %logistic3A_14 = arith.constant 1.000000e+00 : f32
    %logistic3A_15 = vector.broadcast %logistic3A_14 : f32 to vector<512x2048xf32>
    %logistic3A_16 = arith.addf %logistic3A_15, %logistic3A_13 : vector<512x2048xf32>
    %logistic3A_17 = arith.divf %logistic3A_15, %logistic3A_16 : vector<512x2048xf32>
    %mul3A = arith.mulf %dot_general3A_6, %logistic3A_17 : vector<512x2048xf32>
    %mul3A_18 = arith.mulf %mul3A, %dot_general3A_12 : vector<512x2048xf32>
    %convert_element_type3A_19 = arith.truncf %mul3A_18 : vector<512x2048xf32> to vector<512x2048xbf16>
    %get3A_20 = arith.constant 0 : index
    %get3A_21 = arith.constant 0 : index
    %get3A_22 = vector.load %arg4[%get3A_20, %get3A_21] : memref<2048x1024xf32, #tpu.memory_space<vmem>>, vector<2048x1024xf32>
    %convert_element_type3A_23 = arith.truncf %get3A_22 : vector<2048x1024xf32> to vector<2048x1024xbf16>
    %dot_general3A_24 = arith.constant dense<0.000000e+00> : vector<512x1024xf32>
    %dot_general3A_25 = tpu.matmul %convert_element_type3A_19, %convert_element_type3A_23, %dot_general3A_24 {dimension_numbers = #tpu.dot_dimension_numbers<[1], [0], [0], [1], [0, 0, 1, 1], [], []>, transpose_lhs_hint = false} : vector<512x2048xbf16>, vector<2048x1024xbf16>, vector<512x1024xf32> -> vector<512x1024xf32>
    %swap3A = arith.constant 0 : index
    %swap3A_26 = arith.constant 0 : index
    %swap3A_27 = vector.load %arg5[%swap3A, %swap3A_26] : memref<512x1024xf32, #tpu.memory_space<vmem>>, vector<512x1024xf32>
    tpu.vector_store %arg5[%swap3A, %swap3A_26], %dot_general3A_25 {strides = array<i32>} : memref<512x1024xf32, #tpu.memory_space<vmem>>, vector<512x1024xf32>,
    return
  }
  func.func @transform_0(%arg0: i32) -> (i32, i32) {
    %c0_i32 = arith.constant 0 : i32
    %c0_i32_0 = arith.constant 0 : i32
    return %arg0, %c0_i32 : i32, i32
  }
  func.func @transform_1(%arg0: i32) -> (i32, i32) {
    %c0_i32 = arith.constant 0 : i32
    %c0_i32_0 = arith.constant 0 : i32
    %c0_i32_1 = arith.constant 0 : i32
    return %c0_i32, %c0_i32_0 : i32, i32
  }
  func.func @transform_2(%arg0: i32) -> (i32, i32) {
    %c0_i32 = arith.constant 0 : i32
    %c0_i32_0 = arith.constant 0 : i32
    %c0_i32_1 = arith.constant 0 : i32
    return %c0_i32, %c0_i32_0 : i32, i32
  }
  func.func @transform_3(%arg0: i32) -> (i32, i32) {
    %c0_i32 = arith.constant 0 : i32
    %c0_i32_0 = arith.constant 0 : i32
    %c0_i32_1 = arith.constant 0 : i32
    return %c0_i32, %c0_i32_0 : i32, i32
  }
  func.func @transform_4(%arg0: i32) -> (i32, i32) {
    %c0_i32 = arith.constant 0 : i32
    %c0_i32_0 = arith.constant 0 : i32
    return %arg0, %c0_i32 : i32, i32
  }
}

</mosaic_0001>

<sc_bundles>
// kernel: kernel.10.cloned.1.call-start
scs
__scs_entry_jumppad:
0x0: {  	(pc) =	sbr.rel $0x88, $3  }
0x1: {  	(tag) =	ssettag $0x0;
	lr =	simm.s32 $0x1  }
0x2: {  	[smem:$0x3F97] =	sst lr;
	_ =	strace $0xD0000000  }
0x3: {  	_ = 	snop  }
0x4: {  	_ = 	snop  }
0x5: {  	_ = 	snop  }
0x6: {  	_ = 	snop  }
0x7: {  	_ = 	snop  }
__scs_overlays_trampoline_lowered:
0x8: {  	[smem:$0x3FA6] =	sst s0  }
0x9: {  	[smem:$0x3FA7] =	sst s1  }
0xa: {  	[smem:$0x3FA8] =	sst s2  }
0xb: {  	[smem:$0x3FA9] =	sst s3  }
0xc: {  	[smem:$0x3FAA] =	sst s4  }
0xd: {  	[smem:$0x3FAB] =	sst s5  }
0xe: {  	[smem:$0x3FAC] =	sst s6  }
0xf: {  	[smem:$0x3FAD] =	sst s7  }
0x10: {  	[smem:$0x3FAE] =	sst s8  }
0x11: {  	[smem:$0x3FAF] =	sst s9;
	s0 =	simm.s32 @!p0 $0x0  }
0x12: {  	s1 =	sld [smem:$0x3F95];
	s0 =	simm.s32 @p0 $0x1  }
0x13: {  	[smem:$0x3FB0] =	sst s0;
	s0 =	simm.s32 @!p1 $0x0  }
0x14: {  	s2 =	sld [smem:$0x3F94];
	s0 =	simm.s32 @p1 $0x1  }
0x15: {  	[smem:$0x3FB1] =	sst s0;
	s0 =	simm.s32 @!p2 $0x0  }
0x16: {  	s3 =	sld [smem:$0x3FDB];
	s0 =	simm.s32 @p2 $0x1  }
0x17: {  	s4 =	simm.s32 $0x1BF5;
	[smem:$0x3FB3] =	sst s0  }
0x18: {  	s0 =	sld [smem:$0x3F96];
	_ =	swait.ge [sflag:s4], $0x0  }
0x19: {  	s7 =	sld [smem:$0x3F97]  }
0x1a: {  	s8 =	sadd.s32 $0xFFFFE003, lr  }
0x1b: {  	s9 =	sadd.s32 $0xFFFFFEF7, lr;
	s5 =	simm.s32 $0xFFFFFFFF;
	p2 =	slt.u32 s8, $0xFFFFF086  }
0x1c: {  	p1 =	slt.u32 s9, $0xF7A;
	s5 =	simm.s32 @!p2 $0x0  }
0x1d: {  	s5 =	simm.s32 @p1 $0x1;
	p0 =	seq.s32 s7, s2  }
0x1e: {  	s7 =	smul.u32 @!p0 $0xF7A, s2;
	p2 =	seq.s32 @!p0 s5, $0x0  }
0x1f: {  	s9 =	smul.u32 $0xF7A, s1;
	s8 =	simm.s32 @!p0 $0x1BF5;
	p2 =	por !p2, p0  }
0x20: {  	[sflag:s8] =	ssyncset.s32 @!p0 $0xFFFFF086;
	s6 =	sadd.s32 @!p0 s3, s7;
	s7 =	simm.s32 @!p0 $0x108  }
0x21: {  	s3 =	sadd.s32 s3, s9;
	s6 =	sadd.s32 @!p0 $0x88, s6;
	s7 =	simm.s32 @p2 $0x1082  }
0x22: {  	[simem:s7], [sflag:s8] =	dma.local @!p0 [hbm:s6], $0xF7A  }
0x23: {  	s9 =	sor.u32 $0xD0000000, s2;
	s6 =	simm.s32 $0x108;
	_ =	swait.ge @!p0 [sflag:s8], $0x0  }
0x24: {  	s3 =	sadd.s32 $0x88, s3;
	s6 =	simm.s32 @!p1 $0x1082;
	[sflag:s4] =	ssyncset.s32 $0xFFFFF086  }
0x25: {  	[simem:s6], [sflag:s4] =	dma.local [hbm:s3], $0xF7A  }
0x26: {  	[smem:$0x3F97] =	sst s1;
	(tag) =	ssettag s2;
	_ =	strace s9  }
0x27: {  	s1 =	sld [smem:$0x3FA7]  }
0x28: {  	s2 =	sld [smem:$0x3FA8]  }
0x29: {  	s4 =	sld [smem:$0x3FAA]  }
0x2a: {  	p0 =	seq.s32 s5, $0x0;
	s5 =	sld [smem:$0x3FAB]  }
0x2b: {  	s6 =	sld [smem:$0x3FAC]  }
0x2c: {  	s7 =	sld [smem:$0x3FAD]  }
0x2d: {  	s3 =	simm.s32 $0x108;
	s8 =	sld [smem:$0x3FAE]  }
0x2e: {  	s3 =	simm.s32 @!p0 $0x1082;
	s9 =	sld [smem:$0x3FAF]  }
0x2f: {  	lr =	sadd.s32 s0, s3;
	s0 =	sld [smem:$0x3FA6]  }
0x30: {  	s3 =	sld [smem:$0x3FA9]  }
0x31: {  	[smem:$0x3FB2] =	sst s10  }
0x32: {  	s10 =	sld [smem:$0x3FB0];
	_ =	sdelay $0x3  }
0x33: {  	p0 =	seq.s32 s10, $0x1;
	s10 =	sld [smem:$0x3FB2];
	_ =	sdelay $0x3  }
0x34: {  	[smem:$0x3FB2] =	sst s10  }
0x35: {  	s10 =	sld [smem:$0x3FB1];
	_ =	sdelay $0x3  }
0x36: {  	p1 =	seq.s32 s10, $0x1;
	s10 =	sld [smem:$0x3FB2];
	_ =	sdelay $0x3  }
0x37: {  	[smem:$0x3FB2] =	sst s10  }
0x38: {  	s10 =	sld [smem:$0x3FB3]  }
0x39: {  	_ = 	snop;
	(pc) =	sbr.ind lr, $3  }
0x3a: {  	_ = 	snop  }
0x3b: {  	_ = 	snop  }
0x3c: {  	p2 =	seq.s32 s10, $0x1;
	s10 =	sld [smem:$0x3FB2]  }
0x3d: {  	_ =	shalt  }
0x3e: {  	_ =	shalt  }
0x3f: {  	_ =	shalt  }
0x40: {  	_ =	shalt  }
0x41: {  	_ =	shalt  }
0x42: {  	_ =	shalt  }
0x43: {  	_ =	shalt  }
0x44: {  	_ =	shalt  }
0x45: {  	_ =	shalt  }
0x46: {  	_ =	shalt  }
0x47: {  	_ =	shalt  }
0x48: {  	_ =	shalt  }
0x49: {  	_ =	shalt  }
0x4a: {  	_ =	shalt  }
0x4b: {  	_ =	shalt  }
0x4c: {  	_ =	shalt  }
0x4d: {  	_ =	shalt  }
0x4e: {  	_ =	shalt  }
0x4f: {  	_ =	shalt  }
0x50: {  	_ =	shalt  }
0x51: {  	_ =	shalt  }
0x52: {  	_ =	shalt  }
0x53: {  	_ =	shalt  }
0x54: {  	_ =	shalt  }
0x55: {  	_ =	shalt  }
0x56: {  	_ =	shalt  }
0x57: {  	_ =	shalt  }
0x58: {  	_ =	shalt  }
0x59: {  	_ =	shalt  }
0x5a: {  	_ =	shalt  }
0x5b: {  	_ =	shalt  }
0x5c: {  	_ =	shalt  }
0x5d: {  	_ =	shalt  }
0x5e: {  	_ =	shalt  }
0x5f: {  	_ =	shalt  }
0x60: {  	_ =	shalt  }
0x61: {  	_ =	shalt  }
0x62: {  	_ =	shalt  }
0x63: {  	_ =	shalt  }
0x64: {  	_ =	shalt  }
0x65: {  	_ =	shalt  }
0x66: {  	_ =	shalt  }
0x67: {  	_ =	shalt  }
0x68: {  	_ =	shalt  }
0x69: {  	_ =	shalt  }
0x6a: {  	_ =	shalt  }
0x6b: {  	_ =	shalt  }
0x6c: {  	_ =	shalt  }
0x6d: {  	_ =	shalt  }
0x6e: {  	_ =	shalt  }
0x6f: {  	_ =	shalt  }
0x70: {  	_ =	shalt  }
0x71: {  	_ =	shalt  }
0x72: {  	_ =	shalt  }
0x73: {  	_ =	shalt  }
0x74: {  	_ =	shalt  }
0x75: {  	_ =	shalt  }
0x76: {  	_ =	shalt  }
0x77: {  	_ =	shalt  }
0x78: {  	_ =	shalt  }
0x79: {  	_ =	shalt  }
0x7a: {  	_ =	shalt  }
0x7b: {  	_ =	shalt  }
0x7c: {  	_ =	shalt  }
0x7d: {  	_ =	shalt  }
0x7e: {  	_ =	shalt  }
0x7f: {  	_ =	shalt  }
0x80: {  	_ =	shalt  }
0x81: {  	_ =	shalt  }
0x82: {  	_ =	shalt  }
0x83: {  	_ =	shalt  }
0x84: {  	_ =	shalt  }
0x85: {  	_ =	shalt  }
0x86: {  	_ =	shalt  }
0x87: {  	_ =	shalt  }
.Lfunc_end0:
.L_simem_size_0:
called_computation.1_lowered:
.L_overlay_start_0:
0x88: {  	s2 =	sld [smem:$0x3FD9]  }
0x89: {  	s3 =	sld [smem:$0x3FFE];
	_ =	sdelay $0x1  }
0x8a: {  	s1 =	srdreg.scid  }
0x8b: {  	s0 =	sand.u32 $0x1, s1  }
0x8c: {  	s14 =	sshll.u32 s0, $0xA;
	s2 =	sadd.s32 s3, s2  }
0x8d: {  	s2 =	sadd.s32 s2, s14  }
0x8e: {  	[smem:$0x3FBE] =	sst s2  }
0x8f: {  	_ = 	snop  }
0x90: {  	s2 =	sld [smem:$0x3FD0];
	_ =	sdelay $0x2  }
0x91: {  	s15 =	simm.s32 $0xA;
	s4 =	simm.s32 $0x10  }
0x92: {  	[smem:s4], [sflag:s15] =	dma.local [hbm:s2], $0x1  }
0x93: {  	_ =	swait.eq [sflag:s15], $0x1  }
0x94: {  	[sflag:s15] =	ssyncset.done $0x0  }
0x95: {  	[sflag:s15] =	ssyncadd.s32 $0xFFFFFFFF  }
0x96: {  	s16 =	sld [smem:$0x10];
	(tm) =	ssettm $0x1  }
0x97: {  	s17 =	sld [smem:$0x3FFB];
	_ =	sdelay $0x3  }
0x98: {  	_ =	strace s17  }
0x99: {  	s3 =	sld [smem:$0x3FFC];
	_ =	sdelay $0x3  }
0x9a: {  	_ =	strace s3  }
0x9b: {  	s3 =	sld [smem:$0x3FFD];
	_ =	sdelay $0x3  }
0x9c: {  	_ =	strace s3  }
0x9d: {  	_ =	strace $0x8FFFFFFF  }
0x9e: {  	s18 =	sld [smem:$0x3FDB];
	_ =	sdelay $0x1  }
0x9f: {  	s19 =	simm.s32 $_scs_section_size  }
0xa0: {  	s5 =	simm.s32 $_size__tile_overlayer_lowered;
	s6 =	simm.s32 $_tile_overlayer_lowered  }
0xa1: {  	s22 =	simm.s32 $0x1BFF;
	s21 =	sshll.u32 s6, $0x1;
	s3 =	sadd.s32 s19, s18  }
0xa2: {  	s7 =	simm.s32 $0x0;
	s20 =	sshll.u32 s5, $0x1;
	s5 =	sadd.s32 s21, s3  }
0xa3: {  	[timem:s7], [sflag:s22] =	dma.local [hbm:s5], s20  }
0xa4: {  	_ =	swait.ge [sflag:s22], s20  }
0xa5: {  	s4 =	ssub.s32 $0x0, s20;
	[sflag:s22] =	ssyncset.done $0x0  }
0xa6: {  	[sflag:s22] =	ssyncadd.s32 s4;
	_ =	sdelay $0x1  }
0xa7: {  	s23 =	simm.s32 $0x1B8B  }
0xa8: {  	_ =	swait.ge [sflag:s23], $0x1  }
0xa9: {  	[sflag:s23] =	ssyncset.done $0x0  }
0xaa: {  	s25 =	simm.s32 $0x1B8E;
	s24 =	sld [smem:$0x3FFE];
	[sflag:s23] =	ssyncadd.s32 $0xFFFFFFFF  }
0xab: {  	s26 =	simm.s32 $execute0_lowered;
	[smem:$0x3FD2] =	sst s25  }
0xac: {  	s5 =	sshll.u32 s26, $0x1;
	_ =	strace $0x80000049;
	[dreg:$0x1] =	wrdreg $0xFFFFFFFF  }
0xad: {  	s28 =	simm.s32 $_size_execute0_lowered;
	s3 =	sadd.s32 s3, s5;
	[dreg:$0x0] =	wrdreg $0x0  }
0xae: {  	s5 =	sshll.u32 s28, $0x1;
	[dreg:$0x2] =	wrdreg s3  }
0xaf: {  	[dreg:$0x3] =	wrdreg s5  }
0xb0: {  	[dreg:$0x4] =	wrdreg $0xC0  }
0xb1: {  	_ =	task [dreg:s7], $0x5FFFF  }
0xb2: {  	[dreg:$0x1] =	wrdreg $0xFFFFFFFF  }
0xb3: {  	[dreg:$0x0] =	wrdreg $0x60  }
0xb4: {  	[dreg:$0x2] =	wrdreg s24  }
0xb5: {  	[dreg:$0x3] =	wrdreg s16  }
0xb6: {  	[dreg:$0x4] =	wrdreg $0x9  }
0xb7: {  	_ =	task.clear_ibuf [dreg:s7], $0x5FFFF;
	_ =	strace $0x90000049  }
0xb8: {  	s29 =	simm.s32 $0x9;
	_ =	strace $0x8000004B  }
0xb9: {  	_ =	swait.ge [sflag:s29], $0x1  }
0xba: {  	[sflag:s29] =	ssyncadd.s32 $0xFFFFFFFF  }
0xbb: {  	_ =	strace $0x9000004B  }
0xbc: {  	_ =	sfence  }
0xbd: {  	s30 =	sld [smem:$0x0];
	_ =	sdelay $0x2  }
0xbe: {  	s31 =	sshll.u32 s1, $0xD;
	s1 =	sshrl.u32 s1, $0x2  }
0xbf: {  	s3 =	sand.u32 $0x4000, s31;
	s1 =	sadd.s32 s1, s30  }
0xc0: {  	s0 =	sor.u32 s3, s0;
	s1 =	sshll.u32 s1, $0x11  }
0xc1: {  	s0 =	sor.u32 s1, s0  }
0xc2: {  	s0 =	sadd.s32 $0x8F2B, s0  }
0xc3: {  	[sflag:s0] =	ssyncadd.remote.s32 $0x1  }
0xc4: {  	_ =	sfence.sel $0xFFFF  }
0xc5: {  	[dreg:$0x0] =	wrdreg $0xFFFFFFFF;
	(pc) =	sbr.abs _section_cstart, $3  }
0xc6: {  	[dreg:$0x1] =	wrdreg $0xFFFFFFFF  }
0xc7: {  	_ =	task.clear_ibuf [dreg:s7], $0x2FFFF;
	_ =	strace $0x9FFFFFFF  }
0xc8: {  	(tm) =	ssettm $0x7FFFFFFF  }
0xc9: {  	_ =	shalt  }
tec
execute0_lowered:
.L_overlay_start_1:
0x0: {  	(tag) =	ssettag $0x1  }
0x1: {  	s0 =	rddreg [dreg:$0x0]  }
0x2: {  	s2 =	rddreg [dreg:$0x1];
	s1 =	simm.s32 $0x0;
	s4 =	srdreg.scid  }
0x3: {  	s8 =	stileid.u32;
	s16 =	simm.s32 $0x2;
	s19 =	simm.s32 $0x10800  }
0x4: {  	s20 =	simm.s32 $0x11800;
	s28 =	simm.s32 $0x16000;
	s29 =	simm.s32 $0x17000  }
0x5: {  	s30 =	simm.s32 $0x1;
	s13 =	simm.s32 $0x0;
	[smem:$0x7FF] =	sst s1  }
0x6: {  	s3 =	sadd.s32 $0x11A000, s0;
	s5 =	sadd.s32 $0xDA000, s0;
	s4 =	sand.u32 $0x1, s4  }
0x7: {  	s7 =	sadd.s32 $0xD9800, s0;
	s8 =	sshll.u32 s8, $0x1;
	s10 =	sadd.s32 $0xD9C00, s0  }
0x8: {  	_ =	strace $0x8000004A;
	s6 =	ssub.s32 $0x2, s4;
	s4 =	sor.u32 s4, s8  }
0x9: {  	s8 =	sadd.s32 $0x11A200, s0;
	s9 =	sshrl.u32 s6, $0x1;
	s12 =	sshll.u32 s4, $0xD  }
0xa: {  	s4 =	sshll.u32 s4, $0x5;
	s11 =	ssub.s32 s6, s9;
	s21 =	sadd.s32 s5, s12  }
0xb: {  	s22 =	sadd.s32 s7, s4;
	s6 =	sadd.s32 $0x11A100, s0;
	[dreg:$0x3] =	wrdreg s21  }
0xc: {  	s23 =	sadd.s32 s10, s4;
	s9 =	sadd.s32 $0x11A300, s0;
	[dreg:$0x4] =	wrdreg s22  }
0xd: {  	s24 =	sadd.s32 s2, s12;
	s25 =	sor.u32 $0x1000, s12;
	[dreg:$0x5] =	wrdreg s23  }
0xe: {  	s4 =	sor.u32 $0x10, s4;
	s12 =	simm.s32 $0x17800;
	[dreg:$0x6] =	wrdreg s24  }
0xf: {  	s5 =	sadd.s32 s5, s25;
	s26 =	sadd.s32 s7, s4;
	s4 =	sadd.s32 s10, s4  }
0x10: {  	s0 =	sadd.s32 s2, s25;
	s31 =	smax.u32 s11, $0x1;
	[dreg:$0x7] =	wrdreg s5  }
0x11: {  	v0 =	vlaneseq.u32;
	s21 =	simm.s32 $0x12000;
	s7 =	simm.s32 $0x12800;
	[dreg:$0x8] =	wrdreg s26  }
0x12: {  	v1 =	vand.u32 $0x7, v0;
	v63 =	vshrl.u32 v0, $0x3;
	s22 =	simm.s32 $0x13000;
	s23 =	simm.s32 $0x13800;
	[dreg:$0x9] =	wrdreg s4  }
0x13: {  	v0 =	vor.u32 $0x8, v0;
	[tilespmem:$0x1FFD0] =	vst v1;
	v1 =	vmul.u32 $0x8, v63;
	s24 =	simm.s32 $0x14000;
	s10 =	simm.s32 $0x14800;
	[dreg:$0xa] =	wrdreg s0  }
0x14: {  	[tilespmem:$0x1FFF0] =	vst v0;
	s25 =	simm.s32 $0x15000;
	s11 =	simm.s32 $0x16800;
	[dreg:$0xb] =	wrdreg s31  }
0x15: {  	vm0 =	vmmov $0xffff;
	[tilespmem:$0x1FFE0] =	vst v1;
	s4 =	simm.s32 $0x10000;
	s5 =	simm.s32 $0x11000;
	s26 =	simm.s32 $0x15800  }
.LBB2_1:
0x16: {  	s0 =	rddreg [dreg:$0x3]  }
0x17: {  	[tilespmem:s1], [sflag:$0x2] =	stream.linear.gather [hbm4b:s0+s1], $0x8000, $0x38;
	[tilespmem:$0x18100] =	vst v63  }
0x18: {  	_ =	swait.ge [sflag:s16], $0x8000  }
0x19: {  	[sflag:s16] =	ssyncset.done $0x0  }
0x1a: {  	s2 =	simm.s32 $0x18000;
	s14 =	rddreg [dreg:$0x4];
	[sflag:s16] =	ssyncadd.s32 $0xFFFF8000  }
0x1b: {  	[tilespmem:s2], [sflag:$0x2] =	stream.linear.gather [hbm4b:s14+s1], $0x80, $0x38;
	[tilespmem:$0x18100] =	vst v63  }
0x1c: {  	_ =	swait.ge [sflag:s16], $0x80  }
0x1d: {  	[sflag:s16] =	ssyncset.done $0x0  }
0x1e: {  	s17 =	simm.s32 $0x18080;
	s15 =	rddreg [dreg:$0x5];
	[sflag:s16] =	ssyncadd.s32 $0xFFFFFF80  }
0x1f: {  	[tilespmem:s17], [sflag:$0x2] =	stream.linear.gather [hbm4b:s15+s1], $0x80, $0x38;
	[tilespmem:$0x18100] =	vst v63  }
0x20: {  	_ =	swait.ge [sflag:s16], $0x80  }
0x21: {  	[sflag:s16] =	ssyncset.done $0x0  }
0x22: {  	[sflag:s16] =	ssyncadd.s32 $0xFFFFFF80  }
0x23: {  	v0 =	vld [tilespmem:$0x18000];
	_ =	sdelay $0x2  }
0x24: {  	v2 =	vld [tilespmem:$0x1FFD0];
	_ =	sdelay $0x1  }
0x25: {  	v3 =	vld [tilespmem:$0x1FFE0];
	v1 =	vshll.u32 v0, $0x3  }
0x26: {  	v0 =	vand.u32 $0x7, v0;
	v1 =	vand.u32 $0xFFFFFFC0, v1  }
0x27: {  	v0 =	vor.u32 v0, v1  }
0x28: {  	v1 =	vperm.xlane v0, v2;
	_ =	sdelay $0x1  }
0x29: {  	v1 =	vadd.s32 v3, v1  }
0x2a: {  	v4 =	vld [tilespmem:$0x1FFF0];
	_ =	sdelay $0x2  }
0x2b: {  	s18 =	simm.s32 $0x8000  }
0x2c: {  	[tilespmem:s18], [sflag:$0x1] =	stream.indirect_vreg.gather [hbm4b:s3+s1], $0x80, v1, vm0, $0xb8;
	[tilespmem:$0x18100] =	vst v63  }
0x2d: {  	s2 =	simm.s32 $0x8800;
	v0 =	vperm.xlane v0, v4  }
0x2e: {  	[tilespmem:s2], [sflag:$0x1] =	stream.indirect_vreg.gather [hbm4b:s6+s1], $0x80, v1, vm0, $0xb8;
	[tilespmem:$0x18100] =	vst v63  }
0x2f: {  	s14 =	simm.s32 $0x9000;
	v0 =	vadd.s32 v3, v0  }
0x30: {  	[tilespmem:s14], [sflag:$0x1] =	stream.indirect_vreg.gather [hbm4b:s8+s1], $0x80, v1, vm0, $0xb8;
	[tilespmem:$0x18100] =	vst v63  }
0x31: {  	s15 =	simm.s32 $0x9800  }
0x32: {  	[tilespmem:s15], [sflag:$0x1] =	stream.indirect_vreg.gather [hbm4b:s9+s1], $0x80, v1, vm0, $0xb8;
	[tilespmem:$0x18100] =	vst v63  }
0x33: {  	s17 =	simm.s32 $0xA000  }
0x34: {  	[tilespmem:s17], [sflag:$0x1] =	stream.indirect_vreg.gather [hbm4b:s3+s1], $0x80, v0, vm0, $0xb8;
	[tilespmem:$0x18100] =	vst v63  }
0x35: {  	s18 =	simm.s32 $0xA800  }
0x36: {  	[tilespmem:s18], [sflag:$0x1] =	stream.indirect_vreg.gather [hbm4b:s6+s1], $0x80, v0, vm0, $0xb8;
	[tilespmem:$0x18100] =	vst v63  }
0x37: {  	s2 =	simm.s32 $0xB000  }
0x38: {  	[tilespmem:s2], [sflag:$0x1] =	stream.indirect_vreg.gather [hbm4b:s8+s1], $0x80, v0, vm0, $0xb8;
	[tilespmem:$0x18100] =	vst v63  }
0x39: {  	s14 =	simm.s32 $0xB800  }
0x3a: {  	[tilespmem:s14], [sflag:$0x1] =	stream.indirect_vreg.gather [hbm4b:s9+s1], $0x80, v0, vm0, $0xb8;
	[tilespmem:$0x18100] =	vst v63  }
0x3b: {  	v0 =	vld [tilespmem:$0x18010];
	_ =	sdelay $0x4  }
0x3c: {  	v61 =	vshll.u32 v0, $0x3  }
0x3d: {  	v0 =	vand.u32 $0x7, v0;
	v1 =	vand.u32 $0xFFFFFFC0, v61  }
0x3e: {  	v0 =	vor.u32 v0, v1  }
0x3f: {  	v1 =	vperm.xlane v0, v2;
	_ =	sdelay $0x1  }
0x40: {  	v1 =	vadd.s32 v3, v1;
	_ =	sdelay $0x3  }
0x41: {  	s15 =	simm.s32 $0xC000  }
0x42: {  	[tilespmem:s15], [sflag:$0x1] =	stream.indirect_vreg.gather [hbm4b:s3+s1], $0x80, v1, vm0, $0xb8;
	[tilespmem:$0x18100] =	vst v63  }
0x43: {  	s17 =	simm.s32 $0xC800;
	v0 =	vperm.xlane v0, v4  }
0x44: {  	[tilespmem:s17], [sflag:$0x1] =	stream.indirect_vreg.gather [hbm4b:s6+s1], $0x80, v1, vm0, $0xb8;
	[tilespmem:$0x18100] =	vst v63  }
0x45: {  	s18 =	simm.s32 $0xD000;
	v0 =	vadd.s32 v3, v0  }
0x46: {  	[tilespmem:s18], [sflag:$0x1] =	stream.indirect_vreg.gather [hbm4b:s8+s1], $0x80, v1, vm0, $0xb8;
	[tilespmem:$0x18100] =	vst v63  }
0x47: {  	s2 =	simm.s32 $0xD800  }
0x48: {  	[tilespmem:s2], [sflag:$0x1] =	stream.indirect_vreg.gather [hbm4b:s9+s1], $0x80, v1, vm0, $0xb8;
	[tilespmem:$0x18100] =	vst v63  }
0x49: {  	s14 =	simm.s32 $0xE000  }
0x4a: {  	[tilespmem:s14], [sflag:$0x1] =	stream.indirect_vreg.gather [hbm4b:s3+s1], $0x80, v0, vm0, $0xb8;
	[tilespmem:$0x18100] =	vst v63  }
0x4b: {  	s15 =	simm.s32 $0xE800  }
0x4c: {  	[tilespmem:s15], [sflag:$0x1] =	stream.indirect_vreg.gather [hbm4b:s6+s1], $0x80, v0, vm0, $0xb8;
	[tilespmem:$0x18100] =	vst v63  }
0x4d: {  	s17 =	simm.s32 $0xF000  }
0x4e: {  	[tilespmem:s17], [sflag:$0x1] =	stream.indirect_vreg.gather [hbm4b:s8+s1], $0x80, v0, vm0, $0xb8;
	[tilespmem:$0x18100] =	vst v63  }
0x4f: {  	s18 =	simm.s32 $0xF800  }
0x50: {  	[tilespmem:s18], [sflag:$0x1] =	stream.indirect_vreg.gather [hbm4b:s9+s1], $0x80, v0, vm0, $0xb8;
	[tilespmem:$0x18100] =	vst v63  }
0x51: {  	v0 =	vld [tilespmem:$0x18080];
	_ =	sdelay $0x4  }
0x52: {  	v62 =	vshll.u32 v0, $0x3  }
0x53: {  	v0 =	vand.u32 $0x7, v0;
	v1 =	vand.u32 $0xFFFFFFC0, v62  }
0x54: {  	v0 =	vor.u32 v0, v1  }
0x55: {  	v1 =	vperm.xlane v0, v2;
	_ =	sdelay $0x1  }
0x56: {  	v1 =	vadd.s32 v3, v1;
	_ =	sdelay $0x4  }
0x57: {  	[tilespmem:s4], [sflag:$0x1] =	stream.indirect_vreg.gather [hbm4b:s3+s1], $0x80, v1, vm0, $0xb8;
	[tilespmem:$0x18100] =	vst v63  }
0x58: {  	v0 =	vperm.xlane v0, v4  }
0x59: {  	[tilespmem:s19], [sflag:$0x1] =	stream.indirect_vreg.gather [hbm4b:s6+s1], $0x80, v1, vm0, $0xb8;
	[tilespmem:$0x18100] =	vst v63  }
0x5a: {  	v0 =	vadd.s32 v3, v0  }
0x5b: {  	[tilespmem:s5], [sflag:$0x1] =	stream.indirect_vreg.gather [hbm4b:s8+s1], $0x80, v1, vm0, $0xb8;
	[tilespmem:$0x18100] =	vst v63  }
0x5c: {  	_ = 	snop  }
0x5d: {  	[tilespmem:s20], [sflag:$0x1] =	stream.indirect_vreg.gather [hbm4b:s9+s1], $0x80, v1, vm0, $0xb8;
	[tilespmem:$0x18100] =	vst v63  }
0x5e: {  	_ = 	snop  }
0x5f: {  	[tilespmem:s21], [sflag:$0x1] =	stream.indirect_vreg.gather [hbm4b:s3+s1], $0x80, v0, vm0, $0xb8;
	[tilespmem:$0x18100] =	vst v63  }
0x60: {  	_ = 	snop  }
0x61: {  	[tilespmem:s7], [sflag:$0x1] =	stream.indirect_vreg.gather [hbm4b:s6+s1], $0x80, v0, vm0, $0xb8;
	[tilespmem:$0x18100] =	vst v63  }
0x62: {  	_ = 	snop  }
0x63: {  	[tilespmem:s22], [sflag:$0x1] =	stream.indirect_vreg.gather [hbm4b:s8+s1], $0x80, v0, vm0, $0xb8;
	[tilespmem:$0x18100] =	vst v63  }
0x64: {  	_ = 	snop  }
0x65: {  	[tilespmem:s23], [sflag:$0x1] =	stream.indirect_vreg.gather [hbm4b:s9+s1], $0x80, v0, vm0, $0xb8;
	[tilespmem:$0x18100] =	vst v63  }
0x66: {  	v0 =	vld [tilespmem:$0x18090];
	_ =	sdelay $0x4  }
0x67: {  	v63 =	vshll.u32 v0, $0x3  }
0x68: {  	v0 =	vand.u32 $0x7, v0;
	v1 =	vand.u32 $0xFFFFFFC0, v63  }
0x69: {  	v0 =	vor.u32 v0, v1  }
0x6a: {  	v1 =	vperm.xlane v0, v2;
	_ =	sdelay $0x1  }
0x6b: {  	v1 =	vadd.s32 v3, v1;
	_ =	sdelay $0x4  }
0x6c: {  	[tilespmem:s24], [sflag:$0x1] =	stream.indirect_vreg.gather [hbm4b:s3+s1], $0x80, v1, vm0, $0xb8;
	[tilespmem:$0x18100] =	vst v63  }
0x6d: {  	v0 =	vperm.xlane v0, v4  }
0x6e: {  	[tilespmem:s10], [sflag:$0x1] =	stream.indirect_vreg.gather [hbm4b:s6+s1], $0x80, v1, vm0, $0xb8;
	[tilespmem:$0x18100] =	vst v63  }
0x6f: {  	v0 =	vadd.s32 v3, v0  }
0x70: {  	[tilespmem:s25], [sflag:$0x1] =	stream.indirect_vreg.gather [hbm4b:s8+s1], $0x80, v1, vm0, $0xb8;
	[tilespmem:$0x18100] =	vst v63  }
0x71: {  	_ = 	snop  }
0x72: {  	[tilespmem:s26], [sflag:$0x1] =	stream.indirect_vreg.gather [hbm4b:s9+s1], $0x80, v1, vm0, $0xb8;
	[tilespmem:$0x18100] =	vst v63  }
0x73: {  	_ = 	snop  }
0x74: {  	[tilespmem:s28], [sflag:$0x1] =	stream.indirect_vreg.gather [hbm4b:s3+s1], $0x80, v0, vm0, $0xb8;
	[tilespmem:$0x18100] =	vst v63  }
0x75: {  	_ = 	snop  }
0x76: {  	[tilespmem:s11], [sflag:$0x1] =	stream.indirect_vreg.gather [hbm4b:s6+s1], $0x80, v0, vm0, $0xb8;
	[tilespmem:$0x18100] =	vst v63  }
0x77: {  	_ = 	snop  }
0x78: {  	[tilespmem:s29], [sflag:$0x1] =	stream.indirect_vreg.gather [hbm4b:s8+s1], $0x80, v0, vm0, $0xb8;
	[tilespmem:$0x18100] =	vst v63  }
0x79: {  	_ = 	snop  }
0x7a: {  	[tilespmem:s12], [sflag:$0x1] =	stream.indirect_vreg.gather [hbm4b:s9+s1], $0x80, v0, vm0, $0xb8;
	[tilespmem:$0x18100] =	vst v63  }
0x7b: {  	_ =	swait.ge [sflag:s30], $0x8000  }
0x7c: {  	[sflag:s30] =	ssyncset.done $0x0  }
0x7d: {  	[sflag:s30] =	ssyncadd.s32 $0xFFFF8000  }
0x7e: {  	_ =	swait.ge [sflag:s30], $0x8000  }
0x7f: {  	s31 =	simm.s32 $0xFFFF8000;
	s0 =	simm.s32 $0x0;
	[sflag:s30] =	ssyncset.done $0x0  }
0x80: {  	s14 =	simm.s32 $0x0;
	s15 =	simm.s32 $0x0;
	[sflag:s30] =	ssyncadd.s32 $0xFFFF8000  }
.LBB2_2:
0x81: {  	s2 =	sadd.s32 $0x8000, s31  }
0x82: {  	s17 =	sand.u32 $0x380, s15;
	s2 =	sand.u32 $0x6000, s2  }
0x83: {  	s2 =	sor.u32 s17, s2  }
0x84: {  	v62 =	vld [tilespmem:s2+$0x10860];
	_ =	sdelay $0x4  }
0x85: {  	[tilespmem:$0x1FCF0] =	vst v62;
	v62 =	vld [tilespmem:s2+$0x870];
	_ =	sdelay $0x4  }
0x86: {  	[tilespmem:$0x1FCE0] =	vst v62;
	v62 =	vld [tilespmem:s2+$0x10870];
	_ =	sdelay $0x4  }
0x87: {  	[tilespmem:$0x1FD20] =	vst v62;
	v62 =	vld [tilespmem:s2+$0xC00];
	_ =	sdelay $0x4  }
0x88: {  	[tilespmem:$0x1FD00] =	vst v62;
	v62 =	vld [tilespmem:s2+$0x8C00];
	_ =	sdelay $0x4  }
0x89: {  	[tilespmem:$0x1FD10] =	vst v62;
	v62 =	vld [tilespmem:s2+$0x10C00];
	_ =	sdelay $0x4  }
0x8a: {  	[tilespmem:$0x1FD50] =	vst v62;
	v62 =	vld [tilespmem:s2+$0xC10];
	_ =	sdelay $0x4  }
0x8b: {  	[tilespmem:$0x1FD30] =	vst v62;
	v62 =	vld [tilespmem:s2+$0x8C10];
	_ =	sdelay $0x1  }
0x8c: {  	v3 =	vld [tilespmem:s2+$0x0]  }
0x8d: {  	v7 =	vld [tilespmem:s2+$0x8000]  }
0x8e: {  	v19 =	vld [tilespmem:s2+$0x10000]  }
0x8f: {  	[tilespmem:$0x1FD40] =	vst v62;
	v62 =	vld [tilespmem:s2+$0x10C10]  }
0x90: {  	v20 =	vld [tilespmem:s2+$0x10]  }
0x91: {  	v30 =	vld [tilespmem:s2+$0x8010]  }
0x92: {  	v43 =	vld [tilespmem:s2+$0x10010]  }
0x93: {  	v47 =	vld [tilespmem:s2+$0x20]  }
0x94: {  	[tilespmem:$0x1FD80] =	vst v62;
	v62 =	vld [tilespmem:s2+$0xC20]  }
0x95: {  	v57 =	vld [tilespmem:s2+$0x8020]  }
0x96: {  	v12 =	vld [tilespmem:s2+$0x10020]  }
0x97: {  	v1 =	vld [tilespmem:s2+$0x30]  }
0x98: {  	v0 =	vld [tilespmem:s2+$0x8030]  }
0x99: {  	[tilespmem:$0x1FD60] =	vst v62;
	v62 =	vld [tilespmem:s2+$0x8C20]  }
0x9a: {  	v15 =	vld [tilespmem:s2+$0x10030]  }
0x9b: {  	v4 =	vld [tilespmem:s2+$0x40]  }
0x9c: {  	v2 =	vld [tilespmem:s2+$0x8040]  }
0x9d: {  	v18 =	vld [tilespmem:s2+$0x10040]  }
0x9e: {  	[tilespmem:$0x1FD70] =	vst v62;
	v62 =	vld [tilespmem:s2+$0x10C20]  }
0x9f: {  	v6 =	vld [tilespmem:s2+$0x50]  }
0xa0: {  	v5 =	vld [tilespmem:s2+$0x8050]  }
0xa1: {  	v23 =	vld [tilespmem:s2+$0x10050]  }
0xa2: {  	v9 =	vld [tilespmem:s2+$0x60]  }
0xa3: {  	[tilespmem:$0x1FDB0] =	vst v62;
	v62 =	vld [tilespmem:s2+$0xC30]  }
0xa4: {  	v8 =	vld [tilespmem:s2+$0x8060]  }
0xa5: {  	v26 =	vld [tilespmem:s2+$0x10060]  }
0xa6: {  	v11 =	vld [tilespmem:s2+$0x70]  }
0xa7: {  	v10 =	vld [tilespmem:s2+$0x8070]  }
0xa8: {  	[tilespmem:$0x1FD90] =	vst v62;
	v62 =	vld [tilespmem:s2+$0x8C30]  }
0xa9: {  	v29 =	vld [tilespmem:s2+$0x10070]  }
0xaa: {  	v14 =	vld [tilespmem:s2+$0x400]  }
0xab: {  	v13 =	vld [tilespmem:s2+$0x8400]  }
0xac: {  	v33 =	vld [tilespmem:s2+$0x10400]  }
0xad: {  	[tilespmem:$0x1FDA0] =	vst v62;
	v62 =	vld [tilespmem:s2+$0x10C30]  }
0xae: {  	v17 =	vld [tilespmem:s2+$0x410]  }
0xaf: {  	v16 =	vld [tilespmem:s2+$0x8410]  }
0xb0: {  	v36 =	vld [tilespmem:s2+$0x10410]  }
0xb1: {  	v22 =	vld [tilespmem:s2+$0x420]  }
0xb2: {  	[tilespmem:$0x1FDE0] =	vst v62;
	v62 =	vld [tilespmem:s2+$0xC40]  }
0xb3: {  	v21 =	vld [tilespmem:s2+$0x8420]  }
0xb4: {  	v39 =	vld [tilespmem:s2+$0x10420]  }
0xb5: {  	v25 =	vld [tilespmem:s2+$0x430]  }
0xb6: {  	v24 =	vld [tilespmem:s2+$0x8430]  }
0xb7: {  	[tilespmem:$0x1FDC0] =	vst v62;
	v62 =	vld [tilespmem:s2+$0x8C40]  }
0xb8: {  	v42 =	vld [tilespmem:s2+$0x10430]  }
0xb9: {  	v28 =	vld [tilespmem:s2+$0x440]  }
0xba: {  	v27 =	vld [tilespmem:s2+$0x8440]  }
0xbb: {  	v46 =	vld [tilespmem:s2+$0x10440]  }
0xbc: {  	[tilespmem:$0x1FDD0] =	vst v62;
	v62 =	vld [tilespmem:s2+$0x10C40]  }
0xbd: {  	v32 =	vld [tilespmem:s2+$0x450]  }
0xbe: {  	v31 =	vld [tilespmem:s2+$0x8450]  }
0xbf: {  	v49 =	vld [tilespmem:s2+$0x10450]  }
0xc0: {  	v35 =	vld [tilespmem:s2+$0x460]  }
0xc1: {  	[tilespmem:$0x1FE10] =	vst v62;
	v62 =	vld [tilespmem:s2+$0xC50]  }
0xc2: {  	v34 =	vld [tilespmem:s2+$0x8460]  }
0xc3: {  	v52 =	vld [tilespmem:s2+$0x10460]  }
0xc4: {  	v38 =	vld [tilespmem:s2+$0x470]  }
0xc5: {  	v37 =	vld [tilespmem:s2+$0x8470]  }
0xc6: {  	[tilespmem:$0x1FDF0] =	vst v62;
	v62 =	vld [tilespmem:s2+$0x8C50]  }
0xc7: {  	v55 =	vld [tilespmem:s2+$0x10470]  }
0xc8: {  	v41 =	vld [tilespmem:s2+$0x800]  }
0xc9: {  	v40 =	vld [tilespmem:s2+$0x8800]  }
0xca: {  	v60 =	vld [tilespmem:s2+$0x10800]  }
0xcb: {  	[tilespmem:$0x1FE00] =	vst v62;
	v62 =	vld [tilespmem:s2+$0x10C50]  }
0xcc: {  	v45 =	vld [tilespmem:s2+$0x810]  }
0xcd: {  	v44 =	vld [tilespmem:s2+$0x8810]  }
0xce: {  	v48 =	vld [tilespmem:s2+$0x10810]  }
0xcf: {  	v50 =	vld [tilespmem:s2+$0x820]  }
0xd0: {  	[tilespmem:$0x1FE40] =	vst v62;
	v62 =	vld [tilespmem:s2+$0xC60]  }
0xd1: {  	v51 =	vld [tilespmem:s2+$0x10820]  }
0xd2: {  	v53 =	vld [tilespmem:s2+$0x830]  }
0xd3: {  	v54 =	vld [tilespmem:s2+$0x10830]  }
0xd4: {  	v56 =	vld [tilespmem:s2+$0x840]  }
0xd5: {  	[tilespmem:$0x1FE20] =	vst v62;
	v62 =	vld [tilespmem:s2+$0x8C60]  }
0xd6: {  	v58 =	vld [tilespmem:s2+$0x10840]  }
0xd7: {  	v59 =	vld [tilespmem:s2+$0x850]  }
0xd8: {  	v61 =	vld [tilespmem:s2+$0x10850]  }
0xd9: {  	v63 =	vld [tilespmem:s2+$0x8870]  }
0xda: {  	[tilespmem:$0x1FE30] =	vst v62;
	v62 =	vld [tilespmem:s2+$0x10C60]  }
0xdb: {  	[tilespmem:$0x1FC80] =	vst v48;
	v48 =	vld [tilespmem:s2+$0x8820]  }
0xdc: {  	[tilespmem:$0x1FC90] =	vst v51;
	v51 =	vld [tilespmem:s2+$0x8830]  }
0xdd: {  	[tilespmem:$0x1FCA0] =	vst v54;
	v54 =	vld [tilespmem:s2+$0x8840]  }
0xde: {  	[tilespmem:$0x1FCB0] =	vst v58;
	v58 =	vld [tilespmem:s2+$0x8850]  }
0xdf: {  	[tilespmem:$0x1FE70] =	vst v62;
	v62 =	vld [tilespmem:s2+$0xC70]  }
0xe0: {  	[tilespmem:$0x1FCD0] =	vst v61;
	v61 =	vld [tilespmem:s2+$0x860]  }
0xe1: {  	v3 =	vadd.f32 v7, v3;
	v30 =	vadd.f32 v30, v20;
	v20 =	vld [tilespmem:s2+$0x11070]  }
0xe2: {  	v6 =	vadd.f32 v5, v6;
	v5 =	vld [tilespmem:s2+$0x9410]  }
0xe3: {  	v3 =	vadd.f32 v19, v3;
	v19 =	vld [tilespmem:s2+$0x1070]  }
0xe4: {  	[tilespmem:$0x1FE50] =	vst v62;
	v62 =	vld [tilespmem:s2+$0x8C70]  }
0xe5: {  	v47 =	vadd.f32 v57, v47;
	v7 =	vadd.f32 v43, v30;
	v30 =	vld [tilespmem:s2+$0x9070]  }
0xe6: {  	v43 =	vld [tilespmem:s2+$0x1400]  }
0xe7: {  	v8 =	vadd.f32 v8, v9;
	v57 =	vadd.f32 v12, v47;
	v47 =	vld [tilespmem:s2+$0x11400]  }
0xe8: {  	v10 =	vadd.f32 v10, v11;
	v9 =	vadd.f32 v23, v6;
	v6 =	vld [tilespmem:s2+$0x1420]  }
0xe9: {  	v11 =	vadd.f32 v26, v8;
	[tilespmem:$0x1FE60] =	vst v62;
	v62 =	vld [tilespmem:s2+$0x10C70]  }
0xea: {  	v12 =	vadd.f32 v13, v14;
	v13 =	vadd.f32 v29, v10;
	v8 =	vld [tilespmem:s2+$0x9420]  }
0xeb: {  	v14 =	vadd.f32 v16, v17;
	v16 =	vadd.f32 v21, v22;
	v10 =	vld [tilespmem:s2+$0x1430]  }
0xec: {  	v22 =	vadd.f32 v27, v28;
	v28 =	vadd.f32 v37, v38;
	v38 =	vld [tilespmem:$0x1FC90]  }
0xed: {  	[tilespmem:s2+$0x20] =	vst v57;
	v57 =	vld [tilespmem:s2+$0x9400]  }
0xee: {  	[tilespmem:$0x1FEA0] =	vst v62;
	v62 =	vld [tilespmem:s2+$0x1000]  }
0xef: {  	[tilespmem:s2+$0x0] =	vst v3;
	v3 =	vld [tilespmem:s2+$0x11410]  }
0xf0: {  	v0 =	vadd.f32 v0, v1;
	[tilespmem:s2+$0x50] =	vst v9;
	v9 =	vld [tilespmem:s2+$0x11420]  }
0xf1: {  	[tilespmem:s2+$0x60] =	vst v11;
	v11 =	vld [tilespmem:s2+$0x9430]  }
0xf2: {  	v0 =	vadd.f32 v15, v0;
	v15 =	vadd.f32 v33, v12;
	v12 =	vld [tilespmem:s2+$0x11430]  }
0xf3: {  	[tilespmem:$0x1FE80] =	vst v62;
	v62 =	vld [tilespmem:s2+$0x9000]  }
0xf4: {  	[tilespmem:s2+$0x70] =	vst v13;
	v13 =	vld [tilespmem:s2+$0x1440]  }
0xf5: {  	v17 =	vadd.f32 v36, v14;
	v14 =	vld [tilespmem:s2+$0x9440]  }
0xf6: {  	v2 =	vadd.f32 v2, v4;
	v36 =	vld [tilespmem:$0x1FC80]  }
0xf7: {  	[tilespmem:s2+$0x10] =	vst v7;
	v21 =	vadd.f32 v39, v16;
	v16 =	vld [tilespmem:s2+$0x1450]  }
0xf8: {  	v7 =	vadd.f32 v18, v2;
	v18 =	vadd.f32 v24, v25;
	[tilespmem:$0x1FE90] =	vst v62;
	v62 =	vld [tilespmem:s2+$0x11000]  }
0xf9: {  	v24 =	vadd.f32 v31, v32;
	v31 =	vadd.f32 v40, v41;
	v40 =	vld [tilespmem:$0x1FCA0]  }
0xfa: {  	v26 =	vadd.f32 v34, v35;
	v33 =	vadd.f32 v44, v45;
	v45 =	vld [tilespmem:$0x1FCD0]  }
0xfb: {  	v25 =	vadd.f32 v46, v22;
	v22 =	vld [tilespmem:s2+$0x9460]  }
0xfc: {  	v29 =	vadd.f32 v52, v26;
	v26 =	vld [tilespmem:s2+$0x11470]  }
0xfd: {  	[tilespmem:$0x1FED0] =	vst v62;
	v62 =	vld [tilespmem:s2+$0x1010]  }
0xfe: {  	[tilespmem:$0x1FCC0] =	vst v61;
	v61 =	vld [tilespmem:s2+$0x8860]  }
0xff: {  	v35 =	vadd.f32 v48, v50;
	v48 =	vld [tilespmem:$0x1FCF0]  }
0x100: {  	[tilespmem:s2+$0x40] =	vst v7;
	v7 =	vld [tilespmem:s2+$0x1410]  }
0x101: {  	[tilespmem:s2+$0x400] =	vst v15;
	v15 =	vld [tilespmem:s2+$0x11440]  }
0x102: {  	[tilespmem:$0x1FEB0] =	vst v62;
	v62 =	vld [tilespmem:s2+$0x9010]  }
0x103: {  	[tilespmem:s2+$0x410] =	vst v17;
	v17 =	vld [tilespmem:s2+$0x9450]  }
0x104: {  	v23 =	vadd.f32 v42, v18;
	v42 =	vld [tilespmem:$0x1FCB0]  }
0x105: {  	v44 =	vld [tilespmem:$0x1FCC0]  }
0x106: {  	v18 =	vld [tilespmem:s2+$0x11450]  }
0x107: {  	[tilespmem:$0x1FEC0] =	vst v62;
	v62 =	vld [tilespmem:s2+$0x11010]  }
0x108: {  	v46 =	vld [tilespmem:$0x1FCE0]  }
0x109: {  	[tilespmem:s2+$0x420] =	vst v21;
	v21 =	vld [tilespmem:s2+$0x1460]  }
0x10a: {  	v27 =	vadd.f32 v49, v24;
	v24 =	vld [tilespmem:s2+$0x1470]  }
0x10b: {  	[tilespmem:s2+$0x440] =	vst v25;
	v25 =	vld [tilespmem:s2+$0x9470]  }
0x10c: {  	[tilespmem:$0x1FF00] =	vst v62;
	v62 =	vld [tilespmem:s2+$0x1020]  }
0x10d: {  	[tilespmem:s2+$0x430] =	vst v23;
	v23 =	vld [tilespmem:s2+$0x11460]  }
0x10e: {  	[tilespmem:s2+$0x450] =	vst v27;
	v27 =	vld [tilespmem:s2+$0x1800]  }
0x10f: {  	v37 =	vadd.f32 v51, v53;
	v51 =	vld [tilespmem:$0x1FD20]  }
0x110: {  	v49 =	vld [tilespmem:$0x1FD00]  }
0x111: {  	[tilespmem:$0x1FEE0] =	vst v62;
	v62 =	vld [tilespmem:s2+$0x9020]  }
0x112: {  	v50 =	vld [tilespmem:$0x1FD10]  }
0x113: {  	v39 =	vadd.f32 v54, v56;
	v54 =	vld [tilespmem:$0x1FD50]  }
0x114: {  	v52 =	vld [tilespmem:$0x1FD30]  }
0x115: {  	[tilespmem:s2+$0x30] =	vst v0;
	v53 =	vld [tilespmem:$0x1FD40]  }
0x116: {  	v0 =	vadd.f32 v36, v33;
	[tilespmem:$0x1FEF0] =	vst v62;
	v62 =	vld [tilespmem:s2+$0x11020]  }
0x117: {  	v41 =	vadd.f32 v58, v59;
	v58 =	vld [tilespmem:$0x1FD80]  }
0x118: {  	v32 =	vadd.f32 v55, v28;
	[tilespmem:s2+$0x810] =	vst v0;
	v0 =	vadd.f32 v40, v37;
	v55 =	vld [tilespmem:$0x1FD60]  }
0x119: {  	v59 =	vld [tilespmem:$0x1FD90]  }
0x11a: {  	v34 =	vadd.f32 v60, v31;
	[tilespmem:s2+$0x830] =	vst v0;
	v60 =	vld [tilespmem:$0x1FDA0]  }
0x11b: {  	v4 =	vadd.f32 v63, v46;
	v0 =	vadd.f32 v45, v41;
	[tilespmem:$0x1FF30] =	vst v62;
	v62 =	vld [tilespmem:s2+$0x1030]  }
0x11c: {  	[tilespmem:s2+$0x460] =	vst v29;
	v1 =	vadd.f32 v38, v35;
	v56 =	vld [tilespmem:$0x1FD70]  }
0x11d: {  	[tilespmem:s2+$0x850] =	vst v0;
	v0 =	vadd.f32 v51, v4;
	v29 =	vld [tilespmem:$0x1FDE0]  }
0x11e: {  	[tilespmem:s2+$0x820] =	vst v1;
	v2 =	vadd.f32 v61, v44;
	v4 =	vadd.f32 v53, v52;
	v61 =	vld [tilespmem:$0x1FDB0]  }
0x11f: {  	v1 =	vadd.f32 v42, v39;
	[tilespmem:s2+$0x870] =	vst v0;
	v63 =	vld [tilespmem:$0x1FDC0]  }
0x120: {  	v0 =	vadd.f32 v58, v4;
	v4 =	vadd.f32 v60, v59;
	[tilespmem:$0x1FF10] =	vst v62;
	v62 =	vld [tilespmem:s2+$0x9030]  }
0x121: {  	[tilespmem:s2+$0x840] =	vst v1;
	v1 =	vadd.f32 v48, v2;
	v28 =	vld [tilespmem:$0x1FDD0]  }
0x122: {  	v2 =	vadd.f32 v50, v49;
	[tilespmem:s2+$0xC10] =	vst v0;
	v0 =	vadd.f32 v29, v4;
	v29 =	vld [tilespmem:s2+$0x11800]  }
0x123: {  	[tilespmem:s2+$0x470] =	vst v32;
	v33 =	vld [tilespmem:$0x1FE10]  }
0x124: {  	[tilespmem:s2+$0x860] =	vst v1;
	v1 =	vadd.f32 v54, v2;
	v2 =	vadd.f32 v56, v55;
	v31 =	vld [tilespmem:$0x1FDF0]  }
0x125: {  	[tilespmem:$0x1FF20] =	vst v62;
	v62 =	vld [tilespmem:s2+$0x11030]  }
0x126: {  	[tilespmem:s2+$0xC00] =	vst v1;
	v1 =	vadd.f32 v61, v2;
	v2 =	vadd.f32 v28, v63;
	v32 =	vld [tilespmem:$0x1FE00]  }
0x127: {  	v28 =	vld [tilespmem:s2+$0x9800]  }
0x128: {  	[tilespmem:s2+$0xC20] =	vst v1;
	v1 =	vadd.f32 v33, v2;
	v33 =	vld [tilespmem:s2+$0x11810]  }
0x129: {  	v36 =	vld [tilespmem:$0x1FE40]  }
0x12a: {  	[tilespmem:$0x1FF60] =	vst v62;
	v62 =	vld [tilespmem:s2+$0x1040]  }
0x12b: {  	v4 =	vadd.f32 v32, v31;
	v31 =	vld [tilespmem:s2+$0x1810]  }
0x12c: {  	[tilespmem:s2+$0x800] =	vst v34;
	v34 =	vld [tilespmem:$0x1FE20]  }
0x12d: {  	v35 =	vld [tilespmem:$0x1FE30]  }
0x12e: {  	v32 =	vld [tilespmem:s2+$0x9810]  }
0x12f: {  	[tilespmem:$0x1FF40] =	vst v62;
	v62 =	vld [tilespmem:s2+$0x9040]  }
0x130: {  	[tilespmem:s2+$0xC30] =	vst v0;
	v0 =	vadd.f32 v36, v4;
	v36 =	vld [tilespmem:s2+$0x11820]  }
0x131: {  	v39 =	vld [tilespmem:$0x1FE70]  }
0x132: {  	v2 =	vadd.f32 v35, v34;
	v34 =	vld [tilespmem:s2+$0x1820]  }
0x133: {  	v35 =	vld [tilespmem:s2+$0x9820]  }
0x134: {  	[tilespmem:$0x1FF50] =	vst v62;
	v62 =	vld [tilespmem:s2+$0x11040]  }
0x135: {  	v37 =	vld [tilespmem:$0x1FE50]  }
0x136: {  	v38 =	vld [tilespmem:$0x1FE60]  }
0x137: {  	v40 =	vld [tilespmem:$0x1FE80]  }
0x138: {  	v41 =	vld [tilespmem:$0x1FE90]  }
0x139: {  	[tilespmem:$0x1FF90] =	vst v62;
	v62 =	vld [tilespmem:s2+$0x1050]  }
0x13a: {  	v42 =	vld [tilespmem:$0x1FEA0]  }
0x13b: {  	v46 =	vld [tilespmem:$0x1FED0]  }
0x13c: {  	v44 =	vld [tilespmem:$0x1FEB0]  }
0x13d: {  	[tilespmem:s2+$0xC40] =	vst v1;
	v45 =	vld [tilespmem:$0x1FEC0]  }
0x13e: {  	v1 =	vadd.f32 v39, v2;
	v2 =	vadd.f32 v41, v40;
	[tilespmem:$0x1FF70] =	vst v62;
	v62 =	vld [tilespmem:s2+$0x9050]  }
0x13f: {  	v4 =	vadd.f32 v38, v37;
	v40 =	vld [tilespmem:s2+$0x1830]  }
0x140: {  	[tilespmem:s2+$0xC60] =	vst v1;
	v1 =	vadd.f32 v46, v2;
	v46 =	vadd.f32 v57, v43;
	v57 =	vld [tilespmem:s2+$0x1850]  }
0x141: {  	v50 =	vld [tilespmem:$0x1FF00]  }
0x142: {  	[tilespmem:s2+$0xC50] =	vst v0;
	v0 =	vadd.f32 v42, v4;
	v4 =	vadd.f32 v45, v44;
	v44 =	vld [tilespmem:s2+$0x9830]  }
0x143: {  	[tilespmem:$0x1FF80] =	vst v62;
	v62 =	vld [tilespmem:s2+$0x11050]  }
0x144: {  	v48 =	vld [tilespmem:$0x1FEE0]  }
0x145: {  	v49 =	vld [tilespmem:$0x1FEF0]  }
0x146: {  	v53 =	vld [tilespmem:$0x1FF30]  }
0x147: {  	v51 =	vld [tilespmem:$0x1FF10]  }
0x148: {  	[tilespmem:$0x1FFC0] =	vst v62;
	v62 =	vld [tilespmem:s2+$0x1060]  }
0x149: {  	v52 =	vld [tilespmem:$0x1FF20]  }
0x14a: {  	v56 =	vld [tilespmem:$0x1FF60]  }
0x14b: {  	v54 =	vld [tilespmem:$0x1FF40]  }
0x14c: {  	v55 =	vld [tilespmem:$0x1FF50]  }
0x14d: {  	v42 =	vadd.f32 v30, v19;
	[tilespmem:$0x1FFA0] =	vst v62;
	v62 =	vld [tilespmem:s2+$0x9060]  }
0x14e: {  	[tilespmem:s2+$0xC70] =	vst v0;
	v0 =	vadd.f32 v50, v4;
	v60 =	vld [tilespmem:$0x1FF90]  }
0x14f: {  	[tilespmem:s2+$0x1000] =	vst v1;
	v2 =	vadd.f32 v49, v48;
	v49 =	vadd.f32 v20, v42;
	v58 =	vld [tilespmem:$0x1FF70]  }
0x150: {  	v50 =	vadd.f32 v5, v7;
	[tilespmem:s2+$0x1010] =	vst v0;
	v59 =	vld [tilespmem:$0x1FF80]  }
0x151: {  	[tilespmem:s2+$0x1070] =	vst v49;
	v1 =	vadd.f32 v53, v2;
	v4 =	vadd.f32 v52, v51;
	v41 =	vld [tilespmem:$0x1FFC0]  }
0x152: {  	v52 =	vadd.f32 v47, v46;
	v2 =	vadd.f32 v55, v54;
	v61 =	vld [tilespmem:$0x1FFA0];
	[tilespmem:$0x1FFB0] =	vst v62  }
0x153: {  	v53 =	vadd.f32 v8, v6;
	[tilespmem:s2+$0x1020] =	vst v1;
	v0 =	vadd.f32 v56, v4;
	v63 =	vld [tilespmem:$0x1FFB0]  }
0x154: {  	v48 =	vld [tilespmem:s2+$0x11830];
	[tilespmem:s2+$0x1400] =	vst v52;
	v55 =	vadd.f32 v3, v50;
	v1 =	vadd.f32 v60, v2  }
0x155: {  	[tilespmem:s2+$0x1030] =	vst v0;
	v4 =	vadd.f32 v59, v58;
	v59 =	vadd.f32 v14, v13;
	v62 =	vld [tilespmem:s2+$0x11060]  }
0x156: {  	v37 =	vadd.f32 v44, v40;
	v51 =	vld [tilespmem:s2+$0x1840];
	[tilespmem:s2+$0x1410] =	vst v55;
	v58 =	vadd.f32 v9, v53  }
0x157: {  	v56 =	vadd.f32 v11, v10;
	v54 =	vld [tilespmem:s2+$0x9840];
	[tilespmem:s2+$0x1040] =	vst v1;
	v15 =	vadd.f32 v15, v59  }
0x158: {  	v60 =	vld [tilespmem:s2+$0x9850];
	[tilespmem:s2+$0x1420] =	vst v58;
	v0 =	vadd.f32 v41, v4;
	v2 =	vadd.f32 v63, v61  }
0x159: {  	v42 =	vadd.f32 v48, v37;
	[tilespmem:s2+$0x1440] =	vst v15;
	v61 =	vadd.f32 v12, v56;
	v63 =	vld [tilespmem:s2+$0x11850]  }
0x15a: {  	[tilespmem:s2+$0x1050] =	vst v0;
	v45 =	vadd.f32 v62, v2;
	v62 =	vadd.f32 v17, v16;
	v17 =	vld [tilespmem:s2+$0x1860]  }
0x15b: {  	[tilespmem:s2+$0x1830] =	vst v42;
	v16 =	vadd.f32 v22, v21;
	v21 =	vadd.f32 v25, v24;
	v22 =	vld [tilespmem:s2+$0x9860]  }
0x15c: {  	[tilespmem:s2+$0x1430] =	vst v61;
	v24 =	vadd.f32 v28, v27;
	v25 =	vld [tilespmem:s2+$0x1870];
	v20 =	vadd.f32 v18, v62  }
0x15d: {  	v27 =	vadd.f32 v32, v31;
	v28 =	vld [tilespmem:s2+$0x9870];
	[tilespmem:s2+$0x1060] =	vst v45;
	v23 =	vadd.f32 v23, v16  }
0x15e: {  	v32 =	vadd.f32 v35, v34;
	v34 =	vld [tilespmem:s2+$0x11860];
	v26 =	vadd.f32 v26, v21;
	[tilespmem:s2+$0x1450] =	vst v20  }
0x15f: {  	v38 =	vld [tilespmem:s2+$0x11870];
	v31 =	vadd.f32 v29, v24;
	[tilespmem:s2+$0x1460] =	vst v23  }
0x160: {  	v40 =	vadd.f32 v60, v57;
	v41 =	vld [tilespmem:s2+$0x11840];
	v35 =	vadd.f32 v33, v27;
	[tilespmem:s2+$0x1470] =	vst v26  }
0x161: {  	v39 =	vadd.f32 v36, v32;
	[tilespmem:s2+$0x1800] =	vst v31;
	v43 =	vadd.f32 v22, v17  }
0x162: {  	v44 =	vadd.f32 v63, v40;
	[tilespmem:s2+$0x1810] =	vst v35;
	v45 =	vadd.f32 v28, v25  }
0x163: {  	s18 =	sand.u32 $0x7, s14;
	v46 =	vadd.f32 v54, v51;
	[tilespmem:s2+$0x1820] =	vst v39;
	v3 =	vadd.f32 v34, v43  }
0x164: {  	s17 =	sshll.u32 s18, $0x7;
	[tilespmem:s2+$0x1850] =	vst v44;
	v47 =	vadd.f32 v38, v45  }
0x165: {  	s17 =	sadd.s32 s17, s0;
	v0 =	vadd.f32 v41, v46;
	[tilespmem:s2+$0x1860] =	vst v3  }
0x166: {  	s18 =	sor.u32 $0x1C00, s17;
	[tilespmem:s2+$0x1870] =	vst v47  }
0x167: {  	[tilespmem:s2+$0x1840] =	vst v0;
	v48 =	vld [tilespmem:s18+$0x0]  }
0x168: {  	v1 =	vld [tilespmem:s18+$0x8000];
	_ =	sdelay $0x1  }
0x169: {  	v49 =	vld [tilespmem:s18+$0x10000];
	_ =	sdelay $0x2  }
0x16a: {  	v0 =	vadd.f32 v1, v48;
	_ =	sdelay $0x1  }
0x16b: {  	v0 =	vadd.f32 v49, v0;
	_ =	sdelay $0x1  }
0x16c: {  	[tilespmem:s18+$0x0] =	vst v0;
	s18 =	sor.u32 $0x1C10, s17  }
0x16d: {  	v0 =	vld [tilespmem:s18+$0x0]  }
0x16e: {  	v50 =	vld [tilespmem:s18+$0x8000];
	_ =	sdelay $0x1  }
0x16f: {  	v51 =	vld [tilespmem:s18+$0x10000];
	_ =	sdelay $0x2  }
0x170: {  	v0 =	vadd.f32 v50, v0;
	_ =	sdelay $0x1  }
0x171: {  	v0 =	vadd.f32 v51, v0;
	_ =	sdelay $0x1  }
0x172: {  	[tilespmem:s18+$0x0] =	vst v0;
	s18 =	sor.u32 $0x1C20, s17  }
0x173: {  	v0 =	vld [tilespmem:s18+$0x0]  }
0x174: {  	v52 =	vld [tilespmem:s18+$0x8000];
	_ =	sdelay $0x1  }
0x175: {  	v53 =	vld [tilespmem:s18+$0x10000];
	_ =	sdelay $0x2  }
0x176: {  	v0 =	vadd.f32 v52, v0;
	_ =	sdelay $0x1  }
0x177: {  	v0 =	vadd.f32 v53, v0;
	_ =	sdelay $0x1  }
0x178: {  	[tilespmem:s18+$0x0] =	vst v0;
	s18 =	sor.u32 $0x1C30, s17  }
0x179: {  	v0 =	vld [tilespmem:s18+$0x0]  }
0x17a: {  	v54 =	vld [tilespmem:s18+$0x8000];
	_ =	sdelay $0x1  }
0x17b: {  	v55 =	vld [tilespmem:s18+$0x10000];
	_ =	sdelay $0x2  }
0x17c: {  	v0 =	vadd.f32 v54, v0;
	_ =	sdelay $0x1  }
0x17d: {  	v0 =	vadd.f32 v55, v0;
	_ =	sdelay $0x1  }
0x17e: {  	[tilespmem:s18+$0x0] =	vst v0;
	s18 =	sor.u32 $0x1C40, s17  }
0x17f: {  	v0 =	vld [tilespmem:s18+$0x0]  }
0x180: {  	v56 =	vld [tilespmem:s18+$0x8000];
	_ =	sdelay $0x1  }
0x181: {  	v57 =	vld [tilespmem:s18+$0x10000];
	_ =	sdelay $0x2  }
0x182: {  	v0 =	vadd.f32 v56, v0;
	_ =	sdelay $0x1  }
0x183: {  	v0 =	vadd.f32 v57, v0;
	_ =	sdelay $0x1  }
0x184: {  	[tilespmem:s18+$0x0] =	vst v0;
	s18 =	sor.u32 $0x1C50, s17  }
0x185: {  	v0 =	vld [tilespmem:s18+$0x0]  }
0x186: {  	v58 =	vld [tilespmem:s18+$0x8000];
	_ =	sdelay $0x1  }
0x187: {  	v59 =	vld [tilespmem:s18+$0x10000];
	_ =	sdelay $0x2  }
0x188: {  	v0 =	vadd.f32 v58, v0;
	_ =	sdelay $0x1  }
0x189: {  	v0 =	vadd.f32 v59, v0;
	_ =	sdelay $0x1  }
0x18a: {  	[tilespmem:s18+$0x0] =	vst v0;
	s18 =	sor.u32 $0x1C60, s17  }
0x18b: {  	v0 =	vld [tilespmem:s18+$0x0]  }
0x18c: {  	v60 =	vld [tilespmem:s18+$0x8000];
	_ =	sdelay $0x1  }
0x18d: {  	v61 =	vld [tilespmem:s18+$0x10000];
	_ =	sdelay $0x2  }
0x18e: {  	v0 =	vadd.f32 v60, v0;
	_ =	sdelay $0x1  }
0x18f: {  	v0 =	vadd.f32 v61, v0;
	_ =	sdelay $0x1  }
0x190: {  	[tilespmem:s18+$0x0] =	vst v0;
	s18 =	sor.u32 $0x1C70, s17  }
0x191: {  	v0 =	vld [tilespmem:s18+$0x0]  }
0x192: {  	v62 =	vld [tilespmem:s18+$0x8000];
	_ =	sdelay $0x1  }
0x193: {  	v63 =	vld [tilespmem:s18+$0x10000];
	_ =	sdelay $0x1  }
0x194: {  	p0 =	sne.s32 s15, $0xF80  }
.Ltmp0:
0x195: {  	v0 =	vadd.f32 v62, v0;
	(pc) =	sbr.rel @p0 .LBB2_2-.Ltmp0, $4  }
0x196: {  	_ = 	snop  }
0x197: {  	v0 =	vadd.f32 v63, v0  }
0x198: {  	s14 =	sadd.s32 $0x1, s14  }
0x199: {  	s31 =	sadd.s32 $0x400, s31;
	s15 =	sadd.s32 $0x80, s15;
	s0 =	sadd.s32 $0x400, s0;
	[tilespmem:s18+$0x0] =	vst v0  }
0x19a: {  	s31 =	simm.s32 $0x0;
	s0 =	rddreg [dreg:$0x6]  }
0x19b: {  	[hbm4b:s0+s31] =	stream.linear.scatter [tilespmem:s31], [sflag:$0x2], $0x8000, $0x38;
	[tilespmem:$0x18100] =	vst v63  }
0x19c: {  	_ =	swait.ge [sflag:s16], $0x8000  }
0x19d: {  	[sflag:s16] =	ssyncset.done $0x0  }
0x19e: {  	s2 =	rddreg [dreg:$0x7];
	[sflag:s16] =	ssyncadd.s32 $0xFFFF8000  }
0x19f: {  	[tilespmem:s31], [sflag:$0x2] =	stream.linear.gather [hbm4b:s2+s31], $0x8000, $0x38;
	[tilespmem:$0x18100] =	vst v63  }
0x1a0: {  	_ =	swait.ge [sflag:s16], $0x8000  }
0x1a1: {  	[sflag:s16] =	ssyncset.done $0x0  }
0x1a2: {  	s2 =	simm.s32 $0x18000;
	s14 =	rddreg [dreg:$0x8];
	[sflag:s16] =	ssyncadd.s32 $0xFFFF8000  }
0x1a3: {  	[tilespmem:s2], [sflag:$0x2] =	stream.linear.gather [hbm4b:s14+s31], $0x80, $0x38;
	[tilespmem:$0x18100] =	vst v63  }
0x1a4: {  	_ =	swait.ge [sflag:s16], $0x80  }
0x1a5: {  	[sflag:s16] =	ssyncset.done $0x0  }
0x1a6: {  	s17 =	simm.s32 $0x18080;
	s15 =	rddreg [dreg:$0x9];
	[sflag:s16] =	ssyncadd.s32 $0xFFFFFF80  }
0x1a7: {  	[tilespmem:s17], [sflag:$0x2] =	stream.linear.gather [hbm4b:s15+s31], $0x80, $0x38;
	[tilespmem:$0x18100] =	vst v63  }
0x1a8: {  	_ =	swait.ge [sflag:s16], $0x80  }
0x1a9: {  	[sflag:s16] =	ssyncset.done $0x0  }
0x1aa: {  	[sflag:s16] =	ssyncadd.s32 $0xFFFFFF80  }
0x1ab: {  	v0 =	vld [tilespmem:$0x18000];
	_ =	sdelay $0x2  }
0x1ac: {  	v2 =	vld [tilespmem:$0x1FFD0];
	_ =	sdelay $0x1  }
0x1ad: {  	v3 =	vld [tilespmem:$0x1FFE0];
	v1 =	vshll.u32 v0, $0x3  }
0x1ae: {  	v0 =	vand.u32 $0x7, v0;
	v1 =	vand.u32 $0xFFFFFFC0, v1  }
0x1af: {  	v0 =	vor.u32 v0, v1  }
0x1b0: {  	v1 =	vperm.xlane v0, v2;
	_ =	sdelay $0x1  }
0x1b1: {  	v1 =	vadd.s32 v3, v1  }
0x1b2: {  	v4 =	vld [tilespmem:$0x1FFF0];
	_ =	sdelay $0x2  }
0x1b3: {  	s18 =	simm.s32 $0x8000  }
0x1b4: {  	[tilespmem:s18], [sflag:$0x1] =	stream.indirect_vreg.gather [hbm4b:s3+s31], $0x80, v1, vm0, $0xb8;
	[tilespmem:$0x18100] =	vst v63  }
0x1b5: {  	s2 =	simm.s32 $0x8800;
	v0 =	vperm.xlane v0, v4  }
0x1b6: {  	[tilespmem:s2], [sflag:$0x1] =	stream.indirect_vreg.gather [hbm4b:s6+s31], $0x80, v1, vm0, $0xb8;
	[tilespmem:$0x18100] =	vst v63  }
0x1b7: {  	s14 =	simm.s32 $0x9000;
	v0 =	vadd.s32 v3, v0  }
0x1b8: {  	[tilespmem:s14], [sflag:$0x1] =	stream.indirect_vreg.gather [hbm4b:s8+s31], $0x80, v1, vm0, $0xb8;
	[tilespmem:$0x18100] =	vst v63  }
0x1b9: {  	s15 =	simm.s32 $0x9800  }
0x1ba: {  	[tilespmem:s15], [sflag:$0x1] =	stream.indirect_vreg.gather [hbm4b:s9+s31], $0x80, v1, vm0, $0xb8;
	[tilespmem:$0x18100] =	vst v63  }
0x1bb: {  	s17 =	simm.s32 $0xA000  }
0x1bc: {  	[tilespmem:s17], [sflag:$0x1] =	stream.indirect_vreg.gather [hbm4b:s3+s31], $0x80, v0, vm0, $0xb8;
	[tilespmem:$0x18100] =	vst v63  }
0x1bd: {  	s18 =	simm.s32 $0xA800  }
0x1be: {  	[tilespmem:s18], [sflag:$0x1] =	stream.indirect_vreg.gather [hbm4b:s6+s31], $0x80, v0, vm0, $0xb8;
	[tilespmem:$0x18100] =	vst v63  }
0x1bf: {  	s2 =	simm.s32 $0xB000  }
0x1c0: {  	[tilespmem:s2], [sflag:$0x1] =	stream.indirect_vreg.gather [hbm4b:s8+s31], $0x80, v0, vm0, $0xb8;
	[tilespmem:$0x18100] =	vst v63  }
0x1c1: {  	s14 =	simm.s32 $0xB800  }
0x1c2: {  	[tilespmem:s14], [sflag:$0x1] =	stream.indirect_vreg.gather [hbm4b:s9+s31], $0x80, v0, vm0, $0xb8;
	[tilespmem:$0x18100] =	vst v63  }
0x1c3: {  	v0 =	vld [tilespmem:$0x18010];
	_ =	sdelay $0x4  }
0x1c4: {  	v61 =	vshll.u32 v0, $0x3  }
0x1c5: {  	v0 =	vand.u32 $0x7, v0;
	v1 =	vand.u32 $0xFFFFFFC0, v61  }
0x1c6: {  	v0 =	vor.u32 v0, v1  }
0x1c7: {  	v1 =	vperm.xlane v0, v2;
	_ =	sdelay $0x1  }
0x1c8: {  	v1 =	vadd.s32 v3, v1;
	_ =	sdelay $0x3  }
0x1c9: {  	s15 =	simm.s32 $0xC000  }
0x1ca: {  	[tilespmem:s15], [sflag:$0x1] =	stream.indirect_vreg.gather [hbm4b:s3+s31], $0x80, v1, vm0, $0xb8;
	[tilespmem:$0x18100] =	vst v63  }
0x1cb: {  	s17 =	simm.s32 $0xC800;
	v0 =	vperm.xlane v0, v4  }
0x1cc: {  	[tilespmem:s17], [sflag:$0x1] =	stream.indirect_vreg.gather [hbm4b:s6+s31], $0x80, v1, vm0, $0xb8;
	[tilespmem:$0x18100] =	vst v63  }
0x1cd: {  	s18 =	simm.s32 $0xD000;
	v0 =	vadd.s32 v3, v0  }
0x1ce: {  	[tilespmem:s18], [sflag:$0x1] =	stream.indirect_vreg.gather [hbm4b:s8+s31], $0x80, v1, vm0, $0xb8;
	[tilespmem:$0x18100] =	vst v63  }
0x1cf: {  	s2 =	simm.s32 $0xD800  }
0x1d0: {  	[tilespmem:s2], [sflag:$0x1] =	stream.indirect_vreg.gather [hbm4b:s9+s31], $0x80, v1, vm0, $0xb8;
	[tilespmem:$0x18100] =	vst v63  }
0x1d1: {  	s14 =	simm.s32 $0xE000  }
0x1d2: {  	[tilespmem:s14], [sflag:$0x1] =	stream.indirect_vreg.gather [hbm4b:s3+s31], $0x80, v0, vm0, $0xb8;
	[tilespmem:$0x18100] =	vst v63  }
0x1d3: {  	s15 =	simm.s32 $0xE800  }
0x1d4: {  	[tilespmem:s15], [sflag:$0x1] =	stream.indirect_vreg.gather [hbm4b:s6+s31], $0x80, v0, vm0, $0xb8;
	[tilespmem:$0x18100] =	vst v63  }
0x1d5: {  	s17 =	simm.s32 $0xF000  }
0x1d6: {  	[tilespmem:s17], [sflag:$0x1] =	stream.indirect_vreg.gather [hbm4b:s8+s31], $0x80, v0, vm0, $0xb8;
	[tilespmem:$0x18100] =	vst v63  }
0x1d7: {  	s18 =	simm.s32 $0xF800  }
0x1d8: {  	[tilespmem:s18], [sflag:$0x1] =	stream.indirect_vreg.gather [hbm4b:s9+s31], $0x80, v0, vm0, $0xb8;
	[tilespmem:$0x18100] =	vst v63  }
0x1d9: {  	v0 =	vld [tilespmem:$0x18080];
	_ =	sdelay $0x4  }
0x1da: {  	v62 =	vshll.u32 v0, $0x3  }
0x1db: {  	v0 =	vand.u32 $0x7, v0;
	v1 =	vand.u32 $0xFFFFFFC0, v62  }
0x1dc: {  	v0 =	vor.u32 v0, v1  }
0x1dd: {  	v1 =	vperm.xlane v0, v2;
	_ =	sdelay $0x1  }
0x1de: {  	v1 =	vadd.s32 v3, v1;
	_ =	sdelay $0x4  }
0x1df: {  	[tilespmem:s4], [sflag:$0x1] =	stream.indirect_vreg.gather [hbm4b:s3+s31], $0x80, v1, vm0, $0xb8;
	[tilespmem:$0x18100] =	vst v63  }
0x1e0: {  	v0 =	vperm.xlane v0, v4  }
0x1e1: {  	[tilespmem:s19], [sflag:$0x1] =	stream.indirect_vreg.gather [hbm4b:s6+s31], $0x80, v1, vm0, $0xb8;
	[tilespmem:$0x18100] =	vst v63  }
0x1e2: {  	v0 =	vadd.s32 v3, v0  }
0x1e3: {  	[tilespmem:s5], [sflag:$0x1] =	stream.indirect_vreg.gather [hbm4b:s8+s31], $0x80, v1, vm0, $0xb8;
	[tilespmem:$0x18100] =	vst v63  }
0x1e4: {  	_ = 	snop  }
0x1e5: {  	[tilespmem:s20], [sflag:$0x1] =	stream.indirect_vreg.gather [hbm4b:s9+s31], $0x80, v1, vm0, $0xb8;
	[tilespmem:$0x18100] =	vst v63  }
0x1e6: {  	_ = 	snop  }
0x1e7: {  	[tilespmem:s21], [sflag:$0x1] =	stream.indirect_vreg.gather [hbm4b:s3+s31], $0x80, v0, vm0, $0xb8;
	[tilespmem:$0x18100] =	vst v63  }
0x1e8: {  	_ = 	snop  }
0x1e9: {  	[tilespmem:s7], [sflag:$0x1] =	stream.indirect_vreg.gather [hbm4b:s6+s31], $0x80, v0, vm0, $0xb8;
	[tilespmem:$0x18100] =	vst v63  }
0x1ea: {  	_ = 	snop  }
0x1eb: {  	[tilespmem:s22], [sflag:$0x1] =	stream.indirect_vreg.gather [hbm4b:s8+s31], $0x80, v0, vm0, $0xb8;
	[tilespmem:$0x18100] =	vst v63  }
0x1ec: {  	_ = 	snop  }
0x1ed: {  	[tilespmem:s23], [sflag:$0x1] =	stream.indirect_vreg.gather [hbm4b:s9+s31], $0x80, v0, vm0, $0xb8;
	[tilespmem:$0x18100] =	vst v63  }
0x1ee: {  	v0 =	vld [tilespmem:$0x18090];
	_ =	sdelay $0x4  }
0x1ef: {  	v63 =	vshll.u32 v0, $0x3  }
0x1f0: {  	v0 =	vand.u32 $0x7, v0;
	v1 =	vand.u32 $0xFFFFFFC0, v63  }
0x1f1: {  	v0 =	vor.u32 v0, v1  }
0x1f2: {  	v1 =	vperm.xlane v0, v2;
	_ =	sdelay $0x1  }
0x1f3: {  	v1 =	vadd.s32 v3, v1;
	_ =	sdelay $0x4  }
0x1f4: {  	[tilespmem:s24], [sflag:$0x1] =	stream.indirect_vreg.gather [hbm4b:s3+s31], $0x80, v1, vm0, $0xb8;
	[tilespmem:$0x18100] =	vst v63  }
0x1f5: {  	v0 =	vperm.xlane v0, v4  }
0x1f6: {  	[tilespmem:s10], [sflag:$0x1] =	stream.indirect_vreg.gather [hbm4b:s6+s31], $0x80, v1, vm0, $0xb8;
	[tilespmem:$0x18100] =	vst v63  }
0x1f7: {  	v0 =	vadd.s32 v3, v0  }
0x1f8: {  	[tilespmem:s25], [sflag:$0x1] =	stream.indirect_vreg.gather [hbm4b:s8+s31], $0x80, v1, vm0, $0xb8;
	[tilespmem:$0x18100] =	vst v63  }
0x1f9: {  	_ = 	snop  }
0x1fa: {  	[tilespmem:s26], [sflag:$0x1] =	stream.indirect_vreg.gather [hbm4b:s9+s31], $0x80, v1, vm0, $0xb8;
	[tilespmem:$0x18100] =	vst v63  }
0x1fb: {  	_ = 	snop  }
0x1fc: {  	[tilespmem:s28], [sflag:$0x1] =	stream.indirect_vreg.gather [hbm4b:s3+s31], $0x80, v0, vm0, $0xb8;
	[tilespmem:$0x18100] =	vst v63  }
0x1fd: {  	_ = 	snop  }
0x1fe: {  	[tilespmem:s11], [sflag:$0x1] =	stream.indirect_vreg.gather [hbm4b:s6+s31], $0x80, v0, vm0, $0xb8;
	[tilespmem:$0x18100] =	vst v63  }
0x1ff: {  	_ = 	snop  }
0x200: {  	[tilespmem:s29], [sflag:$0x1] =	stream.indirect_vreg.gather [hbm4b:s8+s31], $0x80, v0, vm0, $0xb8;
	[tilespmem:$0x18100] =	vst v63  }
0x201: {  	_ = 	snop  }
0x202: {  	[tilespmem:s12], [sflag:$0x1] =	stream.indirect_vreg.gather [hbm4b:s9+s31], $0x80, v0, vm0, $0xb8;
	[tilespmem:$0x18100] =	vst v63  }
0x203: {  	_ =	swait.ge [sflag:s30], $0x8000  }
0x204: {  	[sflag:s30] =	ssyncset.done $0x0  }
0x205: {  	[sflag:s30] =	ssyncadd.s32 $0xFFFF8000  }
0x206: {  	_ =	swait.ge [sflag:s30], $0x8000  }
0x207: {  	s0 =	simm.s32 $0x0;
	[sflag:s30] =	ssyncset.done $0x0  }
0x208: {  	s14 =	simm.s32 $0xFFFF8000;
	s15 =	simm.s32 $0x0;
	[sflag:s30] =	ssyncadd.s32 $0xFFFF8000  }
.LBB2_4:
0x209: {  	s2 =	sadd.s32 $0x8000, s14  }
0x20a: {  	s17 =	sand.u32 $0x380, s15;
	s2 =	sand.u32 $0x6000, s2  }
0x20b: {  	s2 =	sor.u32 s17, s2  }
0x20c: {  	v62 =	vld [tilespmem:s2+$0x10860];
	_ =	sdelay $0x4  }
0x20d: {  	[tilespmem:$0x1F9A0] =	vst v62;
	v62 =	vld [tilespmem:s2+$0x870];
	_ =	sdelay $0x4  }
0x20e: {  	[tilespmem:$0x1F990] =	vst v62;
	v62 =	vld [tilespmem:s2+$0x10870];
	_ =	sdelay $0x4  }
0x20f: {  	[tilespmem:$0x1F9D0] =	vst v62;
	v62 =	vld [tilespmem:s2+$0xC00];
	_ =	sdelay $0x4  }
0x210: {  	[tilespmem:$0x1F9B0] =	vst v62;
	v62 =	vld [tilespmem:s2+$0x8C00];
	_ =	sdelay $0x4  }
0x211: {  	[tilespmem:$0x1F9C0] =	vst v62;
	v62 =	vld [tilespmem:s2+$0x10C00];
	_ =	sdelay $0x4  }
0x212: {  	[tilespmem:$0x1FA00] =	vst v62;
	v62 =	vld [tilespmem:s2+$0xC10];
	_ =	sdelay $0x4  }
0x213: {  	[tilespmem:$0x1F9E0] =	vst v62;
	v62 =	vld [tilespmem:s2+$0x8C10];
	_ =	sdelay $0x1  }
0x214: {  	v3 =	vld [tilespmem:s2+$0x0]  }
0x215: {  	v7 =	vld [tilespmem:s2+$0x8000]  }
0x216: {  	v19 =	vld [tilespmem:s2+$0x10000]  }
0x217: {  	[tilespmem:$0x1F9F0] =	vst v62;
	v62 =	vld [tilespmem:s2+$0x10C10]  }
0x218: {  	v20 =	vld [tilespmem:s2+$0x10]  }
0x219: {  	v30 =	vld [tilespmem:s2+$0x8010]  }
0x21a: {  	v43 =	vld [tilespmem:s2+$0x10010]  }
0x21b: {  	v47 =	vld [tilespmem:s2+$0x20]  }
0x21c: {  	[tilespmem:$0x1FA30] =	vst v62;
	v62 =	vld [tilespmem:s2+$0xC20]  }
0x21d: {  	v57 =	vld [tilespmem:s2+$0x8020]  }
0x21e: {  	v12 =	vld [tilespmem:s2+$0x10020]  }
0x21f: {  	v1 =	vld [tilespmem:s2+$0x30]  }
0x220: {  	v0 =	vld [tilespmem:s2+$0x8030]  }
0x221: {  	[tilespmem:$0x1FA10] =	vst v62;
	v62 =	vld [tilespmem:s2+$0x8C20]  }
0x222: {  	v15 =	vld [tilespmem:s2+$0x10030]  }
0x223: {  	v4 =	vld [tilespmem:s2+$0x40]  }
0x224: {  	v2 =	vld [tilespmem:s2+$0x8040]  }
0x225: {  	v18 =	vld [tilespmem:s2+$0x10040]  }
0x226: {  	[tilespmem:$0x1FA20] =	vst v62;
	v62 =	vld [tilespmem:s2+$0x10C20]  }
0x227: {  	v6 =	vld [tilespmem:s2+$0x50]  }
0x228: {  	v5 =	vld [tilespmem:s2+$0x8050]  }
0x229: {  	v23 =	vld [tilespmem:s2+$0x10050]  }
0x22a: {  	v9 =	vld [tilespmem:s2+$0x60]  }
0x22b: {  	[tilespmem:$0x1FA60] =	vst v62;
	v62 =	vld [tilespmem:s2+$0xC30]  }
0x22c: {  	v8 =	vld [tilespmem:s2+$0x8060]  }
0x22d: {  	v26 =	vld [tilespmem:s2+$0x10060]  }
0x22e: {  	v11 =	vld [tilespmem:s2+$0x70]  }
0x22f: {  	v10 =	vld [tilespmem:s2+$0x8070]  }
0x230: {  	[tilespmem:$0x1FA40] =	vst v62;
	v62 =	vld [tilespmem:s2+$0x8C30]  }
0x231: {  	v29 =	vld [tilespmem:s2+$0x10070]  }
0x232: {  	v14 =	vld [tilespmem:s2+$0x400]  }
0x233: {  	v13 =	vld [tilespmem:s2+$0x8400]  }
0x234: {  	v33 =	vld [tilespmem:s2+$0x10400]  }
0x235: {  	[tilespmem:$0x1FA50] =	vst v62;
	v62 =	vld [tilespmem:s2+$0x10C30]  }
0x236: {  	v17 =	vld [tilespmem:s2+$0x410]  }
0x237: {  	v16 =	vld [tilespmem:s2+$0x8410]  }
0x238: {  	v36 =	vld [tilespmem:s2+$0x10410]  }
0x239: {  	v22 =	vld [tilespmem:s2+$0x420]  }
0x23a: {  	[tilespmem:$0x1FA90] =	vst v62;
	v62 =	vld [tilespmem:s2+$0xC40]  }
0x23b: {  	v21 =	vld [tilespmem:s2+$0x8420]  }
0x23c: {  	v39 =	vld [tilespmem:s2+$0x10420]  }
0x23d: {  	v25 =	vld [tilespmem:s2+$0x430]  }
0x23e: {  	v24 =	vld [tilespmem:s2+$0x8430]  }
0x23f: {  	[tilespmem:$0x1FA70] =	vst v62;
	v62 =	vld [tilespmem:s2+$0x8C40]  }
0x240: {  	v42 =	vld [tilespmem:s2+$0x10430]  }
0x241: {  	v28 =	vld [tilespmem:s2+$0x440]  }
0x242: {  	v27 =	vld [tilespmem:s2+$0x8440]  }
0x243: {  	v46 =	vld [tilespmem:s2+$0x10440]  }
0x244: {  	[tilespmem:$0x1FA80] =	vst v62;
	v62 =	vld [tilespmem:s2+$0x10C40]  }
0x245: {  	v32 =	vld [tilespmem:s2+$0x450]  }
0x246: {  	v31 =	vld [tilespmem:s2+$0x8450]  }
0x247: {  	v49 =	vld [tilespmem:s2+$0x10450]  }
0x248: {  	v35 =	vld [tilespmem:s2+$0x460]  }
0x249: {  	[tilespmem:$0x1FAC0] =	vst v62;
	v62 =	vld [tilespmem:s2+$0xC50]  }
0x24a: {  	v34 =	vld [tilespmem:s2+$0x8460]  }
0x24b: {  	v52 =	vld [tilespmem:s2+$0x10460]  }
0x24c: {  	v38 =	vld [tilespmem:s2+$0x470]  }
0x24d: {  	v37 =	vld [tilespmem:s2+$0x8470]  }
0x24e: {  	[tilespmem:$0x1FAA0] =	vst v62;
	v62 =	vld [tilespmem:s2+$0x8C50]  }
0x24f: {  	v55 =	vld [tilespmem:s2+$0x10470]  }
0x250: {  	v41 =	vld [tilespmem:s2+$0x800]  }
0x251: {  	v40 =	vld [tilespmem:s2+$0x8800]  }
0x252: {  	v60 =	vld [tilespmem:s2+$0x10800]  }
0x253: {  	[tilespmem:$0x1FAB0] =	vst v62;
	v62 =	vld [tilespmem:s2+$0x10C50]  }
0x254: {  	v45 =	vld [tilespmem:s2+$0x810]  }
0x255: {  	v44 =	vld [tilespmem:s2+$0x8810]  }
0x256: {  	v48 =	vld [tilespmem:s2+$0x10810]  }
0x257: {  	v50 =	vld [tilespmem:s2+$0x820]  }
0x258: {  	[tilespmem:$0x1FAF0] =	vst v62;
	v62 =	vld [tilespmem:s2+$0xC60]  }
0x259: {  	v51 =	vld [tilespmem:s2+$0x10820]  }
0x25a: {  	v53 =	vld [tilespmem:s2+$0x830]  }
0x25b: {  	v54 =	vld [tilespmem:s2+$0x10830]  }
0x25c: {  	v56 =	vld [tilespmem:s2+$0x840]  }
0x25d: {  	[tilespmem:$0x1FAD0] =	vst v62;
	v62 =	vld [tilespmem:s2+$0x8C60]  }
0x25e: {  	v58 =	vld [tilespmem:s2+$0x10840]  }
0x25f: {  	v61 =	vld [tilespmem:s2+$0x850]  }
0x260: {  	v59 =	vld [tilespmem:s2+$0x10850]  }
0x261: {  	v63 =	vld [tilespmem:s2+$0x860]  }
0x262: {  	[tilespmem:$0x1FAE0] =	vst v62;
	v62 =	vld [tilespmem:s2+$0x10C60]  }
0x263: {  	[tilespmem:$0x1F930] =	vst v48;
	v48 =	vld [tilespmem:s2+$0x8820]  }
0x264: {  	[tilespmem:$0x1F940] =	vst v51;
	v51 =	vld [tilespmem:s2+$0x8830]  }
0x265: {  	[tilespmem:$0x1F950] =	vst v54;
	v54 =	vld [tilespmem:s2+$0x8840]  }
0x266: {  	[tilespmem:$0x1F960] =	vst v58;
	v58 =	vld [tilespmem:s2+$0x8850]  }
0x267: {  	[tilespmem:$0x1FB20] =	vst v62;
	v62 =	vld [tilespmem:s2+$0xC70]  }
0x268: {  	[tilespmem:$0x1F980] =	vst v59;
	v59 =	vld [tilespmem:s2+$0x8860]  }
0x269: {  	[tilespmem:$0x1F970] =	vst v63;
	v63 =	vld [tilespmem:s2+$0x8870]  }
0x26a: {  	v30 =	vadd.f32 v30, v20;
	v20 =	vld [tilespmem:s2+$0x11070]  }
0x26b: {  	v3 =	vadd.f32 v7, v3;
	v6 =	vadd.f32 v5, v6;
	v5 =	vld [tilespmem:s2+$0x9410]  }
0x26c: {  	[tilespmem:$0x1FB00] =	vst v62;
	v62 =	vld [tilespmem:s2+$0x8C70]  }
0x26d: {  	v3 =	vadd.f32 v19, v3;
	v19 =	vld [tilespmem:s2+$0x1070]  }
0x26e: {  	v47 =	vadd.f32 v57, v47;
	v7 =	vadd.f32 v43, v30;
	v30 =	vld [tilespmem:s2+$0x9070]  }
0x26f: {  	v43 =	vld [tilespmem:s2+$0x1400]  }
0x270: {  	v8 =	vadd.f32 v8, v9;
	v57 =	vadd.f32 v12, v47;
	v47 =	vld [tilespmem:s2+$0x11400]  }
0x271: {  	v10 =	vadd.f32 v10, v11;
	[tilespmem:$0x1FB10] =	vst v62;
	v62 =	vld [tilespmem:s2+$0x10C70]  }
0x272: {  	v9 =	vadd.f32 v23, v6;
	v11 =	vadd.f32 v26, v8;
	v6 =	vld [tilespmem:s2+$0x1420]  }
0x273: {  	v12 =	vadd.f32 v13, v14;
	v13 =	vadd.f32 v29, v10;
	v8 =	vld [tilespmem:s2+$0x9420]  }
0x274: {  	v14 =	vadd.f32 v16, v17;
	v16 =	vadd.f32 v21, v22;
	v10 =	vld [tilespmem:s2+$0x1430]  }
0x275: {  	v22 =	vadd.f32 v27, v28;
	v28 =	vadd.f32 v37, v38;
	v38 =	vld [tilespmem:$0x1F940]  }
0x276: {  	[tilespmem:$0x1FB50] =	vst v62;
	v62 =	vld [tilespmem:s2+$0x1000]  }
0x277: {  	[tilespmem:s2+$0x20] =	vst v57;
	v57 =	vld [tilespmem:s2+$0x9400]  }
0x278: {  	[tilespmem:s2+$0x0] =	vst v3;
	v3 =	vld [tilespmem:s2+$0x11410]  }
0x279: {  	[tilespmem:s2+$0x50] =	vst v9;
	v9 =	vld [tilespmem:s2+$0x11420]  }
0x27a: {  	v0 =	vadd.f32 v0, v1;
	[tilespmem:s2+$0x60] =	vst v11;
	v11 =	vld [tilespmem:s2+$0x9430]  }
0x27b: {  	[tilespmem:$0x1FB30] =	vst v62;
	v62 =	vld [tilespmem:s2+$0x9000]  }
0x27c: {  	v0 =	vadd.f32 v15, v0;
	v15 =	vadd.f32 v33, v12;
	v12 =	vld [tilespmem:s2+$0x11430]  }
0x27d: {  	[tilespmem:s2+$0x70] =	vst v13;
	v13 =	vld [tilespmem:s2+$0x1440]  }
0x27e: {  	v2 =	vadd.f32 v2, v4;
	v17 =	vadd.f32 v36, v14;
	v14 =	vld [tilespmem:s2+$0x9440]  }
0x27f: {  	[tilespmem:s2+$0x10] =	vst v7;
	v36 =	vld [tilespmem:$0x1F930]  }
0x280: {  	v7 =	vadd.f32 v18, v2;
	[tilespmem:$0x1FB40] =	vst v62;
	v62 =	vld [tilespmem:s2+$0x11000]  }
0x281: {  	v18 =	vadd.f32 v24, v25;
	v21 =	vadd.f32 v39, v16;
	v16 =	vld [tilespmem:s2+$0x1450]  }
0x282: {  	v24 =	vadd.f32 v31, v32;
	v31 =	vadd.f32 v40, v41;
	v40 =	vld [tilespmem:$0x1F950]  }
0x283: {  	v33 =	vadd.f32 v44, v45;
	v44 =	vld [tilespmem:$0x1F970]  }
0x284: {  	v45 =	vld [tilespmem:$0x1F980]  }
0x285: {  	v26 =	vadd.f32 v34, v35;
	[tilespmem:$0x1FB80] =	vst v62;
	v62 =	vld [tilespmem:s2+$0x1010]  }
0x286: {  	v25 =	vadd.f32 v46, v22;
	v22 =	vld [tilespmem:s2+$0x9460]  }
0x287: {  	v29 =	vadd.f32 v52, v26;
	v26 =	vld [tilespmem:s2+$0x11470]  }
0x288: {  	v35 =	vadd.f32 v48, v50;
	v48 =	vld [tilespmem:$0x1F9A0]  }
0x289: {  	[tilespmem:s2+$0x40] =	vst v7;
	v7 =	vld [tilespmem:s2+$0x1410]  }
0x28a: {  	[tilespmem:$0x1FB60] =	vst v62;
	v62 =	vld [tilespmem:s2+$0x9010]  }
0x28b: {  	[tilespmem:s2+$0x400] =	vst v15;
	v15 =	vld [tilespmem:s2+$0x11440]  }
0x28c: {  	[tilespmem:s2+$0x410] =	vst v17;
	v17 =	vld [tilespmem:s2+$0x9450]  }
0x28d: {  	v23 =	vadd.f32 v42, v18;
	v42 =	vld [tilespmem:$0x1F960]  }
0x28e: {  	v18 =	vld [tilespmem:s2+$0x11450]  }
0x28f: {  	[tilespmem:$0x1FB70] =	vst v62;
	v62 =	vld [tilespmem:s2+$0x11010]  }
0x290: {  	v46 =	vld [tilespmem:$0x1F990]  }
0x291: {  	[tilespmem:s2+$0x420] =	vst v21;
	v21 =	vld [tilespmem:s2+$0x1460]  }
0x292: {  	v27 =	vadd.f32 v49, v24;
	v24 =	vld [tilespmem:s2+$0x1470]  }
0x293: {  	[tilespmem:s2+$0x440] =	vst v25;
	v25 =	vld [tilespmem:s2+$0x9470]  }
0x294: {  	[tilespmem:$0x1FBB0] =	vst v62;
	v62 =	vld [tilespmem:s2+$0x1020]  }
0x295: {  	[tilespmem:s2+$0x430] =	vst v23;
	v23 =	vld [tilespmem:s2+$0x11460]  }
0x296: {  	[tilespmem:s2+$0x450] =	vst v27;
	v27 =	vld [tilespmem:s2+$0x1800]  }
0x297: {  	v37 =	vadd.f32 v51, v53;
	v51 =	vld [tilespmem:$0x1F9D0]  }
0x298: {  	v49 =	vld [tilespmem:$0x1F9B0]  }
0x299: {  	[tilespmem:$0x1FB90] =	vst v62;
	v62 =	vld [tilespmem:s2+$0x9020]  }
0x29a: {  	v50 =	vld [tilespmem:$0x1F9C0]  }
0x29b: {  	v39 =	vadd.f32 v54, v56;
	v54 =	vld [tilespmem:$0x1FA00]  }
0x29c: {  	v52 =	vld [tilespmem:$0x1F9E0]  }
0x29d: {  	[tilespmem:s2+$0x30] =	vst v0;
	v53 =	vld [tilespmem:$0x1F9F0]  }
0x29e: {  	v0 =	vadd.f32 v36, v33;
	[tilespmem:$0x1FBA0] =	vst v62;
	v62 =	vld [tilespmem:s2+$0x11020]  }
0x29f: {  	v41 =	vadd.f32 v58, v61;
	v58 =	vld [tilespmem:$0x1FA30]  }
0x2a0: {  	v32 =	vadd.f32 v55, v28;
	[tilespmem:s2+$0x810] =	vst v0;
	v0 =	vadd.f32 v40, v37;
	v55 =	vld [tilespmem:$0x1FA10]  }
0x2a1: {  	v2 =	vadd.f32 v59, v44;
	v59 =	vld [tilespmem:$0x1FA40]  }
0x2a2: {  	v34 =	vadd.f32 v60, v31;
	[tilespmem:s2+$0x830] =	vst v0;
	v60 =	vld [tilespmem:$0x1FA50]  }
0x2a3: {  	v4 =	vadd.f32 v63, v46;
	v0 =	vadd.f32 v45, v41;
	[tilespmem:$0x1FBE0] =	vst v62;
	v62 =	vld [tilespmem:s2+$0x1030]  }
0x2a4: {  	[tilespmem:s2+$0x460] =	vst v29;
	v1 =	vadd.f32 v38, v35;
	v56 =	vld [tilespmem:$0x1FA20]  }
0x2a5: {  	[tilespmem:s2+$0x850] =	vst v0;
	v0 =	vadd.f32 v51, v4;
	v29 =	vld [tilespmem:$0x1FA90]  }
0x2a6: {  	[tilespmem:s2+$0x820] =	vst v1;
	v4 =	vadd.f32 v53, v52;
	v61 =	vld [tilespmem:$0x1FA60]  }
0x2a7: {  	v1 =	vadd.f32 v42, v39;
	[tilespmem:s2+$0x870] =	vst v0;
	v63 =	vld [tilespmem:$0x1FA70]  }
0x2a8: {  	v0 =	vadd.f32 v58, v4;
	v4 =	vadd.f32 v60, v59;
	[tilespmem:$0x1FBC0] =	vst v62;
	v62 =	vld [tilespmem:s2+$0x9030]  }
0x2a9: {  	[tilespmem:s2+$0x840] =	vst v1;
	v1 =	vadd.f32 v48, v2;
	v28 =	vld [tilespmem:$0x1FA80]  }
0x2aa: {  	v2 =	vadd.f32 v50, v49;
	[tilespmem:s2+$0xC10] =	vst v0;
	v0 =	vadd.f32 v29, v4;
	v29 =	vld [tilespmem:s2+$0x11800]  }
0x2ab: {  	[tilespmem:s2+$0x470] =	vst v32;
	v33 =	vld [tilespmem:$0x1FAC0]  }
0x2ac: {  	[tilespmem:s2+$0x860] =	vst v1;
	v1 =	vadd.f32 v54, v2;
	v2 =	vadd.f32 v56, v55;
	v31 =	vld [tilespmem:$0x1FAA0]  }
0x2ad: {  	[tilespmem:$0x1FBD0] =	vst v62;
	v62 =	vld [tilespmem:s2+$0x11030]  }
0x2ae: {  	[tilespmem:s2+$0xC00] =	vst v1;
	v1 =	vadd.f32 v61, v2;
	v2 =	vadd.f32 v28, v63;
	v32 =	vld [tilespmem:$0x1FAB0]  }
0x2af: {  	v28 =	vld [tilespmem:s2+$0x9800]  }
0x2b0: {  	[tilespmem:s2+$0xC20] =	vst v1;
	v1 =	vadd.f32 v33, v2;
	v33 =	vld [tilespmem:s2+$0x11810]  }
0x2b1: {  	v36 =	vld [tilespmem:$0x1FAF0]  }
0x2b2: {  	[tilespmem:$0x1FC10] =	vst v62;
	v62 =	vld [tilespmem:s2+$0x1040]  }
0x2b3: {  	v4 =	vadd.f32 v32, v31;
	v31 =	vld [tilespmem:s2+$0x1810]  }
0x2b4: {  	[tilespmem:s2+$0x800] =	vst v34;
	v34 =	vld [tilespmem:$0x1FAD0]  }
0x2b5: {  	v35 =	vld [tilespmem:$0x1FAE0]  }
0x2b6: {  	v32 =	vld [tilespmem:s2+$0x9810]  }
0x2b7: {  	[tilespmem:$0x1FBF0] =	vst v62;
	v62 =	vld [tilespmem:s2+$0x9040]  }
0x2b8: {  	[tilespmem:s2+$0xC30] =	vst v0;
	v0 =	vadd.f32 v36, v4;
	v36 =	vld [tilespmem:s2+$0x11820]  }
0x2b9: {  	v39 =	vld [tilespmem:$0x1FB20]  }
0x2ba: {  	v2 =	vadd.f32 v35, v34;
	v34 =	vld [tilespmem:s2+$0x1820]  }
0x2bb: {  	v35 =	vld [tilespmem:s2+$0x9820]  }
0x2bc: {  	[tilespmem:$0x1FC00] =	vst v62;
	v62 =	vld [tilespmem:s2+$0x11040]  }
0x2bd: {  	v37 =	vld [tilespmem:$0x1FB00]  }
0x2be: {  	v38 =	vld [tilespmem:$0x1FB10]  }
0x2bf: {  	v40 =	vld [tilespmem:$0x1FB30]  }
0x2c0: {  	v41 =	vld [tilespmem:$0x1FB40]  }
0x2c1: {  	[tilespmem:$0x1FC40] =	vst v62;
	v62 =	vld [tilespmem:s2+$0x1050]  }
0x2c2: {  	v42 =	vld [tilespmem:$0x1FB50]  }
0x2c3: {  	v46 =	vld [tilespmem:$0x1FB80]  }
0x2c4: {  	v44 =	vld [tilespmem:$0x1FB60]  }
0x2c5: {  	[tilespmem:s2+$0xC40] =	vst v1;
	v45 =	vld [tilespmem:$0x1FB70]  }
0x2c6: {  	v1 =	vadd.f32 v39, v2;
	v2 =	vadd.f32 v41, v40;
	[tilespmem:$0x1FC20] =	vst v62;
	v62 =	vld [tilespmem:s2+$0x9050]  }
0x2c7: {  	v4 =	vadd.f32 v38, v37;
	v40 =	vld [tilespmem:s2+$0x1830]  }
0x2c8: {  	[tilespmem:s2+$0xC60] =	vst v1;
	v1 =	vadd.f32 v46, v2;
	v46 =	vadd.f32 v57, v43;
	v57 =	vld [tilespmem:s2+$0x1850]  }
0x2c9: {  	v50 =	vld [tilespmem:$0x1FBB0]  }
0x2ca: {  	[tilespmem:s2+$0xC50] =	vst v0;
	v0 =	vadd.f32 v42, v4;
	v4 =	vadd.f32 v45, v44;
	v44 =	vld [tilespmem:s2+$0x9830]  }
0x2cb: {  	[tilespmem:$0x1FC30] =	vst v62;
	v62 =	vld [tilespmem:s2+$0x11050]  }
0x2cc: {  	v48 =	vld [tilespmem:$0x1FB90]  }
0x2cd: {  	v49 =	vld [tilespmem:$0x1FBA0]  }
0x2ce: {  	v53 =	vld [tilespmem:$0x1FBE0]  }
0x2cf: {  	v51 =	vld [tilespmem:$0x1FBC0]  }
0x2d0: {  	[tilespmem:$0x1FC70] =	vst v62;
	v62 =	vld [tilespmem:s2+$0x1060]  }
0x2d1: {  	v52 =	vld [tilespmem:$0x1FBD0]  }
0x2d2: {  	v56 =	vld [tilespmem:$0x1FC10]  }
0x2d3: {  	v54 =	vld [tilespmem:$0x1FBF0]  }
0x2d4: {  	v55 =	vld [tilespmem:$0x1FC00]  }
0x2d5: {  	v42 =	vadd.f32 v30, v19;
	[tilespmem:$0x1FC50] =	vst v62;
	v62 =	vld [tilespmem:s2+$0x9060]  }
0x2d6: {  	[tilespmem:s2+$0xC70] =	vst v0;
	v0 =	vadd.f32 v50, v4;
	v60 =	vld [tilespmem:$0x1FC40]  }
0x2d7: {  	[tilespmem:s2+$0x1000] =	vst v1;
	v2 =	vadd.f32 v49, v48;
	v49 =	vadd.f32 v20, v42;
	v58 =	vld [tilespmem:$0x1FC20]  }
0x2d8: {  	v50 =	vadd.f32 v5, v7;
	[tilespmem:s2+$0x1010] =	vst v0;
	v59 =	vld [tilespmem:$0x1FC30]  }
0x2d9: {  	[tilespmem:s2+$0x1070] =	vst v49;
	v1 =	vadd.f32 v53, v2;
	v4 =	vadd.f32 v52, v51;
	v41 =	vld [tilespmem:$0x1FC70]  }
0x2da: {  	v52 =	vadd.f32 v47, v46;
	v2 =	vadd.f32 v55, v54;
	v61 =	vld [tilespmem:$0x1FC50];
	[tilespmem:$0x1FC60] =	vst v62  }
0x2db: {  	v53 =	vadd.f32 v8, v6;
	[tilespmem:s2+$0x1020] =	vst v1;
	v0 =	vadd.f32 v56, v4;
	v63 =	vld [tilespmem:$0x1FC60]  }
0x2dc: {  	v48 =	vld [tilespmem:s2+$0x11830];
	[tilespmem:s2+$0x1400] =	vst v52;
	v55 =	vadd.f32 v3, v50;
	v1 =	vadd.f32 v60, v2  }
0x2dd: {  	[tilespmem:s2+$0x1030] =	vst v0;
	v4 =	vadd.f32 v59, v58;
	v59 =	vadd.f32 v14, v13;
	v62 =	vld [tilespmem:s2+$0x11060]  }
0x2de: {  	v37 =	vadd.f32 v44, v40;
	v51 =	vld [tilespmem:s2+$0x1840];
	[tilespmem:s2+$0x1410] =	vst v55;
	v58 =	vadd.f32 v9, v53  }
0x2df: {  	v56 =	vadd.f32 v11, v10;
	v54 =	vld [tilespmem:s2+$0x9840];
	[tilespmem:s2+$0x1040] =	vst v1;
	v15 =	vadd.f32 v15, v59  }
0x2e0: {  	v60 =	vld [tilespmem:s2+$0x9850];
	[tilespmem:s2+$0x1420] =	vst v58;
	v0 =	vadd.f32 v41, v4;
	v2 =	vadd.f32 v63, v61  }
0x2e1: {  	v42 =	vadd.f32 v48, v37;
	[tilespmem:s2+$0x1440] =	vst v15;
	v61 =	vadd.f32 v12, v56;
	v63 =	vld [tilespmem:s2+$0x11850]  }
0x2e2: {  	[tilespmem:s2+$0x1050] =	vst v0;
	v45 =	vadd.f32 v62, v2;
	v62 =	vadd.f32 v17, v16;
	v17 =	vld [tilespmem:s2+$0x1860]  }
0x2e3: {  	[tilespmem:s2+$0x1830] =	vst v42;
	v16 =	vadd.f32 v22, v21;
	v21 =	vadd.f32 v25, v24;
	v22 =	vld [tilespmem:s2+$0x9860]  }
0x2e4: {  	[tilespmem:s2+$0x1430] =	vst v61;
	v24 =	vadd.f32 v28, v27;
	v25 =	vld [tilespmem:s2+$0x1870];
	v20 =	vadd.f32 v18, v62  }
0x2e5: {  	v27 =	vadd.f32 v32, v31;
	v28 =	vld [tilespmem:s2+$0x9870];
	[tilespmem:s2+$0x1060] =	vst v45;
	v23 =	vadd.f32 v23, v16  }
0x2e6: {  	v32 =	vadd.f32 v35, v34;
	v34 =	vld [tilespmem:s2+$0x11860];
	v26 =	vadd.f32 v26, v21;
	[tilespmem:s2+$0x1450] =	vst v20  }
0x2e7: {  	v38 =	vld [tilespmem:s2+$0x11870];
	v31 =	vadd.f32 v29, v24;
	[tilespmem:s2+$0x1460] =	vst v23  }
0x2e8: {  	v40 =	vadd.f32 v60, v57;
	v41 =	vld [tilespmem:s2+$0x11840];
	v35 =	vadd.f32 v33, v27;
	[tilespmem:s2+$0x1470] =	vst v26  }
0x2e9: {  	v39 =	vadd.f32 v36, v32;
	[tilespmem:s2+$0x1800] =	vst v31;
	v43 =	vadd.f32 v22, v17  }
0x2ea: {  	v44 =	vadd.f32 v63, v40;
	[tilespmem:s2+$0x1810] =	vst v35;
	v45 =	vadd.f32 v28, v25  }
0x2eb: {  	s18 =	sand.u32 $0x7, s31;
	v46 =	vadd.f32 v54, v51;
	[tilespmem:s2+$0x1820] =	vst v39;
	v3 =	vadd.f32 v34, v43  }
0x2ec: {  	s17 =	sshll.u32 s18, $0x7;
	[tilespmem:s2+$0x1850] =	vst v44;
	v47 =	vadd.f32 v38, v45  }
0x2ed: {  	s17 =	sadd.s32 s17, s0;
	v0 =	vadd.f32 v41, v46;
	[tilespmem:s2+$0x1860] =	vst v3  }
0x2ee: {  	s18 =	sor.u32 $0x1C00, s17;
	[tilespmem:s2+$0x1870] =	vst v47  }
0x2ef: {  	[tilespmem:s2+$0x1840] =	vst v0;
	v48 =	vld [tilespmem:s18+$0x0]  }
0x2f0: {  	v1 =	vld [tilespmem:s18+$0x8000];
	_ =	sdelay $0x1  }
0x2f1: {  	v49 =	vld [tilespmem:s18+$0x10000];
	_ =	sdelay $0x2  }
0x2f2: {  	v0 =	vadd.f32 v1, v48;
	_ =	sdelay $0x1  }
0x2f3: {  	v0 =	vadd.f32 v49, v0;
	_ =	sdelay $0x1  }
0x2f4: {  	[tilespmem:s18+$0x0] =	vst v0;
	s18 =	sor.u32 $0x1C10, s17  }
0x2f5: {  	v0 =	vld [tilespmem:s18+$0x0]  }
0x2f6: {  	v50 =	vld [tilespmem:s18+$0x8000];
	_ =	sdelay $0x1  }
0x2f7: {  	v51 =	vld [tilespmem:s18+$0x10000];
	_ =	sdelay $0x2  }
0x2f8: {  	v0 =	vadd.f32 v50, v0;
	_ =	sdelay $0x1  }
0x2f9: {  	v0 =	vadd.f32 v51, v0;
	_ =	sdelay $0x1  }
0x2fa: {  	[tilespmem:s18+$0x0] =	vst v0;
	s18 =	sor.u32 $0x1C20, s17  }
0x2fb: {  	v0 =	vld [tilespmem:s18+$0x0]  }
0x2fc: {  	v52 =	vld [tilespmem:s18+$0x8000];
	_ =	sdelay $0x1  }
0x2fd: {  	v53 =	vld [tilespmem:s18+$0x10000];
	_ =	sdelay $0x2  }
0x2fe: {  	v0 =	vadd.f32 v52, v0;
	_ =	sdelay $0x1  }
0x2ff: {  	v0 =	vadd.f32 v53, v0;
	_ =	sdelay $0x1  }
0x300: {  	[tilespmem:s18+$0x0] =	vst v0;
	s18 =	sor.u32 $0x1C30, s17  }
0x301: {  	v0 =	vld [tilespmem:s18+$0x0]  }
0x302: {  	v54 =	vld [tilespmem:s18+$0x8000];
	_ =	sdelay $0x1  }
0x303: {  	v55 =	vld [tilespmem:s18+$0x10000];
	_ =	sdelay $0x2  }
0x304: {  	v0 =	vadd.f32 v54, v0;
	_ =	sdelay $0x1  }
0x305: {  	v0 =	vadd.f32 v55, v0;
	_ =	sdelay $0x1  }
0x306: {  	[tilespmem:s18+$0x0] =	vst v0;
	s18 =	sor.u32 $0x1C40, s17  }
0x307: {  	v0 =	vld [tilespmem:s18+$0x0]  }
0x308: {  	v56 =	vld [tilespmem:s18+$0x8000];
	_ =	sdelay $0x1  }
0x309: {  	v57 =	vld [tilespmem:s18+$0x10000];
	_ =	sdelay $0x2  }
0x30a: {  	v0 =	vadd.f32 v56, v0;
	_ =	sdelay $0x1  }
0x30b: {  	v0 =	vadd.f32 v57, v0;
	_ =	sdelay $0x1  }
0x30c: {  	[tilespmem:s18+$0x0] =	vst v0;
	s18 =	sor.u32 $0x1C50, s17  }
0x30d: {  	v0 =	vld [tilespmem:s18+$0x0]  }
0x30e: {  	v58 =	vld [tilespmem:s18+$0x8000];
	_ =	sdelay $0x1  }
0x30f: {  	v59 =	vld [tilespmem:s18+$0x10000];
	_ =	sdelay $0x2  }
0x310: {  	v0 =	vadd.f32 v58, v0;
	_ =	sdelay $0x1  }
0x311: {  	v0 =	vadd.f32 v59, v0;
	_ =	sdelay $0x1  }
0x312: {  	[tilespmem:s18+$0x0] =	vst v0;
	s18 =	sor.u32 $0x1C60, s17  }
0x313: {  	v0 =	vld [tilespmem:s18+$0x0]  }
0x314: {  	v60 =	vld [tilespmem:s18+$0x8000];
	_ =	sdelay $0x1  }
0x315: {  	v61 =	vld [tilespmem:s18+$0x10000];
	_ =	sdelay $0x2  }
0x316: {  	v0 =	vadd.f32 v60, v0;
	_ =	sdelay $0x1  }
0x317: {  	v0 =	vadd.f32 v61, v0;
	_ =	sdelay $0x1  }
0x318: {  	[tilespmem:s18+$0x0] =	vst v0;
	s18 =	sor.u32 $0x1C70, s17  }
0x319: {  	v0 =	vld [tilespmem:s18+$0x0]  }
0x31a: {  	v62 =	vld [tilespmem:s18+$0x8000];
	_ =	sdelay $0x1  }
0x31b: {  	v63 =	vld [tilespmem:s18+$0x10000];
	_ =	sdelay $0x1  }
0x31c: {  	p0 =	sne.s32 s15, $0xF80  }
.Ltmp1:
0x31d: {  	v0 =	vadd.f32 v62, v0;
	(pc) =	sbr.rel @p0 .LBB2_4-.Ltmp1, $4  }
0x31e: {  	_ = 	snop  }
0x31f: {  	v0 =	vadd.f32 v63, v0  }
0x320: {  	s31 =	sadd.s32 $0x1, s31  }
0x321: {  	s14 =	sadd.s32 $0x400, s14;
	s15 =	sadd.s32 $0x80, s15;
	s0 =	sadd.s32 $0x400, s0;
	[tilespmem:s18+$0x0] =	vst v0  }
0x322: {  	s0 =	rddreg [dreg:$0xa]  }
0x323: {  	[hbm4b:s0+s1] =	stream.linear.scatter [tilespmem:s1], [sflag:$0x2], $0x8000, $0x38;
	[tilespmem:$0x18100] =	vst v63  }
0x324: {  	_ =	swait.ge [sflag:s16], $0x8000  }
0x325: {  	s13 =	sadd.s32 $0x1, s13;
	s31 =	rddreg [dreg:$0xb]  }
0x326: {  	p0 =	sne.s32 s13, s31  }
.Ltmp2:
0x327: {  	_ = 	snop;
	(pc) =	sbr.rel @p0 .LBB2_1-.Ltmp2, $3  }
0x328: {  	_ =	sdelay $0x1  }
0x329: {  	[sflag:s16] =	ssyncset.done $0x0  }
0x32a: {  	[sflag:s16] =	ssyncadd.s32 $0xFFFF8000  }
0x32b: {  	_ =	sfence.sel $0x180000  }
0x32c: {  	[bflag:$0x0] =	sbarrier.arrive $0xFFFF  }
0x32d: {  	_ =	strace $0x9000004A  }
0x32e: {  	s0 =	stileid.u32;
	[bflag:$0x2] =	sbarrier.arrive $0xFFFF  }
0x32f: {  	p0 =	sne.s32 s0, $0x0;
	s0 =	rddreg [dreg:$0x2]  }
0x330: {  	s0 =	sadd.s32 @!p0 $0x100000, s0  }
0x331: {  	[sflag:s0] =	ssyncadd.tile.s32 @!p0 $0x1;
	_ =	shalt  }
.Lfunc_end2:
_tile_overlayer_lowered:
.L_overlay_start_2:
0x332: {  	(tag) =	ssettag $0x2  }
0x333: {  	s0 =	rddreg [dreg:$0x0];
	s2 =	stileid.u32  }
0x334: {  	s1 =	rddreg [dreg:$0x1];
	p0 =	sne.s32 s2, $0x0  }
0x335: {  	s3 =	rddreg [dreg:$0x2];
	[bflag:$0x3] =	sbarrier.arrive $0xFFFF;
	s2 =	simm.s32 @!p0 $0x1C02  }
0x336: {  	[timem:s3], [sflag:s2] =	dma.local @!p0 [hbm:s0], s1  }
0x337: {  	s0 =	simm.s32 @!p0 $0x2  }
0x338: {  	_ =	swait.ge @!p0 [sflag:s0], s1  }
0x339: {  	s1 =	ssub.s32 @!p0 $0x0, s1;
	[sflag:s0] =	ssyncset.done @!p0 $0x0  }
0x33a: {  	[sflag:s0] =	ssyncadd.s32 @!p0 s1  }
0x33b: {  	[bflag:$0x3] =	sbarrier.arrive $0xFFFF  }
0x33c: {  	_ =	shalt  }

// kernel: kernel.7.cloned.1.call-start
scs
__scs_entry_jumppad:
0x0: {  	(pc) =	sbr.rel $0x88, $3  }
0x1: {  	(tag) =	ssettag $0x0;
	lr =	simm.s32 $0x1  }
0x2: {  	[smem:$0x3F97] =	sst lr;
	_ =	strace $0xD0000000  }
0x3: {  	_ = 	snop  }
0x4: {  	_ = 	snop  }
0x5: {  	_ = 	snop  }
0x6: {  	_ = 	snop  }
0x7: {  	_ = 	snop  }
__scs_overlays_trampoline_lowered:
0x8: {  	[smem:$0x3FA6] =	sst s0  }
0x9: {  	[smem:$0x3FA7] =	sst s1  }
0xa: {  	[smem:$0x3FA8] =	sst s2  }
0xb: {  	[smem:$0x3FA9] =	sst s3  }
0xc: {  	[smem:$0x3FAA] =	sst s4  }
0xd: {  	[smem:$0x3FAB] =	sst s5  }
0xe: {  	[smem:$0x3FAC] =	sst s6  }
0xf: {  	[smem:$0x3FAD] =	sst s7  }
0x10: {  	[smem:$0x3FAE] =	sst s8  }
0x11: {  	[smem:$0x3FAF] =	sst s9;
	s0 =	simm.s32 @!p0 $0x0  }
0x12: {  	s1 =	sld [smem:$0x3F95];
	s0 =	simm.s32 @p0 $0x1  }
0x13: {  	[smem:$0x3FB0] =	sst s0;
	s0 =	simm.s32 @!p1 $0x0  }
0x14: {  	s2 =	sld [smem:$0x3F94];
	s0 =	simm.s32 @p1 $0x1  }
0x15: {  	[smem:$0x3FB1] =	sst s0;
	s0 =	simm.s32 @!p2 $0x0  }
0x16: {  	s3 =	sld [smem:$0x3FDB];
	s0 =	simm.s32 @p2 $0x1  }
0x17: {  	s4 =	simm.s32 $0x1BF5;
	[smem:$0x3FB3] =	sst s0  }
0x18: {  	s0 =	sld [smem:$0x3F96];
	_ =	swait.ge [sflag:s4], $0x0  }
0x19: {  	s7 =	sld [smem:$0x3F97]  }
0x1a: {  	s8 =	sadd.s32 $0xFFFFE003, lr  }
0x1b: {  	s9 =	sadd.s32 $0xFFFFFEF7, lr;
	s5 =	simm.s32 $0xFFFFFFFF;
	p2 =	slt.u32 s8, $0xFFFFF086  }
0x1c: {  	p1 =	slt.u32 s9, $0xF7A;
	s5 =	simm.s32 @!p2 $0x0  }
0x1d: {  	s5 =	simm.s32 @p1 $0x1;
	p0 =	seq.s32 s7, s2  }
0x1e: {  	s7 =	smul.u32 @!p0 $0xF7A, s2;
	p2 =	seq.s32 @!p0 s5, $0x0  }
0x1f: {  	s9 =	smul.u32 $0xF7A, s1;
	s8 =	simm.s32 @!p0 $0x1BF5;
	p2 =	por !p2, p0  }
0x20: {  	[sflag:s8] =	ssyncset.s32 @!p0 $0xFFFFF086;
	s6 =	sadd.s32 @!p0 s3, s7;
	s7 =	simm.s32 @!p0 $0x108  }
0x21: {  	s3 =	sadd.s32 s3, s9;
	s6 =	sadd.s32 @!p0 $0x88, s6;
	s7 =	simm.s32 @p2 $0x1082  }
0x22: {  	[simem:s7], [sflag:s8] =	dma.local @!p0 [hbm:s6], $0xF7A  }
0x23: {  	s9 =	sor.u32 $0xD0000000, s2;
	s6 =	simm.s32 $0x108;
	_ =	swait.ge @!p0 [sflag:s8], $0x0  }
0x24: {  	s3 =	sadd.s32 $0x88, s3;
	s6 =	simm.s32 @!p1 $0x1082;
	[sflag:s4] =	ssyncset.s32 $0xFFFFF086  }
0x25: {  	[simem:s6], [sflag:s4] =	dma.local [hbm:s3], $0xF7A  }
0x26: {  	[smem:$0x3F97] =	sst s1;
	(tag) =	ssettag s2;
	_ =	strace s9  }
0x27: {  	s1 =	sld [smem:$0x3FA7]  }
0x28: {  	s2 =	sld [smem:$0x3FA8]  }
0x29: {  	s4 =	sld [smem:$0x3FAA]  }
0x2a: {  	p0 =	seq.s32 s5, $0x0;
	s5 =	sld [smem:$0x3FAB]  }
0x2b: {  	s6 =	sld [smem:$0x3FAC]  }
0x2c: {  	s7 =	sld [smem:$0x3FAD]  }
0x2d: {  	s3 =	simm.s32 $0x108;
	s8 =	sld [smem:$0x3FAE]  }
0x2e: {  	s3 =	simm.s32 @!p0 $0x1082;
	s9 =	sld [smem:$0x3FAF]  }
0x2f: {  	lr =	sadd.s32 s0, s3;
	s0 =	sld [smem:$0x3FA6]  }
0x30: {  	s3 =	sld [smem:$0x3FA9]  }
0x31: {  	[smem:$0x3FB2] =	sst s10  }
0x32: {  	s10 =	sld [smem:$0x3FB0];
	_ =	sdelay $0x3  }
0x33: {  	p0 =	seq.s32 s10, $0x1;
	s10 =	sld [smem:$0x3FB2];
	_ =	sdelay $0x3  }
0x34: {  	[smem:$0x3FB2] =	sst s10  }
0x35: {  	s10 =	sld [smem:$0x3FB1];
	_ =	sdelay $0x3  }
0x36: {  	p1 =	seq.s32 s10, $0x1;
	s10 =	sld [smem:$0x3FB2];
	_ =	sdelay $0x3  }
0x37: {  	[smem:$0x3FB2] =	sst s10  }
0x38: {  	s10 =	sld [smem:$0x3FB3]  }
0x39: {  	_ = 	snop;
	(pc) =	sbr.ind lr, $3  }
0x3a: {  	_ = 	snop  }
0x3b: {  	_ = 	snop  }
0x3c: {  	p2 =	seq.s32 s10, $0x1;
	s10 =	sld [smem:$0x3FB2]  }
0x3d: {  	_ =	shalt  }
0x3e: {  	_ =	shalt  }
0x3f: {  	_ =	shalt  }
0x40: {  	_ =	shalt  }
0x41: {  	_ =	shalt  }
0x42: {  	_ =	shalt  }
0x43: {  	_ =	shalt  }
0x44: {  	_ =	shalt  }
0x45: {  	_ =	shalt  }
0x46: {  	_ =	shalt  }
0x47: {  	_ =	shalt  }
0x48: {  	_ =	shalt  }
0x49: {  	_ =	shalt  }
0x4a: {  	_ =	shalt  }
0x4b: {  	_ =	shalt  }
0x4c: {  	_ =	shalt  }
0x4d: {  	_ =	shalt  }
0x4e: {  	_ =	shalt  }
0x4f: {  	_ =	shalt  }
0x50: {  	_ =	shalt  }
0x51: {  	_ =	shalt  }
0x52: {  	_ =	shalt  }
0x53: {  	_ =	shalt  }
0x54: {  	_ =	shalt  }
0x55: {  	_ =	shalt  }
0x56: {  	_ =	shalt  }
0x57: {  	_ =	shalt  }
0x58: {  	_ =	shalt  }
0x59: {  	_ =	shalt  }
0x5a: {  	_ =	shalt  }
0x5b: {  	_ =	shalt  }
0x5c: {  	_ =	shalt  }
0x5d: {  	_ =	shalt  }
0x5e: {  	_ =	shalt  }
0x5f: {  	_ =	shalt  }
0x60: {  	_ =	shalt  }
0x61: {  	_ =	shalt  }
0x62: {  	_ =	shalt  }
0x63: {  	_ =	shalt  }
0x64: {  	_ =	shalt  }
0x65: {  	_ =	shalt  }
0x66: {  	_ =	shalt  }
0x67: {  	_ =	shalt  }
0x68: {  	_ =	shalt  }
0x69: {  	_ =	shalt  }
0x6a: {  	_ =	shalt  }
0x6b: {  	_ =	shalt  }
0x6c: {  	_ =	shalt  }
0x6d: {  	_ =	shalt  }
0x6e: {  	_ =	shalt  }
0x6f: {  	_ =	shalt  }
0x70: {  	_ =	shalt  }
0x71: {  	_ =	shalt  }
0x72: {  	_ =	shalt  }
0x73: {  	_ =	shalt  }
0x74: {  	_ =	shalt  }
0x75: {  	_ =	shalt  }
0x76: {  	_ =	shalt  }
0x77: {  	_ =	shalt  }
0x78: {  	_ =	shalt  }
0x79: {  	_ =	shalt  }
0x7a: {  	_ =	shalt  }
0x7b: {  	_ =	shalt  }
0x7c: {  	_ =	shalt  }
0x7d: {  	_ =	shalt  }
0x7e: {  	_ =	shalt  }
0x7f: {  	_ =	shalt  }
0x80: {  	_ =	shalt  }
0x81: {  	_ =	shalt  }
0x82: {  	_ =	shalt  }
0x83: {  	_ =	shalt  }
0x84: {  	_ =	shalt  }
0x85: {  	_ =	shalt  }
0x86: {  	_ =	shalt  }
0x87: {  	_ =	shalt  }
.Lfunc_end0:
.L_simem_size_0:
called_computation_lowered:
.L_overlay_start_0:
0x88: {  	s2 =	sld [smem:$0x3FD9]  }
0x89: {  	s3 =	sld [smem:$0x3FFE];
	_ =	sdelay $0x1  }
0x8a: {  	s1 =	srdreg.scid  }
0x8b: {  	s0 =	sand.u32 $0x1, s1  }
0x8c: {  	s14 =	sshll.u32 s0, $0xA;
	s2 =	sadd.s32 s3, s2  }
0x8d: {  	s2 =	sadd.s32 s2, s14  }
0x8e: {  	[smem:$0x3FBE] =	sst s2  }
0x8f: {  	_ = 	snop  }
0x90: {  	s2 =	sld [smem:$0x3FD0];
	_ =	sdelay $0x2  }
0x91: {  	s4 =	simm.s32 $0xA;
	s5 =	simm.s32 $0x10;
	s15 =	sld [smem:$0x3FC9]  }
0x92: {  	[smem:s5], [sflag:s4] =	dma.local [hbm:s2], $0x1  }
0x93: {  	_ =	swait.eq [sflag:s4], $0x1  }
0x94: {  	[sflag:s4] =	ssyncset.done $0x0  }
0x95: {  	[sflag:s4] =	ssyncadd.s32 $0xFFFFFFFF  }
0x96: {  	s16 =	sld [smem:$0x10];
	(tm) =	ssettm $0x1  }
0x97: {  	s17 =	sld [smem:$0x3FFB];
	_ =	sdelay $0x3  }
0x98: {  	_ =	strace s17  }
0x99: {  	s4 =	sld [smem:$0x3FFC];
	_ =	sdelay $0x3  }
0x9a: {  	_ =	strace s4  }
0x9b: {  	s4 =	sld [smem:$0x3FFD];
	_ =	sdelay $0x3  }
0x9c: {  	_ =	strace s4  }
0x9d: {  	_ =	strace $0x8FFFFFFF  }
0x9e: {  	s18 =	sld [smem:$0x3FDB];
	_ =	sdelay $0x1  }
0x9f: {  	s19 =	simm.s32 $_scs_section_size  }
0xa0: {  	s6 =	simm.s32 $_size__tile_overlayer_lowered;
	s7 =	simm.s32 $_tile_overlayer_lowered  }
0xa1: {  	s22 =	simm.s32 $0x1BFF;
	s21 =	sshll.u32 s7, $0x1;
	s4 =	sadd.s32 s19, s18  }
0xa2: {  	s8 =	simm.s32 $0x0;
	s20 =	sshll.u32 s6, $0x1;
	s6 =	sadd.s32 s21, s4  }
0xa3: {  	[timem:s8], [sflag:s22] =	dma.local [hbm:s6], s20  }
0xa4: {  	_ =	swait.ge [sflag:s22], s20  }
0xa5: {  	s5 =	ssub.s32 $0x0, s20;
	[sflag:s22] =	ssyncset.done $0x0  }
0xa6: {  	[sflag:s22] =	ssyncadd.s32 s5;
	_ =	sdelay $0x1  }
0xa7: {  	s23 =	simm.s32 $0x1B8B  }
0xa8: {  	_ =	swait.ge [sflag:s23], $0x1  }
0xa9: {  	[sflag:s23] =	ssyncset.done $0x0  }
0xaa: {  	s25 =	simm.s32 $0x1B8E;
	s24 =	sld [smem:$0x3FFE];
	[sflag:s23] =	ssyncadd.s32 $0xFFFFFFFF  }
0xab: {  	s26 =	simm.s32 $execute0_lowered;
	[smem:$0x3FD2] =	sst s25  }
0xac: {  	s6 =	sshll.u32 s26, $0x1;
	_ =	strace $0x80000046;
	[dreg:$0x1] =	wrdreg $0xFFFFFFFF  }
0xad: {  	s28 =	simm.s32 $_size_execute0_lowered;
	s4 =	sadd.s32 s4, s6;
	[dreg:$0x0] =	wrdreg $0x0  }
0xae: {  	s6 =	sshll.u32 s28, $0x1;
	[dreg:$0x2] =	wrdreg s4  }
0xaf: {  	[dreg:$0x3] =	wrdreg s6  }
0xb0: {  	[dreg:$0x4] =	wrdreg $0xC0  }
0xb1: {  	_ =	task [dreg:s8], $0x5FFFF  }
0xb2: {  	[dreg:$0x1] =	wrdreg $0xFFFFFFFF  }
0xb3: {  	[dreg:$0x0] =	wrdreg $0x60  }
0xb4: {  	[dreg:$0x2] =	wrdreg s15  }
0xb5: {  	[dreg:$0x3] =	wrdreg s24  }
0xb6: {  	[dreg:$0x4] =	wrdreg s16  }
0xb7: {  	[dreg:$0x5] =	wrdreg $0x9  }
0xb8: {  	_ =	task.clear_ibuf [dreg:s8], $0x6FFFF;
	_ =	strace $0x90000046  }
0xb9: {  	s29 =	simm.s32 $0x9;
	_ =	strace $0x80000048  }
0xba: {  	_ =	swait.ge [sflag:s29], $0x1  }
0xbb: {  	[sflag:s29] =	ssyncadd.s32 $0xFFFFFFFF  }
0xbc: {  	_ =	strace $0x90000048  }
0xbd: {  	_ =	sfence  }
0xbe: {  	s30 =	sld [smem:$0x0];
	_ =	sdelay $0x2  }
0xbf: {  	s31 =	sshll.u32 s1, $0xD;
	s1 =	sshrl.u32 s1, $0x2  }
0xc0: {  	s3 =	sand.u32 $0x4000, s31;
	s1 =	sadd.s32 s1, s30  }
0xc1: {  	s0 =	sor.u32 s3, s0;
	s1 =	sshll.u32 s1, $0x11  }
0xc2: {  	s0 =	sor.u32 s1, s0  }
0xc3: {  	s0 =	sadd.s32 $0x8F2B, s0  }
0xc4: {  	[sflag:s0] =	ssyncadd.remote.s32 $0x1  }
0xc5: {  	_ =	sfence.sel $0xFFFF  }
0xc6: {  	[dreg:$0x0] =	wrdreg $0xFFFFFFFF;
	(pc) =	sbr.abs _section_cstart, $3  }
0xc7: {  	[dreg:$0x1] =	wrdreg $0xFFFFFFFF  }
0xc8: {  	_ =	task.clear_ibuf [dreg:s8], $0x2FFFF;
	_ =	strace $0x9FFFFFFF  }
0xc9: {  	(tm) =	ssettm $0x7FFFFFFF  }
tec
execute0_lowered:
.L_overlay_start_1:
0x0: {  	(tag) =	ssettag $0x1  }
0x1: {  	s0 =	rddreg [dreg:$0x0]  }
0x2: {  	s7 =	rddreg [dreg:$0x1]  }
0x3: {  	s2 =	rddreg [dreg:$0x2];
	s4 =	srdreg.scid  }
0x4: {  	s1 =	stileid.u32;
	s3 =	simm.s32 $0x0;
	s13 =	simm.s32 $0x9000  }
0x5: {  	s14 =	simm.s32 $0x800;
	s15 =	simm.s32 $0x1000;
	s26 =	simm.s32 $0xA080  }
0x6: {  	s28 =	simm.s32 $0x7000;
	s29 =	simm.s32 $0x7800;
	s30 =	simm.s32 $0x20  }
0x7: {  	s31 =	simm.s32 $0x1;
	s4 =	sand.u32 $0x1, s4;
	s5 =	sshll.u32 s1, $0x1  }
0x8: {  	[smem:$0x7FF] =	sst s3;
	s8 =	sadd.s32 $0x1000, s7;
	s9 =	sadd.s32 $0x9000, s7  }
0x9: {  	s5 =	sor.u32 s4, s5;
	_ =	strace $0x80000047;
	s10 =	ssub.s32 $0x2, s4  }
0xa: {  	s4 =	sadd.s32 $0x11800, s7;
	[dreg:$0xc] =	wrdreg s26;
	s26 =	simm.s32 $0x6800  }
0xb: {  	s6 =	sshll.u32 s5, $0x5;
	s11 =	sshrl.u32 s10, $0x1;
	s16 =	sshll.u32 s5, $0xD  }
0xc: {  	s18 =	sshll.u32 s5, $0xA;
	s5 =	sshll.u32 s5, $0x3;
	s6 =	sadd.s32 s6, s7  }
0xd: {  	s17 =	sadd.s32 s0, s16;
	s19 =	sadd.s32 s8, s18;
	s20 =	sadd.s32 s9, s18  }
0xe: {  	s21 =	sor.u32 $0x4, s5;
	s10 =	ssub.s32 s10, s11;
	s5 =	sadd.s32 $0x11900, s7  }
0xf: {  	s11 =	simm.s32 $0xA100;
	s16 =	simm.s32 $0x1800;
	[dreg:$0x6] =	wrdreg s17  }
0x10: {  	s18 =	simm.s32 $0x2800;
	s12 =	sadd.s32 $0x11000, s6;
	[dreg:$0x7] =	wrdreg s19  }
0x11: {  	s6 =	sadd.s32 $0x11400, s6;
	[dreg:$0x8] =	wrdreg s20;
	s22 =	sshll.u32 s21, $0xA  }
0x12: {  	s23 =	sshll.u32 s21, $0x7;
	s17 =	simm.s32 $0x2000;
	s19 =	simm.s32 $0x3000  }
0x13: {  	s20 =	simm.s32 $0x3800;
	s21 =	simm.s32 $0x4000;
	[dreg:$0x4] =	wrdreg s12  }
0x14: {  	[dreg:$0x5] =	wrdreg s6;
	s0 =	sadd.s32 s0, s22;
	s6 =	sadd.s32 $0x11A00, s7  }
0x15: {  	s24 =	sadd.s32 s8, s23;
	s7 =	sadd.s32 $0x11B00, s7;
	s25 =	sadd.s32 s9, s23  }
0x16: {  	s8 =	smax.u32 s10, $0x1;
	s9 =	simm.s32 $0xA000;
	[dreg:$0x9] =	wrdreg s0  }
0x17: {  	v2 =	vlaneseq.u32;
	s10 =	simm.s32 $0x2;
	s12 =	simm.s32 $0x8000;
	[dreg:$0xa] =	wrdreg s24  }
0x18: {  	vm0 =	vmmov $0xffff;
	v1 =	vshrl.u32 v2, $0x3;
	s22 =	simm.s32 $0x4800;
	s23 =	simm.s32 $0x5000;
	[dreg:$0xb] =	wrdreg s25  }
0x19: {  	v0 =	vand.u32 $0x7, v2;
	v2 =	vor.u32 $0x8, v2;
	v1 =	vmul.u32 $0x8, v1;
	s24 =	simm.s32 $0x5800;
	s25 =	simm.s32 $0x6000;
	s0 =	simm.s32 $0xA180  }
.LBB2_1:
0x1a: {  	s1 =	rddreg [dreg:$0x4]  }
0x1b: {  	[tilespmem:s9], [sflag:$0x2] =	stream.linear.gather [hbm4b:s1+s3], $0x100, $0x38;
	[tilespmem:$0xA200] =	vst v63  }
0x1c: {  	_ =	swait.ge [sflag:s10], $0x100  }
0x1d: {  	[sflag:s10] =	ssyncset.done $0x0  }
0x1e: {  	s1 =	rddreg [dreg:$0x5];
	[sflag:s10] =	ssyncadd.s32 $0xFFFFFF00  }
0x1f: {  	[tilespmem:s11], [sflag:$0x2] =	stream.linear.gather [hbm4b:s1+s3], $0x100, $0x38;
	[tilespmem:$0xA200] =	vst v63  }
0x20: {  	_ =	swait.ge [sflag:s10], $0x100  }
0x21: {  	[sflag:s10] =	ssyncset.done $0x0  }
0x22: {  	s1 =	rddreg [dreg:$0x6];
	[sflag:s10] =	ssyncadd.s32 $0xFFFFFF00  }
0x23: {  	[tilespmem:s3], [sflag:$0x2] =	stream.linear.gather [hbm4b:s1+s3], $0x8000, $0x38;
	[tilespmem:$0xA200] =	vst v63  }
0x24: {  	_ =	swait.ge [sflag:s10], $0x8000  }
0x25: {  	[sflag:s10] =	ssyncset.done $0x0  }
0x26: {  	s1 =	rddreg [dreg:$0x7];
	[sflag:s10] =	ssyncadd.s32 $0xFFFF8000  }
0x27: {  	[tilespmem:s12], [sflag:$0x2] =	stream.linear.gather [hbm4b:s1+s3], $0x1000, $0x38;
	[tilespmem:$0xA200] =	vst v63  }
0x28: {  	_ =	swait.ge [sflag:s10], $0x1000  }
0x29: {  	[sflag:s10] =	ssyncset.done $0x0  }
0x2a: {  	s1 =	rddreg [dreg:$0x8];
	[sflag:s10] =	ssyncadd.s32 $0xFFFFF000  }
0x2b: {  	[tilespmem:s13], [sflag:$0x2] =	stream.linear.gather [hbm4b:s1+s3], $0x1000, $0x38;
	[tilespmem:$0xA200] =	vst v63  }
0x2c: {  	_ =	swait.ge [sflag:s10], $0x1000  }
0x2d: {  	[sflag:s10] =	ssyncset.done $0x0  }
0x2e: {  	[sflag:s10] =	ssyncadd.s32 $0xFFFFF000  }
0x2f: {  	v3 =	vld [tilespmem:$0xA000];
	_ =	sdelay $0x4  }
0x30: {  	v4 =	vshll.u32 v3, $0x3  }
0x31: {  	v3 =	vand.u32 $0x7, v3;
	v4 =	vand.u32 $0xFFFFFFC0, v4  }
0x32: {  	v3 =	vor.u32 v3, v4  }
0x33: {  	v4 =	vperm.xlane v3, v0;
	_ =	sdelay $0x1  }
0x34: {  	v4 =	vadd.s32 v1, v4;
	_ =	sdelay $0x4  }
0x35: {  	[hbm4b:s4+s3] =	stream.indirect_vreg.scatter [tilespmem:s3], [sflag:$0x1], $0x80, v4, vm0, $0xb8;
	[tilespmem:$0xA200] =	vst v63  }
0x36: {  	v3 =	vperm.xlane v3, v2  }
0x37: {  	[hbm4b:s5+s3] =	stream.indirect_vreg.scatter [tilespmem:s14], [sflag:$0x1], $0x80, v4, vm0, $0xb8;
	[tilespmem:$0xA200] =	vst v63  }
0x38: {  	v3 =	vadd.s32 v1, v3  }
0x39: {  	[hbm4b:s6+s3] =	stream.indirect_vreg.scatter [tilespmem:s15], [sflag:$0x1], $0x80, v4, vm0, $0xb8;
	[tilespmem:$0xA200] =	vst v63  }
0x3a: {  	_ = 	snop  }
0x3b: {  	[hbm4b:s7+s3] =	stream.indirect_vreg.scatter [tilespmem:s16], [sflag:$0x1], $0x80, v4, vm0, $0xb8;
	[tilespmem:$0xA200] =	vst v63  }
0x3c: {  	_ = 	snop  }
0x3d: {  	[hbm4b:s4+s3] =	stream.indirect_vreg.scatter [tilespmem:s17], [sflag:$0x1], $0x80, v3, vm0, $0xb8;
	[tilespmem:$0xA200] =	vst v63  }
0x3e: {  	_ = 	snop  }
0x3f: {  	[hbm4b:s5+s3] =	stream.indirect_vreg.scatter [tilespmem:s18], [sflag:$0x1], $0x80, v3, vm0, $0xb8;
	[tilespmem:$0xA200] =	vst v63  }
0x40: {  	_ = 	snop  }
0x41: {  	[hbm4b:s6+s3] =	stream.indirect_vreg.scatter [tilespmem:s19], [sflag:$0x1], $0x80, v3, vm0, $0xb8;
	[tilespmem:$0xA200] =	vst v63  }
0x42: {  	_ = 	snop  }
0x43: {  	[hbm4b:s7+s3] =	stream.indirect_vreg.scatter [tilespmem:s20], [sflag:$0x1], $0x80, v3, vm0, $0xb8;
	[tilespmem:$0xA200] =	vst v63  }
0x44: {  	v3 =	vld [tilespmem:$0xA010];
	_ =	sdelay $0x4  }
0x45: {  	v57 =	vshll.u32 v3, $0x3  }
0x46: {  	v3 =	vand.u32 $0x7, v3;
	v4 =	vand.u32 $0xFFFFFFC0, v57  }
0x47: {  	v3 =	vor.u32 v3, v4  }
0x48: {  	v4 =	vperm.xlane v3, v0;
	_ =	sdelay $0x1  }
0x49: {  	v4 =	vadd.s32 v1, v4;
	_ =	sdelay $0x4  }
0x4a: {  	[hbm4b:s4+s3] =	stream.indirect_vreg.scatter [tilespmem:s21], [sflag:$0x1], $0x80, v4, vm0, $0xb8;
	[tilespmem:$0xA200] =	vst v63  }
0x4b: {  	v3 =	vperm.xlane v3, v2  }
0x4c: {  	[hbm4b:s5+s3] =	stream.indirect_vreg.scatter [tilespmem:s22], [sflag:$0x1], $0x80, v4, vm0, $0xb8;
	[tilespmem:$0xA200] =	vst v63  }
0x4d: {  	v3 =	vadd.s32 v1, v3  }
0x4e: {  	[hbm4b:s6+s3] =	stream.indirect_vreg.scatter [tilespmem:s23], [sflag:$0x1], $0x80, v4, vm0, $0xb8;
	[tilespmem:$0xA200] =	vst v63  }
0x4f: {  	_ = 	snop  }
0x50: {  	[hbm4b:s7+s3] =	stream.indirect_vreg.scatter [tilespmem:s24], [sflag:$0x1], $0x80, v4, vm0, $0xb8;
	[tilespmem:$0xA200] =	vst v63  }
0x51: {  	_ = 	snop  }
0x52: {  	[hbm4b:s4+s3] =	stream.indirect_vreg.scatter [tilespmem:s25], [sflag:$0x1], $0x80, v3, vm0, $0xb8;
	[tilespmem:$0xA200] =	vst v63  }
0x53: {  	_ = 	snop  }
0x54: {  	[hbm4b:s5+s3] =	stream.indirect_vreg.scatter [tilespmem:s26], [sflag:$0x1], $0x80, v3, vm0, $0xb8;
	[tilespmem:$0xA200] =	vst v63  }
0x55: {  	_ = 	snop  }
0x56: {  	[hbm4b:s6+s3] =	stream.indirect_vreg.scatter [tilespmem:s28], [sflag:$0x1], $0x80, v3, vm0, $0xb8;
	[tilespmem:$0xA200] =	vst v63  }
0x57: {  	_ = 	snop  }
0x58: {  	[hbm4b:s7+s3] =	stream.indirect_vreg.scatter [tilespmem:s29], [sflag:$0x1], $0x80, v3, vm0, $0xb8;
	[tilespmem:$0xA200] =	vst v63  }
0x59: {  	v3 =	vld [tilespmem:$0xA100];
	_ =	sdelay $0x4  }
0x5a: {  	v58 =	vshll.u32 v3, $0x3  }
0x5b: {  	v3 =	vand.u32 $0x7, v3;
	v4 =	vand.u32 $0xFFFFFFC0, v58  }
0x5c: {  	v3 =	vor.u32 v3, v4  }
0x5d: {  	v4 =	vperm.xlane v3, v0;
	_ =	sdelay $0x1  }
0x5e: {  	v4 =	vadd.s32 v1, v4;
	_ =	sdelay $0x4  }
0x5f: {  	[hbm4b:s4+s3] =	stream.indirect_vreg.scatter [tilespmem:s3], [sflag:$0x1], $0x80, v4, vm0, $0xb8;
	[tilespmem:$0xA200] =	vst v63  }
0x60: {  	v3 =	vperm.xlane v3, v2  }
0x61: {  	[hbm4b:s5+s3] =	stream.indirect_vreg.scatter [tilespmem:s14], [sflag:$0x1], $0x80, v4, vm0, $0xb8;
	[tilespmem:$0xA200] =	vst v63  }
0x62: {  	v3 =	vadd.s32 v1, v3  }
0x63: {  	[hbm4b:s6+s3] =	stream.indirect_vreg.scatter [tilespmem:s15], [sflag:$0x1], $0x80, v4, vm0, $0xb8;
	[tilespmem:$0xA200] =	vst v63  }
0x64: {  	_ = 	snop  }
0x65: {  	[hbm4b:s7+s3] =	stream.indirect_vreg.scatter [tilespmem:s16], [sflag:$0x1], $0x80, v4, vm0, $0xb8;
	[tilespmem:$0xA200] =	vst v63  }
0x66: {  	_ = 	snop  }
0x67: {  	[hbm4b:s4+s3] =	stream.indirect_vreg.scatter [tilespmem:s17], [sflag:$0x1], $0x80, v3, vm0, $0xb8;
	[tilespmem:$0xA200] =	vst v63  }
0x68: {  	_ = 	snop  }
0x69: {  	[hbm4b:s5+s3] =	stream.indirect_vreg.scatter [tilespmem:s18], [sflag:$0x1], $0x80, v3, vm0, $0xb8;
	[tilespmem:$0xA200] =	vst v63  }
0x6a: {  	_ = 	snop  }
0x6b: {  	[hbm4b:s6+s3] =	stream.indirect_vreg.scatter [tilespmem:s19], [sflag:$0x1], $0x80, v3, vm0, $0xb8;
	[tilespmem:$0xA200] =	vst v63  }
0x6c: {  	_ = 	snop  }
0x6d: {  	[hbm4b:s7+s3] =	stream.indirect_vreg.scatter [tilespmem:s20], [sflag:$0x1], $0x80, v3, vm0, $0xb8;
	[tilespmem:$0xA200] =	vst v63  }
0x6e: {  	v3 =	vld [tilespmem:$0xA110];
	_ =	sdelay $0x4  }
0x6f: {  	v59 =	vshll.u32 v3, $0x3  }
0x70: {  	v3 =	vand.u32 $0x7, v3;
	v4 =	vand.u32 $0xFFFFFFC0, v59  }
0x71: {  	v3 =	vor.u32 v3, v4  }
0x72: {  	v4 =	vperm.xlane v3, v0;
	_ =	sdelay $0x1  }
0x73: {  	v4 =	vadd.s32 v1, v4;
	_ =	sdelay $0x4  }
0x74: {  	[hbm4b:s4+s3] =	stream.indirect_vreg.scatter [tilespmem:s21], [sflag:$0x1], $0x80, v4, vm0, $0xb8;
	[tilespmem:$0xA200] =	vst v63  }
0x75: {  	v3 =	vperm.xlane v3, v2  }
0x76: {  	[hbm4b:s5+s3] =	stream.indirect_vreg.scatter [tilespmem:s22], [sflag:$0x1], $0x80, v4, vm0, $0xb8;
	[tilespmem:$0xA200] =	vst v63  }
0x77: {  	v3 =	vadd.s32 v1, v3  }
0x78: {  	[hbm4b:s6+s3] =	stream.indirect_vreg.scatter [tilespmem:s23], [sflag:$0x1], $0x80, v4, vm0, $0xb8;
	[tilespmem:$0xA200] =	vst v63  }
0x79: {  	_ = 	snop  }
0x7a: {  	[hbm4b:s7+s3] =	stream.indirect_vreg.scatter [tilespmem:s24], [sflag:$0x1], $0x80, v4, vm0, $0xb8;
	[tilespmem:$0xA200] =	vst v63  }
0x7b: {  	_ = 	snop  }
0x7c: {  	[hbm4b:s4+s3] =	stream.indirect_vreg.scatter [tilespmem:s25], [sflag:$0x1], $0x80, v3, vm0, $0xb8;
	[tilespmem:$0xA200] =	vst v63  }
0x7d: {  	_ = 	snop  }
0x7e: {  	[hbm4b:s5+s3] =	stream.indirect_vreg.scatter [tilespmem:s26], [sflag:$0x1], $0x80, v3, vm0, $0xb8;
	[tilespmem:$0xA200] =	vst v63  }
0x7f: {  	_ = 	snop  }
0x80: {  	[hbm4b:s6+s3] =	stream.indirect_vreg.scatter [tilespmem:s28], [sflag:$0x1], $0x80, v3, vm0, $0xb8;
	[tilespmem:$0xA200] =	vst v63  }
0x81: {  	_ = 	snop  }
0x82: {  	[hbm4b:s7+s3] =	stream.indirect_vreg.scatter [tilespmem:s29], [sflag:$0x1], $0x80, v3, vm0, $0xb8;
	[tilespmem:$0xA200] =	vst v63  }
0x83: {  	_ = 	snop  }
0x84: {  	[hbm4b:s2+s30] =	stream.indirect.scatter [tilespmem:s12], [sflag:$0x1], $0x80, s9, s30, $0xb8;
	[tilespmem:$0xA200] =	vst v63  }
0x85: {  	_ = 	snop  }
0x86: {  	[hbm4b:s2+s30] =	stream.indirect.scatter [tilespmem:s13], [sflag:$0x1], $0x80, s11, s30, $0xb8;
	[tilespmem:$0xA200] =	vst v63  }
0x87: {  	_ =	swait.ge [sflag:s31], $0x8000  }
0x88: {  	[sflag:s31] =	ssyncset.done $0x0  }
0x89: {  	[sflag:s31] =	ssyncadd.s32 $0xFFFF8000  }
0x8a: {  	_ =	swait.ge [sflag:s31], $0x8000  }
0x8b: {  	[sflag:s31] =	ssyncset.done $0x0  }
0x8c: {  	[sflag:s31] =	ssyncadd.s32 $0xFFFF8000  }
0x8d: {  	_ =	swait.ge [sflag:s31], $0x1000  }
0x8e: {  	[sflag:s31] =	ssyncset.done $0x0  }
0x8f: {  	[sflag:s31] =	ssyncadd.s32 $0xFFFFF000  }
0x90: {  	_ =	swait.ge [sflag:s31], $0x1000  }
0x91: {  	[sflag:s31] =	ssyncset.done $0x0  }
0x92: {  	s1 =	rddreg [dreg:$0x9];
	[sflag:s31] =	ssyncadd.s32 $0xFFFFF000  }
0x93: {  	[tilespmem:s3], [sflag:$0x2] =	stream.linear.gather [hbm4b:s1+s3], $0x8000, $0x38;
	[tilespmem:$0xA200] =	vst v63  }
0x94: {  	_ =	swait.ge [sflag:s10], $0x8000  }
0x95: {  	[sflag:s10] =	ssyncset.done $0x0  }
0x96: {  	s1 =	rddreg [dreg:$0xa];
	[sflag:s10] =	ssyncadd.s32 $0xFFFF8000  }
0x97: {  	[tilespmem:s12], [sflag:$0x2] =	stream.linear.gather [hbm4b:s1+s3], $0x1000, $0x38;
	[tilespmem:$0xA200] =	vst v63  }
0x98: {  	_ =	swait.ge [sflag:s10], $0x1000  }
0x99: {  	[sflag:s10] =	ssyncset.done $0x0  }
0x9a: {  	s1 =	rddreg [dreg:$0xb];
	[sflag:s10] =	ssyncadd.s32 $0xFFFFF000  }
0x9b: {  	[tilespmem:s13], [sflag:$0x2] =	stream.linear.gather [hbm4b:s1+s3], $0x1000, $0x38;
	[tilespmem:$0xA200] =	vst v63  }
0x9c: {  	_ =	swait.ge [sflag:s10], $0x1000  }
0x9d: {  	[sflag:s10] =	ssyncset.done $0x0  }
0x9e: {  	[sflag:s10] =	ssyncadd.s32 $0xFFFFF000  }
0x9f: {  	v3 =	vld [tilespmem:$0xA080];
	_ =	sdelay $0x4  }
0xa0: {  	v60 =	vshll.u32 v3, $0x3  }
0xa1: {  	v3 =	vand.u32 $0x7, v3;
	v4 =	vand.u32 $0xFFFFFFC0, v60  }
0xa2: {  	v3 =	vor.u32 v3, v4  }
0xa3: {  	v4 =	vperm.xlane v3, v0;
	_ =	sdelay $0x1  }
0xa4: {  	v4 =	vadd.s32 v1, v4;
	_ =	sdelay $0x4  }
0xa5: {  	[hbm4b:s4+s3] =	stream.indirect_vreg.scatter [tilespmem:s3], [sflag:$0x1], $0x80, v4, vm0, $0xb8;
	[tilespmem:$0xA200] =	vst v63  }
0xa6: {  	v3 =	vperm.xlane v3, v2  }
0xa7: {  	[hbm4b:s5+s3] =	stream.indirect_vreg.scatter [tilespmem:s14], [sflag:$0x1], $0x80, v4, vm0, $0xb8;
	[tilespmem:$0xA200] =	vst v63  }
0xa8: {  	v3 =	vadd.s32 v1, v3  }
0xa9: {  	[hbm4b:s6+s3] =	stream.indirect_vreg.scatter [tilespmem:s15], [sflag:$0x1], $0x80, v4, vm0, $0xb8;
	[tilespmem:$0xA200] =	vst v63  }
0xaa: {  	_ = 	snop  }
0xab: {  	[hbm4b:s7+s3] =	stream.indirect_vreg.scatter [tilespmem:s16], [sflag:$0x1], $0x80, v4, vm0, $0xb8;
	[tilespmem:$0xA200] =	vst v63  }
0xac: {  	_ = 	snop  }
0xad: {  	[hbm4b:s4+s3] =	stream.indirect_vreg.scatter [tilespmem:s17], [sflag:$0x1], $0x80, v3, vm0, $0xb8;
	[tilespmem:$0xA200] =	vst v63  }
0xae: {  	_ = 	snop  }
0xaf: {  	[hbm4b:s5+s3] =	stream.indirect_vreg.scatter [tilespmem:s18], [sflag:$0x1], $0x80, v3, vm0, $0xb8;
	[tilespmem:$0xA200] =	vst v63  }
0xb0: {  	_ = 	snop  }
0xb1: {  	[hbm4b:s6+s3] =	stream.indirect_vreg.scatter [tilespmem:s19], [sflag:$0x1], $0x80, v3, vm0, $0xb8;
	[tilespmem:$0xA200] =	vst v63  }
0xb2: {  	_ = 	snop  }
0xb3: {  	[hbm4b:s7+s3] =	stream.indirect_vreg.scatter [tilespmem:s20], [sflag:$0x1], $0x80, v3, vm0, $0xb8;
	[tilespmem:$0xA200] =	vst v63  }
0xb4: {  	v3 =	vld [tilespmem:$0xA090];
	_ =	sdelay $0x4  }
0xb5: {  	v61 =	vshll.u32 v3, $0x3  }
0xb6: {  	v3 =	vand.u32 $0x7, v3;
	v4 =	vand.u32 $0xFFFFFFC0, v61  }
0xb7: {  	v3 =	vor.u32 v3, v4  }
0xb8: {  	v4 =	vperm.xlane v3, v0;
	_ =	sdelay $0x1  }
0xb9: {  	v4 =	vadd.s32 v1, v4;
	_ =	sdelay $0x4  }
0xba: {  	[hbm4b:s4+s3] =	stream.indirect_vreg.scatter [tilespmem:s21], [sflag:$0x1], $0x80, v4, vm0, $0xb8;
	[tilespmem:$0xA200] =	vst v63  }
0xbb: {  	v3 =	vperm.xlane v3, v2  }
0xbc: {  	[hbm4b:s5+s3] =	stream.indirect_vreg.scatter [tilespmem:s22], [sflag:$0x1], $0x80, v4, vm0, $0xb8;
	[tilespmem:$0xA200] =	vst v63  }
0xbd: {  	v3 =	vadd.s32 v1, v3  }
0xbe: {  	[hbm4b:s6+s3] =	stream.indirect_vreg.scatter [tilespmem:s23], [sflag:$0x1], $0x80, v4, vm0, $0xb8;
	[tilespmem:$0xA200] =	vst v63  }
0xbf: {  	_ = 	snop  }
0xc0: {  	[hbm4b:s7+s3] =	stream.indirect_vreg.scatter [tilespmem:s24], [sflag:$0x1], $0x80, v4, vm0, $0xb8;
	[tilespmem:$0xA200] =	vst v63  }
0xc1: {  	_ = 	snop  }
0xc2: {  	[hbm4b:s4+s3] =	stream.indirect_vreg.scatter [tilespmem:s25], [sflag:$0x1], $0x80, v3, vm0, $0xb8;
	[tilespmem:$0xA200] =	vst v63  }
0xc3: {  	_ = 	snop  }
0xc4: {  	[hbm4b:s5+s3] =	stream.indirect_vreg.scatter [tilespmem:s26], [sflag:$0x1], $0x80, v3, vm0, $0xb8;
	[tilespmem:$0xA200] =	vst v63  }
0xc5: {  	_ = 	snop  }
0xc6: {  	[hbm4b:s6+s3] =	stream.indirect_vreg.scatter [tilespmem:s28], [sflag:$0x1], $0x80, v3, vm0, $0xb8;
	[tilespmem:$0xA200] =	vst v63  }
0xc7: {  	_ = 	snop  }
0xc8: {  	[hbm4b:s7+s3] =	stream.indirect_vreg.scatter [tilespmem:s29], [sflag:$0x1], $0x80, v3, vm0, $0xb8;
	[tilespmem:$0xA200] =	vst v63  }
0xc9: {  	v3 =	vld [tilespmem:$0xA180];
	_ =	sdelay $0x4  }
0xca: {  	v62 =	vshll.u32 v3, $0x3  }
0xcb: {  	v3 =	vand.u32 $0x7, v3;
	v4 =	vand.u32 $0xFFFFFFC0, v62  }
0xcc: {  	v3 =	vor.u32 v3, v4  }
0xcd: {  	v4 =	vperm.xlane v3, v0;
	_ =	sdelay $0x1  }
0xce: {  	v4 =	vadd.s32 v1, v4;
	_ =	sdelay $0x4  }
0xcf: {  	[hbm4b:s4+s3] =	stream.indirect_vreg.scatter [tilespmem:s3], [sflag:$0x1], $0x80, v4, vm0, $0xb8;
	[tilespmem:$0xA200] =	vst v63  }
0xd0: {  	v3 =	vperm.xlane v3, v2  }
0xd1: {  	[hbm4b:s5+s3] =	stream.indirect_vreg.scatter [tilespmem:s14], [sflag:$0x1], $0x80, v4, vm0, $0xb8;
	[tilespmem:$0xA200] =	vst v63  }
0xd2: {  	v3 =	vadd.s32 v1, v3  }
0xd3: {  	[hbm4b:s6+s3] =	stream.indirect_vreg.scatter [tilespmem:s15], [sflag:$0x1], $0x80, v4, vm0, $0xb8;
	[tilespmem:$0xA200] =	vst v63  }
0xd4: {  	_ = 	snop  }
0xd5: {  	[hbm4b:s7+s3] =	stream.indirect_vreg.scatter [tilespmem:s16], [sflag:$0x1], $0x80, v4, vm0, $0xb8;
	[tilespmem:$0xA200] =	vst v63  }
0xd6: {  	_ = 	snop  }
0xd7: {  	[hbm4b:s4+s3] =	stream.indirect_vreg.scatter [tilespmem:s17], [sflag:$0x1], $0x80, v3, vm0, $0xb8;
	[tilespmem:$0xA200] =	vst v63  }
0xd8: {  	_ = 	snop  }
0xd9: {  	[hbm4b:s5+s3] =	stream.indirect_vreg.scatter [tilespmem:s18], [sflag:$0x1], $0x80, v3, vm0, $0xb8;
	[tilespmem:$0xA200] =	vst v63  }
0xda: {  	_ = 	snop  }
0xdb: {  	[hbm4b:s6+s3] =	stream.indirect_vreg.scatter [tilespmem:s19], [sflag:$0x1], $0x80, v3, vm0, $0xb8;
	[tilespmem:$0xA200] =	vst v63  }
0xdc: {  	_ = 	snop  }
0xdd: {  	[hbm4b:s7+s3] =	stream.indirect_vreg.scatter [tilespmem:s20], [sflag:$0x1], $0x80, v3, vm0, $0xb8;
	[tilespmem:$0xA200] =	vst v63  }
0xde: {  	v3 =	vld [tilespmem:$0xA190];
	_ =	sdelay $0x4  }
0xdf: {  	v63 =	vshll.u32 v3, $0x3  }
0xe0: {  	v3 =	vand.u32 $0x7, v3;
	v4 =	vand.u32 $0xFFFFFFC0, v63  }
0xe1: {  	v3 =	vor.u32 v3, v4  }
0xe2: {  	v4 =	vperm.xlane v3, v0;
	_ =	sdelay $0x1  }
0xe3: {  	v4 =	vadd.s32 v1, v4;
	_ =	sdelay $0x4  }
0xe4: {  	[hbm4b:s4+s3] =	stream.indirect_vreg.scatter [tilespmem:s21], [sflag:$0x1], $0x80, v4, vm0, $0xb8;
	[tilespmem:$0xA200] =	vst v63  }
0xe5: {  	v3 =	vperm.xlane v3, v2  }
0xe6: {  	[hbm4b:s5+s3] =	stream.indirect_vreg.scatter [tilespmem:s22], [sflag:$0x1], $0x80, v4, vm0, $0xb8;
	[tilespmem:$0xA200] =	vst v63  }
0xe7: {  	v3 =	vadd.s32 v1, v3  }
0xe8: {  	[hbm4b:s6+s3] =	stream.indirect_vreg.scatter [tilespmem:s23], [sflag:$0x1], $0x80, v4, vm0, $0xb8;
	[tilespmem:$0xA200] =	vst v63  }
0xe9: {  	_ = 	snop  }
0xea: {  	[hbm4b:s7+s3] =	stream.indirect_vreg.scatter [tilespmem:s24], [sflag:$0x1], $0x80, v4, vm0, $0xb8;
	[tilespmem:$0xA200] =	vst v63  }
0xeb: {  	_ = 	snop  }
0xec: {  	[hbm4b:s4+s3] =	stream.indirect_vreg.scatter [tilespmem:s25], [sflag:$0x1], $0x80, v3, vm0, $0xb8;
	[tilespmem:$0xA200] =	vst v63  }
0xed: {  	_ = 	snop  }
0xee: {  	[hbm4b:s5+s3] =	stream.indirect_vreg.scatter [tilespmem:s26], [sflag:$0x1], $0x80, v3, vm0, $0xb8;
	[tilespmem:$0xA200] =	vst v63  }
0xef: {  	_ = 	snop  }
0xf0: {  	[hbm4b:s6+s3] =	stream.indirect_vreg.scatter [tilespmem:s28], [sflag:$0x1], $0x80, v3, vm0, $0xb8;
	[tilespmem:$0xA200] =	vst v63  }
0xf1: {  	_ = 	snop  }
0xf2: {  	[hbm4b:s7+s3] =	stream.indirect_vreg.scatter [tilespmem:s29], [sflag:$0x1], $0x80, v3, vm0, $0xb8;
	[tilespmem:$0xA200] =	vst v63  }
0xf3: {  	s1 =	rddreg [dreg:$0xc]  }
0xf4: {  	[hbm4b:s2+s30] =	stream.indirect.scatter [tilespmem:s12], [sflag:$0x1], $0x80, s1, s30, $0xb8;
	[tilespmem:$0xA200] =	vst v63  }
0xf5: {  	_ = 	snop  }
0xf6: {  	[hbm4b:s2+s30] =	stream.indirect.scatter [tilespmem:s13], [sflag:$0x1], $0x80, s0, s30, $0xb8;
	[tilespmem:$0xA200] =	vst v63  }
0xf7: {  	_ =	swait.ge [sflag:s31], $0x8000  }
0xf8: {  	[sflag:s31] =	ssyncset.done $0x0  }
0xf9: {  	[sflag:s31] =	ssyncadd.s32 $0xFFFF8000  }
0xfa: {  	_ =	swait.ge [sflag:s31], $0x8000  }
0xfb: {  	[sflag:s31] =	ssyncset.done $0x0  }
0xfc: {  	[sflag:s31] =	ssyncadd.s32 $0xFFFF8000  }
0xfd: {  	p0 =	sne.s32 s8, $0x1;
	_ =	swait.ge [sflag:s31], $0x1000  }
.Ltmp0:
0xfe: {  	[sflag:s31] =	ssyncset.done $0x0;
	(pc) =	sbr.rel @p0 .LBB2_1-.Ltmp0, $4  }
0xff: {  	[sflag:s31] =	ssyncadd.s32 $0xFFFFF000  }
0x100: {  	_ =	swait.ge [sflag:s31], $0x1000  }
0x101: {  	[sflag:s31] =	ssyncset.done $0x0  }
0x102: {  	s8 =	sadd.s32 $0xFFFFFFFF, s8;
	[sflag:s31] =	ssyncadd.s32 $0xFFFFF000  }
0x103: {  	_ =	sfence.sel $0x180000  }
0x104: {  	[bflag:$0x0] =	sbarrier.arrive $0xFFFF  }
0x105: {  	_ =	strace $0x90000047  }
0x106: {  	s0 =	stileid.u32;
	[bflag:$0x2] =	sbarrier.arrive $0xFFFF  }
0x107: {  	p0 =	sne.s32 s0, $0x0;
	s0 =	rddreg [dreg:$0x3]  }
0x108: {  	s0 =	sadd.s32 @!p0 $0x100000, s0  }
0x109: {  	[sflag:s0] =	ssyncadd.tile.s32 @!p0 $0x1;
	_ =	shalt  }
.Lfunc_end2:
_tile_overlayer_lowered:
.L_overlay_start_2:
0x10a: {  	(tag) =	ssettag $0x2  }
0x10b: {  	s0 =	rddreg [dreg:$0x0];
	s2 =	stileid.u32  }
0x10c: {  	s1 =	rddreg [dreg:$0x1];
	p0 =	sne.s32 s2, $0x0  }
0x10d: {  	s3 =	rddreg [dreg:$0x2];
	[bflag:$0x3] =	sbarrier.arrive $0xFFFF;
	s2 =	simm.s32 @!p0 $0x1C02  }
0x10e: {  	[timem:s3], [sflag:s2] =	dma.local @!p0 [hbm:s0], s1  }
0x10f: {  	s0 =	simm.s32 @!p0 $0x2  }
0x110: {  	_ =	swait.ge @!p0 [sflag:s0], s1  }
0x111: {  	s1 =	ssub.s32 @!p0 $0x0, s1;
	[sflag:s0] =	ssyncset.done @!p0 $0x0  }
0x112: {  	[sflag:s0] =	ssyncadd.s32 @!p0 s1  }
0x113: {  	[bflag:$0x3] =	sbarrier.arrive $0xFFFF  }
0x114: {  	_ =	shalt  }

</sc_bundles>
